<compile_context>
chip_gen: v7x
topology: tpu7x:2x2x1
jax: 0.10.2.dev20260603
libtpu: 0.0.44.dev20260713+nightly
codegen_flags: <defaults>
</compile_context>

<pallas_src>
import functools

import jax
import jax.numpy as jnp
from jax import lax
from jax.experimental import pallas as pl
from jax.experimental.pallas import tpu as pltpu
from jax.experimental.pallas import tpu_sc as plsc

N = 10000
E = 320000
IN_DIM = 128
OUT = 32
H = 4
F = H * OUT

NC = 2
NS = 16
NW = NC * NS
NP = 10240
RPT = NP // NS


def _proj_body(h_ref, wc_ref, a_ref, z_ref, ssrc_ref, sdst_ref):
    zb = jnp.dot(h_ref[...], wc_ref[...], preferred_element_type=jnp.float32)
    z_ref[...] = zb
    av = a_ref[...]
    ss = []
    sd = []
    for hh in range(H):
        zh = zb[:, hh * OUT:(hh + 1) * OUT]
        asrc = jnp.broadcast_to(av[hh:hh + 1, :OUT], zh.shape)
        adst = jnp.broadcast_to(av[hh:hh + 1, OUT:], zh.shape)
        ss.append(jnp.sum(zh * asrc, axis=1, keepdims=True))
        sd.append(jnp.sum(zh * adst, axis=1, keepdims=True))
    ssrc_ref[...] = jnp.concatenate(ss, axis=1)
    sdst_ref[...] = jnp.concatenate(sd, axis=1)


def _project(h, Wc, a):
    B = 1000
    return pl.pallas_call(
        _proj_body,
        grid=(N // B,),
        in_specs=[
            pl.BlockSpec((B, IN_DIM), lambda i: (i, 0)),
            pl.BlockSpec((IN_DIM, F), lambda i: (0, 0)),
            pl.BlockSpec((H, 2 * OUT), lambda i: (0, 0)),
        ],
        out_specs=[
            pl.BlockSpec((B, F), lambda i: (i, 0)),
            pl.BlockSpec((B, H), lambda i: (i, 0)),
            pl.BlockSpec((B, H), lambda i: (i, 0)),
        ],
        out_shape=[
            jax.ShapeDtypeStruct((N, F), jnp.float32),
            jax.ShapeDtypeStruct((N, H), jnp.float32),
            jax.ShapeDtypeStruct((N, H), jnp.float32),
        ],
    )(h, Wc, a)


def _sc_logit_pass(src, dst, ssrc, sdst):
    CB = 80
    EPT = E // NW
    mesh = plsc.VectorSubcoreMesh(core_axis_name="c", subcore_axis_name="s")

    @functools.partial(
        pl.kernel,
        out_type=(
            jax.ShapeDtypeStruct((E * H,), jnp.float32),
            jax.ShapeDtypeStruct((NW, H * NP), jnp.float32),
        ),
        mesh=mesh,
        compiler_params=pltpu.CompilerParams(needs_layout_passes=False),
        scratch_types=[
            pltpu.VMEM((CB,), jnp.int32),
            pltpu.VMEM((CB,), jnp.int32),
            pltpu.VMEM((H * N,), jnp.float32),
            pltpu.VMEM((H * N,), jnp.float32),
            pltpu.VMEM((CB * H,), jnp.float32),
            pltpu.VMEM((H * NP,), jnp.float32),
        ],
    )
    def k(src_h, dst_h, ssrc_h, sdst_h, w_o, den_o,
          sidx, didx, stab_s, stab_d, wbuf, dloc):
        cid = lax.axis_index("c")
        sid = lax.axis_index("s")
        wid = cid * NS + sid

        pltpu.sync_copy(ssrc_h, stab_s)
        pltpu.sync_copy(sdst_h, stab_d)
        zv16 = jnp.zeros((16,), jnp.float32)

        def zden(i, carry):
            dloc[pl.ds(i * 16, 16)] = zv16
            return carry

        lax.fori_loop(0, H * NP // 16, zden, 0)

        iota = lax.iota(jnp.int32, 16)
        hsel = iota % 4
        ebase = iota // 4

        def chunk(g, carry):
            off = wid * EPT + g * CB
            pltpu.sync_copy(src_h.at[pl.ds(off, CB)], sidx)
            pltpu.sync_copy(dst_h.at[pl.ds(off, CB)], didx)
            for j in range(CB * H // 16):
                ev = ebase + j * 4
                sv = plsc.load_gather(sidx, [ev])
                dv = plsc.load_gather(didx, [ev])
                xs = plsc.load_gather(stab_s, [sv * 4 + hsel])
                xd = plsc.load_gather(stab_d, [dv * 4 + hsel])
                x = xs + xd
                x = jnp.where(x >= 0.0, x, 0.2 * x)
                w = jnp.exp(x)
                wbuf[pl.ds(j * 16, 16)] = w
                plsc.addupdate_scatter(dloc, [dv * 4 + hsel], w)
            pltpu.sync_copy(wbuf, w_o.at[pl.ds(off * H, CB * H)])
            return carry

        lax.fori_loop(0, EPT // CB, chunk, 0)
        pltpu.sync_copy(dloc, den_o.at[wid])

    return k(src, dst, ssrc, sdst)


def _sc_agg_pass(src, dst, Z, w, denp):
    CA = 80
    EPT = E // NW
    DPT = H * NP // NW
    DSC = 256
    mesh = plsc.VectorSubcoreMesh(core_axis_name="c", subcore_axis_name="s")

    @functools.partial(
        pl.kernel,
        out_type=(
            jax.ShapeDtypeStruct((NC, NP, F), jnp.float32),
            jax.ShapeDtypeStruct((H * NP,), jnp.float32),
        ),
        mesh=mesh,
        compiler_params=pltpu.CompilerParams(needs_layout_passes=False),
        scratch_types=[
            pltpu.VMEM((CA,), jnp.int32),
            pltpu.VMEM((CA,), jnp.int32),
            pltpu.VMEM((CA, F), jnp.float32),
            pltpu.VMEM((CA * H,), jnp.float32),
            pltpu.VMEM((CA,), jnp.int32),
            pltpu.VMEM((CA,), jnp.int32),
            pltpu.VMEM((CA, F), jnp.float32),
            pltpu.VMEM((CA * H,), jnp.float32),
            pltpu.VMEM((NW, DSC), jnp.float32),
            pltpu.VMEM((DPT,), jnp.float32),
            pltpu.VMEM_SHARED((NP, F), jnp.float32),
            pltpu.SemaphoreType.DMA,
            pltpu.SemaphoreType.DMA,
            pltpu.SemaphoreType.DMA,
            pltpu.SemaphoreType.DMA,
            pltpu.SemaphoreType.DMA,
            pltpu.SemaphoreType.DMA,
        ],
    )
    def k(src_h, dst_h, z_h, w_h, den_h, acc_o, dsum_o,
          sidx, didx, zbuf, wbuf, sidxB, didxB, zbufB, wbufB,
          dbuf, dsb, acc_sh, sem2, sem3, sem4, sem5, semS, semT):
        cid = lax.axis_index("c")
        sid = lax.axis_index("s")
        wid = cid * NS + sid

        zv16 = jnp.zeros((16,), jnp.float32)

        def zrow(c, carry):
            for v in range(F // 16):
                zbuf[c, pl.ds(v * 16, 16)] = zv16
            return carry

        lax.fori_loop(0, CA, zrow, 0)
        for kk in range(RPT // CA):
            pltpu.sync_copy(zbuf, acc_sh.at[pl.ds(sid * RPT + kk * CA, CA)])

        dbase = wid * DPT
        for sc in range(DPT // DSC):
            pltpu.sync_copy(den_h.at[:, pl.ds(dbase + sc * DSC, DSC)], dbuf)

            def dred(gg, carry):
                acc16 = dbuf[0, pl.ds(gg * 16, 16)]
                for ww in range(1, NW):
                    acc16 = acc16 + dbuf[ww, pl.ds(gg * 16, 16)]
                dsb[pl.ds(sc * DSC + gg * 16, 16)] = acc16
                return carry

            lax.fori_loop(0, DSC // 16, dred, 0)
        pltpu.sync_copy(dsb, dsum_o.at[pl.ds(dbase, DPT)])
        plsc.subcore_barrier()

        def load_chunk(off, sidx_r, didx_r, zbuf_r, wbuf_r, semz, semw):
            pltpu.sync_copy(src_h.at[pl.ds(off, CA)], sidx_r)
            pltpu.sync_copy(dst_h.at[pl.ds(off, CA)], didx_r)
            cpz = pltpu.async_copy(z_h.at[sidx_r], zbuf_r, semz)
            cpw = pltpu.async_copy(w_h.at[pl.ds(off * H, CA * H)],
                                   wbuf_r, semw)
            return cpz, cpw

        def scale_chunk(zbuf_r, wbuf_r):
            def scale4(cg, carry2):
                w16 = wbuf_r[pl.ds(cg * 16, 16)]
                for dc in range(4):
                    c = cg * 4 + dc
                    for v in range(F // 16):
                        sel = jnp.full((16,), dc * 4 + v // 2, jnp.int32)
                        scale = jnp.take_along_axis(w16, sel, axis=0)
                        zbuf_r[c, pl.ds(v * 16, 16)] = (
                            zbuf_r[c, pl.ds(v * 16, 16)] * scale)
                return carry2

            lax.fori_loop(0, CA // 4, scale4, 0)

        def chunk2(i, carry):
            offa = wid * EPT + (2 * i) * CA
            offb = offa + CA
            cpza, cpwa = load_chunk(offa, sidx, didx, zbuf, wbuf, sem2, sem3)
            cpzb, cpwb = load_chunk(offb, sidxB, didxB, zbufB, wbufB,
                                    sem4, sem5)
            cpza.wait()
            cpwa.wait()
            scale_chunk(zbuf, wbuf)
            cpsa = pltpu.async_copy(zbuf, acc_sh.at[didx], semS, add=True)
            cpzb.wait()
            cpwb.wait()
            scale_chunk(zbufB, wbufB)
            cpsb = pltpu.async_copy(zbufB, acc_sh.at[didxB], semT, add=True)
            cpsa.wait()
            cpsb.wait()
            return carry

        NCH = EPT // CA
        lax.fori_loop(0, NCH // 2, chunk2, 0)
        if NCH % 2:
            offt = wid * EPT + (NCH - 1) * CA
            cpzt, cpwt = load_chunk(offt, sidx, didx, zbuf, wbuf, sem2, sem3)
            cpzt.wait()
            cpwt.wait()
            scale_chunk(zbuf, wbuf)
            pltpu.sync_copy(zbuf, acc_sh.at[didx], add=True)
        plsc.subcore_barrier()
        pltpu.sync_copy(acc_sh.at[pl.ds(sid * RPT, RPT)],
                        acc_o.at[cid, pl.ds(sid * RPT, RPT)])

    return k(src, dst, Z, w, denp)


def _final_body(acc_ref, den_ref, out_ref):
    acc = acc_ref[0] + acc_ref[1]
    den = den_ref[...] + 1e-9
    parts = [acc[:, hh * OUT:(hh + 1) * OUT] / den[:, hh:hh + 1]
             for hh in range(H)]
    out_ref[...] = jnp.concatenate(parts, axis=1)


def _finalize(accp, denp):
    B = 1000
    return pl.pallas_call(
        _final_body,
        grid=(N // B,),
        in_specs=[
            pl.BlockSpec((NC, B, F), lambda i: (0, i, 0)),
            pl.BlockSpec((B, H), lambda i: (i, 0)),
        ],
        out_specs=pl.BlockSpec((B, F), lambda i: (i, 0)),
        out_shape=jax.ShapeDtypeStruct((N, F), jnp.float32),
    )(accp, denp)


def kernel(h, edge_index, W, a):
    src = edge_index[0]
    dst = edge_index[1]
    Wc = jnp.transpose(W, (1, 0, 2)).reshape(IN_DIM, F)
    Z, ssrc, sdst = _project(h, Wc, a)
    ssrc_t = ssrc.reshape(H * N)
    sdst_t = sdst.reshape(H * N)
    w, denp = _sc_logit_pass(src, dst, ssrc_t, sdst_t)
    accp, dsum = _sc_agg_pass(src, dst, Z, w, denp)
    return _finalize(accp, dsum.reshape(NP, H))

# --- scband reference (transcript-rebuilt; emitter-appended) ---
"""Pipeline reference for scband-multi-head-gat-39127152066973 (READ-ONLY COPY).

The authoritative reference and input builder live on the scoring server;
editing this copy changes nothing except your own understanding.
"""

import jax, jax.numpy as jnp
import numpy as np

N = 10000
E = 320000
IN_DIM = 128
OUT_DIM = 32
HEADS = 4

def setup_inputs(seed: int = 0):
    key = jax.random.key(seed)
    k1, k2, k3, k4 = jax.random.split(key, 4)
    h = jax.random.normal(k1, (N, IN_DIM), dtype=jnp.float32)
    edge_index = jax.random.randint(k2, (2, E), 0, N, dtype=jnp.int32)
    W = jax.random.normal(k3, (HEADS, IN_DIM, OUT_DIM), dtype=jnp.float32) * 0.1
    a = jax.random.normal(k4, (HEADS, 2 * OUT_DIM), dtype=jnp.float32) * 0.1
    return {"h": h, "edge_index": edge_index, "W": W, "a": a}

def _gat_forward(h, W, a, edge_index):
    # Standard (DGL-tutorial style) GAT layer, vectorized over HEADS heads, merge='cat'.
    src = edge_index[0]
    dst = edge_index[1]
    # per-head linear projection: fc(h)
    z = jnp.einsum('nd,hdo->hno', h, W)  # [H, N, OUT]
    # edge attention logits: attn_fc(cat(z_src, z_dst)) = z_src @ a[:OUT] + z_dst @ a[OUT:]
    e_src = jnp.einsum('hno,ho->hn', z, a[:, :OUT_DIM])  # [H, N]
    e_dst = jnp.einsum('hno,ho->hn', z, a[:, OUT_DIM:])  # [H, N]
    e = jax.nn.leaky_relu(e_src[:, src] + e_dst[:, dst], negative_slope=0.2)  # [H, E]
    # edge softmax over incoming edges per destination node
    e_max = jax.ops.segment_max(e.T, dst, num_segments=N)  # [N, H]
    e_max = jnp.where(jnp.isfinite(e_max), e_max, 0.0)
    e_exp = jnp.exp(e - e_max[dst].T)  # [H, E]
    denom = jax.ops.segment_sum(e_exp.T, dst, num_segments=N)  # [N, H]
    alpha = e_exp / (denom[dst].T + 1e-9)  # [H, E]
    # weighted message aggregation: sum_{(u,v) in E} alpha_uv * z_u
    msg = alpha[..., None] * z[:, src, :]  # [H, E, OUT]
    out = jax.vmap(lambda m: jax.ops.segment_sum(m, dst, num_segments=N))(msg)  # [H, N, OUT]
    # merge='cat': concatenate heads along feature dim
    return jnp.transpose(out, (1, 0, 2)).reshape(N, HEADS * OUT_DIM)

def reference(h, edge_index, W, a):
    return _gat_forward(h, W, a, edge_index)

if __name__ == "__main__":
    import jax
    _d = setup_inputs()
    print(jax.jit(kernel)(*tuple(_d.values())))

</pallas_src>

<mosaic_0001>
#map = affine_map<(d0, d1) -> (0)>
#map1 = affine_map<(d0, d1) -> (0, 0)>
#map2 = affine_map<(d0, d1) -> (0, 0, 0)>
module attributes {stable_mosaic.version = 14 : i64} {
  func.func @k(%arg0: i32, %arg1: i32, %arg2: memref<320000xi32, #tpu.memory_space<hbm>>, %arg3: memref<320000xi32, #tpu.memory_space<hbm>>, %arg4: memref<10000x128xf32, #tpu.memory_space<hbm>>, %arg5: memref<1280000xf32, #tpu.memory_space<hbm>>, %arg6: memref<32x40960xf32, #tpu.memory_space<hbm>>, %arg7: memref<2x10240x128xf32, #tpu.memory_space<hbm>>, %arg8: memref<40960xf32, #tpu.memory_space<hbm>>, %arg9: memref<80xi32, #tpu.memory_space<vmem>>, %arg10: memref<80xi32, #tpu.memory_space<vmem>>, %arg11: memref<80x128xf32, #tpu.memory_space<vmem>>, %arg12: memref<320xf32, #tpu.memory_space<vmem>>, %arg13: memref<80xi32, #tpu.memory_space<vmem>>, %arg14: memref<80xi32, #tpu.memory_space<vmem>>, %arg15: memref<80x128xf32, #tpu.memory_space<vmem>>, %arg16: memref<320xf32, #tpu.memory_space<vmem>>, %arg17: memref<32x256xf32, #tpu.memory_space<vmem>>, %arg18: memref<1280xf32, #tpu.memory_space<vmem>>, %arg19: memref<10240x128xf32, #tpu.memory_space<vmem_shared>>, %arg20: memref<!tpu.dma_semaphore, #tpu.memory_space<semaphore_mem>>, %arg21: memref<!tpu.dma_semaphore, #tpu.memory_space<semaphore_mem>>, %arg22: memref<!tpu.dma_semaphore, #tpu.memory_space<semaphore_mem>>, %arg23: memref<!tpu.dma_semaphore, #tpu.memory_space<semaphore_mem>>, %arg24: memref<!tpu.dma_semaphore, #tpu.memory_space<semaphore_mem>>, %arg25: memref<!tpu.dma_semaphore, #tpu.memory_space<semaphore_mem>>) attributes {dimension_semantics = [#tpu.dimension_semantics<core_parallel>, #tpu.dimension_semantics<subcore_parallel>], iteration_bounds = array<i64: 2, 16>, scalar_prefetch = 0 : i64, scratch_operands = 17 : i64, tpu.core_type = #tpu.core_type<sc_vector_subcore>, window_params = [{transform_indices = #map}, {transform_indices = #map}, {transform_indices = #map1}, {transform_indices = #map}, {transform_indices = #map1}, {transform_indices = #map2}, {transform_indices = #map}]} {
    %mul3A = arith.constant 16 : i32
    %mul3A_0 = arith.muli %arg0, %mul3A : i32
    %add3A = arith.addi %mul3A_0, %arg1 : i32
    %broadcast_in_dim3A = arith.constant 0.000000e+00 : f32
    %broadcast_in_dim3A_1 = vector.broadcast %broadcast_in_dim3A : f32 to vector<16xf32>
    %scan3A = arith.constant 0 : i32
    %scan3A_2 = arith.constant 0 : i32
    %scan3A_3 = arith.constant 80 : i32
    %scan3A_4 = arith.addi %scan3A_2, %scan3A_3 : i32
    %scan3A_5 = arith.constant 1 : i32
    scf.for %scan3A_112 = %scan3A_2 to %scan3A_4 step %scan3A_5  : i32 {
      %swap3A = arith.index_cast %scan3A_112 : i32 to index
      %swap3A_113 = arith.constant 0 : index
      %swap3A_114 = tpu.vector_load %arg11[%swap3A, %swap3A_113] {strides = array<i32>} : memref<80x128xf32, #tpu.memory_space<vmem>>, vector<16xf32>,
      tpu.vector_store %arg11[%swap3A, %swap3A_113], %broadcast_in_dim3A_1 {strides = array<i32>} : memref<80x128xf32, #tpu.memory_space<vmem>>, vector<16xf32>,
      %swap3A_115 = arith.index_cast %scan3A_112 : i32 to index
      %swap3A_116 = arith.constant 16 : index
      %swap3A_117 = tpu.vector_load %arg11[%swap3A_115, %swap3A_116] {strides = array<i32>} : memref<80x128xf32, #tpu.memory_space<vmem>>, vector<16xf32>,
      tpu.vector_store %arg11[%swap3A_115, %swap3A_116], %broadcast_in_dim3A_1 {strides = array<i32>} : memref<80x128xf32, #tpu.memory_space<vmem>>, vector<16xf32>,
      %swap3A_118 = arith.index_cast %scan3A_112 : i32 to index
      %swap3A_119 = arith.constant 32 : index
      %swap3A_120 = tpu.vector_load %arg11[%swap3A_118, %swap3A_119] {strides = array<i32>} : memref<80x128xf32, #tpu.memory_space<vmem>>, vector<16xf32>,
      tpu.vector_store %arg11[%swap3A_118, %swap3A_119], %broadcast_in_dim3A_1 {strides = array<i32>} : memref<80x128xf32, #tpu.memory_space<vmem>>, vector<16xf32>,
      %swap3A_121 = arith.index_cast %scan3A_112 : i32 to index
      %swap3A_122 = arith.constant 48 : index
      %swap3A_123 = tpu.vector_load %arg11[%swap3A_121, %swap3A_122] {strides = array<i32>} : memref<80x128xf32, #tpu.memory_space<vmem>>, vector<16xf32>,
      tpu.vector_store %arg11[%swap3A_121, %swap3A_122], %broadcast_in_dim3A_1 {strides = array<i32>} : memref<80x128xf32, #tpu.memory_space<vmem>>, vector<16xf32>,
      %swap3A_124 = arith.index_cast %scan3A_112 : i32 to index
      %swap3A_125 = arith.constant 64 : index
      %swap3A_126 = tpu.vector_load %arg11[%swap3A_124, %swap3A_125] {strides = array<i32>} : memref<80x128xf32, #tpu.memory_space<vmem>>, vector<16xf32>,
      tpu.vector_store %arg11[%swap3A_124, %swap3A_125], %broadcast_in_dim3A_1 {strides = array<i32>} : memref<80x128xf32, #tpu.memory_space<vmem>>, vector<16xf32>,
      %swap3A_127 = arith.index_cast %scan3A_112 : i32 to index
      %swap3A_128 = arith.constant 80 : index
      %swap3A_129 = tpu.vector_load %arg11[%swap3A_127, %swap3A_128] {strides = array<i32>} : memref<80x128xf32, #tpu.memory_space<vmem>>, vector<16xf32>,
      tpu.vector_store %arg11[%swap3A_127, %swap3A_128], %broadcast_in_dim3A_1 {strides = array<i32>} : memref<80x128xf32, #tpu.memory_space<vmem>>, vector<16xf32>,
      %swap3A_130 = arith.index_cast %scan3A_112 : i32 to index
      %swap3A_131 = arith.constant 96 : index
      %swap3A_132 = tpu.vector_load %arg11[%swap3A_130, %swap3A_131] {strides = array<i32>} : memref<80x128xf32, #tpu.memory_space<vmem>>, vector<16xf32>,
      tpu.vector_store %arg11[%swap3A_130, %swap3A_131], %broadcast_in_dim3A_1 {strides = array<i32>} : memref<80x128xf32, #tpu.memory_space<vmem>>, vector<16xf32>,
      %swap3A_133 = arith.index_cast %scan3A_112 : i32 to index
      %swap3A_134 = arith.constant 112 : index
      %swap3A_135 = tpu.vector_load %arg11[%swap3A_133, %swap3A_134] {strides = array<i32>} : memref<80x128xf32, #tpu.memory_space<vmem>>, vector<16xf32>,
      tpu.vector_store %arg11[%swap3A_133, %swap3A_134], %broadcast_in_dim3A_1 {strides = array<i32>} : memref<80x128xf32, #tpu.memory_space<vmem>>, vector<16xf32>,
    }
    %scan3A_6 = arith.constant 80 : i32
    %mul3A_7 = arith.constant 640 : i32
    %mul3A_8 = arith.muli %arg1, %mul3A_7 : i32
    %add3A_9 = arith.constant 0 : i32
    %add3A_10 = arith.addi %mul3A_8, %add3A_9 : i32
    "tpu.region"() ({
      %run_scoped3A = tpu.sem_alloc : memref<!tpu.dma_semaphore, #tpu.memory_space<semaphore_mem>>
      %dma_start3A_112 = arith.constant 0 : i32
      %dma_start3A_113 = tpu.memref_slice %arg19[%add3A_10, %dma_start3A_112] : memref<10240x128xf32, #tpu.memory_space<vmem_shared>> -> memref<80x128xf32, #tpu.memory_space<vmem_shared>>
      %dma_start3A_114 = arith.constant 0 : i32
      %dma_start3A_115 = tpu.memref_slice %arg19[%add3A_10, %dma_start3A_114] : memref<10240x128xf32, #tpu.memory_space<vmem_shared>> -> memref<80x128xf32, #tpu.memory_space<vmem_shared>>
      tpu.enqueue_dma source(%arg11 : memref<80x128xf32, #tpu.memory_space<vmem>>) target(%dma_start3A_115 : memref<80x128xf32, #tpu.memory_space<vmem_shared>>) target_semaphore(%run_scoped3A : memref<!tpu.dma_semaphore, #tpu.memory_space<semaphore_mem>>)
      %dma_wait3A_116 = arith.constant 0 : i32
      %dma_wait3A_117 = tpu.memref_slice %arg19[%add3A_10, %dma_wait3A_116] : memref<10240x128xf32, #tpu.memory_space<vmem_shared>> -> memref<80x128xf32, #tpu.memory_space<vmem_shared>>
      %dma_wait3A_118 = arith.constant 0 : i32
      %dma_wait3A_119 = tpu.memref_slice %arg19[%add3A_10, %dma_wait3A_118] : memref<10240x128xf32, #tpu.memory_space<vmem_shared>> -> memref<80x128xf32, #tpu.memory_space<vmem_shared>>
      tpu.wait_dma2 semaphore(%run_scoped3A : memref<!tpu.dma_semaphore, #tpu.memory_space<semaphore_mem>>) src(%arg11 : memref<80x128xf32, #tpu.memory_space<vmem>>) dst(%dma_wait3A_119 : memref<80x128xf32, #tpu.memory_space<vmem_shared>>)
      tpu.yield
    }) : () -> ()
    %mul3A_11 = arith.constant 640 : i32
    %mul3A_12 = arith.muli %arg1, %mul3A_11 : i32
    %add3A_13 = arith.constant 80 : i32
    %add3A_14 = arith.addi %mul3A_12, %add3A_13 : i32
    "tpu.region"() ({
      %run_scoped3A = tpu.sem_alloc : memref<!tpu.dma_semaphore, #tpu.memory_space<semaphore_mem>>
      %dma_start3A_112 = arith.constant 0 : i32
      %dma_start3A_113 = tpu.memref_slice %arg19[%add3A_14, %dma_start3A_112] : memref<10240x128xf32, #tpu.memory_space<vmem_shared>> -> memref<80x128xf32, #tpu.memory_space<vmem_shared>>
      %dma_start3A_114 = arith.constant 0 : i32
      %dma_start3A_115 = tpu.memref_slice %arg19[%add3A_14, %dma_start3A_114] : memref<10240x128xf32, #tpu.memory_space<vmem_shared>> -> memref<80x128xf32, #tpu.memory_space<vmem_shared>>
      tpu.enqueue_dma source(%arg11 : memref<80x128xf32, #tpu.memory_space<vmem>>) target(%dma_start3A_115 : memref<80x128xf32, #tpu.memory_space<vmem_shared>>) target_semaphore(%run_scoped3A : memref<!tpu.dma_semaphore, #tpu.memory_space<semaphore_mem>>)
      %dma_wait3A_116 = arith.constant 0 : i32
      %dma_wait3A_117 = tpu.memref_slice %arg19[%add3A_14, %dma_wait3A_116] : memref<10240x128xf32, #tpu.memory_space<vmem_shared>> -> memref<80x128xf32, #tpu.memory_space<vmem_shared>>
      %dma_wait3A_118 = arith.constant 0 : i32
      %dma_wait3A_119 = tpu.memref_slice %arg19[%add3A_14, %dma_wait3A_118] : memref<10240x128xf32, #tpu.memory_space<vmem_shared>> -> memref<80x128xf32, #tpu.memory_space<vmem_shared>>
      tpu.wait_dma2 semaphore(%run_scoped3A : memref<!tpu.dma_semaphore, #tpu.memory_space<semaphore_mem>>) src(%arg11 : memref<80x128xf32, #tpu.memory_space<vmem>>) dst(%dma_wait3A_119 : memref<80x128xf32, #tpu.memory_space<vmem_shared>>)
      tpu.yield
    }) : () -> ()
    %mul3A_15 = arith.constant 640 : i32
    %mul3A_16 = arith.muli %arg1, %mul3A_15 : i32
    %add3A_17 = arith.constant 160 : i32
    %add3A_18 = arith.addi %mul3A_16, %add3A_17 : i32
    "tpu.region"() ({
      %run_scoped3A = tpu.sem_alloc : memref<!tpu.dma_semaphore, #tpu.memory_space<semaphore_mem>>
      %dma_start3A_112 = arith.constant 0 : i32
      %dma_start3A_113 = tpu.memref_slice %arg19[%add3A_18, %dma_start3A_112] : memref<10240x128xf32, #tpu.memory_space<vmem_shared>> -> memref<80x128xf32, #tpu.memory_space<vmem_shared>>
      %dma_start3A_114 = arith.constant 0 : i32
      %dma_start3A_115 = tpu.memref_slice %arg19[%add3A_18, %dma_start3A_114] : memref<10240x128xf32, #tpu.memory_space<vmem_shared>> -> memref<80x128xf32, #tpu.memory_space<vmem_shared>>
      tpu.enqueue_dma source(%arg11 : memref<80x128xf32, #tpu.memory_space<vmem>>) target(%dma_start3A_115 : memref<80x128xf32, #tpu.memory_space<vmem_shared>>) target_semaphore(%run_scoped3A : memref<!tpu.dma_semaphore, #tpu.memory_space<semaphore_mem>>)
      %dma_wait3A_116 = arith.constant 0 : i32
      %dma_wait3A_117 = tpu.memref_slice %arg19[%add3A_18, %dma_wait3A_116] : memref<10240x128xf32, #tpu.memory_space<vmem_shared>> -> memref<80x128xf32, #tpu.memory_space<vmem_shared>>
      %dma_wait3A_118 = arith.constant 0 : i32
      %dma_wait3A_119 = tpu.memref_slice %arg19[%add3A_18, %dma_wait3A_118] : memref<10240x128xf32, #tpu.memory_space<vmem_shared>> -> memref<80x128xf32, #tpu.memory_space<vmem_shared>>
      tpu.wait_dma2 semaphore(%run_scoped3A : memref<!tpu.dma_semaphore, #tpu.memory_space<semaphore_mem>>) src(%arg11 : memref<80x128xf32, #tpu.memory_space<vmem>>) dst(%dma_wait3A_119 : memref<80x128xf32, #tpu.memory_space<vmem_shared>>)
      tpu.yield
    }) : () -> ()
    %mul3A_19 = arith.constant 640 : i32
    %mul3A_20 = arith.muli %arg1, %mul3A_19 : i32
    %add3A_21 = arith.constant 240 : i32
    %add3A_22 = arith.addi %mul3A_20, %add3A_21 : i32
    "tpu.region"() ({
      %run_scoped3A = tpu.sem_alloc : memref<!tpu.dma_semaphore, #tpu.memory_space<semaphore_mem>>
      %dma_start3A_112 = arith.constant 0 : i32
      %dma_start3A_113 = tpu.memref_slice %arg19[%add3A_22, %dma_start3A_112] : memref<10240x128xf32, #tpu.memory_space<vmem_shared>> -> memref<80x128xf32, #tpu.memory_space<vmem_shared>>
      %dma_start3A_114 = arith.constant 0 : i32
      %dma_start3A_115 = tpu.memref_slice %arg19[%add3A_22, %dma_start3A_114] : memref<10240x128xf32, #tpu.memory_space<vmem_shared>> -> memref<80x128xf32, #tpu.memory_space<vmem_shared>>
      tpu.enqueue_dma source(%arg11 : memref<80x128xf32, #tpu.memory_space<vmem>>) target(%dma_start3A_115 : memref<80x128xf32, #tpu.memory_space<vmem_shared>>) target_semaphore(%run_scoped3A : memref<!tpu.dma_semaphore, #tpu.memory_space<semaphore_mem>>)
      %dma_wait3A_116 = arith.constant 0 : i32
      %dma_wait3A_117 = tpu.memref_slice %arg19[%add3A_22, %dma_wait3A_116] : memref<10240x128xf32, #tpu.memory_space<vmem_shared>> -> memref<80x128xf32, #tpu.memory_space<vmem_shared>>
      %dma_wait3A_118 = arith.constant 0 : i32
      %dma_wait3A_119 = tpu.memref_slice %arg19[%add3A_22, %dma_wait3A_118] : memref<10240x128xf32, #tpu.memory_space<vmem_shared>> -> memref<80x128xf32, #tpu.memory_space<vmem_shared>>
      tpu.wait_dma2 semaphore(%run_scoped3A : memref<!tpu.dma_semaphore, #tpu.memory_space<semaphore_mem>>) src(%arg11 : memref<80x128xf32, #tpu.memory_space<vmem>>) dst(%dma_wait3A_119 : memref<80x128xf32, #tpu.memory_space<vmem_shared>>)
      tpu.yield
    }) : () -> ()
    %mul3A_23 = arith.constant 640 : i32
    %mul3A_24 = arith.muli %arg1, %mul3A_23 : i32
    %add3A_25 = arith.constant 320 : i32
    %add3A_26 = arith.addi %mul3A_24, %add3A_25 : i32
    "tpu.region"() ({
      %run_scoped3A = tpu.sem_alloc : memref<!tpu.dma_semaphore, #tpu.memory_space<semaphore_mem>>
      %dma_start3A_112 = arith.constant 0 : i32
      %dma_start3A_113 = tpu.memref_slice %arg19[%add3A_26, %dma_start3A_112] : memref<10240x128xf32, #tpu.memory_space<vmem_shared>> -> memref<80x128xf32, #tpu.memory_space<vmem_shared>>
      %dma_start3A_114 = arith.constant 0 : i32
      %dma_start3A_115 = tpu.memref_slice %arg19[%add3A_26, %dma_start3A_114] : memref<10240x128xf32, #tpu.memory_space<vmem_shared>> -> memref<80x128xf32, #tpu.memory_space<vmem_shared>>
      tpu.enqueue_dma source(%arg11 : memref<80x128xf32, #tpu.memory_space<vmem>>) target(%dma_start3A_115 : memref<80x128xf32, #tpu.memory_space<vmem_shared>>) target_semaphore(%run_scoped3A : memref<!tpu.dma_semaphore, #tpu.memory_space<semaphore_mem>>)
      %dma_wait3A_116 = arith.constant 0 : i32
      %dma_wait3A_117 = tpu.memref_slice %arg19[%add3A_26, %dma_wait3A_116] : memref<10240x128xf32, #tpu.memory_space<vmem_shared>> -> memref<80x128xf32, #tpu.memory_space<vmem_shared>>
      %dma_wait3A_118 = arith.constant 0 : i32
      %dma_wait3A_119 = tpu.memref_slice %arg19[%add3A_26, %dma_wait3A_118] : memref<10240x128xf32, #tpu.memory_space<vmem_shared>> -> memref<80x128xf32, #tpu.memory_space<vmem_shared>>
      tpu.wait_dma2 semaphore(%run_scoped3A : memref<!tpu.dma_semaphore, #tpu.memory_space<semaphore_mem>>) src(%arg11 : memref<80x128xf32, #tpu.memory_space<vmem>>) dst(%dma_wait3A_119 : memref<80x128xf32, #tpu.memory_space<vmem_shared>>)
      tpu.yield
    }) : () -> ()
    %mul3A_27 = arith.constant 640 : i32
    %mul3A_28 = arith.muli %arg1, %mul3A_27 : i32
    %add3A_29 = arith.constant 400 : i32
    %add3A_30 = arith.addi %mul3A_28, %add3A_29 : i32
    "tpu.region"() ({
      %run_scoped3A = tpu.sem_alloc : memref<!tpu.dma_semaphore, #tpu.memory_space<semaphore_mem>>
      %dma_start3A_112 = arith.constant 0 : i32
      %dma_start3A_113 = tpu.memref_slice %arg19[%add3A_30, %dma_start3A_112] : memref<10240x128xf32, #tpu.memory_space<vmem_shared>> -> memref<80x128xf32, #tpu.memory_space<vmem_shared>>
      %dma_start3A_114 = arith.constant 0 : i32
      %dma_start3A_115 = tpu.memref_slice %arg19[%add3A_30, %dma_start3A_114] : memref<10240x128xf32, #tpu.memory_space<vmem_shared>> -> memref<80x128xf32, #tpu.memory_space<vmem_shared>>
      tpu.enqueue_dma source(%arg11 : memref<80x128xf32, #tpu.memory_space<vmem>>) target(%dma_start3A_115 : memref<80x128xf32, #tpu.memory_space<vmem_shared>>) target_semaphore(%run_scoped3A : memref<!tpu.dma_semaphore, #tpu.memory_space<semaphore_mem>>)
      %dma_wait3A_116 = arith.constant 0 : i32
      %dma_wait3A_117 = tpu.memref_slice %arg19[%add3A_30, %dma_wait3A_116] : memref<10240x128xf32, #tpu.memory_space<vmem_shared>> -> memref<80x128xf32, #tpu.memory_space<vmem_shared>>
      %dma_wait3A_118 = arith.constant 0 : i32
      %dma_wait3A_119 = tpu.memref_slice %arg19[%add3A_30, %dma_wait3A_118] : memref<10240x128xf32, #tpu.memory_space<vmem_shared>> -> memref<80x128xf32, #tpu.memory_space<vmem_shared>>
      tpu.wait_dma2 semaphore(%run_scoped3A : memref<!tpu.dma_semaphore, #tpu.memory_space<semaphore_mem>>) src(%arg11 : memref<80x128xf32, #tpu.memory_space<vmem>>) dst(%dma_wait3A_119 : memref<80x128xf32, #tpu.memory_space<vmem_shared>>)
      tpu.yield
    }) : () -> ()
    %mul3A_31 = arith.constant 640 : i32
    %mul3A_32 = arith.muli %arg1, %mul3A_31 : i32
    %add3A_33 = arith.constant 480 : i32
    %add3A_34 = arith.addi %mul3A_32, %add3A_33 : i32
    "tpu.region"() ({
      %run_scoped3A = tpu.sem_alloc : memref<!tpu.dma_semaphore, #tpu.memory_space<semaphore_mem>>
      %dma_start3A_112 = arith.constant 0 : i32
      %dma_start3A_113 = tpu.memref_slice %arg19[%add3A_34, %dma_start3A_112] : memref<10240x128xf32, #tpu.memory_space<vmem_shared>> -> memref<80x128xf32, #tpu.memory_space<vmem_shared>>
      %dma_start3A_114 = arith.constant 0 : i32
      %dma_start3A_115 = tpu.memref_slice %arg19[%add3A_34, %dma_start3A_114] : memref<10240x128xf32, #tpu.memory_space<vmem_shared>> -> memref<80x128xf32, #tpu.memory_space<vmem_shared>>
      tpu.enqueue_dma source(%arg11 : memref<80x128xf32, #tpu.memory_space<vmem>>) target(%dma_start3A_115 : memref<80x128xf32, #tpu.memory_space<vmem_shared>>) target_semaphore(%run_scoped3A : memref<!tpu.dma_semaphore, #tpu.memory_space<semaphore_mem>>)
      %dma_wait3A_116 = arith.constant 0 : i32
      %dma_wait3A_117 = tpu.memref_slice %arg19[%add3A_34, %dma_wait3A_116] : memref<10240x128xf32, #tpu.memory_space<vmem_shared>> -> memref<80x128xf32, #tpu.memory_space<vmem_shared>>
      %dma_wait3A_118 = arith.constant 0 : i32
      %dma_wait3A_119 = tpu.memref_slice %arg19[%add3A_34, %dma_wait3A_118] : memref<10240x128xf32, #tpu.memory_space<vmem_shared>> -> memref<80x128xf32, #tpu.memory_space<vmem_shared>>
      tpu.wait_dma2 semaphore(%run_scoped3A : memref<!tpu.dma_semaphore, #tpu.memory_space<semaphore_mem>>) src(%arg11 : memref<80x128xf32, #tpu.memory_space<vmem>>) dst(%dma_wait3A_119 : memref<80x128xf32, #tpu.memory_space<vmem_shared>>)
      tpu.yield
    }) : () -> ()
    %mul3A_35 = arith.constant 640 : i32
    %mul3A_36 = arith.muli %arg1, %mul3A_35 : i32
    %add3A_37 = arith.constant 560 : i32
    %add3A_38 = arith.addi %mul3A_36, %add3A_37 : i32
    "tpu.region"() ({
      %run_scoped3A = tpu.sem_alloc : memref<!tpu.dma_semaphore, #tpu.memory_space<semaphore_mem>>
      %dma_start3A_112 = arith.constant 0 : i32
      %dma_start3A_113 = tpu.memref_slice %arg19[%add3A_38, %dma_start3A_112] : memref<10240x128xf32, #tpu.memory_space<vmem_shared>> -> memref<80x128xf32, #tpu.memory_space<vmem_shared>>
      %dma_start3A_114 = arith.constant 0 : i32
      %dma_start3A_115 = tpu.memref_slice %arg19[%add3A_38, %dma_start3A_114] : memref<10240x128xf32, #tpu.memory_space<vmem_shared>> -> memref<80x128xf32, #tpu.memory_space<vmem_shared>>
      tpu.enqueue_dma source(%arg11 : memref<80x128xf32, #tpu.memory_space<vmem>>) target(%dma_start3A_115 : memref<80x128xf32, #tpu.memory_space<vmem_shared>>) target_semaphore(%run_scoped3A : memref<!tpu.dma_semaphore, #tpu.memory_space<semaphore_mem>>)
      %dma_wait3A_116 = arith.constant 0 : i32
      %dma_wait3A_117 = tpu.memref_slice %arg19[%add3A_38, %dma_wait3A_116] : memref<10240x128xf32, #tpu.memory_space<vmem_shared>> -> memref<80x128xf32, #tpu.memory_space<vmem_shared>>
      %dma_wait3A_118 = arith.constant 0 : i32
      %dma_wait3A_119 = tpu.memref_slice %arg19[%add3A_38, %dma_wait3A_118] : memref<10240x128xf32, #tpu.memory_space<vmem_shared>> -> memref<80x128xf32, #tpu.memory_space<vmem_shared>>
      tpu.wait_dma2 semaphore(%run_scoped3A : memref<!tpu.dma_semaphore, #tpu.memory_space<semaphore_mem>>) src(%arg11 : memref<80x128xf32, #tpu.memory_space<vmem>>) dst(%dma_wait3A_119 : memref<80x128xf32, #tpu.memory_space<vmem_shared>>)
      tpu.yield
    }) : () -> ()
    %mul3A_39 = arith.constant 1280 : i32
    %mul3A_40 = arith.muli %add3A, %mul3A_39 : i32
    %add3A_41 = arith.constant 0 : i32
    %add3A_42 = arith.addi %mul3A_40, %add3A_41 : i32
    "tpu.region"() ({
      %run_scoped3A = tpu.sem_alloc : memref<!tpu.dma_semaphore, #tpu.memory_space<semaphore_mem>>
      %dma_start3A_112 = arith.constant 0 : i32
      %dma_start3A_113 = tpu.memref_slice %arg6[%dma_start3A_112, %add3A_42] : memref<32x40960xf32, #tpu.memory_space<hbm>> -> memref<32x256xf32, #tpu.memory_space<hbm>>
      %dma_start3A_114 = arith.constant 0 : i32
      %dma_start3A_115 = tpu.memref_slice %arg6[%dma_start3A_114, %add3A_42] : memref<32x40960xf32, #tpu.memory_space<hbm>> -> memref<32x256xf32, #tpu.memory_space<hbm>>
      tpu.enqueue_dma source(%dma_start3A_115 : memref<32x256xf32, #tpu.memory_space<hbm>>) target(%arg17 : memref<32x256xf32, #tpu.memory_space<vmem>>) target_semaphore(%run_scoped3A : memref<!tpu.dma_semaphore, #tpu.memory_space<semaphore_mem>>)
      %dma_wait3A_116 = arith.constant 0 : i32
      %dma_wait3A_117 = tpu.memref_slice %arg6[%dma_wait3A_116, %add3A_42] : memref<32x40960xf32, #tpu.memory_space<hbm>> -> memref<32x256xf32, #tpu.memory_space<hbm>>
      %dma_wait3A_118 = arith.constant 0 : i32
      %dma_wait3A_119 = tpu.memref_slice %arg6[%dma_wait3A_118, %add3A_42] : memref<32x40960xf32, #tpu.memory_space<hbm>> -> memref<32x256xf32, #tpu.memory_space<hbm>>
      tpu.wait_dma2 semaphore(%run_scoped3A : memref<!tpu.dma_semaphore, #tpu.memory_space<semaphore_mem>>) src(%dma_wait3A_119 : memref<32x256xf32, #tpu.memory_space<hbm>>) dst(%arg17 : memref<32x256xf32, #tpu.memory_space<vmem>>)
      tpu.yield
    }) : () -> ()
    %scan3A_43 = arith.constant 0 : i32
    %scan3A_44 = arith.constant 0 : i32
    %scan3A_45 = arith.constant 16 : i32
    %scan3A_46 = arith.addi %scan3A_44, %scan3A_45 : i32
    %scan3A_47 = arith.constant 1 : i32
    scf.for %scan3A_112 = %scan3A_44 to %scan3A_46 step %scan3A_47  : i32 {
      %mul3A_113 = arith.constant 16 : i32
      %mul3A_114 = arith.muli %scan3A_112, %mul3A_113 : i32
      %get3A = arith.constant 0 : i32
      %get3A_115 = arith.index_cast %get3A : i32 to index
      %get3A_116 = arith.index_cast %mul3A_114 : i32 to index
      %get3A_117 = tpu.vector_load %arg17[%get3A_115, %get3A_116] {strides = array<i32>} : memref<32x256xf32, #tpu.memory_space<vmem>>, vector<16xf32>,
      %mul3A_118 = arith.constant 16 : i32
      %mul3A_119 = arith.muli %scan3A_112, %mul3A_118 : i32
      %get3A_120 = arith.constant 1 : i32
      %get3A_121 = arith.index_cast %get3A_120 : i32 to index
      %get3A_122 = arith.index_cast %mul3A_119 : i32 to index
      %get3A_123 = tpu.vector_load %arg17[%get3A_121, %get3A_122] {strides = array<i32>} : memref<32x256xf32, #tpu.memory_space<vmem>>, vector<16xf32>,
      %add3A_124 = arith.addf %get3A_117, %get3A_123 : vector<16xf32>
      %mul3A_125 = arith.constant 16 : i32
      %mul3A_126 = arith.muli %scan3A_112, %mul3A_125 : i32
      %get3A_127 = arith.constant 2 : i32
      %get3A_128 = arith.index_cast %get3A_127 : i32 to index
      %get3A_129 = arith.index_cast %mul3A_126 : i32 to index
      %get3A_130 = tpu.vector_load %arg17[%get3A_128, %get3A_129] {strides = array<i32>} : memref<32x256xf32, #tpu.memory_space<vmem>>, vector<16xf32>,
      %add3A_131 = arith.addf %add3A_124, %get3A_130 : vector<16xf32>
      %mul3A_132 = arith.constant 16 : i32
      %mul3A_133 = arith.muli %scan3A_112, %mul3A_132 : i32
      %get3A_134 = arith.constant 3 : i32
      %get3A_135 = arith.index_cast %get3A_134 : i32 to index
      %get3A_136 = arith.index_cast %mul3A_133 : i32 to index
      %get3A_137 = tpu.vector_load %arg17[%get3A_135, %get3A_136] {strides = array<i32>} : memref<32x256xf32, #tpu.memory_space<vmem>>, vector<16xf32>,
      %add3A_138 = arith.addf %add3A_131, %get3A_137 : vector<16xf32>
      %mul3A_139 = arith.constant 16 : i32
      %mul3A_140 = arith.muli %scan3A_112, %mul3A_139 : i32
      %get3A_141 = arith.constant 4 : i32
      %get3A_142 = arith.index_cast %get3A_141 : i32 to index
      %get3A_143 = arith.index_cast %mul3A_140 : i32 to index
      %get3A_144 = tpu.vector_load %arg17[%get3A_142, %get3A_143] {strides = array<i32>} : memref<32x256xf32, #tpu.memory_space<vmem>>, vector<16xf32>,
      %add3A_145 = arith.addf %add3A_138, %get3A_144 : vector<16xf32>
      %mul3A_146 = arith.constant 16 : i32
      %mul3A_147 = arith.muli %scan3A_112, %mul3A_146 : i32
      %get3A_148 = arith.constant 5 : i32
      %get3A_149 = arith.index_cast %get3A_148 : i32 to index
      %get3A_150 = arith.index_cast %mul3A_147 : i32 to index
      %get3A_151 = tpu.vector_load %arg17[%get3A_149, %get3A_150] {strides = array<i32>} : memref<32x256xf32, #tpu.memory_space<vmem>>, vector<16xf32>,
      %add3A_152 = arith.addf %add3A_145, %get3A_151 : vector<16xf32>
      %mul3A_153 = arith.constant 16 : i32
      %mul3A_154 = arith.muli %scan3A_112, %mul3A_153 : i32
      %get3A_155 = arith.constant 6 : i32
      %get3A_156 = arith.index_cast %get3A_155 : i32 to index
      %get3A_157 = arith.index_cast %mul3A_154 : i32 to index
      %get3A_158 = tpu.vector_load %arg17[%get3A_156, %get3A_157] {strides = array<i32>} : memref<32x256xf32, #tpu.memory_space<vmem>>, vector<16xf32>,
      %add3A_159 = arith.addf %add3A_152, %get3A_158 : vector<16xf32>
      %mul3A_160 = arith.constant 16 : i32
      %mul3A_161 = arith.muli %scan3A_112, %mul3A_160 : i32
      %get3A_162 = arith.constant 7 : i32
      %get3A_163 = arith.index_cast %get3A_162 : i32 to index
      %get3A_164 = arith.index_cast %mul3A_161 : i32 to index
      %get3A_165 = tpu.vector_load %arg17[%get3A_163, %get3A_164] {strides = array<i32>} : memref<32x256xf32, #tpu.memory_space<vmem>>, vector<16xf32>,
      %add3A_166 = arith.addf %add3A_159, %get3A_165 : vector<16xf32>
      %mul3A_167 = arith.constant 16 : i32
      %mul3A_168 = arith.muli %scan3A_112, %mul3A_167 : i32
      %get3A_169 = arith.constant 8 : i32
      %get3A_170 = arith.index_cast %get3A_169 : i32 to index
      %get3A_171 = arith.index_cast %mul3A_168 : i32 to index
      %get3A_172 = tpu.vector_load %arg17[%get3A_170, %get3A_171] {strides = array<i32>} : memref<32x256xf32, #tpu.memory_space<vmem>>, vector<16xf32>,
      %add3A_173 = arith.addf %add3A_166, %get3A_172 : vector<16xf32>
      %mul3A_174 = arith.constant 16 : i32
      %mul3A_175 = arith.muli %scan3A_112, %mul3A_174 : i32
      %get3A_176 = arith.constant 9 : i32
      %get3A_177 = arith.index_cast %get3A_176 : i32 to index
      %get3A_178 = arith.index_cast %mul3A_175 : i32 to index
      %get3A_179 = tpu.vector_load %arg17[%get3A_177, %get3A_178] {strides = array<i32>} : memref<32x256xf32, #tpu.memory_space<vmem>>, vector<16xf32>,
      %add3A_180 = arith.addf %add3A_173, %get3A_179 : vector<16xf32>
      %mul3A_181 = arith.constant 16 : i32
      %mul3A_182 = arith.muli %scan3A_112, %mul3A_181 : i32
      %get3A_183 = arith.constant 10 : i32
      %get3A_184 = arith.index_cast %get3A_183 : i32 to index
      %get3A_185 = arith.index_cast %mul3A_182 : i32 to index
      %get3A_186 = tpu.vector_load %arg17[%get3A_184, %get3A_185] {strides = array<i32>} : memref<32x256xf32, #tpu.memory_space<vmem>>, vector<16xf32>,
      %add3A_187 = arith.addf %add3A_180, %get3A_186 : vector<16xf32>
      %mul3A_188 = arith.constant 16 : i32
      %mul3A_189 = arith.muli %scan3A_112, %mul3A_188 : i32
      %get3A_190 = arith.constant 11 : i32
      %get3A_191 = arith.index_cast %get3A_190 : i32 to index
      %get3A_192 = arith.index_cast %mul3A_189 : i32 to index
      %get3A_193 = tpu.vector_load %arg17[%get3A_191, %get3A_192] {strides = array<i32>} : memref<32x256xf32, #tpu.memory_space<vmem>>, vector<16xf32>,
      %add3A_194 = arith.addf %add3A_187, %get3A_193 : vector<16xf32>
      %mul3A_195 = arith.constant 16 : i32
      %mul3A_196 = arith.muli %scan3A_112, %mul3A_195 : i32
      %get3A_197 = arith.constant 12 : i32
      %get3A_198 = arith.index_cast %get3A_197 : i32 to index
      %get3A_199 = arith.index_cast %mul3A_196 : i32 to index
      %get3A_200 = tpu.vector_load %arg17[%get3A_198, %get3A_199] {strides = array<i32>} : memref<32x256xf32, #tpu.memory_space<vmem>>, vector<16xf32>,
      %add3A_201 = arith.addf %add3A_194, %get3A_200 : vector<16xf32>
      %mul3A_202 = arith.constant 16 : i32
      %mul3A_203 = arith.muli %scan3A_112, %mul3A_202 : i32
      %get3A_204 = arith.constant 13 : i32
      %get3A_205 = arith.index_cast %get3A_204 : i32 to index
      %get3A_206 = arith.index_cast %mul3A_203 : i32 to index
      %get3A_207 = tpu.vector_load %arg17[%get3A_205, %get3A_206] {strides = array<i32>} : memref<32x256xf32, #tpu.memory_space<vmem>>, vector<16xf32>,
      %add3A_208 = arith.addf %add3A_201, %get3A_207 : vector<16xf32>
      %mul3A_209 = arith.constant 16 : i32
      %mul3A_210 = arith.muli %scan3A_112, %mul3A_209 : i32
      %get3A_211 = arith.constant 14 : i32
      %get3A_212 = arith.index_cast %get3A_211 : i32 to index
      %get3A_213 = arith.index_cast %mul3A_210 : i32 to index
      %get3A_214 = tpu.vector_load %arg17[%get3A_212, %get3A_213] {strides = array<i32>} : memref<32x256xf32, #tpu.memory_space<vmem>>, vector<16xf32>,
      %add3A_215 = arith.addf %add3A_208, %get3A_214 : vector<16xf32>
      %mul3A_216 = arith.constant 16 : i32
      %mul3A_217 = arith.muli %scan3A_112, %mul3A_216 : i32
      %get3A_218 = arith.constant 15 : i32
      %get3A_219 = arith.index_cast %get3A_218 : i32 to index
      %get3A_220 = arith.index_cast %mul3A_217 : i32 to index
      %get3A_221 = tpu.vector_load %arg17[%get3A_219, %get3A_220] {strides = array<i32>} : memref<32x256xf32, #tpu.memory_space<vmem>>, vector<16xf32>,
      %add3A_222 = arith.addf %add3A_215, %get3A_221 : vector<16xf32>
      %mul3A_223 = arith.constant 16 : i32
      %mul3A_224 = arith.muli %scan3A_112, %mul3A_223 : i32
      %get3A_225 = arith.constant 16 : i32
      %get3A_226 = arith.index_cast %get3A_225 : i32 to index
      %get3A_227 = arith.index_cast %mul3A_224 : i32 to index
      %get3A_228 = tpu.vector_load %arg17[%get3A_226, %get3A_227] {strides = array<i32>} : memref<32x256xf32, #tpu.memory_space<vmem>>, vector<16xf32>,
      %add3A_229 = arith.addf %add3A_222, %get3A_228 : vector<16xf32>
      %mul3A_230 = arith.constant 16 : i32
      %mul3A_231 = arith.muli %scan3A_112, %mul3A_230 : i32
      %get3A_232 = arith.constant 17 : i32
      %get3A_233 = arith.index_cast %get3A_232 : i32 to index
      %get3A_234 = arith.index_cast %mul3A_231 : i32 to index
      %get3A_235 = tpu.vector_load %arg17[%get3A_233, %get3A_234] {strides = array<i32>} : memref<32x256xf32, #tpu.memory_space<vmem>>, vector<16xf32>,
      %add3A_236 = arith.addf %add3A_229, %get3A_235 : vector<16xf32>
      %mul3A_237 = arith.constant 16 : i32
      %mul3A_238 = arith.muli %scan3A_112, %mul3A_237 : i32
      %get3A_239 = arith.constant 18 : i32
      %get3A_240 = arith.index_cast %get3A_239 : i32 to index
      %get3A_241 = arith.index_cast %mul3A_238 : i32 to index
      %get3A_242 = tpu.vector_load %arg17[%get3A_240, %get3A_241] {strides = array<i32>} : memref<32x256xf32, #tpu.memory_space<vmem>>, vector<16xf32>,
      %add3A_243 = arith.addf %add3A_236, %get3A_242 : vector<16xf32>
      %mul3A_244 = arith.constant 16 : i32
      %mul3A_245 = arith.muli %scan3A_112, %mul3A_244 : i32
      %get3A_246 = arith.constant 19 : i32
      %get3A_247 = arith.index_cast %get3A_246 : i32 to index
      %get3A_248 = arith.index_cast %mul3A_245 : i32 to index
      %get3A_249 = tpu.vector_load %arg17[%get3A_247, %get3A_248] {strides = array<i32>} : memref<32x256xf32, #tpu.memory_space<vmem>>, vector<16xf32>,
      %add3A_250 = arith.addf %add3A_243, %get3A_249 : vector<16xf32>
      %mul3A_251 = arith.constant 16 : i32
      %mul3A_252 = arith.muli %scan3A_112, %mul3A_251 : i32
      %get3A_253 = arith.constant 20 : i32
      %get3A_254 = arith.index_cast %get3A_253 : i32 to index
      %get3A_255 = arith.index_cast %mul3A_252 : i32 to index
      %get3A_256 = tpu.vector_load %arg17[%get3A_254, %get3A_255] {strides = array<i32>} : memref<32x256xf32, #tpu.memory_space<vmem>>, vector<16xf32>,
      %add3A_257 = arith.addf %add3A_250, %get3A_256 : vector<16xf32>
      %mul3A_258 = arith.constant 16 : i32
      %mul3A_259 = arith.muli %scan3A_112, %mul3A_258 : i32
      %get3A_260 = arith.constant 21 : i32
      %get3A_261 = arith.index_cast %get3A_260 : i32 to index
      %get3A_262 = arith.index_cast %mul3A_259 : i32 to index
      %get3A_263 = tpu.vector_load %arg17[%get3A_261, %get3A_262] {strides = array<i32>} : memref<32x256xf32, #tpu.memory_space<vmem>>, vector<16xf32>,
      %add3A_264 = arith.addf %add3A_257, %get3A_263 : vector<16xf32>
      %mul3A_265 = arith.constant 16 : i32
      %mul3A_266 = arith.muli %scan3A_112, %mul3A_265 : i32
      %get3A_267 = arith.constant 22 : i32
      %get3A_268 = arith.index_cast %get3A_267 : i32 to index
      %get3A_269 = arith.index_cast %mul3A_266 : i32 to index
      %get3A_270 = tpu.vector_load %arg17[%get3A_268, %get3A_269] {strides = array<i32>} : memref<32x256xf32, #tpu.memory_space<vmem>>, vector<16xf32>,
      %add3A_271 = arith.addf %add3A_264, %get3A_270 : vector<16xf32>
      %mul3A_272 = arith.constant 16 : i32
      %mul3A_273 = arith.muli %scan3A_112, %mul3A_272 : i32
      %get3A_274 = arith.constant 23 : i32
      %get3A_275 = arith.index_cast %get3A_274 : i32 to index
      %get3A_276 = arith.index_cast %mul3A_273 : i32 to index
      %get3A_277 = tpu.vector_load %arg17[%get3A_275, %get3A_276] {strides = array<i32>} : memref<32x256xf32, #tpu.memory_space<vmem>>, vector<16xf32>,
      %add3A_278 = arith.addf %add3A_271, %get3A_277 : vector<16xf32>
      %mul3A_279 = arith.constant 16 : i32
      %mul3A_280 = arith.muli %scan3A_112, %mul3A_279 : i32
      %get3A_281 = arith.constant 24 : i32
      %get3A_282 = arith.index_cast %get3A_281 : i32 to index
      %get3A_283 = arith.index_cast %mul3A_280 : i32 to index
      %get3A_284 = tpu.vector_load %arg17[%get3A_282, %get3A_283] {strides = array<i32>} : memref<32x256xf32, #tpu.memory_space<vmem>>, vector<16xf32>,
      %add3A_285 = arith.addf %add3A_278, %get3A_284 : vector<16xf32>
      %mul3A_286 = arith.constant 16 : i32
      %mul3A_287 = arith.muli %scan3A_112, %mul3A_286 : i32
      %get3A_288 = arith.constant 25 : i32
      %get3A_289 = arith.index_cast %get3A_288 : i32 to index
      %get3A_290 = arith.index_cast %mul3A_287 : i32 to index
      %get3A_291 = tpu.vector_load %arg17[%get3A_289, %get3A_290] {strides = array<i32>} : memref<32x256xf32, #tpu.memory_space<vmem>>, vector<16xf32>,
      %add3A_292 = arith.addf %add3A_285, %get3A_291 : vector<16xf32>
      %mul3A_293 = arith.constant 16 : i32
      %mul3A_294 = arith.muli %scan3A_112, %mul3A_293 : i32
      %get3A_295 = arith.constant 26 : i32
      %get3A_296 = arith.index_cast %get3A_295 : i32 to index
      %get3A_297 = arith.index_cast %mul3A_294 : i32 to index
      %get3A_298 = tpu.vector_load %arg17[%get3A_296, %get3A_297] {strides = array<i32>} : memref<32x256xf32, #tpu.memory_space<vmem>>, vector<16xf32>,
      %add3A_299 = arith.addf %add3A_292, %get3A_298 : vector<16xf32>
      %mul3A_300 = arith.constant 16 : i32
      %mul3A_301 = arith.muli %scan3A_112, %mul3A_300 : i32
      %get3A_302 = arith.constant 27 : i32
      %get3A_303 = arith.index_cast %get3A_302 : i32 to index
      %get3A_304 = arith.index_cast %mul3A_301 : i32 to index
      %get3A_305 = tpu.vector_load %arg17[%get3A_303, %get3A_304] {strides = array<i32>} : memref<32x256xf32, #tpu.memory_space<vmem>>, vector<16xf32>,
      %add3A_306 = arith.addf %add3A_299, %get3A_305 : vector<16xf32>
      %mul3A_307 = arith.constant 16 : i32
      %mul3A_308 = arith.muli %scan3A_112, %mul3A_307 : i32
      %get3A_309 = arith.constant 28 : i32
      %get3A_310 = arith.index_cast %get3A_309 : i32 to index
      %get3A_311 = arith.index_cast %mul3A_308 : i32 to index
      %get3A_312 = tpu.vector_load %arg17[%get3A_310, %get3A_311] {strides = array<i32>} : memref<32x256xf32, #tpu.memory_space<vmem>>, vector<16xf32>,
      %add3A_313 = arith.addf %add3A_306, %get3A_312 : vector<16xf32>
      %mul3A_314 = arith.constant 16 : i32
      %mul3A_315 = arith.muli %scan3A_112, %mul3A_314 : i32
      %get3A_316 = arith.constant 29 : i32
      %get3A_317 = arith.index_cast %get3A_316 : i32 to index
      %get3A_318 = arith.index_cast %mul3A_315 : i32 to index
      %get3A_319 = tpu.vector_load %arg17[%get3A_317, %get3A_318] {strides = array<i32>} : memref<32x256xf32, #tpu.memory_space<vmem>>, vector<16xf32>,
      %add3A_320 = arith.addf %add3A_313, %get3A_319 : vector<16xf32>
      %mul3A_321 = arith.constant 16 : i32
      %mul3A_322 = arith.muli %scan3A_112, %mul3A_321 : i32
      %get3A_323 = arith.constant 30 : i32
      %get3A_324 = arith.index_cast %get3A_323 : i32 to index
      %get3A_325 = arith.index_cast %mul3A_322 : i32 to index
      %get3A_326 = tpu.vector_load %arg17[%get3A_324, %get3A_325] {strides = array<i32>} : memref<32x256xf32, #tpu.memory_space<vmem>>, vector<16xf32>,
      %add3A_327 = arith.addf %add3A_320, %get3A_326 : vector<16xf32>
      %mul3A_328 = arith.constant 16 : i32
      %mul3A_329 = arith.muli %scan3A_112, %mul3A_328 : i32
      %get3A_330 = arith.constant 31 : i32
      %get3A_331 = arith.index_cast %get3A_330 : i32 to index
      %get3A_332 = arith.index_cast %mul3A_329 : i32 to index
      %get3A_333 = tpu.vector_load %arg17[%get3A_331, %get3A_332] {strides = array<i32>} : memref<32x256xf32, #tpu.memory_space<vmem>>, vector<16xf32>,
      %add3A_334 = arith.addf %add3A_327, %get3A_333 : vector<16xf32>
      %mul3A_335 = arith.constant 16 : i32
      %mul3A_336 = arith.muli %scan3A_112, %mul3A_335 : i32
      %add3A_337 = arith.constant 0 : i32
      %add3A_338 = arith.addi %add3A_337, %mul3A_336 : i32
      %swap3A = arith.index_cast %add3A_338 : i32 to index
      %swap3A_339 = tpu.vector_load %arg18[%swap3A] {strides = array<i32>} : memref<1280xf32, #tpu.memory_space<vmem>>, vector<16xf32>,
      tpu.vector_store %arg18[%swap3A], %add3A_334 {strides = array<i32>} : memref<1280xf32, #tpu.memory_space<vmem>>, vector<16xf32>,
    }
    %scan3A_48 = arith.constant 16 : i32
    %add3A_49 = arith.constant 256 : i32
    %add3A_50 = arith.addi %mul3A_40, %add3A_49 : i32
    "tpu.region"() ({
      %run_scoped3A = tpu.sem_alloc : memref<!tpu.dma_semaphore, #tpu.memory_space<semaphore_mem>>
      %dma_start3A_112 = arith.constant 0 : i32
      %dma_start3A_113 = tpu.memref_slice %arg6[%dma_start3A_112, %add3A_50] : memref<32x40960xf32, #tpu.memory_space<hbm>> -> memref<32x256xf32, #tpu.memory_space<hbm>>
      %dma_start3A_114 = arith.constant 0 : i32
      %dma_start3A_115 = tpu.memref_slice %arg6[%dma_start3A_114, %add3A_50] : memref<32x40960xf32, #tpu.memory_space<hbm>> -> memref<32x256xf32, #tpu.memory_space<hbm>>
      tpu.enqueue_dma source(%dma_start3A_115 : memref<32x256xf32, #tpu.memory_space<hbm>>) target(%arg17 : memref<32x256xf32, #tpu.memory_space<vmem>>) target_semaphore(%run_scoped3A : memref<!tpu.dma_semaphore, #tpu.memory_space<semaphore_mem>>)
      %dma_wait3A_116 = arith.constant 0 : i32
      %dma_wait3A_117 = tpu.memref_slice %arg6[%dma_wait3A_116, %add3A_50] : memref<32x40960xf32, #tpu.memory_space<hbm>> -> memref<32x256xf32, #tpu.memory_space<hbm>>
      %dma_wait3A_118 = arith.constant 0 : i32
      %dma_wait3A_119 = tpu.memref_slice %arg6[%dma_wait3A_118, %add3A_50] : memref<32x40960xf32, #tpu.memory_space<hbm>> -> memref<32x256xf32, #tpu.memory_space<hbm>>
      tpu.wait_dma2 semaphore(%run_scoped3A : memref<!tpu.dma_semaphore, #tpu.memory_space<semaphore_mem>>) src(%dma_wait3A_119 : memref<32x256xf32, #tpu.memory_space<hbm>>) dst(%arg17 : memref<32x256xf32, #tpu.memory_space<vmem>>)
      tpu.yield
    }) : () -> ()
    %scan3A_51 = arith.constant 0 : i32
    %scan3A_52 = arith.constant 0 : i32
    %scan3A_53 = arith.constant 16 : i32
    %scan3A_54 = arith.addi %scan3A_52, %scan3A_53 : i32
    %scan3A_55 = arith.constant 1 : i32
    scf.for %scan3A_112 = %scan3A_52 to %scan3A_54 step %scan3A_55  : i32 {
      %mul3A_113 = arith.constant 16 : i32
      %mul3A_114 = arith.muli %scan3A_112, %mul3A_113 : i32
      %get3A = arith.constant 0 : i32
      %get3A_115 = arith.index_cast %get3A : i32 to index
      %get3A_116 = arith.index_cast %mul3A_114 : i32 to index
      %get3A_117 = tpu.vector_load %arg17[%get3A_115, %get3A_116] {strides = array<i32>} : memref<32x256xf32, #tpu.memory_space<vmem>>, vector<16xf32>,
      %mul3A_118 = arith.constant 16 : i32
      %mul3A_119 = arith.muli %scan3A_112, %mul3A_118 : i32
      %get3A_120 = arith.constant 1 : i32
      %get3A_121 = arith.index_cast %get3A_120 : i32 to index
      %get3A_122 = arith.index_cast %mul3A_119 : i32 to index
      %get3A_123 = tpu.vector_load %arg17[%get3A_121, %get3A_122] {strides = array<i32>} : memref<32x256xf32, #tpu.memory_space<vmem>>, vector<16xf32>,
      %add3A_124 = arith.addf %get3A_117, %get3A_123 : vector<16xf32>
      %mul3A_125 = arith.constant 16 : i32
      %mul3A_126 = arith.muli %scan3A_112, %mul3A_125 : i32
      %get3A_127 = arith.constant 2 : i32
      %get3A_128 = arith.index_cast %get3A_127 : i32 to index
      %get3A_129 = arith.index_cast %mul3A_126 : i32 to index
      %get3A_130 = tpu.vector_load %arg17[%get3A_128, %get3A_129] {strides = array<i32>} : memref<32x256xf32, #tpu.memory_space<vmem>>, vector<16xf32>,
      %add3A_131 = arith.addf %add3A_124, %get3A_130 : vector<16xf32>
      %mul3A_132 = arith.constant 16 : i32
      %mul3A_133 = arith.muli %scan3A_112, %mul3A_132 : i32
      %get3A_134 = arith.constant 3 : i32
      %get3A_135 = arith.index_cast %get3A_134 : i32 to index
      %get3A_136 = arith.index_cast %mul3A_133 : i32 to index
      %get3A_137 = tpu.vector_load %arg17[%get3A_135, %get3A_136] {strides = array<i32>} : memref<32x256xf32, #tpu.memory_space<vmem>>, vector<16xf32>,
      %add3A_138 = arith.addf %add3A_131, %get3A_137 : vector<16xf32>
      %mul3A_139 = arith.constant 16 : i32
      %mul3A_140 = arith.muli %scan3A_112, %mul3A_139 : i32
      %get3A_141 = arith.constant 4 : i32
      %get3A_142 = arith.index_cast %get3A_141 : i32 to index
      %get3A_143 = arith.index_cast %mul3A_140 : i32 to index
      %get3A_144 = tpu.vector_load %arg17[%get3A_142, %get3A_143] {strides = array<i32>} : memref<32x256xf32, #tpu.memory_space<vmem>>, vector<16xf32>,
      %add3A_145 = arith.addf %add3A_138, %get3A_144 : vector<16xf32>
      %mul3A_146 = arith.constant 16 : i32
      %mul3A_147 = arith.muli %scan3A_112, %mul3A_146 : i32
      %get3A_148 = arith.constant 5 : i32
      %get3A_149 = arith.index_cast %get3A_148 : i32 to index
      %get3A_150 = arith.index_cast %mul3A_147 : i32 to index
      %get3A_151 = tpu.vector_load %arg17[%get3A_149, %get3A_150] {strides = array<i32>} : memref<32x256xf32, #tpu.memory_space<vmem>>, vector<16xf32>,
      %add3A_152 = arith.addf %add3A_145, %get3A_151 : vector<16xf32>
      %mul3A_153 = arith.constant 16 : i32
      %mul3A_154 = arith.muli %scan3A_112, %mul3A_153 : i32
      %get3A_155 = arith.constant 6 : i32
      %get3A_156 = arith.index_cast %get3A_155 : i32 to index
      %get3A_157 = arith.index_cast %mul3A_154 : i32 to index
      %get3A_158 = tpu.vector_load %arg17[%get3A_156, %get3A_157] {strides = array<i32>} : memref<32x256xf32, #tpu.memory_space<vmem>>, vector<16xf32>,
      %add3A_159 = arith.addf %add3A_152, %get3A_158 : vector<16xf32>
      %mul3A_160 = arith.constant 16 : i32
      %mul3A_161 = arith.muli %scan3A_112, %mul3A_160 : i32
      %get3A_162 = arith.constant 7 : i32
      %get3A_163 = arith.index_cast %get3A_162 : i32 to index
      %get3A_164 = arith.index_cast %mul3A_161 : i32 to index
      %get3A_165 = tpu.vector_load %arg17[%get3A_163, %get3A_164] {strides = array<i32>} : memref<32x256xf32, #tpu.memory_space<vmem>>, vector<16xf32>,
      %add3A_166 = arith.addf %add3A_159, %get3A_165 : vector<16xf32>
      %mul3A_167 = arith.constant 16 : i32
      %mul3A_168 = arith.muli %scan3A_112, %mul3A_167 : i32
      %get3A_169 = arith.constant 8 : i32
      %get3A_170 = arith.index_cast %get3A_169 : i32 to index
      %get3A_171 = arith.index_cast %mul3A_168 : i32 to index
      %get3A_172 = tpu.vector_load %arg17[%get3A_170, %get3A_171] {strides = array<i32>} : memref<32x256xf32, #tpu.memory_space<vmem>>, vector<16xf32>,
      %add3A_173 = arith.addf %add3A_166, %get3A_172 : vector<16xf32>
      %mul3A_174 = arith.constant 16 : i32
      %mul3A_175 = arith.muli %scan3A_112, %mul3A_174 : i32
      %get3A_176 = arith.constant 9 : i32
      %get3A_177 = arith.index_cast %get3A_176 : i32 to index
      %get3A_178 = arith.index_cast %mul3A_175 : i32 to index
      %get3A_179 = tpu.vector_load %arg17[%get3A_177, %get3A_178] {strides = array<i32>} : memref<32x256xf32, #tpu.memory_space<vmem>>, vector<16xf32>,
      %add3A_180 = arith.addf %add3A_173, %get3A_179 : vector<16xf32>
      %mul3A_181 = arith.constant 16 : i32
      %mul3A_182 = arith.muli %scan3A_112, %mul3A_181 : i32
      %get3A_183 = arith.constant 10 : i32
      %get3A_184 = arith.index_cast %get3A_183 : i32 to index
      %get3A_185 = arith.index_cast %mul3A_182 : i32 to index
      %get3A_186 = tpu.vector_load %arg17[%get3A_184, %get3A_185] {strides = array<i32>} : memref<32x256xf32, #tpu.memory_space<vmem>>, vector<16xf32>,
      %add3A_187 = arith.addf %add3A_180, %get3A_186 : vector<16xf32>
      %mul3A_188 = arith.constant 16 : i32
      %mul3A_189 = arith.muli %scan3A_112, %mul3A_188 : i32
      %get3A_190 = arith.constant 11 : i32
      %get3A_191 = arith.index_cast %get3A_190 : i32 to index
      %get3A_192 = arith.index_cast %mul3A_189 : i32 to index
      %get3A_193 = tpu.vector_load %arg17[%get3A_191, %get3A_192] {strides = array<i32>} : memref<32x256xf32, #tpu.memory_space<vmem>>, vector<16xf32>,
      %add3A_194 = arith.addf %add3A_187, %get3A_193 : vector<16xf32>
      %mul3A_195 = arith.constant 16 : i32
      %mul3A_196 = arith.muli %scan3A_112, %mul3A_195 : i32
      %get3A_197 = arith.constant 12 : i32
      %get3A_198 = arith.index_cast %get3A_197 : i32 to index
      %get3A_199 = arith.index_cast %mul3A_196 : i32 to index
      %get3A_200 = tpu.vector_load %arg17[%get3A_198, %get3A_199] {strides = array<i32>} : memref<32x256xf32, #tpu.memory_space<vmem>>, vector<16xf32>,
      %add3A_201 = arith.addf %add3A_194, %get3A_200 : vector<16xf32>
      %mul3A_202 = arith.constant 16 : i32
      %mul3A_203 = arith.muli %scan3A_112, %mul3A_202 : i32
      %get3A_204 = arith.constant 13 : i32
      %get3A_205 = arith.index_cast %get3A_204 : i32 to index
      %get3A_206 = arith.index_cast %mul3A_203 : i32 to index
      %get3A_207 = tpu.vector_load %arg17[%get3A_205, %get3A_206] {strides = array<i32>} : memref<32x256xf32, #tpu.memory_space<vmem>>, vector<16xf32>,
      %add3A_208 = arith.addf %add3A_201, %get3A_207 : vector<16xf32>
      %mul3A_209 = arith.constant 16 : i32
      %mul3A_210 = arith.muli %scan3A_112, %mul3A_209 : i32
      %get3A_211 = arith.constant 14 : i32
      %get3A_212 = arith.index_cast %get3A_211 : i32 to index
      %get3A_213 = arith.index_cast %mul3A_210 : i32 to index
      %get3A_214 = tpu.vector_load %arg17[%get3A_212, %get3A_213] {strides = array<i32>} : memref<32x256xf32, #tpu.memory_space<vmem>>, vector<16xf32>,
      %add3A_215 = arith.addf %add3A_208, %get3A_214 : vector<16xf32>
      %mul3A_216 = arith.constant 16 : i32
      %mul3A_217 = arith.muli %scan3A_112, %mul3A_216 : i32
      %get3A_218 = arith.constant 15 : i32
      %get3A_219 = arith.index_cast %get3A_218 : i32 to index
      %get3A_220 = arith.index_cast %mul3A_217 : i32 to index
      %get3A_221 = tpu.vector_load %arg17[%get3A_219, %get3A_220] {strides = array<i32>} : memref<32x256xf32, #tpu.memory_space<vmem>>, vector<16xf32>,
      %add3A_222 = arith.addf %add3A_215, %get3A_221 : vector<16xf32>
      %mul3A_223 = arith.constant 16 : i32
      %mul3A_224 = arith.muli %scan3A_112, %mul3A_223 : i32
      %get3A_225 = arith.constant 16 : i32
      %get3A_226 = arith.index_cast %get3A_225 : i32 to index
      %get3A_227 = arith.index_cast %mul3A_224 : i32 to index
      %get3A_228 = tpu.vector_load %arg17[%get3A_226, %get3A_227] {strides = array<i32>} : memref<32x256xf32, #tpu.memory_space<vmem>>, vector<16xf32>,
      %add3A_229 = arith.addf %add3A_222, %get3A_228 : vector<16xf32>
      %mul3A_230 = arith.constant 16 : i32
      %mul3A_231 = arith.muli %scan3A_112, %mul3A_230 : i32
      %get3A_232 = arith.constant 17 : i32
      %get3A_233 = arith.index_cast %get3A_232 : i32 to index
      %get3A_234 = arith.index_cast %mul3A_231 : i32 to index
      %get3A_235 = tpu.vector_load %arg17[%get3A_233, %get3A_234] {strides = array<i32>} : memref<32x256xf32, #tpu.memory_space<vmem>>, vector<16xf32>,
      %add3A_236 = arith.addf %add3A_229, %get3A_235 : vector<16xf32>
      %mul3A_237 = arith.constant 16 : i32
      %mul3A_238 = arith.muli %scan3A_112, %mul3A_237 : i32
      %get3A_239 = arith.constant 18 : i32
      %get3A_240 = arith.index_cast %get3A_239 : i32 to index
      %get3A_241 = arith.index_cast %mul3A_238 : i32 to index
      %get3A_242 = tpu.vector_load %arg17[%get3A_240, %get3A_241] {strides = array<i32>} : memref<32x256xf32, #tpu.memory_space<vmem>>, vector<16xf32>,
      %add3A_243 = arith.addf %add3A_236, %get3A_242 : vector<16xf32>
      %mul3A_244 = arith.constant 16 : i32
      %mul3A_245 = arith.muli %scan3A_112, %mul3A_244 : i32
      %get3A_246 = arith.constant 19 : i32
      %get3A_247 = arith.index_cast %get3A_246 : i32 to index
      %get3A_248 = arith.index_cast %mul3A_245 : i32 to index
      %get3A_249 = tpu.vector_load %arg17[%get3A_247, %get3A_248] {strides = array<i32>} : memref<32x256xf32, #tpu.memory_space<vmem>>, vector<16xf32>,
      %add3A_250 = arith.addf %add3A_243, %get3A_249 : vector<16xf32>
      %mul3A_251 = arith.constant 16 : i32
      %mul3A_252 = arith.muli %scan3A_112, %mul3A_251 : i32
      %get3A_253 = arith.constant 20 : i32
      %get3A_254 = arith.index_cast %get3A_253 : i32 to index
      %get3A_255 = arith.index_cast %mul3A_252 : i32 to index
      %get3A_256 = tpu.vector_load %arg17[%get3A_254, %get3A_255] {strides = array<i32>} : memref<32x256xf32, #tpu.memory_space<vmem>>, vector<16xf32>,
      %add3A_257 = arith.addf %add3A_250, %get3A_256 : vector<16xf32>
      %mul3A_258 = arith.constant 16 : i32
      %mul3A_259 = arith.muli %scan3A_112, %mul3A_258 : i32
      %get3A_260 = arith.constant 21 : i32
      %get3A_261 = arith.index_cast %get3A_260 : i32 to index
      %get3A_262 = arith.index_cast %mul3A_259 : i32 to index
      %get3A_263 = tpu.vector_load %arg17[%get3A_261, %get3A_262] {strides = array<i32>} : memref<32x256xf32, #tpu.memory_space<vmem>>, vector<16xf32>,
      %add3A_264 = arith.addf %add3A_257, %get3A_263 : vector<16xf32>
      %mul3A_265 = arith.constant 16 : i32
      %mul3A_266 = arith.muli %scan3A_112, %mul3A_265 : i32
      %get3A_267 = arith.constant 22 : i32
      %get3A_268 = arith.index_cast %get3A_267 : i32 to index
      %get3A_269 = arith.index_cast %mul3A_266 : i32 to index
      %get3A_270 = tpu.vector_load %arg17[%get3A_268, %get3A_269] {strides = array<i32>} : memref<32x256xf32, #tpu.memory_space<vmem>>, vector<16xf32>,
      %add3A_271 = arith.addf %add3A_264, %get3A_270 : vector<16xf32>
      %mul3A_272 = arith.constant 16 : i32
      %mul3A_273 = arith.muli %scan3A_112, %mul3A_272 : i32
      %get3A_274 = arith.constant 23 : i32
      %get3A_275 = arith.index_cast %get3A_274 : i32 to index
      %get3A_276 = arith.index_cast %mul3A_273 : i32 to index
      %get3A_277 = tpu.vector_load %arg17[%get3A_275, %get3A_276] {strides = array<i32>} : memref<32x256xf32, #tpu.memory_space<vmem>>, vector<16xf32>,
      %add3A_278 = arith.addf %add3A_271, %get3A_277 : vector<16xf32>
      %mul3A_279 = arith.constant 16 : i32
      %mul3A_280 = arith.muli %scan3A_112, %mul3A_279 : i32
      %get3A_281 = arith.constant 24 : i32
      %get3A_282 = arith.index_cast %get3A_281 : i32 to index
      %get3A_283 = arith.index_cast %mul3A_280 : i32 to index
      %get3A_284 = tpu.vector_load %arg17[%get3A_282, %get3A_283] {strides = array<i32>} : memref<32x256xf32, #tpu.memory_space<vmem>>, vector<16xf32>,
      %add3A_285 = arith.addf %add3A_278, %get3A_284 : vector<16xf32>
      %mul3A_286 = arith.constant 16 : i32
      %mul3A_287 = arith.muli %scan3A_112, %mul3A_286 : i32
      %get3A_288 = arith.constant 25 : i32
      %get3A_289 = arith.index_cast %get3A_288 : i32 to index
      %get3A_290 = arith.index_cast %mul3A_287 : i32 to index
      %get3A_291 = tpu.vector_load %arg17[%get3A_289, %get3A_290] {strides = array<i32>} : memref<32x256xf32, #tpu.memory_space<vmem>>, vector<16xf32>,
      %add3A_292 = arith.addf %add3A_285, %get3A_291 : vector<16xf32>
      %mul3A_293 = arith.constant 16 : i32
      %mul3A_294 = arith.muli %scan3A_112, %mul3A_293 : i32
      %get3A_295 = arith.constant 26 : i32
      %get3A_296 = arith.index_cast %get3A_295 : i32 to index
      %get3A_297 = arith.index_cast %mul3A_294 : i32 to index
      %get3A_298 = tpu.vector_load %arg17[%get3A_296, %get3A_297] {strides = array<i32>} : memref<32x256xf32, #tpu.memory_space<vmem>>, vector<16xf32>,
      %add3A_299 = arith.addf %add3A_292, %get3A_298 : vector<16xf32>
      %mul3A_300 = arith.constant 16 : i32
      %mul3A_301 = arith.muli %scan3A_112, %mul3A_300 : i32
      %get3A_302 = arith.constant 27 : i32
      %get3A_303 = arith.index_cast %get3A_302 : i32 to index
      %get3A_304 = arith.index_cast %mul3A_301 : i32 to index
      %get3A_305 = tpu.vector_load %arg17[%get3A_303, %get3A_304] {strides = array<i32>} : memref<32x256xf32, #tpu.memory_space<vmem>>, vector<16xf32>,
      %add3A_306 = arith.addf %add3A_299, %get3A_305 : vector<16xf32>
      %mul3A_307 = arith.constant 16 : i32
      %mul3A_308 = arith.muli %scan3A_112, %mul3A_307 : i32
      %get3A_309 = arith.constant 28 : i32
      %get3A_310 = arith.index_cast %get3A_309 : i32 to index
      %get3A_311 = arith.index_cast %mul3A_308 : i32 to index
      %get3A_312 = tpu.vector_load %arg17[%get3A_310, %get3A_311] {strides = array<i32>} : memref<32x256xf32, #tpu.memory_space<vmem>>, vector<16xf32>,
      %add3A_313 = arith.addf %add3A_306, %get3A_312 : vector<16xf32>
      %mul3A_314 = arith.constant 16 : i32
      %mul3A_315 = arith.muli %scan3A_112, %mul3A_314 : i32
      %get3A_316 = arith.constant 29 : i32
      %get3A_317 = arith.index_cast %get3A_316 : i32 to index
      %get3A_318 = arith.index_cast %mul3A_315 : i32 to index
      %get3A_319 = tpu.vector_load %arg17[%get3A_317, %get3A_318] {strides = array<i32>} : memref<32x256xf32, #tpu.memory_space<vmem>>, vector<16xf32>,
      %add3A_320 = arith.addf %add3A_313, %get3A_319 : vector<16xf32>
      %mul3A_321 = arith.constant 16 : i32
      %mul3A_322 = arith.muli %scan3A_112, %mul3A_321 : i32
      %get3A_323 = arith.constant 30 : i32
      %get3A_324 = arith.index_cast %get3A_323 : i32 to index
      %get3A_325 = arith.index_cast %mul3A_322 : i32 to index
      %get3A_326 = tpu.vector_load %arg17[%get3A_324, %get3A_325] {strides = array<i32>} : memref<32x256xf32, #tpu.memory_space<vmem>>, vector<16xf32>,
      %add3A_327 = arith.addf %add3A_320, %get3A_326 : vector<16xf32>
      %mul3A_328 = arith.constant 16 : i32
      %mul3A_329 = arith.muli %scan3A_112, %mul3A_328 : i32
      %get3A_330 = arith.constant 31 : i32
      %get3A_331 = arith.index_cast %get3A_330 : i32 to index
      %get3A_332 = arith.index_cast %mul3A_329 : i32 to index
      %get3A_333 = tpu.vector_load %arg17[%get3A_331, %get3A_332] {strides = array<i32>} : memref<32x256xf32, #tpu.memory_space<vmem>>, vector<16xf32>,
      %add3A_334 = arith.addf %add3A_327, %get3A_333 : vector<16xf32>
      %mul3A_335 = arith.constant 16 : i32
      %mul3A_336 = arith.muli %scan3A_112, %mul3A_335 : i32
      %add3A_337 = arith.constant 256 : i32
      %add3A_338 = arith.addi %add3A_337, %mul3A_336 : i32
      %swap3A = arith.index_cast %add3A_338 : i32 to index
      %swap3A_339 = tpu.vector_load %arg18[%swap3A] {strides = array<i32>} : memref<1280xf32, #tpu.memory_space<vmem>>, vector<16xf32>,
      tpu.vector_store %arg18[%swap3A], %add3A_334 {strides = array<i32>} : memref<1280xf32, #tpu.memory_space<vmem>>, vector<16xf32>,
    }
    %scan3A_56 = arith.constant 16 : i32
    %add3A_57 = arith.constant 512 : i32
    %add3A_58 = arith.addi %mul3A_40, %add3A_57 : i32
    "tpu.region"() ({
      %run_scoped3A = tpu.sem_alloc : memref<!tpu.dma_semaphore, #tpu.memory_space<semaphore_mem>>
      %dma_start3A_112 = arith.constant 0 : i32
      %dma_start3A_113 = tpu.memref_slice %arg6[%dma_start3A_112, %add3A_58] : memref<32x40960xf32, #tpu.memory_space<hbm>> -> memref<32x256xf32, #tpu.memory_space<hbm>>
      %dma_start3A_114 = arith.constant 0 : i32
      %dma_start3A_115 = tpu.memref_slice %arg6[%dma_start3A_114, %add3A_58] : memref<32x40960xf32, #tpu.memory_space<hbm>> -> memref<32x256xf32, #tpu.memory_space<hbm>>
      tpu.enqueue_dma source(%dma_start3A_115 : memref<32x256xf32, #tpu.memory_space<hbm>>) target(%arg17 : memref<32x256xf32, #tpu.memory_space<vmem>>) target_semaphore(%run_scoped3A : memref<!tpu.dma_semaphore, #tpu.memory_space<semaphore_mem>>)
      %dma_wait3A_116 = arith.constant 0 : i32
      %dma_wait3A_117 = tpu.memref_slice %arg6[%dma_wait3A_116, %add3A_58] : memref<32x40960xf32, #tpu.memory_space<hbm>> -> memref<32x256xf32, #tpu.memory_space<hbm>>
      %dma_wait3A_118 = arith.constant 0 : i32
      %dma_wait3A_119 = tpu.memref_slice %arg6[%dma_wait3A_118, %add3A_58] : memref<32x40960xf32, #tpu.memory_space<hbm>> -> memref<32x256xf32, #tpu.memory_space<hbm>>
      tpu.wait_dma2 semaphore(%run_scoped3A : memref<!tpu.dma_semaphore, #tpu.memory_space<semaphore_mem>>) src(%dma_wait3A_119 : memref<32x256xf32, #tpu.memory_space<hbm>>) dst(%arg17 : memref<32x256xf32, #tpu.memory_space<vmem>>)
      tpu.yield
    }) : () -> ()
    %scan3A_59 = arith.constant 0 : i32
    %scan3A_60 = arith.constant 0 : i32
    %scan3A_61 = arith.constant 16 : i32
    %scan3A_62 = arith.addi %scan3A_60, %scan3A_61 : i32
    %scan3A_63 = arith.constant 1 : i32
    scf.for %scan3A_112 = %scan3A_60 to %scan3A_62 step %scan3A_63  : i32 {
      %mul3A_113 = arith.constant 16 : i32
      %mul3A_114 = arith.muli %scan3A_112, %mul3A_113 : i32
      %get3A = arith.constant 0 : i32
      %get3A_115 = arith.index_cast %get3A : i32 to index
      %get3A_116 = arith.index_cast %mul3A_114 : i32 to index
      %get3A_117 = tpu.vector_load %arg17[%get3A_115, %get3A_116] {strides = array<i32>} : memref<32x256xf32, #tpu.memory_space<vmem>>, vector<16xf32>,
      %mul3A_118 = arith.constant 16 : i32
      %mul3A_119 = arith.muli %scan3A_112, %mul3A_118 : i32
      %get3A_120 = arith.constant 1 : i32
      %get3A_121 = arith.index_cast %get3A_120 : i32 to index
      %get3A_122 = arith.index_cast %mul3A_119 : i32 to index
      %get3A_123 = tpu.vector_load %arg17[%get3A_121, %get3A_122] {strides = array<i32>} : memref<32x256xf32, #tpu.memory_space<vmem>>, vector<16xf32>,
      %add3A_124 = arith.addf %get3A_117, %get3A_123 : vector<16xf32>
      %mul3A_125 = arith.constant 16 : i32
      %mul3A_126 = arith.muli %scan3A_112, %mul3A_125 : i32
      %get3A_127 = arith.constant 2 : i32
      %get3A_128 = arith.index_cast %get3A_127 : i32 to index
      %get3A_129 = arith.index_cast %mul3A_126 : i32 to index
      %get3A_130 = tpu.vector_load %arg17[%get3A_128, %get3A_129] {strides = array<i32>} : memref<32x256xf32, #tpu.memory_space<vmem>>, vector<16xf32>,
      %add3A_131 = arith.addf %add3A_124, %get3A_130 : vector<16xf32>
      %mul3A_132 = arith.constant 16 : i32
      %mul3A_133 = arith.muli %scan3A_112, %mul3A_132 : i32
      %get3A_134 = arith.constant 3 : i32
      %get3A_135 = arith.index_cast %get3A_134 : i32 to index
      %get3A_136 = arith.index_cast %mul3A_133 : i32 to index
      %get3A_137 = tpu.vector_load %arg17[%get3A_135, %get3A_136] {strides = array<i32>} : memref<32x256xf32, #tpu.memory_space<vmem>>, vector<16xf32>,
      %add3A_138 = arith.addf %add3A_131, %get3A_137 : vector<16xf32>
      %mul3A_139 = arith.constant 16 : i32
      %mul3A_140 = arith.muli %scan3A_112, %mul3A_139 : i32
      %get3A_141 = arith.constant 4 : i32
      %get3A_142 = arith.index_cast %get3A_141 : i32 to index
      %get3A_143 = arith.index_cast %mul3A_140 : i32 to index
      %get3A_144 = tpu.vector_load %arg17[%get3A_142, %get3A_143] {strides = array<i32>} : memref<32x256xf32, #tpu.memory_space<vmem>>, vector<16xf32>,
      %add3A_145 = arith.addf %add3A_138, %get3A_144 : vector<16xf32>
      %mul3A_146 = arith.constant 16 : i32
      %mul3A_147 = arith.muli %scan3A_112, %mul3A_146 : i32
      %get3A_148 = arith.constant 5 : i32
      %get3A_149 = arith.index_cast %get3A_148 : i32 to index
      %get3A_150 = arith.index_cast %mul3A_147 : i32 to index
      %get3A_151 = tpu.vector_load %arg17[%get3A_149, %get3A_150] {strides = array<i32>} : memref<32x256xf32, #tpu.memory_space<vmem>>, vector<16xf32>,
      %add3A_152 = arith.addf %add3A_145, %get3A_151 : vector<16xf32>
      %mul3A_153 = arith.constant 16 : i32
      %mul3A_154 = arith.muli %scan3A_112, %mul3A_153 : i32
      %get3A_155 = arith.constant 6 : i32
      %get3A_156 = arith.index_cast %get3A_155 : i32 to index
      %get3A_157 = arith.index_cast %mul3A_154 : i32 to index
      %get3A_158 = tpu.vector_load %arg17[%get3A_156, %get3A_157] {strides = array<i32>} : memref<32x256xf32, #tpu.memory_space<vmem>>, vector<16xf32>,
      %add3A_159 = arith.addf %add3A_152, %get3A_158 : vector<16xf32>
      %mul3A_160 = arith.constant 16 : i32
      %mul3A_161 = arith.muli %scan3A_112, %mul3A_160 : i32
      %get3A_162 = arith.constant 7 : i32
      %get3A_163 = arith.index_cast %get3A_162 : i32 to index
      %get3A_164 = arith.index_cast %mul3A_161 : i32 to index
      %get3A_165 = tpu.vector_load %arg17[%get3A_163, %get3A_164] {strides = array<i32>} : memref<32x256xf32, #tpu.memory_space<vmem>>, vector<16xf32>,
      %add3A_166 = arith.addf %add3A_159, %get3A_165 : vector<16xf32>
      %mul3A_167 = arith.constant 16 : i32
      %mul3A_168 = arith.muli %scan3A_112, %mul3A_167 : i32
      %get3A_169 = arith.constant 8 : i32
      %get3A_170 = arith.index_cast %get3A_169 : i32 to index
      %get3A_171 = arith.index_cast %mul3A_168 : i32 to index
      %get3A_172 = tpu.vector_load %arg17[%get3A_170, %get3A_171] {strides = array<i32>} : memref<32x256xf32, #tpu.memory_space<vmem>>, vector<16xf32>,
      %add3A_173 = arith.addf %add3A_166, %get3A_172 : vector<16xf32>
      %mul3A_174 = arith.constant 16 : i32
      %mul3A_175 = arith.muli %scan3A_112, %mul3A_174 : i32
      %get3A_176 = arith.constant 9 : i32
      %get3A_177 = arith.index_cast %get3A_176 : i32 to index
      %get3A_178 = arith.index_cast %mul3A_175 : i32 to index
      %get3A_179 = tpu.vector_load %arg17[%get3A_177, %get3A_178] {strides = array<i32>} : memref<32x256xf32, #tpu.memory_space<vmem>>, vector<16xf32>,
      %add3A_180 = arith.addf %add3A_173, %get3A_179 : vector<16xf32>
      %mul3A_181 = arith.constant 16 : i32
      %mul3A_182 = arith.muli %scan3A_112, %mul3A_181 : i32
      %get3A_183 = arith.constant 10 : i32
      %get3A_184 = arith.index_cast %get3A_183 : i32 to index
      %get3A_185 = arith.index_cast %mul3A_182 : i32 to index
      %get3A_186 = tpu.vector_load %arg17[%get3A_184, %get3A_185] {strides = array<i32>} : memref<32x256xf32, #tpu.memory_space<vmem>>, vector<16xf32>,
      %add3A_187 = arith.addf %add3A_180, %get3A_186 : vector<16xf32>
      %mul3A_188 = arith.constant 16 : i32
      %mul3A_189 = arith.muli %scan3A_112, %mul3A_188 : i32
      %get3A_190 = arith.constant 11 : i32
      %get3A_191 = arith.index_cast %get3A_190 : i32 to index
      %get3A_192 = arith.index_cast %mul3A_189 : i32 to index
      %get3A_193 = tpu.vector_load %arg17[%get3A_191, %get3A_192] {strides = array<i32>} : memref<32x256xf32, #tpu.memory_space<vmem>>, vector<16xf32>,
      %add3A_194 = arith.addf %add3A_187, %get3A_193 : vector<16xf32>
      %mul3A_195 = arith.constant 16 : i32
      %mul3A_196 = arith.muli %scan3A_112, %mul3A_195 : i32
      %get3A_197 = arith.constant 12 : i32
      %get3A_198 = arith.index_cast %get3A_197 : i32 to index
      %get3A_199 = arith.index_cast %mul3A_196 : i32 to index
      %get3A_200 = tpu.vector_load %arg17[%get3A_198, %get3A_199] {strides = array<i32>} : memref<32x256xf32, #tpu.memory_space<vmem>>, vector<16xf32>,
      %add3A_201 = arith.addf %add3A_194, %get3A_200 : vector<16xf32>
      %mul3A_202 = arith.constant 16 : i32
      %mul3A_203 = arith.muli %scan3A_112, %mul3A_202 : i32
      %get3A_204 = arith.constant 13 : i32
      %get3A_205 = arith.index_cast %get3A_204 : i32 to index
      %get3A_206 = arith.index_cast %mul3A_203 : i32 to index
      %get3A_207 = tpu.vector_load %arg17[%get3A_205, %get3A_206] {strides = array<i32>} : memref<32x256xf32, #tpu.memory_space<vmem>>, vector<16xf32>,
      %add3A_208 = arith.addf %add3A_201, %get3A_207 : vector<16xf32>
      %mul3A_209 = arith.constant 16 : i32
      %mul3A_210 = arith.muli %scan3A_112, %mul3A_209 : i32
      %get3A_211 = arith.constant 14 : i32
      %get3A_212 = arith.index_cast %get3A_211 : i32 to index
      %get3A_213 = arith.index_cast %mul3A_210 : i32 to index
      %get3A_214 = tpu.vector_load %arg17[%get3A_212, %get3A_213] {strides = array<i32>} : memref<32x256xf32, #tpu.memory_space<vmem>>, vector<16xf32>,
      %add3A_215 = arith.addf %add3A_208, %get3A_214 : vector<16xf32>
      %mul3A_216 = arith.constant 16 : i32
      %mul3A_217 = arith.muli %scan3A_112, %mul3A_216 : i32
      %get3A_218 = arith.constant 15 : i32
      %get3A_219 = arith.index_cast %get3A_218 : i32 to index
      %get3A_220 = arith.index_cast %mul3A_217 : i32 to index
      %get3A_221 = tpu.vector_load %arg17[%get3A_219, %get3A_220] {strides = array<i32>} : memref<32x256xf32, #tpu.memory_space<vmem>>, vector<16xf32>,
      %add3A_222 = arith.addf %add3A_215, %get3A_221 : vector<16xf32>
      %mul3A_223 = arith.constant 16 : i32
      %mul3A_224 = arith.muli %scan3A_112, %mul3A_223 : i32
      %get3A_225 = arith.constant 16 : i32
      %get3A_226 = arith.index_cast %get3A_225 : i32 to index
      %get3A_227 = arith.index_cast %mul3A_224 : i32 to index
      %get3A_228 = tpu.vector_load %arg17[%get3A_226, %get3A_227] {strides = array<i32>} : memref<32x256xf32, #tpu.memory_space<vmem>>, vector<16xf32>,
      %add3A_229 = arith.addf %add3A_222, %get3A_228 : vector<16xf32>
      %mul3A_230 = arith.constant 16 : i32
      %mul3A_231 = arith.muli %scan3A_112, %mul3A_230 : i32
      %get3A_232 = arith.constant 17 : i32
      %get3A_233 = arith.index_cast %get3A_232 : i32 to index
      %get3A_234 = arith.index_cast %mul3A_231 : i32 to index
      %get3A_235 = tpu.vector_load %arg17[%get3A_233, %get3A_234] {strides = array<i32>} : memref<32x256xf32, #tpu.memory_space<vmem>>, vector<16xf32>,
      %add3A_236 = arith.addf %add3A_229, %get3A_235 : vector<16xf32>
      %mul3A_237 = arith.constant 16 : i32
      %mul3A_238 = arith.muli %scan3A_112, %mul3A_237 : i32
      %get3A_239 = arith.constant 18 : i32
      %get3A_240 = arith.index_cast %get3A_239 : i32 to index
      %get3A_241 = arith.index_cast %mul3A_238 : i32 to index
      %get3A_242 = tpu.vector_load %arg17[%get3A_240, %get3A_241] {strides = array<i32>} : memref<32x256xf32, #tpu.memory_space<vmem>>, vector<16xf32>,
      %add3A_243 = arith.addf %add3A_236, %get3A_242 : vector<16xf32>
      %mul3A_244 = arith.constant 16 : i32
      %mul3A_245 = arith.muli %scan3A_112, %mul3A_244 : i32
      %get3A_246 = arith.constant 19 : i32
      %get3A_247 = arith.index_cast %get3A_246 : i32 to index
      %get3A_248 = arith.index_cast %mul3A_245 : i32 to index
      %get3A_249 = tpu.vector_load %arg17[%get3A_247, %get3A_248] {strides = array<i32>} : memref<32x256xf32, #tpu.memory_space<vmem>>, vector<16xf32>,
      %add3A_250 = arith.addf %add3A_243, %get3A_249 : vector<16xf32>
      %mul3A_251 = arith.constant 16 : i32
      %mul3A_252 = arith.muli %scan3A_112, %mul3A_251 : i32
      %get3A_253 = arith.constant 20 : i32
      %get3A_254 = arith.index_cast %get3A_253 : i32 to index
      %get3A_255 = arith.index_cast %mul3A_252 : i32 to index
      %get3A_256 = tpu.vector_load %arg17[%get3A_254, %get3A_255] {strides = array<i32>} : memref<32x256xf32, #tpu.memory_space<vmem>>, vector<16xf32>,
      %add3A_257 = arith.addf %add3A_250, %get3A_256 : vector<16xf32>
      %mul3A_258 = arith.constant 16 : i32
      %mul3A_259 = arith.muli %scan3A_112, %mul3A_258 : i32
      %get3A_260 = arith.constant 21 : i32
      %get3A_261 = arith.index_cast %get3A_260 : i32 to index
      %get3A_262 = arith.index_cast %mul3A_259 : i32 to index
      %get3A_263 = tpu.vector_load %arg17[%get3A_261, %get3A_262] {strides = array<i32>} : memref<32x256xf32, #tpu.memory_space<vmem>>, vector<16xf32>,
      %add3A_264 = arith.addf %add3A_257, %get3A_263 : vector<16xf32>
      %mul3A_265 = arith.constant 16 : i32
      %mul3A_266 = arith.muli %scan3A_112, %mul3A_265 : i32
      %get3A_267 = arith.constant 22 : i32
      %get3A_268 = arith.index_cast %get3A_267 : i32 to index
      %get3A_269 = arith.index_cast %mul3A_266 : i32 to index
      %get3A_270 = tpu.vector_load %arg17[%get3A_268, %get3A_269] {strides = array<i32>} : memref<32x256xf32, #tpu.memory_space<vmem>>, vector<16xf32>,
      %add3A_271 = arith.addf %add3A_264, %get3A_270 : vector<16xf32>
      %mul3A_272 = arith.constant 16 : i32
      %mul3A_273 = arith.muli %scan3A_112, %mul3A_272 : i32
      %get3A_274 = arith.constant 23 : i32
      %get3A_275 = arith.index_cast %get3A_274 : i32 to index
      %get3A_276 = arith.index_cast %mul3A_273 : i32 to index
      %get3A_277 = tpu.vector_load %arg17[%get3A_275, %get3A_276] {strides = array<i32>} : memref<32x256xf32, #tpu.memory_space<vmem>>, vector<16xf32>,
      %add3A_278 = arith.addf %add3A_271, %get3A_277 : vector<16xf32>
      %mul3A_279 = arith.constant 16 : i32
      %mul3A_280 = arith.muli %scan3A_112, %mul3A_279 : i32
      %get3A_281 = arith.constant 24 : i32
      %get3A_282 = arith.index_cast %get3A_281 : i32 to index
      %get3A_283 = arith.index_cast %mul3A_280 : i32 to index
      %get3A_284 = tpu.vector_load %arg17[%get3A_282, %get3A_283] {strides = array<i32>} : memref<32x256xf32, #tpu.memory_space<vmem>>, vector<16xf32>,
      %add3A_285 = arith.addf %add3A_278, %get3A_284 : vector<16xf32>
      %mul3A_286 = arith.constant 16 : i32
      %mul3A_287 = arith.muli %scan3A_112, %mul3A_286 : i32
      %get3A_288 = arith.constant 25 : i32
      %get3A_289 = arith.index_cast %get3A_288 : i32 to index
      %get3A_290 = arith.index_cast %mul3A_287 : i32 to index
      %get3A_291 = tpu.vector_load %arg17[%get3A_289, %get3A_290] {strides = array<i32>} : memref<32x256xf32, #tpu.memory_space<vmem>>, vector<16xf32>,
      %add3A_292 = arith.addf %add3A_285, %get3A_291 : vector<16xf32>
      %mul3A_293 = arith.constant 16 : i32
      %mul3A_294 = arith.muli %scan3A_112, %mul3A_293 : i32
      %get3A_295 = arith.constant 26 : i32
      %get3A_296 = arith.index_cast %get3A_295 : i32 to index
      %get3A_297 = arith.index_cast %mul3A_294 : i32 to index
      %get3A_298 = tpu.vector_load %arg17[%get3A_296, %get3A_297] {strides = array<i32>} : memref<32x256xf32, #tpu.memory_space<vmem>>, vector<16xf32>,
      %add3A_299 = arith.addf %add3A_292, %get3A_298 : vector<16xf32>
      %mul3A_300 = arith.constant 16 : i32
      %mul3A_301 = arith.muli %scan3A_112, %mul3A_300 : i32
      %get3A_302 = arith.constant 27 : i32
      %get3A_303 = arith.index_cast %get3A_302 : i32 to index
      %get3A_304 = arith.index_cast %mul3A_301 : i32 to index
      %get3A_305 = tpu.vector_load %arg17[%get3A_303, %get3A_304] {strides = array<i32>} : memref<32x256xf32, #tpu.memory_space<vmem>>, vector<16xf32>,
      %add3A_306 = arith.addf %add3A_299, %get3A_305 : vector<16xf32>
      %mul3A_307 = arith.constant 16 : i32
      %mul3A_308 = arith.muli %scan3A_112, %mul3A_307 : i32
      %get3A_309 = arith.constant 28 : i32
      %get3A_310 = arith.index_cast %get3A_309 : i32 to index
      %get3A_311 = arith.index_cast %mul3A_308 : i32 to index
      %get3A_312 = tpu.vector_load %arg17[%get3A_310, %get3A_311] {strides = array<i32>} : memref<32x256xf32, #tpu.memory_space<vmem>>, vector<16xf32>,
      %add3A_313 = arith.addf %add3A_306, %get3A_312 : vector<16xf32>
      %mul3A_314 = arith.constant 16 : i32
      %mul3A_315 = arith.muli %scan3A_112, %mul3A_314 : i32
      %get3A_316 = arith.constant 29 : i32
      %get3A_317 = arith.index_cast %get3A_316 : i32 to index
      %get3A_318 = arith.index_cast %mul3A_315 : i32 to index
      %get3A_319 = tpu.vector_load %arg17[%get3A_317, %get3A_318] {strides = array<i32>} : memref<32x256xf32, #tpu.memory_space<vmem>>, vector<16xf32>,
      %add3A_320 = arith.addf %add3A_313, %get3A_319 : vector<16xf32>
      %mul3A_321 = arith.constant 16 : i32
      %mul3A_322 = arith.muli %scan3A_112, %mul3A_321 : i32
      %get3A_323 = arith.constant 30 : i32
      %get3A_324 = arith.index_cast %get3A_323 : i32 to index
      %get3A_325 = arith.index_cast %mul3A_322 : i32 to index
      %get3A_326 = tpu.vector_load %arg17[%get3A_324, %get3A_325] {strides = array<i32>} : memref<32x256xf32, #tpu.memory_space<vmem>>, vector<16xf32>,
      %add3A_327 = arith.addf %add3A_320, %get3A_326 : vector<16xf32>
      %mul3A_328 = arith.constant 16 : i32
      %mul3A_329 = arith.muli %scan3A_112, %mul3A_328 : i32
      %get3A_330 = arith.constant 31 : i32
      %get3A_331 = arith.index_cast %get3A_330 : i32 to index
      %get3A_332 = arith.index_cast %mul3A_329 : i32 to index
      %get3A_333 = tpu.vector_load %arg17[%get3A_331, %get3A_332] {strides = array<i32>} : memref<32x256xf32, #tpu.memory_space<vmem>>, vector<16xf32>,
      %add3A_334 = arith.addf %add3A_327, %get3A_333 : vector<16xf32>
      %mul3A_335 = arith.constant 16 : i32
      %mul3A_336 = arith.muli %scan3A_112, %mul3A_335 : i32
      %add3A_337 = arith.constant 512 : i32
      %add3A_338 = arith.addi %add3A_337, %mul3A_336 : i32
      %swap3A = arith.index_cast %add3A_338 : i32 to index
      %swap3A_339 = tpu.vector_load %arg18[%swap3A] {strides = array<i32>} : memref<1280xf32, #tpu.memory_space<vmem>>, vector<16xf32>,
      tpu.vector_store %arg18[%swap3A], %add3A_334 {strides = array<i32>} : memref<1280xf32, #tpu.memory_space<vmem>>, vector<16xf32>,
    }
    %scan3A_64 = arith.constant 16 : i32
    %add3A_65 = arith.constant 768 : i32
    %add3A_66 = arith.addi %mul3A_40, %add3A_65 : i32
    "tpu.region"() ({
      %run_scoped3A = tpu.sem_alloc : memref<!tpu.dma_semaphore, #tpu.memory_space<semaphore_mem>>
      %dma_start3A_112 = arith.constant 0 : i32
      %dma_start3A_113 = tpu.memref_slice %arg6[%dma_start3A_112, %add3A_66] : memref<32x40960xf32, #tpu.memory_space<hbm>> -> memref<32x256xf32, #tpu.memory_space<hbm>>
      %dma_start3A_114 = arith.constant 0 : i32
      %dma_start3A_115 = tpu.memref_slice %arg6[%dma_start3A_114, %add3A_66] : memref<32x40960xf32, #tpu.memory_space<hbm>> -> memref<32x256xf32, #tpu.memory_space<hbm>>
      tpu.enqueue_dma source(%dma_start3A_115 : memref<32x256xf32, #tpu.memory_space<hbm>>) target(%arg17 : memref<32x256xf32, #tpu.memory_space<vmem>>) target_semaphore(%run_scoped3A : memref<!tpu.dma_semaphore, #tpu.memory_space<semaphore_mem>>)
      %dma_wait3A_116 = arith.constant 0 : i32
      %dma_wait3A_117 = tpu.memref_slice %arg6[%dma_wait3A_116, %add3A_66] : memref<32x40960xf32, #tpu.memory_space<hbm>> -> memref<32x256xf32, #tpu.memory_space<hbm>>
      %dma_wait3A_118 = arith.constant 0 : i32
      %dma_wait3A_119 = tpu.memref_slice %arg6[%dma_wait3A_118, %add3A_66] : memref<32x40960xf32, #tpu.memory_space<hbm>> -> memref<32x256xf32, #tpu.memory_space<hbm>>
      tpu.wait_dma2 semaphore(%run_scoped3A : memref<!tpu.dma_semaphore, #tpu.memory_space<semaphore_mem>>) src(%dma_wait3A_119 : memref<32x256xf32, #tpu.memory_space<hbm>>) dst(%arg17 : memref<32x256xf32, #tpu.memory_space<vmem>>)
      tpu.yield
    }) : () -> ()
    %scan3A_67 = arith.constant 0 : i32
    %scan3A_68 = arith.constant 0 : i32
    %scan3A_69 = arith.constant 16 : i32
    %scan3A_70 = arith.addi %scan3A_68, %scan3A_69 : i32
    %scan3A_71 = arith.constant 1 : i32
    scf.for %scan3A_112 = %scan3A_68 to %scan3A_70 step %scan3A_71  : i32 {
      %mul3A_113 = arith.constant 16 : i32
      %mul3A_114 = arith.muli %scan3A_112, %mul3A_113 : i32
      %get3A = arith.constant 0 : i32
      %get3A_115 = arith.index_cast %get3A : i32 to index
      %get3A_116 = arith.index_cast %mul3A_114 : i32 to index
      %get3A_117 = tpu.vector_load %arg17[%get3A_115, %get3A_116] {strides = array<i32>} : memref<32x256xf32, #tpu.memory_space<vmem>>, vector<16xf32>,
      %mul3A_118 = arith.constant 16 : i32
      %mul3A_119 = arith.muli %scan3A_112, %mul3A_118 : i32
      %get3A_120 = arith.constant 1 : i32
      %get3A_121 = arith.index_cast %get3A_120 : i32 to index
      %get3A_122 = arith.index_cast %mul3A_119 : i32 to index
      %get3A_123 = tpu.vector_load %arg17[%get3A_121, %get3A_122] {strides = array<i32>} : memref<32x256xf32, #tpu.memory_space<vmem>>, vector<16xf32>,
      %add3A_124 = arith.addf %get3A_117, %get3A_123 : vector<16xf32>
      %mul3A_125 = arith.constant 16 : i32
      %mul3A_126 = arith.muli %scan3A_112, %mul3A_125 : i32
      %get3A_127 = arith.constant 2 : i32
      %get3A_128 = arith.index_cast %get3A_127 : i32 to index
      %get3A_129 = arith.index_cast %mul3A_126 : i32 to index
      %get3A_130 = tpu.vector_load %arg17[%get3A_128, %get3A_129] {strides = array<i32>} : memref<32x256xf32, #tpu.memory_space<vmem>>, vector<16xf32>,
      %add3A_131 = arith.addf %add3A_124, %get3A_130 : vector<16xf32>
      %mul3A_132 = arith.constant 16 : i32
      %mul3A_133 = arith.muli %scan3A_112, %mul3A_132 : i32
      %get3A_134 = arith.constant 3 : i32
      %get3A_135 = arith.index_cast %get3A_134 : i32 to index
      %get3A_136 = arith.index_cast %mul3A_133 : i32 to index
      %get3A_137 = tpu.vector_load %arg17[%get3A_135, %get3A_136] {strides = array<i32>} : memref<32x256xf32, #tpu.memory_space<vmem>>, vector<16xf32>,
      %add3A_138 = arith.addf %add3A_131, %get3A_137 : vector<16xf32>
      %mul3A_139 = arith.constant 16 : i32
      %mul3A_140 = arith.muli %scan3A_112, %mul3A_139 : i32
      %get3A_141 = arith.constant 4 : i32
      %get3A_142 = arith.index_cast %get3A_141 : i32 to index
      %get3A_143 = arith.index_cast %mul3A_140 : i32 to index
      %get3A_144 = tpu.vector_load %arg17[%get3A_142, %get3A_143] {strides = array<i32>} : memref<32x256xf32, #tpu.memory_space<vmem>>, vector<16xf32>,
      %add3A_145 = arith.addf %add3A_138, %get3A_144 : vector<16xf32>
      %mul3A_146 = arith.constant 16 : i32
      %mul3A_147 = arith.muli %scan3A_112, %mul3A_146 : i32
      %get3A_148 = arith.constant 5 : i32
      %get3A_149 = arith.index_cast %get3A_148 : i32 to index
      %get3A_150 = arith.index_cast %mul3A_147 : i32 to index
      %get3A_151 = tpu.vector_load %arg17[%get3A_149, %get3A_150] {strides = array<i32>} : memref<32x256xf32, #tpu.memory_space<vmem>>, vector<16xf32>,
      %add3A_152 = arith.addf %add3A_145, %get3A_151 : vector<16xf32>
      %mul3A_153 = arith.constant 16 : i32
      %mul3A_154 = arith.muli %scan3A_112, %mul3A_153 : i32
      %get3A_155 = arith.constant 6 : i32
      %get3A_156 = arith.index_cast %get3A_155 : i32 to index
      %get3A_157 = arith.index_cast %mul3A_154 : i32 to index
      %get3A_158 = tpu.vector_load %arg17[%get3A_156, %get3A_157] {strides = array<i32>} : memref<32x256xf32, #tpu.memory_space<vmem>>, vector<16xf32>,
      %add3A_159 = arith.addf %add3A_152, %get3A_158 : vector<16xf32>
      %mul3A_160 = arith.constant 16 : i32
      %mul3A_161 = arith.muli %scan3A_112, %mul3A_160 : i32
      %get3A_162 = arith.constant 7 : i32
      %get3A_163 = arith.index_cast %get3A_162 : i32 to index
      %get3A_164 = arith.index_cast %mul3A_161 : i32 to index
      %get3A_165 = tpu.vector_load %arg17[%get3A_163, %get3A_164] {strides = array<i32>} : memref<32x256xf32, #tpu.memory_space<vmem>>, vector<16xf32>,
      %add3A_166 = arith.addf %add3A_159, %get3A_165 : vector<16xf32>
      %mul3A_167 = arith.constant 16 : i32
      %mul3A_168 = arith.muli %scan3A_112, %mul3A_167 : i32
      %get3A_169 = arith.constant 8 : i32
      %get3A_170 = arith.index_cast %get3A_169 : i32 to index
      %get3A_171 = arith.index_cast %mul3A_168 : i32 to index
      %get3A_172 = tpu.vector_load %arg17[%get3A_170, %get3A_171] {strides = array<i32>} : memref<32x256xf32, #tpu.memory_space<vmem>>, vector<16xf32>,
      %add3A_173 = arith.addf %add3A_166, %get3A_172 : vector<16xf32>
      %mul3A_174 = arith.constant 16 : i32
      %mul3A_175 = arith.muli %scan3A_112, %mul3A_174 : i32
      %get3A_176 = arith.constant 9 : i32
      %get3A_177 = arith.index_cast %get3A_176 : i32 to index
      %get3A_178 = arith.index_cast %mul3A_175 : i32 to index
      %get3A_179 = tpu.vector_load %arg17[%get3A_177, %get3A_178] {strides = array<i32>} : memref<32x256xf32, #tpu.memory_space<vmem>>, vector<16xf32>,
      %add3A_180 = arith.addf %add3A_173, %get3A_179 : vector<16xf32>
      %mul3A_181 = arith.constant 16 : i32
      %mul3A_182 = arith.muli %scan3A_112, %mul3A_181 : i32
      %get3A_183 = arith.constant 10 : i32
      %get3A_184 = arith.index_cast %get3A_183 : i32 to index
      %get3A_185 = arith.index_cast %mul3A_182 : i32 to index
      %get3A_186 = tpu.vector_load %arg17[%get3A_184, %get3A_185] {strides = array<i32>} : memref<32x256xf32, #tpu.memory_space<vmem>>, vector<16xf32>,
      %add3A_187 = arith.addf %add3A_180, %get3A_186 : vector<16xf32>
      %mul3A_188 = arith.constant 16 : i32
      %mul3A_189 = arith.muli %scan3A_112, %mul3A_188 : i32
      %get3A_190 = arith.constant 11 : i32
      %get3A_191 = arith.index_cast %get3A_190 : i32 to index
      %get3A_192 = arith.index_cast %mul3A_189 : i32 to index
      %get3A_193 = tpu.vector_load %arg17[%get3A_191, %get3A_192] {strides = array<i32>} : memref<32x256xf32, #tpu.memory_space<vmem>>, vector<16xf32>,
      %add3A_194 = arith.addf %add3A_187, %get3A_193 : vector<16xf32>
      %mul3A_195 = arith.constant 16 : i32
      %mul3A_196 = arith.muli %scan3A_112, %mul3A_195 : i32
      %get3A_197 = arith.constant 12 : i32
      %get3A_198 = arith.index_cast %get3A_197 : i32 to index
      %get3A_199 = arith.index_cast %mul3A_196 : i32 to index
      %get3A_200 = tpu.vector_load %arg17[%get3A_198, %get3A_199] {strides = array<i32>} : memref<32x256xf32, #tpu.memory_space<vmem>>, vector<16xf32>,
      %add3A_201 = arith.addf %add3A_194, %get3A_200 : vector<16xf32>
      %mul3A_202 = arith.constant 16 : i32
      %mul3A_203 = arith.muli %scan3A_112, %mul3A_202 : i32
      %get3A_204 = arith.constant 13 : i32
      %get3A_205 = arith.index_cast %get3A_204 : i32 to index
      %get3A_206 = arith.index_cast %mul3A_203 : i32 to index
      %get3A_207 = tpu.vector_load %arg17[%get3A_205, %get3A_206] {strides = array<i32>} : memref<32x256xf32, #tpu.memory_space<vmem>>, vector<16xf32>,
      %add3A_208 = arith.addf %add3A_201, %get3A_207 : vector<16xf32>
      %mul3A_209 = arith.constant 16 : i32
      %mul3A_210 = arith.muli %scan3A_112, %mul3A_209 : i32
      %get3A_211 = arith.constant 14 : i32
      %get3A_212 = arith.index_cast %get3A_211 : i32 to index
      %get3A_213 = arith.index_cast %mul3A_210 : i32 to index
      %get3A_214 = tpu.vector_load %arg17[%get3A_212, %get3A_213] {strides = array<i32>} : memref<32x256xf32, #tpu.memory_space<vmem>>, vector<16xf32>,
      %add3A_215 = arith.addf %add3A_208, %get3A_214 : vector<16xf32>
      %mul3A_216 = arith.constant 16 : i32
      %mul3A_217 = arith.muli %scan3A_112, %mul3A_216 : i32
      %get3A_218 = arith.constant 15 : i32
      %get3A_219 = arith.index_cast %get3A_218 : i32 to index
      %get3A_220 = arith.index_cast %mul3A_217 : i32 to index
      %get3A_221 = tpu.vector_load %arg17[%get3A_219, %get3A_220] {strides = array<i32>} : memref<32x256xf32, #tpu.memory_space<vmem>>, vector<16xf32>,
      %add3A_222 = arith.addf %add3A_215, %get3A_221 : vector<16xf32>
      %mul3A_223 = arith.constant 16 : i32
      %mul3A_224 = arith.muli %scan3A_112, %mul3A_223 : i32
      %get3A_225 = arith.constant 16 : i32
      %get3A_226 = arith.index_cast %get3A_225 : i32 to index
      %get3A_227 = arith.index_cast %mul3A_224 : i32 to index
      %get3A_228 = tpu.vector_load %arg17[%get3A_226, %get3A_227] {strides = array<i32>} : memref<32x256xf32, #tpu.memory_space<vmem>>, vector<16xf32>,
      %add3A_229 = arith.addf %add3A_222, %get3A_228 : vector<16xf32>
      %mul3A_230 = arith.constant 16 : i32
      %mul3A_231 = arith.muli %scan3A_112, %mul3A_230 : i32
      %get3A_232 = arith.constant 17 : i32
      %get3A_233 = arith.index_cast %get3A_232 : i32 to index
      %get3A_234 = arith.index_cast %mul3A_231 : i32 to index
      %get3A_235 = tpu.vector_load %arg17[%get3A_233, %get3A_234] {strides = array<i32>} : memref<32x256xf32, #tpu.memory_space<vmem>>, vector<16xf32>,
      %add3A_236 = arith.addf %add3A_229, %get3A_235 : vector<16xf32>
      %mul3A_237 = arith.constant 16 : i32
      %mul3A_238 = arith.muli %scan3A_112, %mul3A_237 : i32
      %get3A_239 = arith.constant 18 : i32
      %get3A_240 = arith.index_cast %get3A_239 : i32 to index
      %get3A_241 = arith.index_cast %mul3A_238 : i32 to index
      %get3A_242 = tpu.vector_load %arg17[%get3A_240, %get3A_241] {strides = array<i32>} : memref<32x256xf32, #tpu.memory_space<vmem>>, vector<16xf32>,
      %add3A_243 = arith.addf %add3A_236, %get3A_242 : vector<16xf32>
      %mul3A_244 = arith.constant 16 : i32
      %mul3A_245 = arith.muli %scan3A_112, %mul3A_244 : i32
      %get3A_246 = arith.constant 19 : i32
      %get3A_247 = arith.index_cast %get3A_246 : i32 to index
      %get3A_248 = arith.index_cast %mul3A_245 : i32 to index
      %get3A_249 = tpu.vector_load %arg17[%get3A_247, %get3A_248] {strides = array<i32>} : memref<32x256xf32, #tpu.memory_space<vmem>>, vector<16xf32>,
      %add3A_250 = arith.addf %add3A_243, %get3A_249 : vector<16xf32>
      %mul3A_251 = arith.constant 16 : i32
      %mul3A_252 = arith.muli %scan3A_112, %mul3A_251 : i32
      %get3A_253 = arith.constant 20 : i32
      %get3A_254 = arith.index_cast %get3A_253 : i32 to index
      %get3A_255 = arith.index_cast %mul3A_252 : i32 to index
      %get3A_256 = tpu.vector_load %arg17[%get3A_254, %get3A_255] {strides = array<i32>} : memref<32x256xf32, #tpu.memory_space<vmem>>, vector<16xf32>,
      %add3A_257 = arith.addf %add3A_250, %get3A_256 : vector<16xf32>
      %mul3A_258 = arith.constant 16 : i32
      %mul3A_259 = arith.muli %scan3A_112, %mul3A_258 : i32
      %get3A_260 = arith.constant 21 : i32
      %get3A_261 = arith.index_cast %get3A_260 : i32 to index
      %get3A_262 = arith.index_cast %mul3A_259 : i32 to index
      %get3A_263 = tpu.vector_load %arg17[%get3A_261, %get3A_262] {strides = array<i32>} : memref<32x256xf32, #tpu.memory_space<vmem>>, vector<16xf32>,
      %add3A_264 = arith.addf %add3A_257, %get3A_263 : vector<16xf32>
      %mul3A_265 = arith.constant 16 : i32
      %mul3A_266 = arith.muli %scan3A_112, %mul3A_265 : i32
      %get3A_267 = arith.constant 22 : i32
      %get3A_268 = arith.index_cast %get3A_267 : i32 to index
      %get3A_269 = arith.index_cast %mul3A_266 : i32 to index
      %get3A_270 = tpu.vector_load %arg17[%get3A_268, %get3A_269] {strides = array<i32>} : memref<32x256xf32, #tpu.memory_space<vmem>>, vector<16xf32>,
      %add3A_271 = arith.addf %add3A_264, %get3A_270 : vector<16xf32>
      %mul3A_272 = arith.constant 16 : i32
      %mul3A_273 = arith.muli %scan3A_112, %mul3A_272 : i32
      %get3A_274 = arith.constant 23 : i32
      %get3A_275 = arith.index_cast %get3A_274 : i32 to index
      %get3A_276 = arith.index_cast %mul3A_273 : i32 to index
      %get3A_277 = tpu.vector_load %arg17[%get3A_275, %get3A_276] {strides = array<i32>} : memref<32x256xf32, #tpu.memory_space<vmem>>, vector<16xf32>,
      %add3A_278 = arith.addf %add3A_271, %get3A_277 : vector<16xf32>
      %mul3A_279 = arith.constant 16 : i32
      %mul3A_280 = arith.muli %scan3A_112, %mul3A_279 : i32
      %get3A_281 = arith.constant 24 : i32
      %get3A_282 = arith.index_cast %get3A_281 : i32 to index
      %get3A_283 = arith.index_cast %mul3A_280 : i32 to index
      %get3A_284 = tpu.vector_load %arg17[%get3A_282, %get3A_283] {strides = array<i32>} : memref<32x256xf32, #tpu.memory_space<vmem>>, vector<16xf32>,
      %add3A_285 = arith.addf %add3A_278, %get3A_284 : vector<16xf32>
      %mul3A_286 = arith.constant 16 : i32
      %mul3A_287 = arith.muli %scan3A_112, %mul3A_286 : i32
      %get3A_288 = arith.constant 25 : i32
      %get3A_289 = arith.index_cast %get3A_288 : i32 to index
      %get3A_290 = arith.index_cast %mul3A_287 : i32 to index
      %get3A_291 = tpu.vector_load %arg17[%get3A_289, %get3A_290] {strides = array<i32>} : memref<32x256xf32, #tpu.memory_space<vmem>>, vector<16xf32>,
      %add3A_292 = arith.addf %add3A_285, %get3A_291 : vector<16xf32>
      %mul3A_293 = arith.constant 16 : i32
      %mul3A_294 = arith.muli %scan3A_112, %mul3A_293 : i32
      %get3A_295 = arith.constant 26 : i32
      %get3A_296 = arith.index_cast %get3A_295 : i32 to index
      %get3A_297 = arith.index_cast %mul3A_294 : i32 to index
      %get3A_298 = tpu.vector_load %arg17[%get3A_296, %get3A_297] {strides = array<i32>} : memref<32x256xf32, #tpu.memory_space<vmem>>, vector<16xf32>,
      %add3A_299 = arith.addf %add3A_292, %get3A_298 : vector<16xf32>
      %mul3A_300 = arith.constant 16 : i32
      %mul3A_301 = arith.muli %scan3A_112, %mul3A_300 : i32
      %get3A_302 = arith.constant 27 : i32
      %get3A_303 = arith.index_cast %get3A_302 : i32 to index
      %get3A_304 = arith.index_cast %mul3A_301 : i32 to index
      %get3A_305 = tpu.vector_load %arg17[%get3A_303, %get3A_304] {strides = array<i32>} : memref<32x256xf32, #tpu.memory_space<vmem>>, vector<16xf32>,
      %add3A_306 = arith.addf %add3A_299, %get3A_305 : vector<16xf32>
      %mul3A_307 = arith.constant 16 : i32
      %mul3A_308 = arith.muli %scan3A_112, %mul3A_307 : i32
      %get3A_309 = arith.constant 28 : i32
      %get3A_310 = arith.index_cast %get3A_309 : i32 to index
      %get3A_311 = arith.index_cast %mul3A_308 : i32 to index
      %get3A_312 = tpu.vector_load %arg17[%get3A_310, %get3A_311] {strides = array<i32>} : memref<32x256xf32, #tpu.memory_space<vmem>>, vector<16xf32>,
      %add3A_313 = arith.addf %add3A_306, %get3A_312 : vector<16xf32>
      %mul3A_314 = arith.constant 16 : i32
      %mul3A_315 = arith.muli %scan3A_112, %mul3A_314 : i32
      %get3A_316 = arith.constant 29 : i32
      %get3A_317 = arith.index_cast %get3A_316 : i32 to index
      %get3A_318 = arith.index_cast %mul3A_315 : i32 to index
      %get3A_319 = tpu.vector_load %arg17[%get3A_317, %get3A_318] {strides = array<i32>} : memref<32x256xf32, #tpu.memory_space<vmem>>, vector<16xf32>,
      %add3A_320 = arith.addf %add3A_313, %get3A_319 : vector<16xf32>
      %mul3A_321 = arith.constant 16 : i32
      %mul3A_322 = arith.muli %scan3A_112, %mul3A_321 : i32
      %get3A_323 = arith.constant 30 : i32
      %get3A_324 = arith.index_cast %get3A_323 : i32 to index
      %get3A_325 = arith.index_cast %mul3A_322 : i32 to index
      %get3A_326 = tpu.vector_load %arg17[%get3A_324, %get3A_325] {strides = array<i32>} : memref<32x256xf32, #tpu.memory_space<vmem>>, vector<16xf32>,
      %add3A_327 = arith.addf %add3A_320, %get3A_326 : vector<16xf32>
      %mul3A_328 = arith.constant 16 : i32
      %mul3A_329 = arith.muli %scan3A_112, %mul3A_328 : i32
      %get3A_330 = arith.constant 31 : i32
      %get3A_331 = arith.index_cast %get3A_330 : i32 to index
      %get3A_332 = arith.index_cast %mul3A_329 : i32 to index
      %get3A_333 = tpu.vector_load %arg17[%get3A_331, %get3A_332] {strides = array<i32>} : memref<32x256xf32, #tpu.memory_space<vmem>>, vector<16xf32>,
      %add3A_334 = arith.addf %add3A_327, %get3A_333 : vector<16xf32>
      %mul3A_335 = arith.constant 16 : i32
      %mul3A_336 = arith.muli %scan3A_112, %mul3A_335 : i32
      %add3A_337 = arith.constant 768 : i32
      %add3A_338 = arith.addi %add3A_337, %mul3A_336 : i32
      %swap3A = arith.index_cast %add3A_338 : i32 to index
      %swap3A_339 = tpu.vector_load %arg18[%swap3A] {strides = array<i32>} : memref<1280xf32, #tpu.memory_space<vmem>>, vector<16xf32>,
      tpu.vector_store %arg18[%swap3A], %add3A_334 {strides = array<i32>} : memref<1280xf32, #tpu.memory_space<vmem>>, vector<16xf32>,
    }
    %scan3A_72 = arith.constant 16 : i32
    %add3A_73 = arith.constant 1024 : i32
    %add3A_74 = arith.addi %mul3A_40, %add3A_73 : i32
    "tpu.region"() ({
      %run_scoped3A = tpu.sem_alloc : memref<!tpu.dma_semaphore, #tpu.memory_space<semaphore_mem>>
      %dma_start3A_112 = arith.constant 0 : i32
      %dma_start3A_113 = tpu.memref_slice %arg6[%dma_start3A_112, %add3A_74] : memref<32x40960xf32, #tpu.memory_space<hbm>> -> memref<32x256xf32, #tpu.memory_space<hbm>>
      %dma_start3A_114 = arith.constant 0 : i32
      %dma_start3A_115 = tpu.memref_slice %arg6[%dma_start3A_114, %add3A_74] : memref<32x40960xf32, #tpu.memory_space<hbm>> -> memref<32x256xf32, #tpu.memory_space<hbm>>
      tpu.enqueue_dma source(%dma_start3A_115 : memref<32x256xf32, #tpu.memory_space<hbm>>) target(%arg17 : memref<32x256xf32, #tpu.memory_space<vmem>>) target_semaphore(%run_scoped3A : memref<!tpu.dma_semaphore, #tpu.memory_space<semaphore_mem>>)
      %dma_wait3A_116 = arith.constant 0 : i32
      %dma_wait3A_117 = tpu.memref_slice %arg6[%dma_wait3A_116, %add3A_74] : memref<32x40960xf32, #tpu.memory_space<hbm>> -> memref<32x256xf32, #tpu.memory_space<hbm>>
      %dma_wait3A_118 = arith.constant 0 : i32
      %dma_wait3A_119 = tpu.memref_slice %arg6[%dma_wait3A_118, %add3A_74] : memref<32x40960xf32, #tpu.memory_space<hbm>> -> memref<32x256xf32, #tpu.memory_space<hbm>>
      tpu.wait_dma2 semaphore(%run_scoped3A : memref<!tpu.dma_semaphore, #tpu.memory_space<semaphore_mem>>) src(%dma_wait3A_119 : memref<32x256xf32, #tpu.memory_space<hbm>>) dst(%arg17 : memref<32x256xf32, #tpu.memory_space<vmem>>)
      tpu.yield
    }) : () -> ()
    %scan3A_75 = arith.constant 0 : i32
    %scan3A_76 = arith.constant 0 : i32
    %scan3A_77 = arith.constant 16 : i32
    %scan3A_78 = arith.addi %scan3A_76, %scan3A_77 : i32
    %scan3A_79 = arith.constant 1 : i32
    scf.for %scan3A_112 = %scan3A_76 to %scan3A_78 step %scan3A_79  : i32 {
      %mul3A_113 = arith.constant 16 : i32
      %mul3A_114 = arith.muli %scan3A_112, %mul3A_113 : i32
      %get3A = arith.constant 0 : i32
      %get3A_115 = arith.index_cast %get3A : i32 to index
      %get3A_116 = arith.index_cast %mul3A_114 : i32 to index
      %get3A_117 = tpu.vector_load %arg17[%get3A_115, %get3A_116] {strides = array<i32>} : memref<32x256xf32, #tpu.memory_space<vmem>>, vector<16xf32>,
      %mul3A_118 = arith.constant 16 : i32
      %mul3A_119 = arith.muli %scan3A_112, %mul3A_118 : i32
      %get3A_120 = arith.constant 1 : i32
      %get3A_121 = arith.index_cast %get3A_120 : i32 to index
      %get3A_122 = arith.index_cast %mul3A_119 : i32 to index
      %get3A_123 = tpu.vector_load %arg17[%get3A_121, %get3A_122] {strides = array<i32>} : memref<32x256xf32, #tpu.memory_space<vmem>>, vector<16xf32>,
      %add3A_124 = arith.addf %get3A_117, %get3A_123 : vector<16xf32>
      %mul3A_125 = arith.constant 16 : i32
      %mul3A_126 = arith.muli %scan3A_112, %mul3A_125 : i32
      %get3A_127 = arith.constant 2 : i32
      %get3A_128 = arith.index_cast %get3A_127 : i32 to index
      %get3A_129 = arith.index_cast %mul3A_126 : i32 to index
      %get3A_130 = tpu.vector_load %arg17[%get3A_128, %get3A_129] {strides = array<i32>} : memref<32x256xf32, #tpu.memory_space<vmem>>, vector<16xf32>,
      %add3A_131 = arith.addf %add3A_124, %get3A_130 : vector<16xf32>
      %mul3A_132 = arith.constant 16 : i32
      %mul3A_133 = arith.muli %scan3A_112, %mul3A_132 : i32
      %get3A_134 = arith.constant 3 : i32
      %get3A_135 = arith.index_cast %get3A_134 : i32 to index
      %get3A_136 = arith.index_cast %mul3A_133 : i32 to index
      %get3A_137 = tpu.vector_load %arg17[%get3A_135, %get3A_136] {strides = array<i32>} : memref<32x256xf32, #tpu.memory_space<vmem>>, vector<16xf32>,
      %add3A_138 = arith.addf %add3A_131, %get3A_137 : vector<16xf32>
      %mul3A_139 = arith.constant 16 : i32
      %mul3A_140 = arith.muli %scan3A_112, %mul3A_139 : i32
      %get3A_141 = arith.constant 4 : i32
      %get3A_142 = arith.index_cast %get3A_141 : i32 to index
      %get3A_143 = arith.index_cast %mul3A_140 : i32 to index
      %get3A_144 = tpu.vector_load %arg17[%get3A_142, %get3A_143] {strides = array<i32>} : memref<32x256xf32, #tpu.memory_space<vmem>>, vector<16xf32>,
      %add3A_145 = arith.addf %add3A_138, %get3A_144 : vector<16xf32>
      %mul3A_146 = arith.constant 16 : i32
      %mul3A_147 = arith.muli %scan3A_112, %mul3A_146 : i32
      %get3A_148 = arith.constant 5 : i32
      %get3A_149 = arith.index_cast %get3A_148 : i32 to index
      %get3A_150 = arith.index_cast %mul3A_147 : i32 to index
      %get3A_151 = tpu.vector_load %arg17[%get3A_149, %get3A_150] {strides = array<i32>} : memref<32x256xf32, #tpu.memory_space<vmem>>, vector<16xf32>,
      %add3A_152 = arith.addf %add3A_145, %get3A_151 : vector<16xf32>
      %mul3A_153 = arith.constant 16 : i32
      %mul3A_154 = arith.muli %scan3A_112, %mul3A_153 : i32
      %get3A_155 = arith.constant 6 : i32
      %get3A_156 = arith.index_cast %get3A_155 : i32 to index
      %get3A_157 = arith.index_cast %mul3A_154 : i32 to index
      %get3A_158 = tpu.vector_load %arg17[%get3A_156, %get3A_157] {strides = array<i32>} : memref<32x256xf32, #tpu.memory_space<vmem>>, vector<16xf32>,
      %add3A_159 = arith.addf %add3A_152, %get3A_158 : vector<16xf32>
      %mul3A_160 = arith.constant 16 : i32
      %mul3A_161 = arith.muli %scan3A_112, %mul3A_160 : i32
      %get3A_162 = arith.constant 7 : i32
      %get3A_163 = arith.index_cast %get3A_162 : i32 to index
      %get3A_164 = arith.index_cast %mul3A_161 : i32 to index
      %get3A_165 = tpu.vector_load %arg17[%get3A_163, %get3A_164] {strides = array<i32>} : memref<32x256xf32, #tpu.memory_space<vmem>>, vector<16xf32>,
      %add3A_166 = arith.addf %add3A_159, %get3A_165 : vector<16xf32>
      %mul3A_167 = arith.constant 16 : i32
      %mul3A_168 = arith.muli %scan3A_112, %mul3A_167 : i32
      %get3A_169 = arith.constant 8 : i32
      %get3A_170 = arith.index_cast %get3A_169 : i32 to index
      %get3A_171 = arith.index_cast %mul3A_168 : i32 to index
      %get3A_172 = tpu.vector_load %arg17[%get3A_170, %get3A_171] {strides = array<i32>} : memref<32x256xf32, #tpu.memory_space<vmem>>, vector<16xf32>,
      %add3A_173 = arith.addf %add3A_166, %get3A_172 : vector<16xf32>
      %mul3A_174 = arith.constant 16 : i32
      %mul3A_175 = arith.muli %scan3A_112, %mul3A_174 : i32
      %get3A_176 = arith.constant 9 : i32
      %get3A_177 = arith.index_cast %get3A_176 : i32 to index
      %get3A_178 = arith.index_cast %mul3A_175 : i32 to index
      %get3A_179 = tpu.vector_load %arg17[%get3A_177, %get3A_178] {strides = array<i32>} : memref<32x256xf32, #tpu.memory_space<vmem>>, vector<16xf32>,
      %add3A_180 = arith.addf %add3A_173, %get3A_179 : vector<16xf32>
      %mul3A_181 = arith.constant 16 : i32
      %mul3A_182 = arith.muli %scan3A_112, %mul3A_181 : i32
      %get3A_183 = arith.constant 10 : i32
      %get3A_184 = arith.index_cast %get3A_183 : i32 to index
      %get3A_185 = arith.index_cast %mul3A_182 : i32 to index
      %get3A_186 = tpu.vector_load %arg17[%get3A_184, %get3A_185] {strides = array<i32>} : memref<32x256xf32, #tpu.memory_space<vmem>>, vector<16xf32>,
      %add3A_187 = arith.addf %add3A_180, %get3A_186 : vector<16xf32>
      %mul3A_188 = arith.constant 16 : i32
      %mul3A_189 = arith.muli %scan3A_112, %mul3A_188 : i32
      %get3A_190 = arith.constant 11 : i32
      %get3A_191 = arith.index_cast %get3A_190 : i32 to index
      %get3A_192 = arith.index_cast %mul3A_189 : i32 to index
      %get3A_193 = tpu.vector_load %arg17[%get3A_191, %get3A_192] {strides = array<i32>} : memref<32x256xf32, #tpu.memory_space<vmem>>, vector<16xf32>,
      %add3A_194 = arith.addf %add3A_187, %get3A_193 : vector<16xf32>
      %mul3A_195 = arith.constant 16 : i32
      %mul3A_196 = arith.muli %scan3A_112, %mul3A_195 : i32
      %get3A_197 = arith.constant 12 : i32
      %get3A_198 = arith.index_cast %get3A_197 : i32 to index
      %get3A_199 = arith.index_cast %mul3A_196 : i32 to index
      %get3A_200 = tpu.vector_load %arg17[%get3A_198, %get3A_199] {strides = array<i32>} : memref<32x256xf32, #tpu.memory_space<vmem>>, vector<16xf32>,
      %add3A_201 = arith.addf %add3A_194, %get3A_200 : vector<16xf32>
      %mul3A_202 = arith.constant 16 : i32
      %mul3A_203 = arith.muli %scan3A_112, %mul3A_202 : i32
      %get3A_204 = arith.constant 13 : i32
      %get3A_205 = arith.index_cast %get3A_204 : i32 to index
      %get3A_206 = arith.index_cast %mul3A_203 : i32 to index
      %get3A_207 = tpu.vector_load %arg17[%get3A_205, %get3A_206] {strides = array<i32>} : memref<32x256xf32, #tpu.memory_space<vmem>>, vector<16xf32>,
      %add3A_208 = arith.addf %add3A_201, %get3A_207 : vector<16xf32>
      %mul3A_209 = arith.constant 16 : i32
      %mul3A_210 = arith.muli %scan3A_112, %mul3A_209 : i32
      %get3A_211 = arith.constant 14 : i32
      %get3A_212 = arith.index_cast %get3A_211 : i32 to index
      %get3A_213 = arith.index_cast %mul3A_210 : i32 to index
      %get3A_214 = tpu.vector_load %arg17[%get3A_212, %get3A_213] {strides = array<i32>} : memref<32x256xf32, #tpu.memory_space<vmem>>, vector<16xf32>,
      %add3A_215 = arith.addf %add3A_208, %get3A_214 : vector<16xf32>
      %mul3A_216 = arith.constant 16 : i32
      %mul3A_217 = arith.muli %scan3A_112, %mul3A_216 : i32
      %get3A_218 = arith.constant 15 : i32
      %get3A_219 = arith.index_cast %get3A_218 : i32 to index
      %get3A_220 = arith.index_cast %mul3A_217 : i32 to index
      %get3A_221 = tpu.vector_load %arg17[%get3A_219, %get3A_220] {strides = array<i32>} : memref<32x256xf32, #tpu.memory_space<vmem>>, vector<16xf32>,
      %add3A_222 = arith.addf %add3A_215, %get3A_221 : vector<16xf32>
      %mul3A_223 = arith.constant 16 : i32
      %mul3A_224 = arith.muli %scan3A_112, %mul3A_223 : i32
      %get3A_225 = arith.constant 16 : i32
      %get3A_226 = arith.index_cast %get3A_225 : i32 to index
      %get3A_227 = arith.index_cast %mul3A_224 : i32 to index
      %get3A_228 = tpu.vector_load %arg17[%get3A_226, %get3A_227] {strides = array<i32>} : memref<32x256xf32, #tpu.memory_space<vmem>>, vector<16xf32>,
      %add3A_229 = arith.addf %add3A_222, %get3A_228 : vector<16xf32>
      %mul3A_230 = arith.constant 16 : i32
      %mul3A_231 = arith.muli %scan3A_112, %mul3A_230 : i32
      %get3A_232 = arith.constant 17 : i32
      %get3A_233 = arith.index_cast %get3A_232 : i32 to index
      %get3A_234 = arith.index_cast %mul3A_231 : i32 to index
      %get3A_235 = tpu.vector_load %arg17[%get3A_233, %get3A_234] {strides = array<i32>} : memref<32x256xf32, #tpu.memory_space<vmem>>, vector<16xf32>,
      %add3A_236 = arith.addf %add3A_229, %get3A_235 : vector<16xf32>
      %mul3A_237 = arith.constant 16 : i32
      %mul3A_238 = arith.muli %scan3A_112, %mul3A_237 : i32
      %get3A_239 = arith.constant 18 : i32
      %get3A_240 = arith.index_cast %get3A_239 : i32 to index
      %get3A_241 = arith.index_cast %mul3A_238 : i32 to index
      %get3A_242 = tpu.vector_load %arg17[%get3A_240, %get3A_241] {strides = array<i32>} : memref<32x256xf32, #tpu.memory_space<vmem>>, vector<16xf32>,
      %add3A_243 = arith.addf %add3A_236, %get3A_242 : vector<16xf32>
      %mul3A_244 = arith.constant 16 : i32
      %mul3A_245 = arith.muli %scan3A_112, %mul3A_244 : i32
      %get3A_246 = arith.constant 19 : i32
      %get3A_247 = arith.index_cast %get3A_246 : i32 to index
      %get3A_248 = arith.index_cast %mul3A_245 : i32 to index
      %get3A_249 = tpu.vector_load %arg17[%get3A_247, %get3A_248] {strides = array<i32>} : memref<32x256xf32, #tpu.memory_space<vmem>>, vector<16xf32>,
      %add3A_250 = arith.addf %add3A_243, %get3A_249 : vector<16xf32>
      %mul3A_251 = arith.constant 16 : i32
      %mul3A_252 = arith.muli %scan3A_112, %mul3A_251 : i32
      %get3A_253 = arith.constant 20 : i32
      %get3A_254 = arith.index_cast %get3A_253 : i32 to index
      %get3A_255 = arith.index_cast %mul3A_252 : i32 to index
      %get3A_256 = tpu.vector_load %arg17[%get3A_254, %get3A_255] {strides = array<i32>} : memref<32x256xf32, #tpu.memory_space<vmem>>, vector<16xf32>,
      %add3A_257 = arith.addf %add3A_250, %get3A_256 : vector<16xf32>
      %mul3A_258 = arith.constant 16 : i32
      %mul3A_259 = arith.muli %scan3A_112, %mul3A_258 : i32
      %get3A_260 = arith.constant 21 : i32
      %get3A_261 = arith.index_cast %get3A_260 : i32 to index
      %get3A_262 = arith.index_cast %mul3A_259 : i32 to index
      %get3A_263 = tpu.vector_load %arg17[%get3A_261, %get3A_262] {strides = array<i32>} : memref<32x256xf32, #tpu.memory_space<vmem>>, vector<16xf32>,
      %add3A_264 = arith.addf %add3A_257, %get3A_263 : vector<16xf32>
      %mul3A_265 = arith.constant 16 : i32
      %mul3A_266 = arith.muli %scan3A_112, %mul3A_265 : i32
      %get3A_267 = arith.constant 22 : i32
      %get3A_268 = arith.index_cast %get3A_267 : i32 to index
      %get3A_269 = arith.index_cast %mul3A_266 : i32 to index
      %get3A_270 = tpu.vector_load %arg17[%get3A_268, %get3A_269] {strides = array<i32>} : memref<32x256xf32, #tpu.memory_space<vmem>>, vector<16xf32>,
      %add3A_271 = arith.addf %add3A_264, %get3A_270 : vector<16xf32>
      %mul3A_272 = arith.constant 16 : i32
      %mul3A_273 = arith.muli %scan3A_112, %mul3A_272 : i32
      %get3A_274 = arith.constant 23 : i32
      %get3A_275 = arith.index_cast %get3A_274 : i32 to index
      %get3A_276 = arith.index_cast %mul3A_273 : i32 to index
      %get3A_277 = tpu.vector_load %arg17[%get3A_275, %get3A_276] {strides = array<i32>} : memref<32x256xf32, #tpu.memory_space<vmem>>, vector<16xf32>,
      %add3A_278 = arith.addf %add3A_271, %get3A_277 : vector<16xf32>
      %mul3A_279 = arith.constant 16 : i32
      %mul3A_280 = arith.muli %scan3A_112, %mul3A_279 : i32
      %get3A_281 = arith.constant 24 : i32
      %get3A_282 = arith.index_cast %get3A_281 : i32 to index
      %get3A_283 = arith.index_cast %mul3A_280 : i32 to index
      %get3A_284 = tpu.vector_load %arg17[%get3A_282, %get3A_283] {strides = array<i32>} : memref<32x256xf32, #tpu.memory_space<vmem>>, vector<16xf32>,
      %add3A_285 = arith.addf %add3A_278, %get3A_284 : vector<16xf32>
      %mul3A_286 = arith.constant 16 : i32
      %mul3A_287 = arith.muli %scan3A_112, %mul3A_286 : i32
      %get3A_288 = arith.constant 25 : i32
      %get3A_289 = arith.index_cast %get3A_288 : i32 to index
      %get3A_290 = arith.index_cast %mul3A_287 : i32 to index
      %get3A_291 = tpu.vector_load %arg17[%get3A_289, %get3A_290] {strides = array<i32>} : memref<32x256xf32, #tpu.memory_space<vmem>>, vector<16xf32>,
      %add3A_292 = arith.addf %add3A_285, %get3A_291 : vector<16xf32>
      %mul3A_293 = arith.constant 16 : i32
      %mul3A_294 = arith.muli %scan3A_112, %mul3A_293 : i32
      %get3A_295 = arith.constant 26 : i32
      %get3A_296 = arith.index_cast %get3A_295 : i32 to index
      %get3A_297 = arith.index_cast %mul3A_294 : i32 to index
      %get3A_298 = tpu.vector_load %arg17[%get3A_296, %get3A_297] {strides = array<i32>} : memref<32x256xf32, #tpu.memory_space<vmem>>, vector<16xf32>,
      %add3A_299 = arith.addf %add3A_292, %get3A_298 : vector<16xf32>
      %mul3A_300 = arith.constant 16 : i32
      %mul3A_301 = arith.muli %scan3A_112, %mul3A_300 : i32
      %get3A_302 = arith.constant 27 : i32
      %get3A_303 = arith.index_cast %get3A_302 : i32 to index
      %get3A_304 = arith.index_cast %mul3A_301 : i32 to index
      %get3A_305 = tpu.vector_load %arg17[%get3A_303, %get3A_304] {strides = array<i32>} : memref<32x256xf32, #tpu.memory_space<vmem>>, vector<16xf32>,
      %add3A_306 = arith.addf %add3A_299, %get3A_305 : vector<16xf32>
      %mul3A_307 = arith.constant 16 : i32
      %mul3A_308 = arith.muli %scan3A_112, %mul3A_307 : i32
      %get3A_309 = arith.constant 28 : i32
      %get3A_310 = arith.index_cast %get3A_309 : i32 to index
      %get3A_311 = arith.index_cast %mul3A_308 : i32 to index
      %get3A_312 = tpu.vector_load %arg17[%get3A_310, %get3A_311] {strides = array<i32>} : memref<32x256xf32, #tpu.memory_space<vmem>>, vector<16xf32>,
      %add3A_313 = arith.addf %add3A_306, %get3A_312 : vector<16xf32>
      %mul3A_314 = arith.constant 16 : i32
      %mul3A_315 = arith.muli %scan3A_112, %mul3A_314 : i32
      %get3A_316 = arith.constant 29 : i32
      %get3A_317 = arith.index_cast %get3A_316 : i32 to index
      %get3A_318 = arith.index_cast %mul3A_315 : i32 to index
      %get3A_319 = tpu.vector_load %arg17[%get3A_317, %get3A_318] {strides = array<i32>} : memref<32x256xf32, #tpu.memory_space<vmem>>, vector<16xf32>,
      %add3A_320 = arith.addf %add3A_313, %get3A_319 : vector<16xf32>
      %mul3A_321 = arith.constant 16 : i32
      %mul3A_322 = arith.muli %scan3A_112, %mul3A_321 : i32
      %get3A_323 = arith.constant 30 : i32
      %get3A_324 = arith.index_cast %get3A_323 : i32 to index
      %get3A_325 = arith.index_cast %mul3A_322 : i32 to index
      %get3A_326 = tpu.vector_load %arg17[%get3A_324, %get3A_325] {strides = array<i32>} : memref<32x256xf32, #tpu.memory_space<vmem>>, vector<16xf32>,
      %add3A_327 = arith.addf %add3A_320, %get3A_326 : vector<16xf32>
      %mul3A_328 = arith.constant 16 : i32
      %mul3A_329 = arith.muli %scan3A_112, %mul3A_328 : i32
      %get3A_330 = arith.constant 31 : i32
      %get3A_331 = arith.index_cast %get3A_330 : i32 to index
      %get3A_332 = arith.index_cast %mul3A_329 : i32 to index
      %get3A_333 = tpu.vector_load %arg17[%get3A_331, %get3A_332] {strides = array<i32>} : memref<32x256xf32, #tpu.memory_space<vmem>>, vector<16xf32>,
      %add3A_334 = arith.addf %add3A_327, %get3A_333 : vector<16xf32>
      %mul3A_335 = arith.constant 16 : i32
      %mul3A_336 = arith.muli %scan3A_112, %mul3A_335 : i32
      %add3A_337 = arith.constant 1024 : i32
      %add3A_338 = arith.addi %add3A_337, %mul3A_336 : i32
      %swap3A = arith.index_cast %add3A_338 : i32 to index
      %swap3A_339 = tpu.vector_load %arg18[%swap3A] {strides = array<i32>} : memref<1280xf32, #tpu.memory_space<vmem>>, vector<16xf32>,
      tpu.vector_store %arg18[%swap3A], %add3A_334 {strides = array<i32>} : memref<1280xf32, #tpu.memory_space<vmem>>, vector<16xf32>,
    }
    %scan3A_80 = arith.constant 16 : i32
    "tpu.region"() ({
      %run_scoped3A = tpu.sem_alloc : memref<!tpu.dma_semaphore, #tpu.memory_space<semaphore_mem>>
      %dma_start3A_112 = tpu.memref_slice %arg8[%mul3A_40] : memref<40960xf32, #tpu.memory_space<hbm>> -> memref<1280xf32, #tpu.memory_space<hbm>>
      %dma_start3A_113 = tpu.memref_slice %arg8[%mul3A_40] : memref<40960xf32, #tpu.memory_space<hbm>> -> memref<1280xf32, #tpu.memory_space<hbm>>
      tpu.enqueue_dma source(%arg18 : memref<1280xf32, #tpu.memory_space<vmem>>) target(%dma_start3A_113 : memref<1280xf32, #tpu.memory_space<hbm>>) target_semaphore(%run_scoped3A : memref<!tpu.dma_semaphore, #tpu.memory_space<semaphore_mem>>)
      %dma_wait3A_114 = tpu.memref_slice %arg8[%mul3A_40] : memref<40960xf32, #tpu.memory_space<hbm>> -> memref<1280xf32, #tpu.memory_space<hbm>>
      %dma_wait3A_115 = tpu.memref_slice %arg8[%mul3A_40] : memref<40960xf32, #tpu.memory_space<hbm>> -> memref<1280xf32, #tpu.memory_space<hbm>>
      tpu.wait_dma2 semaphore(%run_scoped3A : memref<!tpu.dma_semaphore, #tpu.memory_space<semaphore_mem>>) src(%arg18 : memref<1280xf32, #tpu.memory_space<vmem>>) dst(%dma_wait3A_115 : memref<1280xf32, #tpu.memory_space<hbm>>)
      tpu.yield
    }) : () -> ()
    %barrier3A = arith.constant 0 : index
    tpu.barrier barrier_id(%barrier3A)
    %scan3A_81 = arith.constant 0 : i32
    %scan3A_82 = arith.constant 0 : i32
    %scan3A_83 = arith.constant 62 : i32
    %scan3A_84 = arith.addi %scan3A_82, %scan3A_83 : i32
    %scan3A_85 = arith.constant 1 : i32
    scf.for %scan3A_112 = %scan3A_82 to %scan3A_84 step %scan3A_85  : i32 {
      %mul3A_113 = arith.constant 10000 : i32
      %mul3A_114 = arith.muli %add3A, %mul3A_113 : i32
      %mul3A_115 = arith.constant 2 : i32
      %mul3A_116 = arith.muli %mul3A_115, %scan3A_112 : i32
      %mul3A_117 = arith.constant 80 : i32
      %mul3A_118 = arith.muli %mul3A_116, %mul3A_117 : i32
      %add3A_119 = arith.addi %mul3A_114, %mul3A_118 : i32
      %add3A_120 = arith.constant 80 : i32
      %add3A_121 = arith.addi %add3A_119, %add3A_120 : i32
      "tpu.region"() ({
        %run_scoped3A = tpu.sem_alloc : memref<!tpu.dma_semaphore, #tpu.memory_space<semaphore_mem>>
        %dma_start3A_170 = tpu.memref_slice %arg2[%add3A_119] : memref<320000xi32, #tpu.memory_space<hbm>> -> memref<80xi32, #tpu.memory_space<hbm>>
        %dma_start3A_171 = tpu.memref_slice %arg2[%add3A_119] : memref<320000xi32, #tpu.memory_space<hbm>> -> memref<80xi32, #tpu.memory_space<hbm>>
        tpu.enqueue_dma source(%dma_start3A_171 : memref<80xi32, #tpu.memory_space<hbm>>) target(%arg9 : memref<80xi32, #tpu.memory_space<vmem>>) target_semaphore(%run_scoped3A : memref<!tpu.dma_semaphore, #tpu.memory_space<semaphore_mem>>)
        %dma_wait3A_172 = tpu.memref_slice %arg2[%add3A_119] : memref<320000xi32, #tpu.memory_space<hbm>> -> memref<80xi32, #tpu.memory_space<hbm>>
        %dma_wait3A_173 = tpu.memref_slice %arg2[%add3A_119] : memref<320000xi32, #tpu.memory_space<hbm>> -> memref<80xi32, #tpu.memory_space<hbm>>
        tpu.wait_dma2 semaphore(%run_scoped3A : memref<!tpu.dma_semaphore, #tpu.memory_space<semaphore_mem>>) src(%dma_wait3A_173 : memref<80xi32, #tpu.memory_space<hbm>>) dst(%arg9 : memref<80xi32, #tpu.memory_space<vmem>>)
        tpu.yield
      }) : () -> ()
      "tpu.region"() ({
        %run_scoped3A = tpu.sem_alloc : memref<!tpu.dma_semaphore, #tpu.memory_space<semaphore_mem>>
        %dma_start3A_170 = tpu.memref_slice %arg3[%add3A_119] : memref<320000xi32, #tpu.memory_space<hbm>> -> memref<80xi32, #tpu.memory_space<hbm>>
        %dma_start3A_171 = tpu.memref_slice %arg3[%add3A_119] : memref<320000xi32, #tpu.memory_space<hbm>> -> memref<80xi32, #tpu.memory_space<hbm>>
        tpu.enqueue_dma source(%dma_start3A_171 : memref<80xi32, #tpu.memory_space<hbm>>) target(%arg10 : memref<80xi32, #tpu.memory_space<vmem>>) target_semaphore(%run_scoped3A : memref<!tpu.dma_semaphore, #tpu.memory_space<semaphore_mem>>)
        %dma_wait3A_172 = tpu.memref_slice %arg3[%add3A_119] : memref<320000xi32, #tpu.memory_space<hbm>> -> memref<80xi32, #tpu.memory_space<hbm>>
        %dma_wait3A_173 = tpu.memref_slice %arg3[%add3A_119] : memref<320000xi32, #tpu.memory_space<hbm>> -> memref<80xi32, #tpu.memory_space<hbm>>
        tpu.wait_dma2 semaphore(%run_scoped3A : memref<!tpu.dma_semaphore, #tpu.memory_space<semaphore_mem>>) src(%dma_wait3A_173 : memref<80xi32, #tpu.memory_space<hbm>>) dst(%arg10 : memref<80xi32, #tpu.memory_space<vmem>>)
        tpu.yield
      }) : () -> ()
      %dma_start3A_122 = arith.constant 0 : i32
      %dma_start3A_123 = arith.constant 0 : i32
      %dma_start3A_124 = tpu.memref_slice %arg4[%dma_start3A_122, %dma_start3A_123] : memref<10000x128xf32, #tpu.memory_space<hbm>> -> memref<10000x128xf32, #tpu.memory_space<hbm>>
      tpu.enqueue_indirect_dma source(%dma_start3A_124 : memref<10000x128xf32, #tpu.memory_space<hbm>>) target(%arg11 : memref<80x128xf32, #tpu.memory_space<vmem>>) offsets(%arg9 : memref<80xi32, #tpu.memory_space<vmem>>) semaphore(%arg20 : memref<!tpu.dma_semaphore, #tpu.memory_space<semaphore_mem>>)
      %mul3A_125 = arith.constant 4 : i32
      %mul3A_126 = arith.muli %add3A_119, %mul3A_125 : i32
      %dma_start3A_127 = tpu.memref_slice %arg5[%mul3A_126] : memref<1280000xf32, #tpu.memory_space<hbm>> -> memref<320xf32, #tpu.memory_space<hbm>>
      %dma_start3A_128 = tpu.memref_slice %arg5[%mul3A_126] : memref<1280000xf32, #tpu.memory_space<hbm>> -> memref<320xf32, #tpu.memory_space<hbm>>
      tpu.enqueue_dma source(%dma_start3A_128 : memref<320xf32, #tpu.memory_space<hbm>>) target(%arg12 : memref<320xf32, #tpu.memory_space<vmem>>) target_semaphore(%arg21 : memref<!tpu.dma_semaphore, #tpu.memory_space<semaphore_mem>>)
      "tpu.region"() ({
        %run_scoped3A = tpu.sem_alloc : memref<!tpu.dma_semaphore, #tpu.memory_space<semaphore_mem>>
        %dma_start3A_170 = tpu.memref_slice %arg2[%add3A_121] : memref<320000xi32, #tpu.memory_space<hbm>> -> memref<80xi32, #tpu.memory_space<hbm>>
        %dma_start3A_171 = tpu.memref_slice %arg2[%add3A_121] : memref<320000xi32, #tpu.memory_space<hbm>> -> memref<80xi32, #tpu.memory_space<hbm>>
        tpu.enqueue_dma source(%dma_start3A_171 : memref<80xi32, #tpu.memory_space<hbm>>) target(%arg13 : memref<80xi32, #tpu.memory_space<vmem>>) target_semaphore(%run_scoped3A : memref<!tpu.dma_semaphore, #tpu.memory_space<semaphore_mem>>)
        %dma_wait3A_172 = tpu.memref_slice %arg2[%add3A_121] : memref<320000xi32, #tpu.memory_space<hbm>> -> memref<80xi32, #tpu.memory_space<hbm>>
        %dma_wait3A_173 = tpu.memref_slice %arg2[%add3A_121] : memref<320000xi32, #tpu.memory_space<hbm>> -> memref<80xi32, #tpu.memory_space<hbm>>
        tpu.wait_dma2 semaphore(%run_scoped3A : memref<!tpu.dma_semaphore, #tpu.memory_space<semaphore_mem>>) src(%dma_wait3A_173 : memref<80xi32, #tpu.memory_space<hbm>>) dst(%arg13 : memref<80xi32, #tpu.memory_space<vmem>>)
        tpu.yield
      }) : () -> ()
      "tpu.region"() ({
        %run_scoped3A = tpu.sem_alloc : memref<!tpu.dma_semaphore, #tpu.memory_space<semaphore_mem>>
        %dma_start3A_170 = tpu.memref_slice %arg3[%add3A_121] : memref<320000xi32, #tpu.memory_space<hbm>> -> memref<80xi32, #tpu.memory_space<hbm>>
        %dma_start3A_171 = tpu.memref_slice %arg3[%add3A_121] : memref<320000xi32, #tpu.memory_space<hbm>> -> memref<80xi32, #tpu.memory_space<hbm>>
        tpu.enqueue_dma source(%dma_start3A_171 : memref<80xi32, #tpu.memory_space<hbm>>) target(%arg14 : memref<80xi32, #tpu.memory_space<vmem>>) target_semaphore(%run_scoped3A : memref<!tpu.dma_semaphore, #tpu.memory_space<semaphore_mem>>)
        %dma_wait3A_172 = tpu.memref_slice %arg3[%add3A_121] : memref<320000xi32, #tpu.memory_space<hbm>> -> memref<80xi32, #tpu.memory_space<hbm>>
        %dma_wait3A_173 = tpu.memref_slice %arg3[%add3A_121] : memref<320000xi32, #tpu.memory_space<hbm>> -> memref<80xi32, #tpu.memory_space<hbm>>
        tpu.wait_dma2 semaphore(%run_scoped3A : memref<!tpu.dma_semaphore, #tpu.memory_space<semaphore_mem>>) src(%dma_wait3A_173 : memref<80xi32, #tpu.memory_space<hbm>>) dst(%arg14 : memref<80xi32, #tpu.memory_space<vmem>>)
        tpu.yield
      }) : () -> ()
      %dma_start3A_129 = arith.constant 0 : i32
      %dma_start3A_130 = arith.constant 0 : i32
      %dma_start3A_131 = tpu.memref_slice %arg4[%dma_start3A_129, %dma_start3A_130] : memref<10000x128xf32, #tpu.memory_space<hbm>> -> memref<10000x128xf32, #tpu.memory_space<hbm>>
      tpu.enqueue_indirect_dma source(%dma_start3A_131 : memref<10000x128xf32, #tpu.memory_space<hbm>>) target(%arg15 : memref<80x128xf32, #tpu.memory_space<vmem>>) offsets(%arg13 : memref<80xi32, #tpu.memory_space<vmem>>) semaphore(%arg22 : memref<!tpu.dma_semaphore, #tpu.memory_space<semaphore_mem>>)
      %mul3A_132 = arith.constant 4 : i32
      %mul3A_133 = arith.muli %add3A_121, %mul3A_132 : i32
      %dma_start3A_134 = tpu.memref_slice %arg5[%mul3A_133] : memref<1280000xf32, #tpu.memory_space<hbm>> -> memref<320xf32, #tpu.memory_space<hbm>>
      %dma_start3A_135 = tpu.memref_slice %arg5[%mul3A_133] : memref<1280000xf32, #tpu.memory_space<hbm>> -> memref<320xf32, #tpu.memory_space<hbm>>
      tpu.enqueue_dma source(%dma_start3A_135 : memref<320xf32, #tpu.memory_space<hbm>>) target(%arg16 : memref<320xf32, #tpu.memory_space<vmem>>) target_semaphore(%arg23 : memref<!tpu.dma_semaphore, #tpu.memory_space<semaphore_mem>>)
      %dma_wait3A_136 = arith.constant 0 : i32
      %dma_wait3A_137 = arith.constant 0 : i32
      %dma_wait3A_138 = tpu.memref_slice %arg4[%dma_wait3A_136, %dma_wait3A_137] : memref<10000x128xf32, #tpu.memory_space<hbm>> -> memref<10000x128xf32, #tpu.memory_space<hbm>>
      tpu.wait_indirect_dma semaphore(%arg20 : memref<!tpu.dma_semaphore, #tpu.memory_space<semaphore_mem>>) src(%dma_wait3A_138 : memref<10000x128xf32, #tpu.memory_space<hbm>>) dst(%arg11 : memref<80x128xf32, #tpu.memory_space<vmem>>)
      %dma_wait3A_139 = tpu.memref_slice %arg5[%mul3A_126] : memref<1280000xf32, #tpu.memory_space<hbm>> -> memref<320xf32, #tpu.memory_space<hbm>>
      %dma_wait3A_140 = tpu.memref_slice %arg5[%mul3A_126] : memref<1280000xf32, #tpu.memory_space<hbm>> -> memref<320xf32, #tpu.memory_space<hbm>>
      tpu.wait_dma2 semaphore(%arg21 : memref<!tpu.dma_semaphore, #tpu.memory_space<semaphore_mem>>) src(%dma_wait3A_140 : memref<320xf32, #tpu.memory_space<hbm>>) dst(%arg12 : memref<320xf32, #tpu.memory_space<vmem>>)
      %scan3A_141 = arith.constant 0 : i32
      %scan3A_142 = arith.constant 0 : i32
      %scan3A_143 = arith.constant 20 : i32
      %scan3A_144 = arith.addi %scan3A_142, %scan3A_143 : i32
      %scan3A_145 = arith.constant 1 : i32
      scf.for %scan3A_170 = %scan3A_142 to %scan3A_144 step %scan3A_145  : i32 {
        %mul3A_171 = arith.constant 16 : i32
        %mul3A_172 = arith.muli %scan3A_170, %mul3A_171 : i32
        %get3A = arith.index_cast %mul3A_172 : i32 to index
        %get3A_173 = tpu.vector_load %arg12[%get3A] {strides = array<i32>} : memref<320xf32, #tpu.memory_space<vmem>>, vector<16xf32>,
        %mul3A_174 = arith.constant 4 : i32
        %mul3A_175 = arith.muli %scan3A_170, %mul3A_174 : i32
        %add3A_176 = arith.constant 0 : i32
        %add3A_177 = arith.addi %mul3A_175, %add3A_176 : i32
        %broadcast_in_dim3A_178 = arith.constant 0 : i32
        %broadcast_in_dim3A_179 = vector.broadcast %broadcast_in_dim3A_178 : i32 to vector<16xi32>
        %lt3A = arith.constant 0 : i32
        %lt3A_180 = vector.broadcast %lt3A : i32 to vector<16xi32>
        %lt3A_181 = arith.cmpi slt, %broadcast_in_dim3A_179, %lt3A_180 : vector<16xi32>
        %add3A_182 = arith.constant 16 : i32
        %add3A_183 = vector.broadcast %add3A_182 : i32 to vector<16xi32>
        %add3A_184 = arith.addi %broadcast_in_dim3A_179, %add3A_183 : vector<16xi32>
        %select_n3A = arith.select %lt3A_181, %add3A_184, %broadcast_in_dim3A_179 : vector<16xi1>, vector<16xi32>
        %reshape3A = vector.shape_cast %select_n3A : vector<16xi32> to vector<16x1xi32>
        %gather3A = vector.shape_cast %reshape3A : vector<16x1xi32> to vector<16xi32>
        %gather3A_185 = tpu.dynamic_gather %get3A_173[%gather3A] in [0] : vector<16xf32>, vector<16xi32> -> vector<16xf32>
        %get3A_186 = arith.index_cast %add3A_177 : i32 to index
        %get3A_187 = arith.constant 0 : index
        %get3A_188 = tpu.vector_load %arg11[%get3A_186, %get3A_187] {strides = array<i32>} : memref<80x128xf32, #tpu.memory_space<vmem>>, vector<16xf32>,
        %mul3A_189 = arith.mulf %get3A_188, %gather3A_185 : vector<16xf32>
        %swap3A = arith.index_cast %add3A_177 : i32 to index
        %swap3A_190 = arith.constant 0 : index
        %swap3A_191 = tpu.vector_load %arg11[%swap3A, %swap3A_190] {strides = array<i32>} : memref<80x128xf32, #tpu.memory_space<vmem>>, vector<16xf32>,
        tpu.vector_store %arg11[%swap3A, %swap3A_190], %mul3A_189 {strides = array<i32>} : memref<80x128xf32, #tpu.memory_space<vmem>>, vector<16xf32>,
        %broadcast_in_dim3A_192 = arith.constant 0 : i32
        %broadcast_in_dim3A_193 = vector.broadcast %broadcast_in_dim3A_192 : i32 to vector<16xi32>
        %lt3A_194 = arith.constant 0 : i32
        %lt3A_195 = vector.broadcast %lt3A_194 : i32 to vector<16xi32>
        %lt3A_196 = arith.cmpi slt, %broadcast_in_dim3A_193, %lt3A_195 : vector<16xi32>
        %add3A_197 = arith.constant 16 : i32
        %add3A_198 = vector.broadcast %add3A_197 : i32 to vector<16xi32>
        %add3A_199 = arith.addi %broadcast_in_dim3A_193, %add3A_198 : vector<16xi32>
        %select_n3A_200 = arith.select %lt3A_196, %add3A_199, %broadcast_in_dim3A_193 : vector<16xi1>, vector<16xi32>
        %reshape3A_201 = vector.shape_cast %select_n3A_200 : vector<16xi32> to vector<16x1xi32>
        %gather3A_202 = vector.shape_cast %reshape3A_201 : vector<16x1xi32> to vector<16xi32>
        %gather3A_203 = tpu.dynamic_gather %get3A_173[%gather3A_202] in [0] : vector<16xf32>, vector<16xi32> -> vector<16xf32>
        %get3A_204 = arith.index_cast %add3A_177 : i32 to index
        %get3A_205 = arith.constant 16 : index
        %get3A_206 = tpu.vector_load %arg11[%get3A_204, %get3A_205] {strides = array<i32>} : memref<80x128xf32, #tpu.memory_space<vmem>>, vector<16xf32>,
        %mul3A_207 = arith.mulf %get3A_206, %gather3A_203 : vector<16xf32>
        %swap3A_208 = arith.index_cast %add3A_177 : i32 to index
        %swap3A_209 = arith.constant 16 : index
        %swap3A_210 = tpu.vector_load %arg11[%swap3A_208, %swap3A_209] {strides = array<i32>} : memref<80x128xf32, #tpu.memory_space<vmem>>, vector<16xf32>,
        tpu.vector_store %arg11[%swap3A_208, %swap3A_209], %mul3A_207 {strides = array<i32>} : memref<80x128xf32, #tpu.memory_space<vmem>>, vector<16xf32>,
        %broadcast_in_dim3A_211 = arith.constant 1 : i32
        %broadcast_in_dim3A_212 = vector.broadcast %broadcast_in_dim3A_211 : i32 to vector<16xi32>
        %lt3A_213 = arith.constant 0 : i32
        %lt3A_214 = vector.broadcast %lt3A_213 : i32 to vector<16xi32>
        %lt3A_215 = arith.cmpi slt, %broadcast_in_dim3A_212, %lt3A_214 : vector<16xi32>
        %add3A_216 = arith.constant 16 : i32
        %add3A_217 = vector.broadcast %add3A_216 : i32 to vector<16xi32>
        %add3A_218 = arith.addi %broadcast_in_dim3A_212, %add3A_217 : vector<16xi32>
        %select_n3A_219 = arith.select %lt3A_215, %add3A_218, %broadcast_in_dim3A_212 : vector<16xi1>, vector<16xi32>
        %reshape3A_220 = vector.shape_cast %select_n3A_219 : vector<16xi32> to vector<16x1xi32>
        %gather3A_221 = vector.shape_cast %reshape3A_220 : vector<16x1xi32> to vector<16xi32>
        %gather3A_222 = tpu.dynamic_gather %get3A_173[%gather3A_221] in [0] : vector<16xf32>, vector<16xi32> -> vector<16xf32>
        %get3A_223 = arith.index_cast %add3A_177 : i32 to index
        %get3A_224 = arith.constant 32 : index
        %get3A_225 = tpu.vector_load %arg11[%get3A_223, %get3A_224] {strides = array<i32>} : memref<80x128xf32, #tpu.memory_space<vmem>>, vector<16xf32>,
        %mul3A_226 = arith.mulf %get3A_225, %gather3A_222 : vector<16xf32>
        %swap3A_227 = arith.index_cast %add3A_177 : i32 to index
        %swap3A_228 = arith.constant 32 : index
        %swap3A_229 = tpu.vector_load %arg11[%swap3A_227, %swap3A_228] {strides = array<i32>} : memref<80x128xf32, #tpu.memory_space<vmem>>, vector<16xf32>,
        tpu.vector_store %arg11[%swap3A_227, %swap3A_228], %mul3A_226 {strides = array<i32>} : memref<80x128xf32, #tpu.memory_space<vmem>>, vector<16xf32>,
        %broadcast_in_dim3A_230 = arith.constant 1 : i32
        %broadcast_in_dim3A_231 = vector.broadcast %broadcast_in_dim3A_230 : i32 to vector<16xi32>
        %lt3A_232 = arith.constant 0 : i32
        %lt3A_233 = vector.broadcast %lt3A_232 : i32 to vector<16xi32>
        %lt3A_234 = arith.cmpi slt, %broadcast_in_dim3A_231, %lt3A_233 : vector<16xi32>
        %add3A_235 = arith.constant 16 : i32
        %add3A_236 = vector.broadcast %add3A_235 : i32 to vector<16xi32>
        %add3A_237 = arith.addi %broadcast_in_dim3A_231, %add3A_236 : vector<16xi32>
        %select_n3A_238 = arith.select %lt3A_234, %add3A_237, %broadcast_in_dim3A_231 : vector<16xi1>, vector<16xi32>
        %reshape3A_239 = vector.shape_cast %select_n3A_238 : vector<16xi32> to vector<16x1xi32>
        %gather3A_240 = vector.shape_cast %reshape3A_239 : vector<16x1xi32> to vector<16xi32>
        %gather3A_241 = tpu.dynamic_gather %get3A_173[%gather3A_240] in [0] : vector<16xf32>, vector<16xi32> -> vector<16xf32>
        %get3A_242 = arith.index_cast %add3A_177 : i32 to index
        %get3A_243 = arith.constant 48 : index
        %get3A_244 = tpu.vector_load %arg11[%get3A_242, %get3A_243] {strides = array<i32>} : memref<80x128xf32, #tpu.memory_space<vmem>>, vector<16xf32>,
        %mul3A_245 = arith.mulf %get3A_244, %gather3A_241 : vector<16xf32>
        %swap3A_246 = arith.index_cast %add3A_177 : i32 to index
        %swap3A_247 = arith.constant 48 : index
        %swap3A_248 = tpu.vector_load %arg11[%swap3A_246, %swap3A_247] {strides = array<i32>} : memref<80x128xf32, #tpu.memory_space<vmem>>, vector<16xf32>,
        tpu.vector_store %arg11[%swap3A_246, %swap3A_247], %mul3A_245 {strides = array<i32>} : memref<80x128xf32, #tpu.memory_space<vmem>>, vector<16xf32>,
        %broadcast_in_dim3A_249 = arith.constant 2 : i32
        %broadcast_in_dim3A_250 = vector.broadcast %broadcast_in_dim3A_249 : i32 to vector<16xi32>
        %lt3A_251 = arith.constant 0 : i32
        %lt3A_252 = vector.broadcast %lt3A_251 : i32 to vector<16xi32>
        %lt3A_253 = arith.cmpi slt, %broadcast_in_dim3A_250, %lt3A_252 : vector<16xi32>
        %add3A_254 = arith.constant 16 : i32
        %add3A_255 = vector.broadcast %add3A_254 : i32 to vector<16xi32>
        %add3A_256 = arith.addi %broadcast_in_dim3A_250, %add3A_255 : vector<16xi32>
        %select_n3A_257 = arith.select %lt3A_253, %add3A_256, %broadcast_in_dim3A_250 : vector<16xi1>, vector<16xi32>
        %reshape3A_258 = vector.shape_cast %select_n3A_257 : vector<16xi32> to vector<16x1xi32>
        %gather3A_259 = vector.shape_cast %reshape3A_258 : vector<16x1xi32> to vector<16xi32>
        %gather3A_260 = tpu.dynamic_gather %get3A_173[%gather3A_259] in [0] : vector<16xf32>, vector<16xi32> -> vector<16xf32>
        %get3A_261 = arith.index_cast %add3A_177 : i32 to index
        %get3A_262 = arith.constant 64 : index
        %get3A_263 = tpu.vector_load %arg11[%get3A_261, %get3A_262] {strides = array<i32>} : memref<80x128xf32, #tpu.memory_space<vmem>>, vector<16xf32>,
        %mul3A_264 = arith.mulf %get3A_263, %gather3A_260 : vector<16xf32>
        %swap3A_265 = arith.index_cast %add3A_177 : i32 to index
        %swap3A_266 = arith.constant 64 : index
        %swap3A_267 = tpu.vector_load %arg11[%swap3A_265, %swap3A_266] {strides = array<i32>} : memref<80x128xf32, #tpu.memory_space<vmem>>, vector<16xf32>,
        tpu.vector_store %arg11[%swap3A_265, %swap3A_266], %mul3A_264 {strides = array<i32>} : memref<80x128xf32, #tpu.memory_space<vmem>>, vector<16xf32>,
        %broadcast_in_dim3A_268 = arith.constant 2 : i32
        %broadcast_in_dim3A_269 = vector.broadcast %broadcast_in_dim3A_268 : i32 to vector<16xi32>
        %lt3A_270 = arith.constant 0 : i32
        %lt3A_271 = vector.broadcast %lt3A_270 : i32 to vector<16xi32>
        %lt3A_272 = arith.cmpi slt, %broadcast_in_dim3A_269, %lt3A_271 : vector<16xi32>
        %add3A_273 = arith.constant 16 : i32
        %add3A_274 = vector.broadcast %add3A_273 : i32 to vector<16xi32>
        %add3A_275 = arith.addi %broadcast_in_dim3A_269, %add3A_274 : vector<16xi32>
        %select_n3A_276 = arith.select %lt3A_272, %add3A_275, %broadcast_in_dim3A_269 : vector<16xi1>, vector<16xi32>
        %reshape3A_277 = vector.shape_cast %select_n3A_276 : vector<16xi32> to vector<16x1xi32>
        %gather3A_278 = vector.shape_cast %reshape3A_277 : vector<16x1xi32> to vector<16xi32>
        %gather3A_279 = tpu.dynamic_gather %get3A_173[%gather3A_278] in [0] : vector<16xf32>, vector<16xi32> -> vector<16xf32>
        %get3A_280 = arith.index_cast %add3A_177 : i32 to index
        %get3A_281 = arith.constant 80 : index
        %get3A_282 = tpu.vector_load %arg11[%get3A_280, %get3A_281] {strides = array<i32>} : memref<80x128xf32, #tpu.memory_space<vmem>>, vector<16xf32>,
        %mul3A_283 = arith.mulf %get3A_282, %gather3A_279 : vector<16xf32>
        %swap3A_284 = arith.index_cast %add3A_177 : i32 to index
        %swap3A_285 = arith.constant 80 : index
        %swap3A_286 = tpu.vector_load %arg11[%swap3A_284, %swap3A_285] {strides = array<i32>} : memref<80x128xf32, #tpu.memory_space<vmem>>, vector<16xf32>,
        tpu.vector_store %arg11[%swap3A_284, %swap3A_285], %mul3A_283 {strides = array<i32>} : memref<80x128xf32, #tpu.memory_space<vmem>>, vector<16xf32>,
        %broadcast_in_dim3A_287 = arith.constant 3 : i32
        %broadcast_in_dim3A_288 = vector.broadcast %broadcast_in_dim3A_287 : i32 to vector<16xi32>
        %lt3A_289 = arith.constant 0 : i32
        %lt3A_290 = vector.broadcast %lt3A_289 : i32 to vector<16xi32>
        %lt3A_291 = arith.cmpi slt, %broadcast_in_dim3A_288, %lt3A_290 : vector<16xi32>
        %add3A_292 = arith.constant 16 : i32
        %add3A_293 = vector.broadcast %add3A_292 : i32 to vector<16xi32>
        %add3A_294 = arith.addi %broadcast_in_dim3A_288, %add3A_293 : vector<16xi32>
        %select_n3A_295 = arith.select %lt3A_291, %add3A_294, %broadcast_in_dim3A_288 : vector<16xi1>, vector<16xi32>
        %reshape3A_296 = vector.shape_cast %select_n3A_295 : vector<16xi32> to vector<16x1xi32>
        %gather3A_297 = vector.shape_cast %reshape3A_296 : vector<16x1xi32> to vector<16xi32>
        %gather3A_298 = tpu.dynamic_gather %get3A_173[%gather3A_297] in [0] : vector<16xf32>, vector<16xi32> -> vector<16xf32>
        %get3A_299 = arith.index_cast %add3A_177 : i32 to index
        %get3A_300 = arith.constant 96 : index
        %get3A_301 = tpu.vector_load %arg11[%get3A_299, %get3A_300] {strides = array<i32>} : memref<80x128xf32, #tpu.memory_space<vmem>>, vector<16xf32>,
        %mul3A_302 = arith.mulf %get3A_301, %gather3A_298 : vector<16xf32>
        %swap3A_303 = arith.index_cast %add3A_177 : i32 to index
        %swap3A_304 = arith.constant 96 : index
        %swap3A_305 = tpu.vector_load %arg11[%swap3A_303, %swap3A_304] {strides = array<i32>} : memref<80x128xf32, #tpu.memory_space<vmem>>, vector<16xf32>,
        tpu.vector_store %arg11[%swap3A_303, %swap3A_304], %mul3A_302 {strides = array<i32>} : memref<80x128xf32, #tpu.memory_space<vmem>>, vector<16xf32>,
        %broadcast_in_dim3A_306 = arith.constant 3 : i32
        %broadcast_in_dim3A_307 = vector.broadcast %broadcast_in_dim3A_306 : i32 to vector<16xi32>
        %lt3A_308 = arith.constant 0 : i32
        %lt3A_309 = vector.broadcast %lt3A_308 : i32 to vector<16xi32>
        %lt3A_310 = arith.cmpi slt, %broadcast_in_dim3A_307, %lt3A_309 : vector<16xi32>
        %add3A_311 = arith.constant 16 : i32
        %add3A_312 = vector.broadcast %add3A_311 : i32 to vector<16xi32>
        %add3A_313 = arith.addi %broadcast_in_dim3A_307, %add3A_312 : vector<16xi32>
        %select_n3A_314 = arith.select %lt3A_310, %add3A_313, %broadcast_in_dim3A_307 : vector<16xi1>, vector<16xi32>
        %reshape3A_315 = vector.shape_cast %select_n3A_314 : vector<16xi32> to vector<16x1xi32>
        %gather3A_316 = vector.shape_cast %reshape3A_315 : vector<16x1xi32> to vector<16xi32>
        %gather3A_317 = tpu.dynamic_gather %get3A_173[%gather3A_316] in [0] : vector<16xf32>, vector<16xi32> -> vector<16xf32>
        %get3A_318 = arith.index_cast %add3A_177 : i32 to index
        %get3A_319 = arith.constant 112 : index
        %get3A_320 = tpu.vector_load %arg11[%get3A_318, %get3A_319] {strides = array<i32>} : memref<80x128xf32, #tpu.memory_space<vmem>>, vector<16xf32>,
        %mul3A_321 = arith.mulf %get3A_320, %gather3A_317 : vector<16xf32>
        %swap3A_322 = arith.index_cast %add3A_177 : i32 to index
        %swap3A_323 = arith.constant 112 : index
        %swap3A_324 = tpu.vector_load %arg11[%swap3A_322, %swap3A_323] {strides = array<i32>} : memref<80x128xf32, #tpu.memory_space<vmem>>, vector<16xf32>,
        tpu.vector_store %arg11[%swap3A_322, %swap3A_323], %mul3A_321 {strides = array<i32>} : memref<80x128xf32, #tpu.memory_space<vmem>>, vector<16xf32>,
        %mul3A_325 = arith.constant 4 : i32
        %mul3A_326 = arith.muli %scan3A_170, %mul3A_325 : i32
        %add3A_327 = arith.constant 1 : i32
        %add3A_328 = arith.addi %mul3A_326, %add3A_327 : i32
        %broadcast_in_dim3A_329 = arith.constant 4 : i32
        %broadcast_in_dim3A_330 = vector.broadcast %broadcast_in_dim3A_329 : i32 to vector<16xi32>
        %lt3A_331 = arith.constant 0 : i32
        %lt3A_332 = vector.broadcast %lt3A_331 : i32 to vector<16xi32>
        %lt3A_333 = arith.cmpi slt, %broadcast_in_dim3A_330, %lt3A_332 : vector<16xi32>
        %add3A_334 = arith.constant 16 : i32
        %add3A_335 = vector.broadcast %add3A_334 : i32 to vector<16xi32>
        %add3A_336 = arith.addi %broadcast_in_dim3A_330, %add3A_335 : vector<16xi32>
        %select_n3A_337 = arith.select %lt3A_333, %add3A_336, %broadcast_in_dim3A_330 : vector<16xi1>, vector<16xi32>
        %reshape3A_338 = vector.shape_cast %select_n3A_337 : vector<16xi32> to vector<16x1xi32>
        %gather3A_339 = vector.shape_cast %reshape3A_338 : vector<16x1xi32> to vector<16xi32>
        %gather3A_340 = tpu.dynamic_gather %get3A_173[%gather3A_339] in [0] : vector<16xf32>, vector<16xi32> -> vector<16xf32>
        %get3A_341 = arith.index_cast %add3A_328 : i32 to index
        %get3A_342 = arith.constant 0 : index
        %get3A_343 = tpu.vector_load %arg11[%get3A_341, %get3A_342] {strides = array<i32>} : memref<80x128xf32, #tpu.memory_space<vmem>>, vector<16xf32>,
        %mul3A_344 = arith.mulf %get3A_343, %gather3A_340 : vector<16xf32>
        %swap3A_345 = arith.index_cast %add3A_328 : i32 to index
        %swap3A_346 = arith.constant 0 : index
        %swap3A_347 = tpu.vector_load %arg11[%swap3A_345, %swap3A_346] {strides = array<i32>} : memref<80x128xf32, #tpu.memory_space<vmem>>, vector<16xf32>,
        tpu.vector_store %arg11[%swap3A_345, %swap3A_346], %mul3A_344 {strides = array<i32>} : memref<80x128xf32, #tpu.memory_space<vmem>>, vector<16xf32>,
        %broadcast_in_dim3A_348 = arith.constant 4 : i32
        %broadcast_in_dim3A_349 = vector.broadcast %broadcast_in_dim3A_348 : i32 to vector<16xi32>
        %lt3A_350 = arith.constant 0 : i32
        %lt3A_351 = vector.broadcast %lt3A_350 : i32 to vector<16xi32>
        %lt3A_352 = arith.cmpi slt, %broadcast_in_dim3A_349, %lt3A_351 : vector<16xi32>
        %add3A_353 = arith.constant 16 : i32
        %add3A_354 = vector.broadcast %add3A_353 : i32 to vector<16xi32>
        %add3A_355 = arith.addi %broadcast_in_dim3A_349, %add3A_354 : vector<16xi32>
        %select_n3A_356 = arith.select %lt3A_352, %add3A_355, %broadcast_in_dim3A_349 : vector<16xi1>, vector<16xi32>
        %reshape3A_357 = vector.shape_cast %select_n3A_356 : vector<16xi32> to vector<16x1xi32>
        %gather3A_358 = vector.shape_cast %reshape3A_357 : vector<16x1xi32> to vector<16xi32>
        %gather3A_359 = tpu.dynamic_gather %get3A_173[%gather3A_358] in [0] : vector<16xf32>, vector<16xi32> -> vector<16xf32>
        %get3A_360 = arith.index_cast %add3A_328 : i32 to index
        %get3A_361 = arith.constant 16 : index
        %get3A_362 = tpu.vector_load %arg11[%get3A_360, %get3A_361] {strides = array<i32>} : memref<80x128xf32, #tpu.memory_space<vmem>>, vector<16xf32>,
        %mul3A_363 = arith.mulf %get3A_362, %gather3A_359 : vector<16xf32>
        %swap3A_364 = arith.index_cast %add3A_328 : i32 to index
        %swap3A_365 = arith.constant 16 : index
        %swap3A_366 = tpu.vector_load %arg11[%swap3A_364, %swap3A_365] {strides = array<i32>} : memref<80x128xf32, #tpu.memory_space<vmem>>, vector<16xf32>,
        tpu.vector_store %arg11[%swap3A_364, %swap3A_365], %mul3A_363 {strides = array<i32>} : memref<80x128xf32, #tpu.memory_space<vmem>>, vector<16xf32>,
        %broadcast_in_dim3A_367 = arith.constant 5 : i32
        %broadcast_in_dim3A_368 = vector.broadcast %broadcast_in_dim3A_367 : i32 to vector<16xi32>
        %lt3A_369 = arith.constant 0 : i32
        %lt3A_370 = vector.broadcast %lt3A_369 : i32 to vector<16xi32>
        %lt3A_371 = arith.cmpi slt, %broadcast_in_dim3A_368, %lt3A_370 : vector<16xi32>
        %add3A_372 = arith.constant 16 : i32
        %add3A_373 = vector.broadcast %add3A_372 : i32 to vector<16xi32>
        %add3A_374 = arith.addi %broadcast_in_dim3A_368, %add3A_373 : vector<16xi32>
        %select_n3A_375 = arith.select %lt3A_371, %add3A_374, %broadcast_in_dim3A_368 : vector<16xi1>, vector<16xi32>
        %reshape3A_376 = vector.shape_cast %select_n3A_375 : vector<16xi32> to vector<16x1xi32>
        %gather3A_377 = vector.shape_cast %reshape3A_376 : vector<16x1xi32> to vector<16xi32>
        %gather3A_378 = tpu.dynamic_gather %get3A_173[%gather3A_377] in [0] : vector<16xf32>, vector<16xi32> -> vector<16xf32>
        %get3A_379 = arith.index_cast %add3A_328 : i32 to index
        %get3A_380 = arith.constant 32 : index
        %get3A_381 = tpu.vector_load %arg11[%get3A_379, %get3A_380] {strides = array<i32>} : memref<80x128xf32, #tpu.memory_space<vmem>>, vector<16xf32>,
        %mul3A_382 = arith.mulf %get3A_381, %gather3A_378 : vector<16xf32>
        %swap3A_383 = arith.index_cast %add3A_328 : i32 to index
        %swap3A_384 = arith.constant 32 : index
        %swap3A_385 = tpu.vector_load %arg11[%swap3A_383, %swap3A_384] {strides = array<i32>} : memref<80x128xf32, #tpu.memory_space<vmem>>, vector<16xf32>,
        tpu.vector_store %arg11[%swap3A_383, %swap3A_384], %mul3A_382 {strides = array<i32>} : memref<80x128xf32, #tpu.memory_space<vmem>>, vector<16xf32>,
        %broadcast_in_dim3A_386 = arith.constant 5 : i32
        %broadcast_in_dim3A_387 = vector.broadcast %broadcast_in_dim3A_386 : i32 to vector<16xi32>
        %lt3A_388 = arith.constant 0 : i32
        %lt3A_389 = vector.broadcast %lt3A_388 : i32 to vector<16xi32>
        %lt3A_390 = arith.cmpi slt, %broadcast_in_dim3A_387, %lt3A_389 : vector<16xi32>
        %add3A_391 = arith.constant 16 : i32
        %add3A_392 = vector.broadcast %add3A_391 : i32 to vector<16xi32>
        %add3A_393 = arith.addi %broadcast_in_dim3A_387, %add3A_392 : vector<16xi32>
        %select_n3A_394 = arith.select %lt3A_390, %add3A_393, %broadcast_in_dim3A_387 : vector<16xi1>, vector<16xi32>
        %reshape3A_395 = vector.shape_cast %select_n3A_394 : vector<16xi32> to vector<16x1xi32>
        %gather3A_396 = vector.shape_cast %reshape3A_395 : vector<16x1xi32> to vector<16xi32>
        %gather3A_397 = tpu.dynamic_gather %get3A_173[%gather3A_396] in [0] : vector<16xf32>, vector<16xi32> -> vector<16xf32>
        %get3A_398 = arith.index_cast %add3A_328 : i32 to index
        %get3A_399 = arith.constant 48 : index
        %get3A_400 = tpu.vector_load %arg11[%get3A_398, %get3A_399] {strides = array<i32>} : memref<80x128xf32, #tpu.memory_space<vmem>>, vector<16xf32>,
        %mul3A_401 = arith.mulf %get3A_400, %gather3A_397 : vector<16xf32>
        %swap3A_402 = arith.index_cast %add3A_328 : i32 to index
        %swap3A_403 = arith.constant 48 : index
        %swap3A_404 = tpu.vector_load %arg11[%swap3A_402, %swap3A_403] {strides = array<i32>} : memref<80x128xf32, #tpu.memory_space<vmem>>, vector<16xf32>,
        tpu.vector_store %arg11[%swap3A_402, %swap3A_403], %mul3A_401 {strides = array<i32>} : memref<80x128xf32, #tpu.memory_space<vmem>>, vector<16xf32>,
        %broadcast_in_dim3A_405 = arith.constant 6 : i32
        %broadcast_in_dim3A_406 = vector.broadcast %broadcast_in_dim3A_405 : i32 to vector<16xi32>
        %lt3A_407 = arith.constant 0 : i32
        %lt3A_408 = vector.broadcast %lt3A_407 : i32 to vector<16xi32>
        %lt3A_409 = arith.cmpi slt, %broadcast_in_dim3A_406, %lt3A_408 : vector<16xi32>
        %add3A_410 = arith.constant 16 : i32
        %add3A_411 = vector.broadcast %add3A_410 : i32 to vector<16xi32>
        %add3A_412 = arith.addi %broadcast_in_dim3A_406, %add3A_411 : vector<16xi32>
        %select_n3A_413 = arith.select %lt3A_409, %add3A_412, %broadcast_in_dim3A_406 : vector<16xi1>, vector<16xi32>
        %reshape3A_414 = vector.shape_cast %select_n3A_413 : vector<16xi32> to vector<16x1xi32>
        %gather3A_415 = vector.shape_cast %reshape3A_414 : vector<16x1xi32> to vector<16xi32>
        %gather3A_416 = tpu.dynamic_gather %get3A_173[%gather3A_415] in [0] : vector<16xf32>, vector<16xi32> -> vector<16xf32>
        %get3A_417 = arith.index_cast %add3A_328 : i32 to index
        %get3A_418 = arith.constant 64 : index
        %get3A_419 = tpu.vector_load %arg11[%get3A_417, %get3A_418] {strides = array<i32>} : memref<80x128xf32, #tpu.memory_space<vmem>>, vector<16xf32>,
        %mul3A_420 = arith.mulf %get3A_419, %gather3A_416 : vector<16xf32>
        %swap3A_421 = arith.index_cast %add3A_328 : i32 to index
        %swap3A_422 = arith.constant 64 : index
        %swap3A_423 = tpu.vector_load %arg11[%swap3A_421, %swap3A_422] {strides = array<i32>} : memref<80x128xf32, #tpu.memory_space<vmem>>, vector<16xf32>,
        tpu.vector_store %arg11[%swap3A_421, %swap3A_422], %mul3A_420 {strides = array<i32>} : memref<80x128xf32, #tpu.memory_space<vmem>>, vector<16xf32>,
        %broadcast_in_dim3A_424 = arith.constant 6 : i32
        %broadcast_in_dim3A_425 = vector.broadcast %broadcast_in_dim3A_424 : i32 to vector<16xi32>
        %lt3A_426 = arith.constant 0 : i32
        %lt3A_427 = vector.broadcast %lt3A_426 : i32 to vector<16xi32>
        %lt3A_428 = arith.cmpi slt, %broadcast_in_dim3A_425, %lt3A_427 : vector<16xi32>
        %add3A_429 = arith.constant 16 : i32
        %add3A_430 = vector.broadcast %add3A_429 : i32 to vector<16xi32>
        %add3A_431 = arith.addi %broadcast_in_dim3A_425, %add3A_430 : vector<16xi32>
        %select_n3A_432 = arith.select %lt3A_428, %add3A_431, %broadcast_in_dim3A_425 : vector<16xi1>, vector<16xi32>
        %reshape3A_433 = vector.shape_cast %select_n3A_432 : vector<16xi32> to vector<16x1xi32>
        %gather3A_434 = vector.shape_cast %reshape3A_433 : vector<16x1xi32> to vector<16xi32>
        %gather3A_435 = tpu.dynamic_gather %get3A_173[%gather3A_434] in [0] : vector<16xf32>, vector<16xi32> -> vector<16xf32>
        %get3A_436 = arith.index_cast %add3A_328 : i32 to index
        %get3A_437 = arith.constant 80 : index
        %get3A_438 = tpu.vector_load %arg11[%get3A_436, %get3A_437] {strides = array<i32>} : memref<80x128xf32, #tpu.memory_space<vmem>>, vector<16xf32>,
        %mul3A_439 = arith.mulf %get3A_438, %gather3A_435 : vector<16xf32>
        %swap3A_440 = arith.index_cast %add3A_328 : i32 to index
        %swap3A_441 = arith.constant 80 : index
        %swap3A_442 = tpu.vector_load %arg11[%swap3A_440, %swap3A_441] {strides = array<i32>} : memref<80x128xf32, #tpu.memory_space<vmem>>, vector<16xf32>,
        tpu.vector_store %arg11[%swap3A_440, %swap3A_441], %mul3A_439 {strides = array<i32>} : memref<80x128xf32, #tpu.memory_space<vmem>>, vector<16xf32>,
        %broadcast_in_dim3A_443 = arith.constant 7 : i32
        %broadcast_in_dim3A_444 = vector.broadcast %broadcast_in_dim3A_443 : i32 to vector<16xi32>
        %lt3A_445 = arith.constant 0 : i32
        %lt3A_446 = vector.broadcast %lt3A_445 : i32 to vector<16xi32>
        %lt3A_447 = arith.cmpi slt, %broadcast_in_dim3A_444, %lt3A_446 : vector<16xi32>
        %add3A_448 = arith.constant 16 : i32
        %add3A_449 = vector.broadcast %add3A_448 : i32 to vector<16xi32>
        %add3A_450 = arith.addi %broadcast_in_dim3A_444, %add3A_449 : vector<16xi32>
        %select_n3A_451 = arith.select %lt3A_447, %add3A_450, %broadcast_in_dim3A_444 : vector<16xi1>, vector<16xi32>
        %reshape3A_452 = vector.shape_cast %select_n3A_451 : vector<16xi32> to vector<16x1xi32>
        %gather3A_453 = vector.shape_cast %reshape3A_452 : vector<16x1xi32> to vector<16xi32>
        %gather3A_454 = tpu.dynamic_gather %get3A_173[%gather3A_453] in [0] : vector<16xf32>, vector<16xi32> -> vector<16xf32>
        %get3A_455 = arith.index_cast %add3A_328 : i32 to index
        %get3A_456 = arith.constant 96 : index
        %get3A_457 = tpu.vector_load %arg11[%get3A_455, %get3A_456] {strides = array<i32>} : memref<80x128xf32, #tpu.memory_space<vmem>>, vector<16xf32>,
        %mul3A_458 = arith.mulf %get3A_457, %gather3A_454 : vector<16xf32>
        %swap3A_459 = arith.index_cast %add3A_328 : i32 to index
        %swap3A_460 = arith.constant 96 : index
        %swap3A_461 = tpu.vector_load %arg11[%swap3A_459, %swap3A_460] {strides = array<i32>} : memref<80x128xf32, #tpu.memory_space<vmem>>, vector<16xf32>,
        tpu.vector_store %arg11[%swap3A_459, %swap3A_460], %mul3A_458 {strides = array<i32>} : memref<80x128xf32, #tpu.memory_space<vmem>>, vector<16xf32>,
        %broadcast_in_dim3A_462 = arith.constant 7 : i32
        %broadcast_in_dim3A_463 = vector.broadcast %broadcast_in_dim3A_462 : i32 to vector<16xi32>
        %lt3A_464 = arith.constant 0 : i32
        %lt3A_465 = vector.broadcast %lt3A_464 : i32 to vector<16xi32>
        %lt3A_466 = arith.cmpi slt, %broadcast_in_dim3A_463, %lt3A_465 : vector<16xi32>
        %add3A_467 = arith.constant 16 : i32
        %add3A_468 = vector.broadcast %add3A_467 : i32 to vector<16xi32>
        %add3A_469 = arith.addi %broadcast_in_dim3A_463, %add3A_468 : vector<16xi32>
        %select_n3A_470 = arith.select %lt3A_466, %add3A_469, %broadcast_in_dim3A_463 : vector<16xi1>, vector<16xi32>
        %reshape3A_471 = vector.shape_cast %select_n3A_470 : vector<16xi32> to vector<16x1xi32>
        %gather3A_472 = vector.shape_cast %reshape3A_471 : vector<16x1xi32> to vector<16xi32>
        %gather3A_473 = tpu.dynamic_gather %get3A_173[%gather3A_472] in [0] : vector<16xf32>, vector<16xi32> -> vector<16xf32>
        %get3A_474 = arith.index_cast %add3A_328 : i32 to index
        %get3A_475 = arith.constant 112 : index
        %get3A_476 = tpu.vector_load %arg11[%get3A_474, %get3A_475] {strides = array<i32>} : memref<80x128xf32, #tpu.memory_space<vmem>>, vector<16xf32>,
        %mul3A_477 = arith.mulf %get3A_476, %gather3A_473 : vector<16xf32>
        %swap3A_478 = arith.index_cast %add3A_328 : i32 to index
        %swap3A_479 = arith.constant 112 : index
        %swap3A_480 = tpu.vector_load %arg11[%swap3A_478, %swap3A_479] {strides = array<i32>} : memref<80x128xf32, #tpu.memory_space<vmem>>, vector<16xf32>,
        tpu.vector_store %arg11[%swap3A_478, %swap3A_479], %mul3A_477 {strides = array<i32>} : memref<80x128xf32, #tpu.memory_space<vmem>>, vector<16xf32>,
        %mul3A_481 = arith.constant 4 : i32
        %mul3A_482 = arith.muli %scan3A_170, %mul3A_481 : i32
        %add3A_483 = arith.constant 2 : i32
        %add3A_484 = arith.addi %mul3A_482, %add3A_483 : i32
        %broadcast_in_dim3A_485 = arith.constant 8 : i32
        %broadcast_in_dim3A_486 = vector.broadcast %broadcast_in_dim3A_485 : i32 to vector<16xi32>
        %lt3A_487 = arith.constant 0 : i32
        %lt3A_488 = vector.broadcast %lt3A_487 : i32 to vector<16xi32>
        %lt3A_489 = arith.cmpi slt, %broadcast_in_dim3A_486, %lt3A_488 : vector<16xi32>
        %add3A_490 = arith.constant 16 : i32
        %add3A_491 = vector.broadcast %add3A_490 : i32 to vector<16xi32>
        %add3A_492 = arith.addi %broadcast_in_dim3A_486, %add3A_491 : vector<16xi32>
        %select_n3A_493 = arith.select %lt3A_489, %add3A_492, %broadcast_in_dim3A_486 : vector<16xi1>, vector<16xi32>
        %reshape3A_494 = vector.shape_cast %select_n3A_493 : vector<16xi32> to vector<16x1xi32>
        %gather3A_495 = vector.shape_cast %reshape3A_494 : vector<16x1xi32> to vector<16xi32>
        %gather3A_496 = tpu.dynamic_gather %get3A_173[%gather3A_495] in [0] : vector<16xf32>, vector<16xi32> -> vector<16xf32>
        %get3A_497 = arith.index_cast %add3A_484 : i32 to index
        %get3A_498 = arith.constant 0 : index
        %get3A_499 = tpu.vector_load %arg11[%get3A_497, %get3A_498] {strides = array<i32>} : memref<80x128xf32, #tpu.memory_space<vmem>>, vector<16xf32>,
        %mul3A_500 = arith.mulf %get3A_499, %gather3A_496 : vector<16xf32>
        %swap3A_501 = arith.index_cast %add3A_484 : i32 to index
        %swap3A_502 = arith.constant 0 : index
        %swap3A_503 = tpu.vector_load %arg11[%swap3A_501, %swap3A_502] {strides = array<i32>} : memref<80x128xf32, #tpu.memory_space<vmem>>, vector<16xf32>,
        tpu.vector_store %arg11[%swap3A_501, %swap3A_502], %mul3A_500 {strides = array<i32>} : memref<80x128xf32, #tpu.memory_space<vmem>>, vector<16xf32>,
        %broadcast_in_dim3A_504 = arith.constant 8 : i32
        %broadcast_in_dim3A_505 = vector.broadcast %broadcast_in_dim3A_504 : i32 to vector<16xi32>
        %lt3A_506 = arith.constant 0 : i32
        %lt3A_507 = vector.broadcast %lt3A_506 : i32 to vector<16xi32>
        %lt3A_508 = arith.cmpi slt, %broadcast_in_dim3A_505, %lt3A_507 : vector<16xi32>
        %add3A_509 = arith.constant 16 : i32
        %add3A_510 = vector.broadcast %add3A_509 : i32 to vector<16xi32>
        %add3A_511 = arith.addi %broadcast_in_dim3A_505, %add3A_510 : vector<16xi32>
        %select_n3A_512 = arith.select %lt3A_508, %add3A_511, %broadcast_in_dim3A_505 : vector<16xi1>, vector<16xi32>
        %reshape3A_513 = vector.shape_cast %select_n3A_512 : vector<16xi32> to vector<16x1xi32>
        %gather3A_514 = vector.shape_cast %reshape3A_513 : vector<16x1xi32> to vector<16xi32>
        %gather3A_515 = tpu.dynamic_gather %get3A_173[%gather3A_514] in [0] : vector<16xf32>, vector<16xi32> -> vector<16xf32>
        %get3A_516 = arith.index_cast %add3A_484 : i32 to index
        %get3A_517 = arith.constant 16 : index
        %get3A_518 = tpu.vector_load %arg11[%get3A_516, %get3A_517] {strides = array<i32>} : memref<80x128xf32, #tpu.memory_space<vmem>>, vector<16xf32>,
        %mul3A_519 = arith.mulf %get3A_518, %gather3A_515 : vector<16xf32>
        %swap3A_520 = arith.index_cast %add3A_484 : i32 to index
        %swap3A_521 = arith.constant 16 : index
        %swap3A_522 = tpu.vector_load %arg11[%swap3A_520, %swap3A_521] {strides = array<i32>} : memref<80x128xf32, #tpu.memory_space<vmem>>, vector<16xf32>,
        tpu.vector_store %arg11[%swap3A_520, %swap3A_521], %mul3A_519 {strides = array<i32>} : memref<80x128xf32, #tpu.memory_space<vmem>>, vector<16xf32>,
        %broadcast_in_dim3A_523 = arith.constant 9 : i32
        %broadcast_in_dim3A_524 = vector.broadcast %broadcast_in_dim3A_523 : i32 to vector<16xi32>
        %lt3A_525 = arith.constant 0 : i32
        %lt3A_526 = vector.broadcast %lt3A_525 : i32 to vector<16xi32>
        %lt3A_527 = arith.cmpi slt, %broadcast_in_dim3A_524, %lt3A_526 : vector<16xi32>
        %add3A_528 = arith.constant 16 : i32
        %add3A_529 = vector.broadcast %add3A_528 : i32 to vector<16xi32>
        %add3A_530 = arith.addi %broadcast_in_dim3A_524, %add3A_529 : vector<16xi32>
        %select_n3A_531 = arith.select %lt3A_527, %add3A_530, %broadcast_in_dim3A_524 : vector<16xi1>, vector<16xi32>
        %reshape3A_532 = vector.shape_cast %select_n3A_531 : vector<16xi32> to vector<16x1xi32>
        %gather3A_533 = vector.shape_cast %reshape3A_532 : vector<16x1xi32> to vector<16xi32>
        %gather3A_534 = tpu.dynamic_gather %get3A_173[%gather3A_533] in [0] : vector<16xf32>, vector<16xi32> -> vector<16xf32>
        %get3A_535 = arith.index_cast %add3A_484 : i32 to index
        %get3A_536 = arith.constant 32 : index
        %get3A_537 = tpu.vector_load %arg11[%get3A_535, %get3A_536] {strides = array<i32>} : memref<80x128xf32, #tpu.memory_space<vmem>>, vector<16xf32>,
        %mul3A_538 = arith.mulf %get3A_537, %gather3A_534 : vector<16xf32>
        %swap3A_539 = arith.index_cast %add3A_484 : i32 to index
        %swap3A_540 = arith.constant 32 : index
        %swap3A_541 = tpu.vector_load %arg11[%swap3A_539, %swap3A_540] {strides = array<i32>} : memref<80x128xf32, #tpu.memory_space<vmem>>, vector<16xf32>,
        tpu.vector_store %arg11[%swap3A_539, %swap3A_540], %mul3A_538 {strides = array<i32>} : memref<80x128xf32, #tpu.memory_space<vmem>>, vector<16xf32>,
        %broadcast_in_dim3A_542 = arith.constant 9 : i32
        %broadcast_in_dim3A_543 = vector.broadcast %broadcast_in_dim3A_542 : i32 to vector<16xi32>
        %lt3A_544 = arith.constant 0 : i32
        %lt3A_545 = vector.broadcast %lt3A_544 : i32 to vector<16xi32>
        %lt3A_546 = arith.cmpi slt, %broadcast_in_dim3A_543, %lt3A_545 : vector<16xi32>
        %add3A_547 = arith.constant 16 : i32
        %add3A_548 = vector.broadcast %add3A_547 : i32 to vector<16xi32>
        %add3A_549 = arith.addi %broadcast_in_dim3A_543, %add3A_548 : vector<16xi32>
        %select_n3A_550 = arith.select %lt3A_546, %add3A_549, %broadcast_in_dim3A_543 : vector<16xi1>, vector<16xi32>
        %reshape3A_551 = vector.shape_cast %select_n3A_550 : vector<16xi32> to vector<16x1xi32>
        %gather3A_552 = vector.shape_cast %reshape3A_551 : vector<16x1xi32> to vector<16xi32>
        %gather3A_553 = tpu.dynamic_gather %get3A_173[%gather3A_552] in [0] : vector<16xf32>, vector<16xi32> -> vector<16xf32>
        %get3A_554 = arith.index_cast %add3A_484 : i32 to index
        %get3A_555 = arith.constant 48 : index
        %get3A_556 = tpu.vector_load %arg11[%get3A_554, %get3A_555] {strides = array<i32>} : memref<80x128xf32, #tpu.memory_space<vmem>>, vector<16xf32>,
        %mul3A_557 = arith.mulf %get3A_556, %gather3A_553 : vector<16xf32>
        %swap3A_558 = arith.index_cast %add3A_484 : i32 to index
        %swap3A_559 = arith.constant 48 : index
        %swap3A_560 = tpu.vector_load %arg11[%swap3A_558, %swap3A_559] {strides = array<i32>} : memref<80x128xf32, #tpu.memory_space<vmem>>, vector<16xf32>,
        tpu.vector_store %arg11[%swap3A_558, %swap3A_559], %mul3A_557 {strides = array<i32>} : memref<80x128xf32, #tpu.memory_space<vmem>>, vector<16xf32>,
        %broadcast_in_dim3A_561 = arith.constant 10 : i32
        %broadcast_in_dim3A_562 = vector.broadcast %broadcast_in_dim3A_561 : i32 to vector<16xi32>
        %lt3A_563 = arith.constant 0 : i32
        %lt3A_564 = vector.broadcast %lt3A_563 : i32 to vector<16xi32>
        %lt3A_565 = arith.cmpi slt, %broadcast_in_dim3A_562, %lt3A_564 : vector<16xi32>
        %add3A_566 = arith.constant 16 : i32
        %add3A_567 = vector.broadcast %add3A_566 : i32 to vector<16xi32>
        %add3A_568 = arith.addi %broadcast_in_dim3A_562, %add3A_567 : vector<16xi32>
        %select_n3A_569 = arith.select %lt3A_565, %add3A_568, %broadcast_in_dim3A_562 : vector<16xi1>, vector<16xi32>
        %reshape3A_570 = vector.shape_cast %select_n3A_569 : vector<16xi32> to vector<16x1xi32>
        %gather3A_571 = vector.shape_cast %reshape3A_570 : vector<16x1xi32> to vector<16xi32>
        %gather3A_572 = tpu.dynamic_gather %get3A_173[%gather3A_571] in [0] : vector<16xf32>, vector<16xi32> -> vector<16xf32>
        %get3A_573 = arith.index_cast %add3A_484 : i32 to index
        %get3A_574 = arith.constant 64 : index
        %get3A_575 = tpu.vector_load %arg11[%get3A_573, %get3A_574] {strides = array<i32>} : memref<80x128xf32, #tpu.memory_space<vmem>>, vector<16xf32>,
        %mul3A_576 = arith.mulf %get3A_575, %gather3A_572 : vector<16xf32>
        %swap3A_577 = arith.index_cast %add3A_484 : i32 to index
        %swap3A_578 = arith.constant 64 : index
        %swap3A_579 = tpu.vector_load %arg11[%swap3A_577, %swap3A_578] {strides = array<i32>} : memref<80x128xf32, #tpu.memory_space<vmem>>, vector<16xf32>,
        tpu.vector_store %arg11[%swap3A_577, %swap3A_578], %mul3A_576 {strides = array<i32>} : memref<80x128xf32, #tpu.memory_space<vmem>>, vector<16xf32>,
        %broadcast_in_dim3A_580 = arith.constant 10 : i32
        %broadcast_in_dim3A_581 = vector.broadcast %broadcast_in_dim3A_580 : i32 to vector<16xi32>
        %lt3A_582 = arith.constant 0 : i32
        %lt3A_583 = vector.broadcast %lt3A_582 : i32 to vector<16xi32>
        %lt3A_584 = arith.cmpi slt, %broadcast_in_dim3A_581, %lt3A_583 : vector<16xi32>
        %add3A_585 = arith.constant 16 : i32
        %add3A_586 = vector.broadcast %add3A_585 : i32 to vector<16xi32>
        %add3A_587 = arith.addi %broadcast_in_dim3A_581, %add3A_586 : vector<16xi32>
        %select_n3A_588 = arith.select %lt3A_584, %add3A_587, %broadcast_in_dim3A_581 : vector<16xi1>, vector<16xi32>
        %reshape3A_589 = vector.shape_cast %select_n3A_588 : vector<16xi32> to vector<16x1xi32>
        %gather3A_590 = vector.shape_cast %reshape3A_589 : vector<16x1xi32> to vector<16xi32>
        %gather3A_591 = tpu.dynamic_gather %get3A_173[%gather3A_590] in [0] : vector<16xf32>, vector<16xi32> -> vector<16xf32>
        %get3A_592 = arith.index_cast %add3A_484 : i32 to index
        %get3A_593 = arith.constant 80 : index
        %get3A_594 = tpu.vector_load %arg11[%get3A_592, %get3A_593] {strides = array<i32>} : memref<80x128xf32, #tpu.memory_space<vmem>>, vector<16xf32>,
        %mul3A_595 = arith.mulf %get3A_594, %gather3A_591 : vector<16xf32>
        %swap3A_596 = arith.index_cast %add3A_484 : i32 to index
        %swap3A_597 = arith.constant 80 : index
        %swap3A_598 = tpu.vector_load %arg11[%swap3A_596, %swap3A_597] {strides = array<i32>} : memref<80x128xf32, #tpu.memory_space<vmem>>, vector<16xf32>,
        tpu.vector_store %arg11[%swap3A_596, %swap3A_597], %mul3A_595 {strides = array<i32>} : memref<80x128xf32, #tpu.memory_space<vmem>>, vector<16xf32>,
        %broadcast_in_dim3A_599 = arith.constant 11 : i32
        %broadcast_in_dim3A_600 = vector.broadcast %broadcast_in_dim3A_599 : i32 to vector<16xi32>
        %lt3A_601 = arith.constant 0 : i32
        %lt3A_602 = vector.broadcast %lt3A_601 : i32 to vector<16xi32>
        %lt3A_603 = arith.cmpi slt, %broadcast_in_dim3A_600, %lt3A_602 : vector<16xi32>
        %add3A_604 = arith.constant 16 : i32
        %add3A_605 = vector.broadcast %add3A_604 : i32 to vector<16xi32>
        %add3A_606 = arith.addi %broadcast_in_dim3A_600, %add3A_605 : vector<16xi32>
        %select_n3A_607 = arith.select %lt3A_603, %add3A_606, %broadcast_in_dim3A_600 : vector<16xi1>, vector<16xi32>
        %reshape3A_608 = vector.shape_cast %select_n3A_607 : vector<16xi32> to vector<16x1xi32>
        %gather3A_609 = vector.shape_cast %reshape3A_608 : vector<16x1xi32> to vector<16xi32>
        %gather3A_610 = tpu.dynamic_gather %get3A_173[%gather3A_609] in [0] : vector<16xf32>, vector<16xi32> -> vector<16xf32>
        %get3A_611 = arith.index_cast %add3A_484 : i32 to index
        %get3A_612 = arith.constant 96 : index
        %get3A_613 = tpu.vector_load %arg11[%get3A_611, %get3A_612] {strides = array<i32>} : memref<80x128xf32, #tpu.memory_space<vmem>>, vector<16xf32>,
        %mul3A_614 = arith.mulf %get3A_613, %gather3A_610 : vector<16xf32>
        %swap3A_615 = arith.index_cast %add3A_484 : i32 to index
        %swap3A_616 = arith.constant 96 : index
        %swap3A_617 = tpu.vector_load %arg11[%swap3A_615, %swap3A_616] {strides = array<i32>} : memref<80x128xf32, #tpu.memory_space<vmem>>, vector<16xf32>,
        tpu.vector_store %arg11[%swap3A_615, %swap3A_616], %mul3A_614 {strides = array<i32>} : memref<80x128xf32, #tpu.memory_space<vmem>>, vector<16xf32>,
        %broadcast_in_dim3A_618 = arith.constant 11 : i32
        %broadcast_in_dim3A_619 = vector.broadcast %broadcast_in_dim3A_618 : i32 to vector<16xi32>
        %lt3A_620 = arith.constant 0 : i32
        %lt3A_621 = vector.broadcast %lt3A_620 : i32 to vector<16xi32>
        %lt3A_622 = arith.cmpi slt, %broadcast_in_dim3A_619, %lt3A_621 : vector<16xi32>
        %add3A_623 = arith.constant 16 : i32
        %add3A_624 = vector.broadcast %add3A_623 : i32 to vector<16xi32>
        %add3A_625 = arith.addi %broadcast_in_dim3A_619, %add3A_624 : vector<16xi32>
        %select_n3A_626 = arith.select %lt3A_622, %add3A_625, %broadcast_in_dim3A_619 : vector<16xi1>, vector<16xi32>
        %reshape3A_627 = vector.shape_cast %select_n3A_626 : vector<16xi32> to vector<16x1xi32>
        %gather3A_628 = vector.shape_cast %reshape3A_627 : vector<16x1xi32> to vector<16xi32>
        %gather3A_629 = tpu.dynamic_gather %get3A_173[%gather3A_628] in [0] : vector<16xf32>, vector<16xi32> -> vector<16xf32>
        %get3A_630 = arith.index_cast %add3A_484 : i32 to index
        %get3A_631 = arith.constant 112 : index
        %get3A_632 = tpu.vector_load %arg11[%get3A_630, %get3A_631] {strides = array<i32>} : memref<80x128xf32, #tpu.memory_space<vmem>>, vector<16xf32>,
        %mul3A_633 = arith.mulf %get3A_632, %gather3A_629 : vector<16xf32>
        %swap3A_634 = arith.index_cast %add3A_484 : i32 to index
        %swap3A_635 = arith.constant 112 : index
        %swap3A_636 = tpu.vector_load %arg11[%swap3A_634, %swap3A_635] {strides = array<i32>} : memref<80x128xf32, #tpu.memory_space<vmem>>, vector<16xf32>,
        tpu.vector_store %arg11[%swap3A_634, %swap3A_635], %mul3A_633 {strides = array<i32>} : memref<80x128xf32, #tpu.memory_space<vmem>>, vector<16xf32>,
        %mul3A_637 = arith.constant 4 : i32
        %mul3A_638 = arith.muli %scan3A_170, %mul3A_637 : i32
        %add3A_639 = arith.constant 3 : i32
        %add3A_640 = arith.addi %mul3A_638, %add3A_639 : i32
        %broadcast_in_dim3A_641 = arith.constant 12 : i32
        %broadcast_in_dim3A_642 = vector.broadcast %broadcast_in_dim3A_641 : i32 to vector<16xi32>
        %lt3A_643 = arith.constant 0 : i32
        %lt3A_644 = vector.broadcast %lt3A_643 : i32 to vector<16xi32>
        %lt3A_645 = arith.cmpi slt, %broadcast_in_dim3A_642, %lt3A_644 : vector<16xi32>
        %add3A_646 = arith.constant 16 : i32
        %add3A_647 = vector.broadcast %add3A_646 : i32 to vector<16xi32>
        %add3A_648 = arith.addi %broadcast_in_dim3A_642, %add3A_647 : vector<16xi32>
        %select_n3A_649 = arith.select %lt3A_645, %add3A_648, %broadcast_in_dim3A_642 : vector<16xi1>, vector<16xi32>
        %reshape3A_650 = vector.shape_cast %select_n3A_649 : vector<16xi32> to vector<16x1xi32>
        %gather3A_651 = vector.shape_cast %reshape3A_650 : vector<16x1xi32> to vector<16xi32>
        %gather3A_652 = tpu.dynamic_gather %get3A_173[%gather3A_651] in [0] : vector<16xf32>, vector<16xi32> -> vector<16xf32>
        %get3A_653 = arith.index_cast %add3A_640 : i32 to index
        %get3A_654 = arith.constant 0 : index
        %get3A_655 = tpu.vector_load %arg11[%get3A_653, %get3A_654] {strides = array<i32>} : memref<80x128xf32, #tpu.memory_space<vmem>>, vector<16xf32>,
        %mul3A_656 = arith.mulf %get3A_655, %gather3A_652 : vector<16xf32>
        %swap3A_657 = arith.index_cast %add3A_640 : i32 to index
        %swap3A_658 = arith.constant 0 : index
        %swap3A_659 = tpu.vector_load %arg11[%swap3A_657, %swap3A_658] {strides = array<i32>} : memref<80x128xf32, #tpu.memory_space<vmem>>, vector<16xf32>,
        tpu.vector_store %arg11[%swap3A_657, %swap3A_658], %mul3A_656 {strides = array<i32>} : memref<80x128xf32, #tpu.memory_space<vmem>>, vector<16xf32>,
        %broadcast_in_dim3A_660 = arith.constant 12 : i32
        %broadcast_in_dim3A_661 = vector.broadcast %broadcast_in_dim3A_660 : i32 to vector<16xi32>
        %lt3A_662 = arith.constant 0 : i32
        %lt3A_663 = vector.broadcast %lt3A_662 : i32 to vector<16xi32>
        %lt3A_664 = arith.cmpi slt, %broadcast_in_dim3A_661, %lt3A_663 : vector<16xi32>
        %add3A_665 = arith.constant 16 : i32
        %add3A_666 = vector.broadcast %add3A_665 : i32 to vector<16xi32>
        %add3A_667 = arith.addi %broadcast_in_dim3A_661, %add3A_666 : vector<16xi32>
        %select_n3A_668 = arith.select %lt3A_664, %add3A_667, %broadcast_in_dim3A_661 : vector<16xi1>, vector<16xi32>
        %reshape3A_669 = vector.shape_cast %select_n3A_668 : vector<16xi32> to vector<16x1xi32>
        %gather3A_670 = vector.shape_cast %reshape3A_669 : vector<16x1xi32> to vector<16xi32>
        %gather3A_671 = tpu.dynamic_gather %get3A_173[%gather3A_670] in [0] : vector<16xf32>, vector<16xi32> -> vector<16xf32>
        %get3A_672 = arith.index_cast %add3A_640 : i32 to index
        %get3A_673 = arith.constant 16 : index
        %get3A_674 = tpu.vector_load %arg11[%get3A_672, %get3A_673] {strides = array<i32>} : memref<80x128xf32, #tpu.memory_space<vmem>>, vector<16xf32>,
        %mul3A_675 = arith.mulf %get3A_674, %gather3A_671 : vector<16xf32>
        %swap3A_676 = arith.index_cast %add3A_640 : i32 to index
        %swap3A_677 = arith.constant 16 : index
        %swap3A_678 = tpu.vector_load %arg11[%swap3A_676, %swap3A_677] {strides = array<i32>} : memref<80x128xf32, #tpu.memory_space<vmem>>, vector<16xf32>,
        tpu.vector_store %arg11[%swap3A_676, %swap3A_677], %mul3A_675 {strides = array<i32>} : memref<80x128xf32, #tpu.memory_space<vmem>>, vector<16xf32>,
        %broadcast_in_dim3A_679 = arith.constant 13 : i32
        %broadcast_in_dim3A_680 = vector.broadcast %broadcast_in_dim3A_679 : i32 to vector<16xi32>
        %lt3A_681 = arith.constant 0 : i32
        %lt3A_682 = vector.broadcast %lt3A_681 : i32 to vector<16xi32>
        %lt3A_683 = arith.cmpi slt, %broadcast_in_dim3A_680, %lt3A_682 : vector<16xi32>
        %add3A_684 = arith.constant 16 : i32
        %add3A_685 = vector.broadcast %add3A_684 : i32 to vector<16xi32>
        %add3A_686 = arith.addi %broadcast_in_dim3A_680, %add3A_685 : vector<16xi32>
        %select_n3A_687 = arith.select %lt3A_683, %add3A_686, %broadcast_in_dim3A_680 : vector<16xi1>, vector<16xi32>
        %reshape3A_688 = vector.shape_cast %select_n3A_687 : vector<16xi32> to vector<16x1xi32>
        %gather3A_689 = vector.shape_cast %reshape3A_688 : vector<16x1xi32> to vector<16xi32>
        %gather3A_690 = tpu.dynamic_gather %get3A_173[%gather3A_689] in [0] : vector<16xf32>, vector<16xi32> -> vector<16xf32>
        %get3A_691 = arith.index_cast %add3A_640 : i32 to index
        %get3A_692 = arith.constant 32 : index
        %get3A_693 = tpu.vector_load %arg11[%get3A_691, %get3A_692] {strides = array<i32>} : memref<80x128xf32, #tpu.memory_space<vmem>>, vector<16xf32>,
        %mul3A_694 = arith.mulf %get3A_693, %gather3A_690 : vector<16xf32>
        %swap3A_695 = arith.index_cast %add3A_640 : i32 to index
        %swap3A_696 = arith.constant 32 : index
        %swap3A_697 = tpu.vector_load %arg11[%swap3A_695, %swap3A_696] {strides = array<i32>} : memref<80x128xf32, #tpu.memory_space<vmem>>, vector<16xf32>,
        tpu.vector_store %arg11[%swap3A_695, %swap3A_696], %mul3A_694 {strides = array<i32>} : memref<80x128xf32, #tpu.memory_space<vmem>>, vector<16xf32>,
        %broadcast_in_dim3A_698 = arith.constant 13 : i32
        %broadcast_in_dim3A_699 = vector.broadcast %broadcast_in_dim3A_698 : i32 to vector<16xi32>
        %lt3A_700 = arith.constant 0 : i32
        %lt3A_701 = vector.broadcast %lt3A_700 : i32 to vector<16xi32>
        %lt3A_702 = arith.cmpi slt, %broadcast_in_dim3A_699, %lt3A_701 : vector<16xi32>
        %add3A_703 = arith.constant 16 : i32
        %add3A_704 = vector.broadcast %add3A_703 : i32 to vector<16xi32>
        %add3A_705 = arith.addi %broadcast_in_dim3A_699, %add3A_704 : vector<16xi32>
        %select_n3A_706 = arith.select %lt3A_702, %add3A_705, %broadcast_in_dim3A_699 : vector<16xi1>, vector<16xi32>
        %reshape3A_707 = vector.shape_cast %select_n3A_706 : vector<16xi32> to vector<16x1xi32>
        %gather3A_708 = vector.shape_cast %reshape3A_707 : vector<16x1xi32> to vector<16xi32>
        %gather3A_709 = tpu.dynamic_gather %get3A_173[%gather3A_708] in [0] : vector<16xf32>, vector<16xi32> -> vector<16xf32>
        %get3A_710 = arith.index_cast %add3A_640 : i32 to index
        %get3A_711 = arith.constant 48 : index
        %get3A_712 = tpu.vector_load %arg11[%get3A_710, %get3A_711] {strides = array<i32>} : memref<80x128xf32, #tpu.memory_space<vmem>>, vector<16xf32>,
        %mul3A_713 = arith.mulf %get3A_712, %gather3A_709 : vector<16xf32>
        %swap3A_714 = arith.index_cast %add3A_640 : i32 to index
        %swap3A_715 = arith.constant 48 : index
        %swap3A_716 = tpu.vector_load %arg11[%swap3A_714, %swap3A_715] {strides = array<i32>} : memref<80x128xf32, #tpu.memory_space<vmem>>, vector<16xf32>,
        tpu.vector_store %arg11[%swap3A_714, %swap3A_715], %mul3A_713 {strides = array<i32>} : memref<80x128xf32, #tpu.memory_space<vmem>>, vector<16xf32>,
        %broadcast_in_dim3A_717 = arith.constant 14 : i32
        %broadcast_in_dim3A_718 = vector.broadcast %broadcast_in_dim3A_717 : i32 to vector<16xi32>
        %lt3A_719 = arith.constant 0 : i32
        %lt3A_720 = vector.broadcast %lt3A_719 : i32 to vector<16xi32>
        %lt3A_721 = arith.cmpi slt, %broadcast_in_dim3A_718, %lt3A_720 : vector<16xi32>
        %add3A_722 = arith.constant 16 : i32
        %add3A_723 = vector.broadcast %add3A_722 : i32 to vector<16xi32>
        %add3A_724 = arith.addi %broadcast_in_dim3A_718, %add3A_723 : vector<16xi32>
        %select_n3A_725 = arith.select %lt3A_721, %add3A_724, %broadcast_in_dim3A_718 : vector<16xi1>, vector<16xi32>
        %reshape3A_726 = vector.shape_cast %select_n3A_725 : vector<16xi32> to vector<16x1xi32>
        %gather3A_727 = vector.shape_cast %reshape3A_726 : vector<16x1xi32> to vector<16xi32>
        %gather3A_728 = tpu.dynamic_gather %get3A_173[%gather3A_727] in [0] : vector<16xf32>, vector<16xi32> -> vector<16xf32>
        %get3A_729 = arith.index_cast %add3A_640 : i32 to index
        %get3A_730 = arith.constant 64 : index
        %get3A_731 = tpu.vector_load %arg11[%get3A_729, %get3A_730] {strides = array<i32>} : memref<80x128xf32, #tpu.memory_space<vmem>>, vector<16xf32>,
        %mul3A_732 = arith.mulf %get3A_731, %gather3A_728 : vector<16xf32>
        %swap3A_733 = arith.index_cast %add3A_640 : i32 to index
        %swap3A_734 = arith.constant 64 : index
        %swap3A_735 = tpu.vector_load %arg11[%swap3A_733, %swap3A_734] {strides = array<i32>} : memref<80x128xf32, #tpu.memory_space<vmem>>, vector<16xf32>,
        tpu.vector_store %arg11[%swap3A_733, %swap3A_734], %mul3A_732 {strides = array<i32>} : memref<80x128xf32, #tpu.memory_space<vmem>>, vector<16xf32>,
        %broadcast_in_dim3A_736 = arith.constant 14 : i32
        %broadcast_in_dim3A_737 = vector.broadcast %broadcast_in_dim3A_736 : i32 to vector<16xi32>
        %lt3A_738 = arith.constant 0 : i32
        %lt3A_739 = vector.broadcast %lt3A_738 : i32 to vector<16xi32>
        %lt3A_740 = arith.cmpi slt, %broadcast_in_dim3A_737, %lt3A_739 : vector<16xi32>
        %add3A_741 = arith.constant 16 : i32
        %add3A_742 = vector.broadcast %add3A_741 : i32 to vector<16xi32>
        %add3A_743 = arith.addi %broadcast_in_dim3A_737, %add3A_742 : vector<16xi32>
        %select_n3A_744 = arith.select %lt3A_740, %add3A_743, %broadcast_in_dim3A_737 : vector<16xi1>, vector<16xi32>
        %reshape3A_745 = vector.shape_cast %select_n3A_744 : vector<16xi32> to vector<16x1xi32>
        %gather3A_746 = vector.shape_cast %reshape3A_745 : vector<16x1xi32> to vector<16xi32>
        %gather3A_747 = tpu.dynamic_gather %get3A_173[%gather3A_746] in [0] : vector<16xf32>, vector<16xi32> -> vector<16xf32>
        %get3A_748 = arith.index_cast %add3A_640 : i32 to index
        %get3A_749 = arith.constant 80 : index
        %get3A_750 = tpu.vector_load %arg11[%get3A_748, %get3A_749] {strides = array<i32>} : memref<80x128xf32, #tpu.memory_space<vmem>>, vector<16xf32>,
        %mul3A_751 = arith.mulf %get3A_750, %gather3A_747 : vector<16xf32>
        %swap3A_752 = arith.index_cast %add3A_640 : i32 to index
        %swap3A_753 = arith.constant 80 : index
        %swap3A_754 = tpu.vector_load %arg11[%swap3A_752, %swap3A_753] {strides = array<i32>} : memref<80x128xf32, #tpu.memory_space<vmem>>, vector<16xf32>,
        tpu.vector_store %arg11[%swap3A_752, %swap3A_753], %mul3A_751 {strides = array<i32>} : memref<80x128xf32, #tpu.memory_space<vmem>>, vector<16xf32>,
        %broadcast_in_dim3A_755 = arith.constant 15 : i32
        %broadcast_in_dim3A_756 = vector.broadcast %broadcast_in_dim3A_755 : i32 to vector<16xi32>
        %lt3A_757 = arith.constant 0 : i32
        %lt3A_758 = vector.broadcast %lt3A_757 : i32 to vector<16xi32>
        %lt3A_759 = arith.cmpi slt, %broadcast_in_dim3A_756, %lt3A_758 : vector<16xi32>
        %add3A_760 = arith.constant 16 : i32
        %add3A_761 = vector.broadcast %add3A_760 : i32 to vector<16xi32>
        %add3A_762 = arith.addi %broadcast_in_dim3A_756, %add3A_761 : vector<16xi32>
        %select_n3A_763 = arith.select %lt3A_759, %add3A_762, %broadcast_in_dim3A_756 : vector<16xi1>, vector<16xi32>
        %reshape3A_764 = vector.shape_cast %select_n3A_763 : vector<16xi32> to vector<16x1xi32>
        %gather3A_765 = vector.shape_cast %reshape3A_764 : vector<16x1xi32> to vector<16xi32>
        %gather3A_766 = tpu.dynamic_gather %get3A_173[%gather3A_765] in [0] : vector<16xf32>, vector<16xi32> -> vector<16xf32>
        %get3A_767 = arith.index_cast %add3A_640 : i32 to index
        %get3A_768 = arith.constant 96 : index
        %get3A_769 = tpu.vector_load %arg11[%get3A_767, %get3A_768] {strides = array<i32>} : memref<80x128xf32, #tpu.memory_space<vmem>>, vector<16xf32>,
        %mul3A_770 = arith.mulf %get3A_769, %gather3A_766 : vector<16xf32>
        %swap3A_771 = arith.index_cast %add3A_640 : i32 to index
        %swap3A_772 = arith.constant 96 : index
        %swap3A_773 = tpu.vector_load %arg11[%swap3A_771, %swap3A_772] {strides = array<i32>} : memref<80x128xf32, #tpu.memory_space<vmem>>, vector<16xf32>,
        tpu.vector_store %arg11[%swap3A_771, %swap3A_772], %mul3A_770 {strides = array<i32>} : memref<80x128xf32, #tpu.memory_space<vmem>>, vector<16xf32>,
        %broadcast_in_dim3A_774 = arith.constant 15 : i32
        %broadcast_in_dim3A_775 = vector.broadcast %broadcast_in_dim3A_774 : i32 to vector<16xi32>
        %lt3A_776 = arith.constant 0 : i32
        %lt3A_777 = vector.broadcast %lt3A_776 : i32 to vector<16xi32>
        %lt3A_778 = arith.cmpi slt, %broadcast_in_dim3A_775, %lt3A_777 : vector<16xi32>
        %add3A_779 = arith.constant 16 : i32
        %add3A_780 = vector.broadcast %add3A_779 : i32 to vector<16xi32>
        %add3A_781 = arith.addi %broadcast_in_dim3A_775, %add3A_780 : vector<16xi32>
        %select_n3A_782 = arith.select %lt3A_778, %add3A_781, %broadcast_in_dim3A_775 : vector<16xi1>, vector<16xi32>
        %reshape3A_783 = vector.shape_cast %select_n3A_782 : vector<16xi32> to vector<16x1xi32>
        %gather3A_784 = vector.shape_cast %reshape3A_783 : vector<16x1xi32> to vector<16xi32>
        %gather3A_785 = tpu.dynamic_gather %get3A_173[%gather3A_784] in [0] : vector<16xf32>, vector<16xi32> -> vector<16xf32>
        %get3A_786 = arith.index_cast %add3A_640 : i32 to index
        %get3A_787 = arith.constant 112 : index
        %get3A_788 = tpu.vector_load %arg11[%get3A_786, %get3A_787] {strides = array<i32>} : memref<80x128xf32, #tpu.memory_space<vmem>>, vector<16xf32>,
        %mul3A_789 = arith.mulf %get3A_788, %gather3A_785 : vector<16xf32>
        %swap3A_790 = arith.index_cast %add3A_640 : i32 to index
        %swap3A_791 = arith.constant 112 : index
        %swap3A_792 = tpu.vector_load %arg11[%swap3A_790, %swap3A_791] {strides = array<i32>} : memref<80x128xf32, #tpu.memory_space<vmem>>, vector<16xf32>,
        tpu.vector_store %arg11[%swap3A_790, %swap3A_791], %mul3A_789 {strides = array<i32>} : memref<80x128xf32, #tpu.memory_space<vmem>>, vector<16xf32>,
      }
      %scan3A_146 = arith.constant 20 : i32
      %dma_start3A_147 = arith.constant 0 : i32
      %dma_start3A_148 = arith.constant 0 : i32
      %dma_start3A_149 = tpu.memref_slice %arg19[%dma_start3A_147, %dma_start3A_148] : memref<10240x128xf32, #tpu.memory_space<vmem_shared>> -> memref<10240x128xf32, #tpu.memory_space<vmem_shared>>
      tpu.enqueue_indirect_dma source(%arg11 : memref<80x128xf32, #tpu.memory_space<vmem>>) target(%dma_start3A_149 : memref<10240x128xf32, #tpu.memory_space<vmem_shared>>) offsets(%arg10 : memref<80xi32, #tpu.memory_space<vmem>>) semaphore(%arg24 : memref<!tpu.dma_semaphore, #tpu.memory_space<semaphore_mem>>) {add = true}
      %dma_wait3A_150 = arith.constant 0 : i32
      %dma_wait3A_151 = arith.constant 0 : i32
      %dma_wait3A_152 = tpu.memref_slice %arg4[%dma_wait3A_150, %dma_wait3A_151] : memref<10000x128xf32, #tpu.memory_space<hbm>> -> memref<10000x128xf32, #tpu.memory_space<hbm>>
      tpu.wait_indirect_dma semaphore(%arg22 : memref<!tpu.dma_semaphore, #tpu.memory_space<semaphore_mem>>) src(%dma_wait3A_152 : memref<10000x128xf32, #tpu.memory_space<hbm>>) dst(%arg15 : memref<80x128xf32, #tpu.memory_space<vmem>>)
      %dma_wait3A_153 = tpu.memref_slice %arg5[%mul3A_133] : memref<1280000xf32, #tpu.memory_space<hbm>> -> memref<320xf32, #tpu.memory_space<hbm>>
      %dma_wait3A_154 = tpu.memref_slice %arg5[%mul3A_133] : memref<1280000xf32, #tpu.memory_space<hbm>> -> memref<320xf32, #tpu.memory_space<hbm>>
      tpu.wait_dma2 semaphore(%arg23 : memref<!tpu.dma_semaphore, #tpu.memory_space<semaphore_mem>>) src(%dma_wait3A_154 : memref<320xf32, #tpu.memory_space<hbm>>) dst(%arg16 : memref<320xf32, #tpu.memory_space<vmem>>)
      %scan3A_155 = arith.constant 0 : i32
      %scan3A_156 = arith.constant 0 : i32
      %scan3A_157 = arith.constant 20 : i32
      %scan3A_158 = arith.addi %scan3A_156, %scan3A_157 : i32
      %scan3A_159 = arith.constant 1 : i32
      scf.for %scan3A_170 = %scan3A_156 to %scan3A_158 step %scan3A_159  : i32 {
        %mul3A_171 = arith.constant 16 : i32
        %mul3A_172 = arith.muli %scan3A_170, %mul3A_171 : i32
        %get3A = arith.index_cast %mul3A_172 : i32 to index
        %get3A_173 = tpu.vector_load %arg16[%get3A] {strides = array<i32>} : memref<320xf32, #tpu.memory_space<vmem>>, vector<16xf32>,
        %mul3A_174 = arith.constant 4 : i32
        %mul3A_175 = arith.muli %scan3A_170, %mul3A_174 : i32
        %add3A_176 = arith.constant 0 : i32
        %add3A_177 = arith.addi %mul3A_175, %add3A_176 : i32
        %broadcast_in_dim3A_178 = arith.constant 0 : i32
        %broadcast_in_dim3A_179 = vector.broadcast %broadcast_in_dim3A_178 : i32 to vector<16xi32>
        %lt3A = arith.constant 0 : i32
        %lt3A_180 = vector.broadcast %lt3A : i32 to vector<16xi32>
        %lt3A_181 = arith.cmpi slt, %broadcast_in_dim3A_179, %lt3A_180 : vector<16xi32>
        %add3A_182 = arith.constant 16 : i32
        %add3A_183 = vector.broadcast %add3A_182 : i32 to vector<16xi32>
        %add3A_184 = arith.addi %broadcast_in_dim3A_179, %add3A_183 : vector<16xi32>
        %select_n3A = arith.select %lt3A_181, %add3A_184, %broadcast_in_dim3A_179 : vector<16xi1>, vector<16xi32>
        %reshape3A = vector.shape_cast %select_n3A : vector<16xi32> to vector<16x1xi32>
        %gather3A = vector.shape_cast %reshape3A : vector<16x1xi32> to vector<16xi32>
        %gather3A_185 = tpu.dynamic_gather %get3A_173[%gather3A] in [0] : vector<16xf32>, vector<16xi32> -> vector<16xf32>
        %get3A_186 = arith.index_cast %add3A_177 : i32 to index
        %get3A_187 = arith.constant 0 : index
        %get3A_188 = tpu.vector_load %arg15[%get3A_186, %get3A_187] {strides = array<i32>} : memref<80x128xf32, #tpu.memory_space<vmem>>, vector<16xf32>,
        %mul3A_189 = arith.mulf %get3A_188, %gather3A_185 : vector<16xf32>
        %swap3A = arith.index_cast %add3A_177 : i32 to index
        %swap3A_190 = arith.constant 0 : index
        %swap3A_191 = tpu.vector_load %arg15[%swap3A, %swap3A_190] {strides = array<i32>} : memref<80x128xf32, #tpu.memory_space<vmem>>, vector<16xf32>,
        tpu.vector_store %arg15[%swap3A, %swap3A_190], %mul3A_189 {strides = array<i32>} : memref<80x128xf32, #tpu.memory_space<vmem>>, vector<16xf32>,
        %broadcast_in_dim3A_192 = arith.constant 0 : i32
        %broadcast_in_dim3A_193 = vector.broadcast %broadcast_in_dim3A_192 : i32 to vector<16xi32>
        %lt3A_194 = arith.constant 0 : i32
        %lt3A_195 = vector.broadcast %lt3A_194 : i32 to vector<16xi32>
        %lt3A_196 = arith.cmpi slt, %broadcast_in_dim3A_193, %lt3A_195 : vector<16xi32>
        %add3A_197 = arith.constant 16 : i32
        %add3A_198 = vector.broadcast %add3A_197 : i32 to vector<16xi32>
        %add3A_199 = arith.addi %broadcast_in_dim3A_193, %add3A_198 : vector<16xi32>
        %select_n3A_200 = arith.select %lt3A_196, %add3A_199, %broadcast_in_dim3A_193 : vector<16xi1>, vector<16xi32>
        %reshape3A_201 = vector.shape_cast %select_n3A_200 : vector<16xi32> to vector<16x1xi32>
        %gather3A_202 = vector.shape_cast %reshape3A_201 : vector<16x1xi32> to vector<16xi32>
        %gather3A_203 = tpu.dynamic_gather %get3A_173[%gather3A_202] in [0] : vector<16xf32>, vector<16xi32> -> vector<16xf32>
        %get3A_204 = arith.index_cast %add3A_177 : i32 to index
        %get3A_205 = arith.constant 16 : index
        %get3A_206 = tpu.vector_load %arg15[%get3A_204, %get3A_205] {strides = array<i32>} : memref<80x128xf32, #tpu.memory_space<vmem>>, vector<16xf32>,
        %mul3A_207 = arith.mulf %get3A_206, %gather3A_203 : vector<16xf32>
        %swap3A_208 = arith.index_cast %add3A_177 : i32 to index
        %swap3A_209 = arith.constant 16 : index
        %swap3A_210 = tpu.vector_load %arg15[%swap3A_208, %swap3A_209] {strides = array<i32>} : memref<80x128xf32, #tpu.memory_space<vmem>>, vector<16xf32>,
        tpu.vector_store %arg15[%swap3A_208, %swap3A_209], %mul3A_207 {strides = array<i32>} : memref<80x128xf32, #tpu.memory_space<vmem>>, vector<16xf32>,
        %broadcast_in_dim3A_211 = arith.constant 1 : i32
        %broadcast_in_dim3A_212 = vector.broadcast %broadcast_in_dim3A_211 : i32 to vector<16xi32>
        %lt3A_213 = arith.constant 0 : i32
        %lt3A_214 = vector.broadcast %lt3A_213 : i32 to vector<16xi32>
        %lt3A_215 = arith.cmpi slt, %broadcast_in_dim3A_212, %lt3A_214 : vector<16xi32>
        %add3A_216 = arith.constant 16 : i32
        %add3A_217 = vector.broadcast %add3A_216 : i32 to vector<16xi32>
        %add3A_218 = arith.addi %broadcast_in_dim3A_212, %add3A_217 : vector<16xi32>
        %select_n3A_219 = arith.select %lt3A_215, %add3A_218, %broadcast_in_dim3A_212 : vector<16xi1>, vector<16xi32>
        %reshape3A_220 = vector.shape_cast %select_n3A_219 : vector<16xi32> to vector<16x1xi32>
        %gather3A_221 = vector.shape_cast %reshape3A_220 : vector<16x1xi32> to vector<16xi32>
        %gather3A_222 = tpu.dynamic_gather %get3A_173[%gather3A_221] in [0] : vector<16xf32>, vector<16xi32> -> vector<16xf32>
        %get3A_223 = arith.index_cast %add3A_177 : i32 to index
        %get3A_224 = arith.constant 32 : index
        %get3A_225 = tpu.vector_load %arg15[%get3A_223, %get3A_224] {strides = array<i32>} : memref<80x128xf32, #tpu.memory_space<vmem>>, vector<16xf32>,
        %mul3A_226 = arith.mulf %get3A_225, %gather3A_222 : vector<16xf32>
        %swap3A_227 = arith.index_cast %add3A_177 : i32 to index
        %swap3A_228 = arith.constant 32 : index
        %swap3A_229 = tpu.vector_load %arg15[%swap3A_227, %swap3A_228] {strides = array<i32>} : memref<80x128xf32, #tpu.memory_space<vmem>>, vector<16xf32>,
        tpu.vector_store %arg15[%swap3A_227, %swap3A_228], %mul3A_226 {strides = array<i32>} : memref<80x128xf32, #tpu.memory_space<vmem>>, vector<16xf32>,
        %broadcast_in_dim3A_230 = arith.constant 1 : i32
        %broadcast_in_dim3A_231 = vector.broadcast %broadcast_in_dim3A_230 : i32 to vector<16xi32>
        %lt3A_232 = arith.constant 0 : i32
        %lt3A_233 = vector.broadcast %lt3A_232 : i32 to vector<16xi32>
        %lt3A_234 = arith.cmpi slt, %broadcast_in_dim3A_231, %lt3A_233 : vector<16xi32>
        %add3A_235 = arith.constant 16 : i32
        %add3A_236 = vector.broadcast %add3A_235 : i32 to vector<16xi32>
        %add3A_237 = arith.addi %broadcast_in_dim3A_231, %add3A_236 : vector<16xi32>
        %select_n3A_238 = arith.select %lt3A_234, %add3A_237, %broadcast_in_dim3A_231 : vector<16xi1>, vector<16xi32>
        %reshape3A_239 = vector.shape_cast %select_n3A_238 : vector<16xi32> to vector<16x1xi32>
        %gather3A_240 = vector.shape_cast %reshape3A_239 : vector<16x1xi32> to vector<16xi32>
        %gather3A_241 = tpu.dynamic_gather %get3A_173[%gather3A_240] in [0] : vector<16xf32>, vector<16xi32> -> vector<16xf32>
        %get3A_242 = arith.index_cast %add3A_177 : i32 to index
        %get3A_243 = arith.constant 48 : index
        %get3A_244 = tpu.vector_load %arg15[%get3A_242, %get3A_243] {strides = array<i32>} : memref<80x128xf32, #tpu.memory_space<vmem>>, vector<16xf32>,
        %mul3A_245 = arith.mulf %get3A_244, %gather3A_241 : vector<16xf32>
        %swap3A_246 = arith.index_cast %add3A_177 : i32 to index
        %swap3A_247 = arith.constant 48 : index
        %swap3A_248 = tpu.vector_load %arg15[%swap3A_246, %swap3A_247] {strides = array<i32>} : memref<80x128xf32, #tpu.memory_space<vmem>>, vector<16xf32>,
        tpu.vector_store %arg15[%swap3A_246, %swap3A_247], %mul3A_245 {strides = array<i32>} : memref<80x128xf32, #tpu.memory_space<vmem>>, vector<16xf32>,
        %broadcast_in_dim3A_249 = arith.constant 2 : i32
        %broadcast_in_dim3A_250 = vector.broadcast %broadcast_in_dim3A_249 : i32 to vector<16xi32>
        %lt3A_251 = arith.constant 0 : i32
        %lt3A_252 = vector.broadcast %lt3A_251 : i32 to vector<16xi32>
        %lt3A_253 = arith.cmpi slt, %broadcast_in_dim3A_250, %lt3A_252 : vector<16xi32>
        %add3A_254 = arith.constant 16 : i32
        %add3A_255 = vector.broadcast %add3A_254 : i32 to vector<16xi32>
        %add3A_256 = arith.addi %broadcast_in_dim3A_250, %add3A_255 : vector<16xi32>
        %select_n3A_257 = arith.select %lt3A_253, %add3A_256, %broadcast_in_dim3A_250 : vector<16xi1>, vector<16xi32>
        %reshape3A_258 = vector.shape_cast %select_n3A_257 : vector<16xi32> to vector<16x1xi32>
        %gather3A_259 = vector.shape_cast %reshape3A_258 : vector<16x1xi32> to vector<16xi32>
        %gather3A_260 = tpu.dynamic_gather %get3A_173[%gather3A_259] in [0] : vector<16xf32>, vector<16xi32> -> vector<16xf32>
        %get3A_261 = arith.index_cast %add3A_177 : i32 to index
        %get3A_262 = arith.constant 64 : index
        %get3A_263 = tpu.vector_load %arg15[%get3A_261, %get3A_262] {strides = array<i32>} : memref<80x128xf32, #tpu.memory_space<vmem>>, vector<16xf32>,
        %mul3A_264 = arith.mulf %get3A_263, %gather3A_260 : vector<16xf32>
        %swap3A_265 = arith.index_cast %add3A_177 : i32 to index
        %swap3A_266 = arith.constant 64 : index
        %swap3A_267 = tpu.vector_load %arg15[%swap3A_265, %swap3A_266] {strides = array<i32>} : memref<80x128xf32, #tpu.memory_space<vmem>>, vector<16xf32>,
        tpu.vector_store %arg15[%swap3A_265, %swap3A_266], %mul3A_264 {strides = array<i32>} : memref<80x128xf32, #tpu.memory_space<vmem>>, vector<16xf32>,
        %broadcast_in_dim3A_268 = arith.constant 2 : i32
        %broadcast_in_dim3A_269 = vector.broadcast %broadcast_in_dim3A_268 : i32 to vector<16xi32>
        %lt3A_270 = arith.constant 0 : i32
        %lt3A_271 = vector.broadcast %lt3A_270 : i32 to vector<16xi32>
        %lt3A_272 = arith.cmpi slt, %broadcast_in_dim3A_269, %lt3A_271 : vector<16xi32>
        %add3A_273 = arith.constant 16 : i32
        %add3A_274 = vector.broadcast %add3A_273 : i32 to vector<16xi32>
        %add3A_275 = arith.addi %broadcast_in_dim3A_269, %add3A_274 : vector<16xi32>
        %select_n3A_276 = arith.select %lt3A_272, %add3A_275, %broadcast_in_dim3A_269 : vector<16xi1>, vector<16xi32>
        %reshape3A_277 = vector.shape_cast %select_n3A_276 : vector<16xi32> to vector<16x1xi32>
        %gather3A_278 = vector.shape_cast %reshape3A_277 : vector<16x1xi32> to vector<16xi32>
        %gather3A_279 = tpu.dynamic_gather %get3A_173[%gather3A_278] in [0] : vector<16xf32>, vector<16xi32> -> vector<16xf32>
        %get3A_280 = arith.index_cast %add3A_177 : i32 to index
        %get3A_281 = arith.constant 80 : index
        %get3A_282 = tpu.vector_load %arg15[%get3A_280, %get3A_281] {strides = array<i32>} : memref<80x128xf32, #tpu.memory_space<vmem>>, vector<16xf32>,
        %mul3A_283 = arith.mulf %get3A_282, %gather3A_279 : vector<16xf32>
        %swap3A_284 = arith.index_cast %add3A_177 : i32 to index
        %swap3A_285 = arith.constant 80 : index
        %swap3A_286 = tpu.vector_load %arg15[%swap3A_284, %swap3A_285] {strides = array<i32>} : memref<80x128xf32, #tpu.memory_space<vmem>>, vector<16xf32>,
        tpu.vector_store %arg15[%swap3A_284, %swap3A_285], %mul3A_283 {strides = array<i32>} : memref<80x128xf32, #tpu.memory_space<vmem>>, vector<16xf32>,
        %broadcast_in_dim3A_287 = arith.constant 3 : i32
        %broadcast_in_dim3A_288 = vector.broadcast %broadcast_in_dim3A_287 : i32 to vector<16xi32>
        %lt3A_289 = arith.constant 0 : i32
        %lt3A_290 = vector.broadcast %lt3A_289 : i32 to vector<16xi32>
        %lt3A_291 = arith.cmpi slt, %broadcast_in_dim3A_288, %lt3A_290 : vector<16xi32>
        %add3A_292 = arith.constant 16 : i32
        %add3A_293 = vector.broadcast %add3A_292 : i32 to vector<16xi32>
        %add3A_294 = arith.addi %broadcast_in_dim3A_288, %add3A_293 : vector<16xi32>
        %select_n3A_295 = arith.select %lt3A_291, %add3A_294, %broadcast_in_dim3A_288 : vector<16xi1>, vector<16xi32>
        %reshape3A_296 = vector.shape_cast %select_n3A_295 : vector<16xi32> to vector<16x1xi32>
        %gather3A_297 = vector.shape_cast %reshape3A_296 : vector<16x1xi32> to vector<16xi32>
        %gather3A_298 = tpu.dynamic_gather %get3A_173[%gather3A_297] in [0] : vector<16xf32>, vector<16xi32> -> vector<16xf32>
        %get3A_299 = arith.index_cast %add3A_177 : i32 to index
        %get3A_300 = arith.constant 96 : index
        %get3A_301 = tpu.vector_load %arg15[%get3A_299, %get3A_300] {strides = array<i32>} : memref<80x128xf32, #tpu.memory_space<vmem>>, vector<16xf32>,
        %mul3A_302 = arith.mulf %get3A_301, %gather3A_298 : vector<16xf32>
        %swap3A_303 = arith.index_cast %add3A_177 : i32 to index
        %swap3A_304 = arith.constant 96 : index
        %swap3A_305 = tpu.vector_load %arg15[%swap3A_303, %swap3A_304] {strides = array<i32>} : memref<80x128xf32, #tpu.memory_space<vmem>>, vector<16xf32>,
        tpu.vector_store %arg15[%swap3A_303, %swap3A_304], %mul3A_302 {strides = array<i32>} : memref<80x128xf32, #tpu.memory_space<vmem>>, vector<16xf32>,
        %broadcast_in_dim3A_306 = arith.constant 3 : i32
        %broadcast_in_dim3A_307 = vector.broadcast %broadcast_in_dim3A_306 : i32 to vector<16xi32>
        %lt3A_308 = arith.constant 0 : i32
        %lt3A_309 = vector.broadcast %lt3A_308 : i32 to vector<16xi32>
        %lt3A_310 = arith.cmpi slt, %broadcast_in_dim3A_307, %lt3A_309 : vector<16xi32>
        %add3A_311 = arith.constant 16 : i32
        %add3A_312 = vector.broadcast %add3A_311 : i32 to vector<16xi32>
        %add3A_313 = arith.addi %broadcast_in_dim3A_307, %add3A_312 : vector<16xi32>
        %select_n3A_314 = arith.select %lt3A_310, %add3A_313, %broadcast_in_dim3A_307 : vector<16xi1>, vector<16xi32>
        %reshape3A_315 = vector.shape_cast %select_n3A_314 : vector<16xi32> to vector<16x1xi32>
        %gather3A_316 = vector.shape_cast %reshape3A_315 : vector<16x1xi32> to vector<16xi32>
        %gather3A_317 = tpu.dynamic_gather %get3A_173[%gather3A_316] in [0] : vector<16xf32>, vector<16xi32> -> vector<16xf32>
        %get3A_318 = arith.index_cast %add3A_177 : i32 to index
        %get3A_319 = arith.constant 112 : index
        %get3A_320 = tpu.vector_load %arg15[%get3A_318, %get3A_319] {strides = array<i32>} : memref<80x128xf32, #tpu.memory_space<vmem>>, vector<16xf32>,
        %mul3A_321 = arith.mulf %get3A_320, %gather3A_317 : vector<16xf32>
        %swap3A_322 = arith.index_cast %add3A_177 : i32 to index
        %swap3A_323 = arith.constant 112 : index
        %swap3A_324 = tpu.vector_load %arg15[%swap3A_322, %swap3A_323] {strides = array<i32>} : memref<80x128xf32, #tpu.memory_space<vmem>>, vector<16xf32>,
        tpu.vector_store %arg15[%swap3A_322, %swap3A_323], %mul3A_321 {strides = array<i32>} : memref<80x128xf32, #tpu.memory_space<vmem>>, vector<16xf32>,
        %mul3A_325 = arith.constant 4 : i32
        %mul3A_326 = arith.muli %scan3A_170, %mul3A_325 : i32
        %add3A_327 = arith.constant 1 : i32
        %add3A_328 = arith.addi %mul3A_326, %add3A_327 : i32
        %broadcast_in_dim3A_329 = arith.constant 4 : i32
        %broadcast_in_dim3A_330 = vector.broadcast %broadcast_in_dim3A_329 : i32 to vector<16xi32>
        %lt3A_331 = arith.constant 0 : i32
        %lt3A_332 = vector.broadcast %lt3A_331 : i32 to vector<16xi32>
        %lt3A_333 = arith.cmpi slt, %broadcast_in_dim3A_330, %lt3A_332 : vector<16xi32>
        %add3A_334 = arith.constant 16 : i32
        %add3A_335 = vector.broadcast %add3A_334 : i32 to vector<16xi32>
        %add3A_336 = arith.addi %broadcast_in_dim3A_330, %add3A_335 : vector<16xi32>
        %select_n3A_337 = arith.select %lt3A_333, %add3A_336, %broadcast_in_dim3A_330 : vector<16xi1>, vector<16xi32>
        %reshape3A_338 = vector.shape_cast %select_n3A_337 : vector<16xi32> to vector<16x1xi32>
        %gather3A_339 = vector.shape_cast %reshape3A_338 : vector<16x1xi32> to vector<16xi32>
        %gather3A_340 = tpu.dynamic_gather %get3A_173[%gather3A_339] in [0] : vector<16xf32>, vector<16xi32> -> vector<16xf32>
        %get3A_341 = arith.index_cast %add3A_328 : i32 to index
        %get3A_342 = arith.constant 0 : index
        %get3A_343 = tpu.vector_load %arg15[%get3A_341, %get3A_342] {strides = array<i32>} : memref<80x128xf32, #tpu.memory_space<vmem>>, vector<16xf32>,
        %mul3A_344 = arith.mulf %get3A_343, %gather3A_340 : vector<16xf32>
        %swap3A_345 = arith.index_cast %add3A_328 : i32 to index
        %swap3A_346 = arith.constant 0 : index
        %swap3A_347 = tpu.vector_load %arg15[%swap3A_345, %swap3A_346] {strides = array<i32>} : memref<80x128xf32, #tpu.memory_space<vmem>>, vector<16xf32>,
        tpu.vector_store %arg15[%swap3A_345, %swap3A_346], %mul3A_344 {strides = array<i32>} : memref<80x128xf32, #tpu.memory_space<vmem>>, vector<16xf32>,
        %broadcast_in_dim3A_348 = arith.constant 4 : i32
        %broadcast_in_dim3A_349 = vector.broadcast %broadcast_in_dim3A_348 : i32 to vector<16xi32>
        %lt3A_350 = arith.constant 0 : i32
        %lt3A_351 = vector.broadcast %lt3A_350 : i32 to vector<16xi32>
        %lt3A_352 = arith.cmpi slt, %broadcast_in_dim3A_349, %lt3A_351 : vector<16xi32>
        %add3A_353 = arith.constant 16 : i32
        %add3A_354 = vector.broadcast %add3A_353 : i32 to vector<16xi32>
        %add3A_355 = arith.addi %broadcast_in_dim3A_349, %add3A_354 : vector<16xi32>
        %select_n3A_356 = arith.select %lt3A_352, %add3A_355, %broadcast_in_dim3A_349 : vector<16xi1>, vector<16xi32>
        %reshape3A_357 = vector.shape_cast %select_n3A_356 : vector<16xi32> to vector<16x1xi32>
        %gather3A_358 = vector.shape_cast %reshape3A_357 : vector<16x1xi32> to vector<16xi32>
        %gather3A_359 = tpu.dynamic_gather %get3A_173[%gather3A_358] in [0] : vector<16xf32>, vector<16xi32> -> vector<16xf32>
        %get3A_360 = arith.index_cast %add3A_328 : i32 to index
        %get3A_361 = arith.constant 16 : index
        %get3A_362 = tpu.vector_load %arg15[%get3A_360, %get3A_361] {strides = array<i32>} : memref<80x128xf32, #tpu.memory_space<vmem>>, vector<16xf32>,
        %mul3A_363 = arith.mulf %get3A_362, %gather3A_359 : vector<16xf32>
        %swap3A_364 = arith.index_cast %add3A_328 : i32 to index
        %swap3A_365 = arith.constant 16 : index
        %swap3A_366 = tpu.vector_load %arg15[%swap3A_364, %swap3A_365] {strides = array<i32>} : memref<80x128xf32, #tpu.memory_space<vmem>>, vector<16xf32>,
        tpu.vector_store %arg15[%swap3A_364, %swap3A_365], %mul3A_363 {strides = array<i32>} : memref<80x128xf32, #tpu.memory_space<vmem>>, vector<16xf32>,
        %broadcast_in_dim3A_367 = arith.constant 5 : i32
        %broadcast_in_dim3A_368 = vector.broadcast %broadcast_in_dim3A_367 : i32 to vector<16xi32>
        %lt3A_369 = arith.constant 0 : i32
        %lt3A_370 = vector.broadcast %lt3A_369 : i32 to vector<16xi32>
        %lt3A_371 = arith.cmpi slt, %broadcast_in_dim3A_368, %lt3A_370 : vector<16xi32>
        %add3A_372 = arith.constant 16 : i32
        %add3A_373 = vector.broadcast %add3A_372 : i32 to vector<16xi32>
        %add3A_374 = arith.addi %broadcast_in_dim3A_368, %add3A_373 : vector<16xi32>
        %select_n3A_375 = arith.select %lt3A_371, %add3A_374, %broadcast_in_dim3A_368 : vector<16xi1>, vector<16xi32>
        %reshape3A_376 = vector.shape_cast %select_n3A_375 : vector<16xi32> to vector<16x1xi32>
        %gather3A_377 = vector.shape_cast %reshape3A_376 : vector<16x1xi32> to vector<16xi32>
        %gather3A_378 = tpu.dynamic_gather %get3A_173[%gather3A_377] in [0] : vector<16xf32>, vector<16xi32> -> vector<16xf32>
        %get3A_379 = arith.index_cast %add3A_328 : i32 to index
        %get3A_380 = arith.constant 32 : index
        %get3A_381 = tpu.vector_load %arg15[%get3A_379, %get3A_380] {strides = array<i32>} : memref<80x128xf32, #tpu.memory_space<vmem>>, vector<16xf32>,
        %mul3A_382 = arith.mulf %get3A_381, %gather3A_378 : vector<16xf32>
        %swap3A_383 = arith.index_cast %add3A_328 : i32 to index
        %swap3A_384 = arith.constant 32 : index
        %swap3A_385 = tpu.vector_load %arg15[%swap3A_383, %swap3A_384] {strides = array<i32>} : memref<80x128xf32, #tpu.memory_space<vmem>>, vector<16xf32>,
        tpu.vector_store %arg15[%swap3A_383, %swap3A_384], %mul3A_382 {strides = array<i32>} : memref<80x128xf32, #tpu.memory_space<vmem>>, vector<16xf32>,
        %broadcast_in_dim3A_386 = arith.constant 5 : i32
        %broadcast_in_dim3A_387 = vector.broadcast %broadcast_in_dim3A_386 : i32 to vector<16xi32>
        %lt3A_388 = arith.constant 0 : i32
        %lt3A_389 = vector.broadcast %lt3A_388 : i32 to vector<16xi32>
        %lt3A_390 = arith.cmpi slt, %broadcast_in_dim3A_387, %lt3A_389 : vector<16xi32>
        %add3A_391 = arith.constant 16 : i32
        %add3A_392 = vector.broadcast %add3A_391 : i32 to vector<16xi32>
        %add3A_393 = arith.addi %broadcast_in_dim3A_387, %add3A_392 : vector<16xi32>
        %select_n3A_394 = arith.select %lt3A_390, %add3A_393, %broadcast_in_dim3A_387 : vector<16xi1>, vector<16xi32>
        %reshape3A_395 = vector.shape_cast %select_n3A_394 : vector<16xi32> to vector<16x1xi32>
        %gather3A_396 = vector.shape_cast %reshape3A_395 : vector<16x1xi32> to vector<16xi32>
        %gather3A_397 = tpu.dynamic_gather %get3A_173[%gather3A_396] in [0] : vector<16xf32>, vector<16xi32> -> vector<16xf32>
        %get3A_398 = arith.index_cast %add3A_328 : i32 to index
        %get3A_399 = arith.constant 48 : index
        %get3A_400 = tpu.vector_load %arg15[%get3A_398, %get3A_399] {strides = array<i32>} : memref<80x128xf32, #tpu.memory_space<vmem>>, vector<16xf32>,
        %mul3A_401 = arith.mulf %get3A_400, %gather3A_397 : vector<16xf32>
        %swap3A_402 = arith.index_cast %add3A_328 : i32 to index
        %swap3A_403 = arith.constant 48 : index
        %swap3A_404 = tpu.vector_load %arg15[%swap3A_402, %swap3A_403] {strides = array<i32>} : memref<80x128xf32, #tpu.memory_space<vmem>>, vector<16xf32>,
        tpu.vector_store %arg15[%swap3A_402, %swap3A_403], %mul3A_401 {strides = array<i32>} : memref<80x128xf32, #tpu.memory_space<vmem>>, vector<16xf32>,
        %broadcast_in_dim3A_405 = arith.constant 6 : i32
        %broadcast_in_dim3A_406 = vector.broadcast %broadcast_in_dim3A_405 : i32 to vector<16xi32>
        %lt3A_407 = arith.constant 0 : i32
        %lt3A_408 = vector.broadcast %lt3A_407 : i32 to vector<16xi32>
        %lt3A_409 = arith.cmpi slt, %broadcast_in_dim3A_406, %lt3A_408 : vector<16xi32>
        %add3A_410 = arith.constant 16 : i32
        %add3A_411 = vector.broadcast %add3A_410 : i32 to vector<16xi32>
        %add3A_412 = arith.addi %broadcast_in_dim3A_406, %add3A_411 : vector<16xi32>
        %select_n3A_413 = arith.select %lt3A_409, %add3A_412, %broadcast_in_dim3A_406 : vector<16xi1>, vector<16xi32>
        %reshape3A_414 = vector.shape_cast %select_n3A_413 : vector<16xi32> to vector<16x1xi32>
        %gather3A_415 = vector.shape_cast %reshape3A_414 : vector<16x1xi32> to vector<16xi32>
        %gather3A_416 = tpu.dynamic_gather %get3A_173[%gather3A_415] in [0] : vector<16xf32>, vector<16xi32> -> vector<16xf32>
        %get3A_417 = arith.index_cast %add3A_328 : i32 to index
        %get3A_418 = arith.constant 64 : index
        %get3A_419 = tpu.vector_load %arg15[%get3A_417, %get3A_418] {strides = array<i32>} : memref<80x128xf32, #tpu.memory_space<vmem>>, vector<16xf32>,
        %mul3A_420 = arith.mulf %get3A_419, %gather3A_416 : vector<16xf32>
        %swap3A_421 = arith.index_cast %add3A_328 : i32 to index
        %swap3A_422 = arith.constant 64 : index
        %swap3A_423 = tpu.vector_load %arg15[%swap3A_421, %swap3A_422] {strides = array<i32>} : memref<80x128xf32, #tpu.memory_space<vmem>>, vector<16xf32>,
        tpu.vector_store %arg15[%swap3A_421, %swap3A_422], %mul3A_420 {strides = array<i32>} : memref<80x128xf32, #tpu.memory_space<vmem>>, vector<16xf32>,
        %broadcast_in_dim3A_424 = arith.constant 6 : i32
        %broadcast_in_dim3A_425 = vector.broadcast %broadcast_in_dim3A_424 : i32 to vector<16xi32>
        %lt3A_426 = arith.constant 0 : i32
        %lt3A_427 = vector.broadcast %lt3A_426 : i32 to vector<16xi32>
        %lt3A_428 = arith.cmpi slt, %broadcast_in_dim3A_425, %lt3A_427 : vector<16xi32>
        %add3A_429 = arith.constant 16 : i32
        %add3A_430 = vector.broadcast %add3A_429 : i32 to vector<16xi32>
        %add3A_431 = arith.addi %broadcast_in_dim3A_425, %add3A_430 : vector<16xi32>
        %select_n3A_432 = arith.select %lt3A_428, %add3A_431, %broadcast_in_dim3A_425 : vector<16xi1>, vector<16xi32>
        %reshape3A_433 = vector.shape_cast %select_n3A_432 : vector<16xi32> to vector<16x1xi32>
        %gather3A_434 = vector.shape_cast %reshape3A_433 : vector<16x1xi32> to vector<16xi32>
        %gather3A_435 = tpu.dynamic_gather %get3A_173[%gather3A_434] in [0] : vector<16xf32>, vector<16xi32> -> vector<16xf32>
        %get3A_436 = arith.index_cast %add3A_328 : i32 to index
        %get3A_437 = arith.constant 80 : index
        %get3A_438 = tpu.vector_load %arg15[%get3A_436, %get3A_437] {strides = array<i32>} : memref<80x128xf32, #tpu.memory_space<vmem>>, vector<16xf32>,
        %mul3A_439 = arith.mulf %get3A_438, %gather3A_435 : vector<16xf32>
        %swap3A_440 = arith.index_cast %add3A_328 : i32 to index
        %swap3A_441 = arith.constant 80 : index
        %swap3A_442 = tpu.vector_load %arg15[%swap3A_440, %swap3A_441] {strides = array<i32>} : memref<80x128xf32, #tpu.memory_space<vmem>>, vector<16xf32>,
        tpu.vector_store %arg15[%swap3A_440, %swap3A_441], %mul3A_439 {strides = array<i32>} : memref<80x128xf32, #tpu.memory_space<vmem>>, vector<16xf32>,
        %broadcast_in_dim3A_443 = arith.constant 7 : i32
        %broadcast_in_dim3A_444 = vector.broadcast %broadcast_in_dim3A_443 : i32 to vector<16xi32>
        %lt3A_445 = arith.constant 0 : i32
        %lt3A_446 = vector.broadcast %lt3A_445 : i32 to vector<16xi32>
        %lt3A_447 = arith.cmpi slt, %broadcast_in_dim3A_444, %lt3A_446 : vector<16xi32>
        %add3A_448 = arith.constant 16 : i32
        %add3A_449 = vector.broadcast %add3A_448 : i32 to vector<16xi32>
        %add3A_450 = arith.addi %broadcast_in_dim3A_444, %add3A_449 : vector<16xi32>
        %select_n3A_451 = arith.select %lt3A_447, %add3A_450, %broadcast_in_dim3A_444 : vector<16xi1>, vector<16xi32>
        %reshape3A_452 = vector.shape_cast %select_n3A_451 : vector<16xi32> to vector<16x1xi32>
        %gather3A_453 = vector.shape_cast %reshape3A_452 : vector<16x1xi32> to vector<16xi32>
        %gather3A_454 = tpu.dynamic_gather %get3A_173[%gather3A_453] in [0] : vector<16xf32>, vector<16xi32> -> vector<16xf32>
        %get3A_455 = arith.index_cast %add3A_328 : i32 to index
        %get3A_456 = arith.constant 96 : index
        %get3A_457 = tpu.vector_load %arg15[%get3A_455, %get3A_456] {strides = array<i32>} : memref<80x128xf32, #tpu.memory_space<vmem>>, vector<16xf32>,
        %mul3A_458 = arith.mulf %get3A_457, %gather3A_454 : vector<16xf32>
        %swap3A_459 = arith.index_cast %add3A_328 : i32 to index
        %swap3A_460 = arith.constant 96 : index
        %swap3A_461 = tpu.vector_load %arg15[%swap3A_459, %swap3A_460] {strides = array<i32>} : memref<80x128xf32, #tpu.memory_space<vmem>>, vector<16xf32>,
        tpu.vector_store %arg15[%swap3A_459, %swap3A_460], %mul3A_458 {strides = array<i32>} : memref<80x128xf32, #tpu.memory_space<vmem>>, vector<16xf32>,
        %broadcast_in_dim3A_462 = arith.constant 7 : i32
        %broadcast_in_dim3A_463 = vector.broadcast %broadcast_in_dim3A_462 : i32 to vector<16xi32>
        %lt3A_464 = arith.constant 0 : i32
        %lt3A_465 = vector.broadcast %lt3A_464 : i32 to vector<16xi32>
        %lt3A_466 = arith.cmpi slt, %broadcast_in_dim3A_463, %lt3A_465 : vector<16xi32>
        %add3A_467 = arith.constant 16 : i32
        %add3A_468 = vector.broadcast %add3A_467 : i32 to vector<16xi32>
        %add3A_469 = arith.addi %broadcast_in_dim3A_463, %add3A_468 : vector<16xi32>
        %select_n3A_470 = arith.select %lt3A_466, %add3A_469, %broadcast_in_dim3A_463 : vector<16xi1>, vector<16xi32>
        %reshape3A_471 = vector.shape_cast %select_n3A_470 : vector<16xi32> to vector<16x1xi32>
        %gather3A_472 = vector.shape_cast %reshape3A_471 : vector<16x1xi32> to vector<16xi32>
        %gather3A_473 = tpu.dynamic_gather %get3A_173[%gather3A_472] in [0] : vector<16xf32>, vector<16xi32> -> vector<16xf32>
        %get3A_474 = arith.index_cast %add3A_328 : i32 to index
        %get3A_475 = arith.constant 112 : index
        %get3A_476 = tpu.vector_load %arg15[%get3A_474, %get3A_475] {strides = array<i32>} : memref<80x128xf32, #tpu.memory_space<vmem>>, vector<16xf32>,
        %mul3A_477 = arith.mulf %get3A_476, %gather3A_473 : vector<16xf32>
        %swap3A_478 = arith.index_cast %add3A_328 : i32 to index
        %swap3A_479 = arith.constant 112 : index
        %swap3A_480 = tpu.vector_load %arg15[%swap3A_478, %swap3A_479] {strides = array<i32>} : memref<80x128xf32, #tpu.memory_space<vmem>>, vector<16xf32>,
        tpu.vector_store %arg15[%swap3A_478, %swap3A_479], %mul3A_477 {strides = array<i32>} : memref<80x128xf32, #tpu.memory_space<vmem>>, vector<16xf32>,
        %mul3A_481 = arith.constant 4 : i32
        %mul3A_482 = arith.muli %scan3A_170, %mul3A_481 : i32
        %add3A_483 = arith.constant 2 : i32
        %add3A_484 = arith.addi %mul3A_482, %add3A_483 : i32
        %broadcast_in_dim3A_485 = arith.constant 8 : i32
        %broadcast_in_dim3A_486 = vector.broadcast %broadcast_in_dim3A_485 : i32 to vector<16xi32>
        %lt3A_487 = arith.constant 0 : i32
        %lt3A_488 = vector.broadcast %lt3A_487 : i32 to vector<16xi32>
        %lt3A_489 = arith.cmpi slt, %broadcast_in_dim3A_486, %lt3A_488 : vector<16xi32>
        %add3A_490 = arith.constant 16 : i32
        %add3A_491 = vector.broadcast %add3A_490 : i32 to vector<16xi32>
        %add3A_492 = arith.addi %broadcast_in_dim3A_486, %add3A_491 : vector<16xi32>
        %select_n3A_493 = arith.select %lt3A_489, %add3A_492, %broadcast_in_dim3A_486 : vector<16xi1>, vector<16xi32>
        %reshape3A_494 = vector.shape_cast %select_n3A_493 : vector<16xi32> to vector<16x1xi32>
        %gather3A_495 = vector.shape_cast %reshape3A_494 : vector<16x1xi32> to vector<16xi32>
        %gather3A_496 = tpu.dynamic_gather %get3A_173[%gather3A_495] in [0] : vector<16xf32>, vector<16xi32> -> vector<16xf32>
        %get3A_497 = arith.index_cast %add3A_484 : i32 to index
        %get3A_498 = arith.constant 0 : index
        %get3A_499 = tpu.vector_load %arg15[%get3A_497, %get3A_498] {strides = array<i32>} : memref<80x128xf32, #tpu.memory_space<vmem>>, vector<16xf32>,
        %mul3A_500 = arith.mulf %get3A_499, %gather3A_496 : vector<16xf32>
        %swap3A_501 = arith.index_cast %add3A_484 : i32 to index
        %swap3A_502 = arith.constant 0 : index
        %swap3A_503 = tpu.vector_load %arg15[%swap3A_501, %swap3A_502] {strides = array<i32>} : memref<80x128xf32, #tpu.memory_space<vmem>>, vector<16xf32>,
        tpu.vector_store %arg15[%swap3A_501, %swap3A_502], %mul3A_500 {strides = array<i32>} : memref<80x128xf32, #tpu.memory_space<vmem>>, vector<16xf32>,
        %broadcast_in_dim3A_504 = arith.constant 8 : i32
        %broadcast_in_dim3A_505 = vector.broadcast %broadcast_in_dim3A_504 : i32 to vector<16xi32>
        %lt3A_506 = arith.constant 0 : i32
        %lt3A_507 = vector.broadcast %lt3A_506 : i32 to vector<16xi32>
        %lt3A_508 = arith.cmpi slt, %broadcast_in_dim3A_505, %lt3A_507 : vector<16xi32>
        %add3A_509 = arith.constant 16 : i32
        %add3A_510 = vector.broadcast %add3A_509 : i32 to vector<16xi32>
        %add3A_511 = arith.addi %broadcast_in_dim3A_505, %add3A_510 : vector<16xi32>
        %select_n3A_512 = arith.select %lt3A_508, %add3A_511, %broadcast_in_dim3A_505 : vector<16xi1>, vector<16xi32>
        %reshape3A_513 = vector.shape_cast %select_n3A_512 : vector<16xi32> to vector<16x1xi32>
        %gather3A_514 = vector.shape_cast %reshape3A_513 : vector<16x1xi32> to vector<16xi32>
        %gather3A_515 = tpu.dynamic_gather %get3A_173[%gather3A_514] in [0] : vector<16xf32>, vector<16xi32> -> vector<16xf32>
        %get3A_516 = arith.index_cast %add3A_484 : i32 to index
        %get3A_517 = arith.constant 16 : index
        %get3A_518 = tpu.vector_load %arg15[%get3A_516, %get3A_517] {strides = array<i32>} : memref<80x128xf32, #tpu.memory_space<vmem>>, vector<16xf32>,
        %mul3A_519 = arith.mulf %get3A_518, %gather3A_515 : vector<16xf32>
        %swap3A_520 = arith.index_cast %add3A_484 : i32 to index
        %swap3A_521 = arith.constant 16 : index
        %swap3A_522 = tpu.vector_load %arg15[%swap3A_520, %swap3A_521] {strides = array<i32>} : memref<80x128xf32, #tpu.memory_space<vmem>>, vector<16xf32>,
        tpu.vector_store %arg15[%swap3A_520, %swap3A_521], %mul3A_519 {strides = array<i32>} : memref<80x128xf32, #tpu.memory_space<vmem>>, vector<16xf32>,
        %broadcast_in_dim3A_523 = arith.constant 9 : i32
        %broadcast_in_dim3A_524 = vector.broadcast %broadcast_in_dim3A_523 : i32 to vector<16xi32>
        %lt3A_525 = arith.constant 0 : i32
        %lt3A_526 = vector.broadcast %lt3A_525 : i32 to vector<16xi32>
        %lt3A_527 = arith.cmpi slt, %broadcast_in_dim3A_524, %lt3A_526 : vector<16xi32>
        %add3A_528 = arith.constant 16 : i32
        %add3A_529 = vector.broadcast %add3A_528 : i32 to vector<16xi32>
        %add3A_530 = arith.addi %broadcast_in_dim3A_524, %add3A_529 : vector<16xi32>
        %select_n3A_531 = arith.select %lt3A_527, %add3A_530, %broadcast_in_dim3A_524 : vector<16xi1>, vector<16xi32>
        %reshape3A_532 = vector.shape_cast %select_n3A_531 : vector<16xi32> to vector<16x1xi32>
        %gather3A_533 = vector.shape_cast %reshape3A_532 : vector<16x1xi32> to vector<16xi32>
        %gather3A_534 = tpu.dynamic_gather %get3A_173[%gather3A_533] in [0] : vector<16xf32>, vector<16xi32> -> vector<16xf32>
        %get3A_535 = arith.index_cast %add3A_484 : i32 to index
        %get3A_536 = arith.constant 32 : index
        %get3A_537 = tpu.vector_load %arg15[%get3A_535, %get3A_536] {strides = array<i32>} : memref<80x128xf32, #tpu.memory_space<vmem>>, vector<16xf32>,
        %mul3A_538 = arith.mulf %get3A_537, %gather3A_534 : vector<16xf32>
        %swap3A_539 = arith.index_cast %add3A_484 : i32 to index
        %swap3A_540 = arith.constant 32 : index
        %swap3A_541 = tpu.vector_load %arg15[%swap3A_539, %swap3A_540] {strides = array<i32>} : memref<80x128xf32, #tpu.memory_space<vmem>>, vector<16xf32>,
        tpu.vector_store %arg15[%swap3A_539, %swap3A_540], %mul3A_538 {strides = array<i32>} : memref<80x128xf32, #tpu.memory_space<vmem>>, vector<16xf32>,
        %broadcast_in_dim3A_542 = arith.constant 9 : i32
        %broadcast_in_dim3A_543 = vector.broadcast %broadcast_in_dim3A_542 : i32 to vector<16xi32>
        %lt3A_544 = arith.constant 0 : i32
        %lt3A_545 = vector.broadcast %lt3A_544 : i32 to vector<16xi32>
        %lt3A_546 = arith.cmpi slt, %broadcast_in_dim3A_543, %lt3A_545 : vector<16xi32>
        %add3A_547 = arith.constant 16 : i32
        %add3A_548 = vector.broadcast %add3A_547 : i32 to vector<16xi32>
        %add3A_549 = arith.addi %broadcast_in_dim3A_543, %add3A_548 : vector<16xi32>
        %select_n3A_550 = arith.select %lt3A_546, %add3A_549, %broadcast_in_dim3A_543 : vector<16xi1>, vector<16xi32>
        %reshape3A_551 = vector.shape_cast %select_n3A_550 : vector<16xi32> to vector<16x1xi32>
        %gather3A_552 = vector.shape_cast %reshape3A_551 : vector<16x1xi32> to vector<16xi32>
        %gather3A_553 = tpu.dynamic_gather %get3A_173[%gather3A_552] in [0] : vector<16xf32>, vector<16xi32> -> vector<16xf32>
        %get3A_554 = arith.index_cast %add3A_484 : i32 to index
        %get3A_555 = arith.constant 48 : index
        %get3A_556 = tpu.vector_load %arg15[%get3A_554, %get3A_555] {strides = array<i32>} : memref<80x128xf32, #tpu.memory_space<vmem>>, vector<16xf32>,
        %mul3A_557 = arith.mulf %get3A_556, %gather3A_553 : vector<16xf32>
        %swap3A_558 = arith.index_cast %add3A_484 : i32 to index
        %swap3A_559 = arith.constant 48 : index
        %swap3A_560 = tpu.vector_load %arg15[%swap3A_558, %swap3A_559] {strides = array<i32>} : memref<80x128xf32, #tpu.memory_space<vmem>>, vector<16xf32>,
        tpu.vector_store %arg15[%swap3A_558, %swap3A_559], %mul3A_557 {strides = array<i32>} : memref<80x128xf32, #tpu.memory_space<vmem>>, vector<16xf32>,
        %broadcast_in_dim3A_561 = arith.constant 10 : i32
        %broadcast_in_dim3A_562 = vector.broadcast %broadcast_in_dim3A_561 : i32 to vector<16xi32>
        %lt3A_563 = arith.constant 0 : i32
        %lt3A_564 = vector.broadcast %lt3A_563 : i32 to vector<16xi32>
        %lt3A_565 = arith.cmpi slt, %broadcast_in_dim3A_562, %lt3A_564 : vector<16xi32>
        %add3A_566 = arith.constant 16 : i32
        %add3A_567 = vector.broadcast %add3A_566 : i32 to vector<16xi32>
        %add3A_568 = arith.addi %broadcast_in_dim3A_562, %add3A_567 : vector<16xi32>
        %select_n3A_569 = arith.select %lt3A_565, %add3A_568, %broadcast_in_dim3A_562 : vector<16xi1>, vector<16xi32>
        %reshape3A_570 = vector.shape_cast %select_n3A_569 : vector<16xi32> to vector<16x1xi32>
        %gather3A_571 = vector.shape_cast %reshape3A_570 : vector<16x1xi32> to vector<16xi32>
        %gather3A_572 = tpu.dynamic_gather %get3A_173[%gather3A_571] in [0] : vector<16xf32>, vector<16xi32> -> vector<16xf32>
        %get3A_573 = arith.index_cast %add3A_484 : i32 to index
        %get3A_574 = arith.constant 64 : index
        %get3A_575 = tpu.vector_load %arg15[%get3A_573, %get3A_574] {strides = array<i32>} : memref<80x128xf32, #tpu.memory_space<vmem>>, vector<16xf32>,
        %mul3A_576 = arith.mulf %get3A_575, %gather3A_572 : vector<16xf32>
        %swap3A_577 = arith.index_cast %add3A_484 : i32 to index
        %swap3A_578 = arith.constant 64 : index
        %swap3A_579 = tpu.vector_load %arg15[%swap3A_577, %swap3A_578] {strides = array<i32>} : memref<80x128xf32, #tpu.memory_space<vmem>>, vector<16xf32>,
        tpu.vector_store %arg15[%swap3A_577, %swap3A_578], %mul3A_576 {strides = array<i32>} : memref<80x128xf32, #tpu.memory_space<vmem>>, vector<16xf32>,
        %broadcast_in_dim3A_580 = arith.constant 10 : i32
        %broadcast_in_dim3A_581 = vector.broadcast %broadcast_in_dim3A_580 : i32 to vector<16xi32>
        %lt3A_582 = arith.constant 0 : i32
        %lt3A_583 = vector.broadcast %lt3A_582 : i32 to vector<16xi32>
        %lt3A_584 = arith.cmpi slt, %broadcast_in_dim3A_581, %lt3A_583 : vector<16xi32>
        %add3A_585 = arith.constant 16 : i32
        %add3A_586 = vector.broadcast %add3A_585 : i32 to vector<16xi32>
        %add3A_587 = arith.addi %broadcast_in_dim3A_581, %add3A_586 : vector<16xi32>
        %select_n3A_588 = arith.select %lt3A_584, %add3A_587, %broadcast_in_dim3A_581 : vector<16xi1>, vector<16xi32>
        %reshape3A_589 = vector.shape_cast %select_n3A_588 : vector<16xi32> to vector<16x1xi32>
        %gather3A_590 = vector.shape_cast %reshape3A_589 : vector<16x1xi32> to vector<16xi32>
        %gather3A_591 = tpu.dynamic_gather %get3A_173[%gather3A_590] in [0] : vector<16xf32>, vector<16xi32> -> vector<16xf32>
        %get3A_592 = arith.index_cast %add3A_484 : i32 to index
        %get3A_593 = arith.constant 80 : index
        %get3A_594 = tpu.vector_load %arg15[%get3A_592, %get3A_593] {strides = array<i32>} : memref<80x128xf32, #tpu.memory_space<vmem>>, vector<16xf32>,
        %mul3A_595 = arith.mulf %get3A_594, %gather3A_591 : vector<16xf32>
        %swap3A_596 = arith.index_cast %add3A_484 : i32 to index
        %swap3A_597 = arith.constant 80 : index
        %swap3A_598 = tpu.vector_load %arg15[%swap3A_596, %swap3A_597] {strides = array<i32>} : memref<80x128xf32, #tpu.memory_space<vmem>>, vector<16xf32>,
        tpu.vector_store %arg15[%swap3A_596, %swap3A_597], %mul3A_595 {strides = array<i32>} : memref<80x128xf32, #tpu.memory_space<vmem>>, vector<16xf32>,
        %broadcast_in_dim3A_599 = arith.constant 11 : i32
        %broadcast_in_dim3A_600 = vector.broadcast %broadcast_in_dim3A_599 : i32 to vector<16xi32>
        %lt3A_601 = arith.constant 0 : i32
        %lt3A_602 = vector.broadcast %lt3A_601 : i32 to vector<16xi32>
        %lt3A_603 = arith.cmpi slt, %broadcast_in_dim3A_600, %lt3A_602 : vector<16xi32>
        %add3A_604 = arith.constant 16 : i32
        %add3A_605 = vector.broadcast %add3A_604 : i32 to vector<16xi32>
        %add3A_606 = arith.addi %broadcast_in_dim3A_600, %add3A_605 : vector<16xi32>
        %select_n3A_607 = arith.select %lt3A_603, %add3A_606, %broadcast_in_dim3A_600 : vector<16xi1>, vector<16xi32>
        %reshape3A_608 = vector.shape_cast %select_n3A_607 : vector<16xi32> to vector<16x1xi32>
        %gather3A_609 = vector.shape_cast %reshape3A_608 : vector<16x1xi32> to vector<16xi32>
        %gather3A_610 = tpu.dynamic_gather %get3A_173[%gather3A_609] in [0] : vector<16xf32>, vector<16xi32> -> vector<16xf32>
        %get3A_611 = arith.index_cast %add3A_484 : i32 to index
        %get3A_612 = arith.constant 96 : index
        %get3A_613 = tpu.vector_load %arg15[%get3A_611, %get3A_612] {strides = array<i32>} : memref<80x128xf32, #tpu.memory_space<vmem>>, vector<16xf32>,
        %mul3A_614 = arith.mulf %get3A_613, %gather3A_610 : vector<16xf32>
        %swap3A_615 = arith.index_cast %add3A_484 : i32 to index
        %swap3A_616 = arith.constant 96 : index
        %swap3A_617 = tpu.vector_load %arg15[%swap3A_615, %swap3A_616] {strides = array<i32>} : memref<80x128xf32, #tpu.memory_space<vmem>>, vector<16xf32>,
        tpu.vector_store %arg15[%swap3A_615, %swap3A_616], %mul3A_614 {strides = array<i32>} : memref<80x128xf32, #tpu.memory_space<vmem>>, vector<16xf32>,
        %broadcast_in_dim3A_618 = arith.constant 11 : i32
        %broadcast_in_dim3A_619 = vector.broadcast %broadcast_in_dim3A_618 : i32 to vector<16xi32>
        %lt3A_620 = arith.constant 0 : i32
        %lt3A_621 = vector.broadcast %lt3A_620 : i32 to vector<16xi32>
        %lt3A_622 = arith.cmpi slt, %broadcast_in_dim3A_619, %lt3A_621 : vector<16xi32>
        %add3A_623 = arith.constant 16 : i32
        %add3A_624 = vector.broadcast %add3A_623 : i32 to vector<16xi32>
        %add3A_625 = arith.addi %broadcast_in_dim3A_619, %add3A_624 : vector<16xi32>
        %select_n3A_626 = arith.select %lt3A_622, %add3A_625, %broadcast_in_dim3A_619 : vector<16xi1>, vector<16xi32>
        %reshape3A_627 = vector.shape_cast %select_n3A_626 : vector<16xi32> to vector<16x1xi32>
        %gather3A_628 = vector.shape_cast %reshape3A_627 : vector<16x1xi32> to vector<16xi32>
        %gather3A_629 = tpu.dynamic_gather %get3A_173[%gather3A_628] in [0] : vector<16xf32>, vector<16xi32> -> vector<16xf32>
        %get3A_630 = arith.index_cast %add3A_484 : i32 to index
        %get3A_631 = arith.constant 112 : index
        %get3A_632 = tpu.vector_load %arg15[%get3A_630, %get3A_631] {strides = array<i32>} : memref<80x128xf32, #tpu.memory_space<vmem>>, vector<16xf32>,
        %mul3A_633 = arith.mulf %get3A_632, %gather3A_629 : vector<16xf32>
        %swap3A_634 = arith.index_cast %add3A_484 : i32 to index
        %swap3A_635 = arith.constant 112 : index
        %swap3A_636 = tpu.vector_load %arg15[%swap3A_634, %swap3A_635] {strides = array<i32>} : memref<80x128xf32, #tpu.memory_space<vmem>>, vector<16xf32>,
        tpu.vector_store %arg15[%swap3A_634, %swap3A_635], %mul3A_633 {strides = array<i32>} : memref<80x128xf32, #tpu.memory_space<vmem>>, vector<16xf32>,
        %mul3A_637 = arith.constant 4 : i32
        %mul3A_638 = arith.muli %scan3A_170, %mul3A_637 : i32
        %add3A_639 = arith.constant 3 : i32
        %add3A_640 = arith.addi %mul3A_638, %add3A_639 : i32
        %broadcast_in_dim3A_641 = arith.constant 12 : i32
        %broadcast_in_dim3A_642 = vector.broadcast %broadcast_in_dim3A_641 : i32 to vector<16xi32>
        %lt3A_643 = arith.constant 0 : i32
        %lt3A_644 = vector.broadcast %lt3A_643 : i32 to vector<16xi32>
        %lt3A_645 = arith.cmpi slt, %broadcast_in_dim3A_642, %lt3A_644 : vector<16xi32>
        %add3A_646 = arith.constant 16 : i32
        %add3A_647 = vector.broadcast %add3A_646 : i32 to vector<16xi32>
        %add3A_648 = arith.addi %broadcast_in_dim3A_642, %add3A_647 : vector<16xi32>
        %select_n3A_649 = arith.select %lt3A_645, %add3A_648, %broadcast_in_dim3A_642 : vector<16xi1>, vector<16xi32>
        %reshape3A_650 = vector.shape_cast %select_n3A_649 : vector<16xi32> to vector<16x1xi32>
        %gather3A_651 = vector.shape_cast %reshape3A_650 : vector<16x1xi32> to vector<16xi32>
        %gather3A_652 = tpu.dynamic_gather %get3A_173[%gather3A_651] in [0] : vector<16xf32>, vector<16xi32> -> vector<16xf32>
        %get3A_653 = arith.index_cast %add3A_640 : i32 to index
        %get3A_654 = arith.constant 0 : index
        %get3A_655 = tpu.vector_load %arg15[%get3A_653, %get3A_654] {strides = array<i32>} : memref<80x128xf32, #tpu.memory_space<vmem>>, vector<16xf32>,
        %mul3A_656 = arith.mulf %get3A_655, %gather3A_652 : vector<16xf32>
        %swap3A_657 = arith.index_cast %add3A_640 : i32 to index
        %swap3A_658 = arith.constant 0 : index
        %swap3A_659 = tpu.vector_load %arg15[%swap3A_657, %swap3A_658] {strides = array<i32>} : memref<80x128xf32, #tpu.memory_space<vmem>>, vector<16xf32>,
        tpu.vector_store %arg15[%swap3A_657, %swap3A_658], %mul3A_656 {strides = array<i32>} : memref<80x128xf32, #tpu.memory_space<vmem>>, vector<16xf32>,
        %broadcast_in_dim3A_660 = arith.constant 12 : i32
        %broadcast_in_dim3A_661 = vector.broadcast %broadcast_in_dim3A_660 : i32 to vector<16xi32>
        %lt3A_662 = arith.constant 0 : i32
        %lt3A_663 = vector.broadcast %lt3A_662 : i32 to vector<16xi32>
        %lt3A_664 = arith.cmpi slt, %broadcast_in_dim3A_661, %lt3A_663 : vector<16xi32>
        %add3A_665 = arith.constant 16 : i32
        %add3A_666 = vector.broadcast %add3A_665 : i32 to vector<16xi32>
        %add3A_667 = arith.addi %broadcast_in_dim3A_661, %add3A_666 : vector<16xi32>
        %select_n3A_668 = arith.select %lt3A_664, %add3A_667, %broadcast_in_dim3A_661 : vector<16xi1>, vector<16xi32>
        %reshape3A_669 = vector.shape_cast %select_n3A_668 : vector<16xi32> to vector<16x1xi32>
        %gather3A_670 = vector.shape_cast %reshape3A_669 : vector<16x1xi32> to vector<16xi32>
        %gather3A_671 = tpu.dynamic_gather %get3A_173[%gather3A_670] in [0] : vector<16xf32>, vector<16xi32> -> vector<16xf32>
        %get3A_672 = arith.index_cast %add3A_640 : i32 to index
        %get3A_673 = arith.constant 16 : index
        %get3A_674 = tpu.vector_load %arg15[%get3A_672, %get3A_673] {strides = array<i32>} : memref<80x128xf32, #tpu.memory_space<vmem>>, vector<16xf32>,
        %mul3A_675 = arith.mulf %get3A_674, %gather3A_671 : vector<16xf32>
        %swap3A_676 = arith.index_cast %add3A_640 : i32 to index
        %swap3A_677 = arith.constant 16 : index
        %swap3A_678 = tpu.vector_load %arg15[%swap3A_676, %swap3A_677] {strides = array<i32>} : memref<80x128xf32, #tpu.memory_space<vmem>>, vector<16xf32>,
        tpu.vector_store %arg15[%swap3A_676, %swap3A_677], %mul3A_675 {strides = array<i32>} : memref<80x128xf32, #tpu.memory_space<vmem>>, vector<16xf32>,
        %broadcast_in_dim3A_679 = arith.constant 13 : i32
        %broadcast_in_dim3A_680 = vector.broadcast %broadcast_in_dim3A_679 : i32 to vector<16xi32>
        %lt3A_681 = arith.constant 0 : i32
        %lt3A_682 = vector.broadcast %lt3A_681 : i32 to vector<16xi32>
        %lt3A_683 = arith.cmpi slt, %broadcast_in_dim3A_680, %lt3A_682 : vector<16xi32>
        %add3A_684 = arith.constant 16 : i32
        %add3A_685 = vector.broadcast %add3A_684 : i32 to vector<16xi32>
        %add3A_686 = arith.addi %broadcast_in_dim3A_680, %add3A_685 : vector<16xi32>
        %select_n3A_687 = arith.select %lt3A_683, %add3A_686, %broadcast_in_dim3A_680 : vector<16xi1>, vector<16xi32>
        %reshape3A_688 = vector.shape_cast %select_n3A_687 : vector<16xi32> to vector<16x1xi32>
        %gather3A_689 = vector.shape_cast %reshape3A_688 : vector<16x1xi32> to vector<16xi32>
        %gather3A_690 = tpu.dynamic_gather %get3A_173[%gather3A_689] in [0] : vector<16xf32>, vector<16xi32> -> vector<16xf32>
        %get3A_691 = arith.index_cast %add3A_640 : i32 to index
        %get3A_692 = arith.constant 32 : index
        %get3A_693 = tpu.vector_load %arg15[%get3A_691, %get3A_692] {strides = array<i32>} : memref<80x128xf32, #tpu.memory_space<vmem>>, vector<16xf32>,
        %mul3A_694 = arith.mulf %get3A_693, %gather3A_690 : vector<16xf32>
        %swap3A_695 = arith.index_cast %add3A_640 : i32 to index
        %swap3A_696 = arith.constant 32 : index
        %swap3A_697 = tpu.vector_load %arg15[%swap3A_695, %swap3A_696] {strides = array<i32>} : memref<80x128xf32, #tpu.memory_space<vmem>>, vector<16xf32>,
        tpu.vector_store %arg15[%swap3A_695, %swap3A_696], %mul3A_694 {strides = array<i32>} : memref<80x128xf32, #tpu.memory_space<vmem>>, vector<16xf32>,
        %broadcast_in_dim3A_698 = arith.constant 13 : i32
        %broadcast_in_dim3A_699 = vector.broadcast %broadcast_in_dim3A_698 : i32 to vector<16xi32>
        %lt3A_700 = arith.constant 0 : i32
        %lt3A_701 = vector.broadcast %lt3A_700 : i32 to vector<16xi32>
        %lt3A_702 = arith.cmpi slt, %broadcast_in_dim3A_699, %lt3A_701 : vector<16xi32>
        %add3A_703 = arith.constant 16 : i32
        %add3A_704 = vector.broadcast %add3A_703 : i32 to vector<16xi32>
        %add3A_705 = arith.addi %broadcast_in_dim3A_699, %add3A_704 : vector<16xi32>
        %select_n3A_706 = arith.select %lt3A_702, %add3A_705, %broadcast_in_dim3A_699 : vector<16xi1>, vector<16xi32>
        %reshape3A_707 = vector.shape_cast %select_n3A_706 : vector<16xi32> to vector<16x1xi32>
        %gather3A_708 = vector.shape_cast %reshape3A_707 : vector<16x1xi32> to vector<16xi32>
        %gather3A_709 = tpu.dynamic_gather %get3A_173[%gather3A_708] in [0] : vector<16xf32>, vector<16xi32> -> vector<16xf32>
        %get3A_710 = arith.index_cast %add3A_640 : i32 to index
        %get3A_711 = arith.constant 48 : index
        %get3A_712 = tpu.vector_load %arg15[%get3A_710, %get3A_711] {strides = array<i32>} : memref<80x128xf32, #tpu.memory_space<vmem>>, vector<16xf32>,
        %mul3A_713 = arith.mulf %get3A_712, %gather3A_709 : vector<16xf32>
        %swap3A_714 = arith.index_cast %add3A_640 : i32 to index
        %swap3A_715 = arith.constant 48 : index
        %swap3A_716 = tpu.vector_load %arg15[%swap3A_714, %swap3A_715] {strides = array<i32>} : memref<80x128xf32, #tpu.memory_space<vmem>>, vector<16xf32>,
        tpu.vector_store %arg15[%swap3A_714, %swap3A_715], %mul3A_713 {strides = array<i32>} : memref<80x128xf32, #tpu.memory_space<vmem>>, vector<16xf32>,
        %broadcast_in_dim3A_717 = arith.constant 14 : i32
        %broadcast_in_dim3A_718 = vector.broadcast %broadcast_in_dim3A_717 : i32 to vector<16xi32>
        %lt3A_719 = arith.constant 0 : i32
        %lt3A_720 = vector.broadcast %lt3A_719 : i32 to vector<16xi32>
        %lt3A_721 = arith.cmpi slt, %broadcast_in_dim3A_718, %lt3A_720 : vector<16xi32>
        %add3A_722 = arith.constant 16 : i32
        %add3A_723 = vector.broadcast %add3A_722 : i32 to vector<16xi32>
        %add3A_724 = arith.addi %broadcast_in_dim3A_718, %add3A_723 : vector<16xi32>
        %select_n3A_725 = arith.select %lt3A_721, %add3A_724, %broadcast_in_dim3A_718 : vector<16xi1>, vector<16xi32>
        %reshape3A_726 = vector.shape_cast %select_n3A_725 : vector<16xi32> to vector<16x1xi32>
        %gather3A_727 = vector.shape_cast %reshape3A_726 : vector<16x1xi32> to vector<16xi32>
        %gather3A_728 = tpu.dynamic_gather %get3A_173[%gather3A_727] in [0] : vector<16xf32>, vector<16xi32> -> vector<16xf32>
        %get3A_729 = arith.index_cast %add3A_640 : i32 to index
        %get3A_730 = arith.constant 64 : index
        %get3A_731 = tpu.vector_load %arg15[%get3A_729, %get3A_730] {strides = array<i32>} : memref<80x128xf32, #tpu.memory_space<vmem>>, vector<16xf32>,
        %mul3A_732 = arith.mulf %get3A_731, %gather3A_728 : vector<16xf32>
        %swap3A_733 = arith.index_cast %add3A_640 : i32 to index
        %swap3A_734 = arith.constant 64 : index
        %swap3A_735 = tpu.vector_load %arg15[%swap3A_733, %swap3A_734] {strides = array<i32>} : memref<80x128xf32, #tpu.memory_space<vmem>>, vector<16xf32>,
        tpu.vector_store %arg15[%swap3A_733, %swap3A_734], %mul3A_732 {strides = array<i32>} : memref<80x128xf32, #tpu.memory_space<vmem>>, vector<16xf32>,
        %broadcast_in_dim3A_736 = arith.constant 14 : i32
        %broadcast_in_dim3A_737 = vector.broadcast %broadcast_in_dim3A_736 : i32 to vector<16xi32>
        %lt3A_738 = arith.constant 0 : i32
        %lt3A_739 = vector.broadcast %lt3A_738 : i32 to vector<16xi32>
        %lt3A_740 = arith.cmpi slt, %broadcast_in_dim3A_737, %lt3A_739 : vector<16xi32>
        %add3A_741 = arith.constant 16 : i32
        %add3A_742 = vector.broadcast %add3A_741 : i32 to vector<16xi32>
        %add3A_743 = arith.addi %broadcast_in_dim3A_737, %add3A_742 : vector<16xi32>
        %select_n3A_744 = arith.select %lt3A_740, %add3A_743, %broadcast_in_dim3A_737 : vector<16xi1>, vector<16xi32>
        %reshape3A_745 = vector.shape_cast %select_n3A_744 : vector<16xi32> to vector<16x1xi32>
        %gather3A_746 = vector.shape_cast %reshape3A_745 : vector<16x1xi32> to vector<16xi32>
        %gather3A_747 = tpu.dynamic_gather %get3A_173[%gather3A_746] in [0] : vector<16xf32>, vector<16xi32> -> vector<16xf32>
        %get3A_748 = arith.index_cast %add3A_640 : i32 to index
        %get3A_749 = arith.constant 80 : index
        %get3A_750 = tpu.vector_load %arg15[%get3A_748, %get3A_749] {strides = array<i32>} : memref<80x128xf32, #tpu.memory_space<vmem>>, vector<16xf32>,
        %mul3A_751 = arith.mulf %get3A_750, %gather3A_747 : vector<16xf32>
        %swap3A_752 = arith.index_cast %add3A_640 : i32 to index
        %swap3A_753 = arith.constant 80 : index
        %swap3A_754 = tpu.vector_load %arg15[%swap3A_752, %swap3A_753] {strides = array<i32>} : memref<80x128xf32, #tpu.memory_space<vmem>>, vector<16xf32>,
        tpu.vector_store %arg15[%swap3A_752, %swap3A_753], %mul3A_751 {strides = array<i32>} : memref<80x128xf32, #tpu.memory_space<vmem>>, vector<16xf32>,
        %broadcast_in_dim3A_755 = arith.constant 15 : i32
        %broadcast_in_dim3A_756 = vector.broadcast %broadcast_in_dim3A_755 : i32 to vector<16xi32>
        %lt3A_757 = arith.constant 0 : i32
        %lt3A_758 = vector.broadcast %lt3A_757 : i32 to vector<16xi32>
        %lt3A_759 = arith.cmpi slt, %broadcast_in_dim3A_756, %lt3A_758 : vector<16xi32>
        %add3A_760 = arith.constant 16 : i32
        %add3A_761 = vector.broadcast %add3A_760 : i32 to vector<16xi32>
        %add3A_762 = arith.addi %broadcast_in_dim3A_756, %add3A_761 : vector<16xi32>
        %select_n3A_763 = arith.select %lt3A_759, %add3A_762, %broadcast_in_dim3A_756 : vector<16xi1>, vector<16xi32>
        %reshape3A_764 = vector.shape_cast %select_n3A_763 : vector<16xi32> to vector<16x1xi32>
        %gather3A_765 = vector.shape_cast %reshape3A_764 : vector<16x1xi32> to vector<16xi32>
        %gather3A_766 = tpu.dynamic_gather %get3A_173[%gather3A_765] in [0] : vector<16xf32>, vector<16xi32> -> vector<16xf32>
        %get3A_767 = arith.index_cast %add3A_640 : i32 to index
        %get3A_768 = arith.constant 96 : index
        %get3A_769 = tpu.vector_load %arg15[%get3A_767, %get3A_768] {strides = array<i32>} : memref<80x128xf32, #tpu.memory_space<vmem>>, vector<16xf32>,
        %mul3A_770 = arith.mulf %get3A_769, %gather3A_766 : vector<16xf32>
        %swap3A_771 = arith.index_cast %add3A_640 : i32 to index
        %swap3A_772 = arith.constant 96 : index
        %swap3A_773 = tpu.vector_load %arg15[%swap3A_771, %swap3A_772] {strides = array<i32>} : memref<80x128xf32, #tpu.memory_space<vmem>>, vector<16xf32>,
        tpu.vector_store %arg15[%swap3A_771, %swap3A_772], %mul3A_770 {strides = array<i32>} : memref<80x128xf32, #tpu.memory_space<vmem>>, vector<16xf32>,
        %broadcast_in_dim3A_774 = arith.constant 15 : i32
        %broadcast_in_dim3A_775 = vector.broadcast %broadcast_in_dim3A_774 : i32 to vector<16xi32>
        %lt3A_776 = arith.constant 0 : i32
        %lt3A_777 = vector.broadcast %lt3A_776 : i32 to vector<16xi32>
        %lt3A_778 = arith.cmpi slt, %broadcast_in_dim3A_775, %lt3A_777 : vector<16xi32>
        %add3A_779 = arith.constant 16 : i32
        %add3A_780 = vector.broadcast %add3A_779 : i32 to vector<16xi32>
        %add3A_781 = arith.addi %broadcast_in_dim3A_775, %add3A_780 : vector<16xi32>
        %select_n3A_782 = arith.select %lt3A_778, %add3A_781, %broadcast_in_dim3A_775 : vector<16xi1>, vector<16xi32>
        %reshape3A_783 = vector.shape_cast %select_n3A_782 : vector<16xi32> to vector<16x1xi32>
        %gather3A_784 = vector.shape_cast %reshape3A_783 : vector<16x1xi32> to vector<16xi32>
        %gather3A_785 = tpu.dynamic_gather %get3A_173[%gather3A_784] in [0] : vector<16xf32>, vector<16xi32> -> vector<16xf32>
        %get3A_786 = arith.index_cast %add3A_640 : i32 to index
        %get3A_787 = arith.constant 112 : index
        %get3A_788 = tpu.vector_load %arg15[%get3A_786, %get3A_787] {strides = array<i32>} : memref<80x128xf32, #tpu.memory_space<vmem>>, vector<16xf32>,
        %mul3A_789 = arith.mulf %get3A_788, %gather3A_785 : vector<16xf32>
        %swap3A_790 = arith.index_cast %add3A_640 : i32 to index
        %swap3A_791 = arith.constant 112 : index
        %swap3A_792 = tpu.vector_load %arg15[%swap3A_790, %swap3A_791] {strides = array<i32>} : memref<80x128xf32, #tpu.memory_space<vmem>>, vector<16xf32>,
        tpu.vector_store %arg15[%swap3A_790, %swap3A_791], %mul3A_789 {strides = array<i32>} : memref<80x128xf32, #tpu.memory_space<vmem>>, vector<16xf32>,
      }
      %scan3A_160 = arith.constant 20 : i32
      %dma_start3A_161 = arith.constant 0 : i32
      %dma_start3A_162 = arith.constant 0 : i32
      %dma_start3A_163 = tpu.memref_slice %arg19[%dma_start3A_161, %dma_start3A_162] : memref<10240x128xf32, #tpu.memory_space<vmem_shared>> -> memref<10240x128xf32, #tpu.memory_space<vmem_shared>>
      tpu.enqueue_indirect_dma source(%arg15 : memref<80x128xf32, #tpu.memory_space<vmem>>) target(%dma_start3A_163 : memref<10240x128xf32, #tpu.memory_space<vmem_shared>>) offsets(%arg14 : memref<80xi32, #tpu.memory_space<vmem>>) semaphore(%arg25 : memref<!tpu.dma_semaphore, #tpu.memory_space<semaphore_mem>>) {add = true}
      %dma_wait3A_164 = arith.constant 0 : i32
      %dma_wait3A_165 = arith.constant 0 : i32
      %dma_wait3A_166 = tpu.memref_slice %arg19[%dma_wait3A_164, %dma_wait3A_165] : memref<10240x128xf32, #tpu.memory_space<vmem_shared>> -> memref<10240x128xf32, #tpu.memory_space<vmem_shared>>
      tpu.wait_indirect_dma semaphore(%arg24 : memref<!tpu.dma_semaphore, #tpu.memory_space<semaphore_mem>>) src(%arg11 : memref<80x128xf32, #tpu.memory_space<vmem>>) dst(%dma_wait3A_166 : memref<10240x128xf32, #tpu.memory_space<vmem_shared>>)
      %dma_wait3A_167 = arith.constant 0 : i32
      %dma_wait3A_168 = arith.constant 0 : i32
      %dma_wait3A_169 = tpu.memref_slice %arg19[%dma_wait3A_167, %dma_wait3A_168] : memref<10240x128xf32, #tpu.memory_space<vmem_shared>> -> memref<10240x128xf32, #tpu.memory_space<vmem_shared>>
      tpu.wait_indirect_dma semaphore(%arg25 : memref<!tpu.dma_semaphore, #tpu.memory_space<semaphore_mem>>) src(%arg15 : memref<80x128xf32, #tpu.memory_space<vmem>>) dst(%dma_wait3A_169 : memref<10240x128xf32, #tpu.memory_space<vmem_shared>>)
    }
    %scan3A_86 = arith.constant 62 : i32
    %mul3A_87 = arith.constant 10000 : i32
    %mul3A_88 = arith.muli %add3A, %mul3A_87 : i32
    %add3A_89 = arith.constant 9920 : i32
    %add3A_90 = arith.addi %mul3A_88, %add3A_89 : i32
    "tpu.region"() ({
      %run_scoped3A = tpu.sem_alloc : memref<!tpu.dma_semaphore, #tpu.memory_space<semaphore_mem>>
      %dma_start3A_112 = tpu.memref_slice %arg2[%add3A_90] : memref<320000xi32, #tpu.memory_space<hbm>> -> memref<80xi32, #tpu.memory_space<hbm>>
      %dma_start3A_113 = tpu.memref_slice %arg2[%add3A_90] : memref<320000xi32, #tpu.memory_space<hbm>> -> memref<80xi32, #tpu.memory_space<hbm>>
      tpu.enqueue_dma source(%dma_start3A_113 : memref<80xi32, #tpu.memory_space<hbm>>) target(%arg9 : memref<80xi32, #tpu.memory_space<vmem>>) target_semaphore(%run_scoped3A : memref<!tpu.dma_semaphore, #tpu.memory_space<semaphore_mem>>)
      %dma_wait3A_114 = tpu.memref_slice %arg2[%add3A_90] : memref<320000xi32, #tpu.memory_space<hbm>> -> memref<80xi32, #tpu.memory_space<hbm>>
      %dma_wait3A_115 = tpu.memref_slice %arg2[%add3A_90] : memref<320000xi32, #tpu.memory_space<hbm>> -> memref<80xi32, #tpu.memory_space<hbm>>
      tpu.wait_dma2 semaphore(%run_scoped3A : memref<!tpu.dma_semaphore, #tpu.memory_space<semaphore_mem>>) src(%dma_wait3A_115 : memref<80xi32, #tpu.memory_space<hbm>>) dst(%arg9 : memref<80xi32, #tpu.memory_space<vmem>>)
      tpu.yield
    }) : () -> ()
    "tpu.region"() ({
      %run_scoped3A = tpu.sem_alloc : memref<!tpu.dma_semaphore, #tpu.memory_space<semaphore_mem>>
      %dma_start3A_112 = tpu.memref_slice %arg3[%add3A_90] : memref<320000xi32, #tpu.memory_space<hbm>> -> memref<80xi32, #tpu.memory_space<hbm>>
      %dma_start3A_113 = tpu.memref_slice %arg3[%add3A_90] : memref<320000xi32, #tpu.memory_space<hbm>> -> memref<80xi32, #tpu.memory_space<hbm>>
      tpu.enqueue_dma source(%dma_start3A_113 : memref<80xi32, #tpu.memory_space<hbm>>) target(%arg10 : memref<80xi32, #tpu.memory_space<vmem>>) target_semaphore(%run_scoped3A : memref<!tpu.dma_semaphore, #tpu.memory_space<semaphore_mem>>)
      %dma_wait3A_114 = tpu.memref_slice %arg3[%add3A_90] : memref<320000xi32, #tpu.memory_space<hbm>> -> memref<80xi32, #tpu.memory_space<hbm>>
      %dma_wait3A_115 = tpu.memref_slice %arg3[%add3A_90] : memref<320000xi32, #tpu.memory_space<hbm>> -> memref<80xi32, #tpu.memory_space<hbm>>
      tpu.wait_dma2 semaphore(%run_scoped3A : memref<!tpu.dma_semaphore, #tpu.memory_space<semaphore_mem>>) src(%dma_wait3A_115 : memref<80xi32, #tpu.memory_space<hbm>>) dst(%arg10 : memref<80xi32, #tpu.memory_space<vmem>>)
      tpu.yield
    }) : () -> ()
    %dma_start3A = arith.constant 0 : i32
    %dma_start3A_91 = arith.constant 0 : i32
    %dma_start3A_92 = tpu.memref_slice %arg4[%dma_start3A, %dma_start3A_91] : memref<10000x128xf32, #tpu.memory_space<hbm>> -> memref<10000x128xf32, #tpu.memory_space<hbm>>
    tpu.enqueue_indirect_dma source(%dma_start3A_92 : memref<10000x128xf32, #tpu.memory_space<hbm>>) target(%arg11 : memref<80x128xf32, #tpu.memory_space<vmem>>) offsets(%arg9 : memref<80xi32, #tpu.memory_space<vmem>>) semaphore(%arg20 : memref<!tpu.dma_semaphore, #tpu.memory_space<semaphore_mem>>)
    %mul3A_93 = arith.constant 4 : i32
    %mul3A_94 = arith.muli %add3A_90, %mul3A_93 : i32
    %dma_start3A_95 = tpu.memref_slice %arg5[%mul3A_94] : memref<1280000xf32, #tpu.memory_space<hbm>> -> memref<320xf32, #tpu.memory_space<hbm>>
    %dma_start3A_96 = tpu.memref_slice %arg5[%mul3A_94] : memref<1280000xf32, #tpu.memory_space<hbm>> -> memref<320xf32, #tpu.memory_space<hbm>>
    tpu.enqueue_dma source(%dma_start3A_96 : memref<320xf32, #tpu.memory_space<hbm>>) target(%arg12 : memref<320xf32, #tpu.memory_space<vmem>>) target_semaphore(%arg21 : memref<!tpu.dma_semaphore, #tpu.memory_space<semaphore_mem>>)
    %dma_wait3A = arith.constant 0 : i32
    %dma_wait3A_97 = arith.constant 0 : i32
    %dma_wait3A_98 = tpu.memref_slice %arg4[%dma_wait3A, %dma_wait3A_97] : memref<10000x128xf32, #tpu.memory_space<hbm>> -> memref<10000x128xf32, #tpu.memory_space<hbm>>
    tpu.wait_indirect_dma semaphore(%arg20 : memref<!tpu.dma_semaphore, #tpu.memory_space<semaphore_mem>>) src(%dma_wait3A_98 : memref<10000x128xf32, #tpu.memory_space<hbm>>) dst(%arg11 : memref<80x128xf32, #tpu.memory_space<vmem>>)
    %dma_wait3A_99 = tpu.memref_slice %arg5[%mul3A_94] : memref<1280000xf32, #tpu.memory_space<hbm>> -> memref<320xf32, #tpu.memory_space<hbm>>
    %dma_wait3A_100 = tpu.memref_slice %arg5[%mul3A_94] : memref<1280000xf32, #tpu.memory_space<hbm>> -> memref<320xf32, #tpu.memory_space<hbm>>
    tpu.wait_dma2 semaphore(%arg21 : memref<!tpu.dma_semaphore, #tpu.memory_space<semaphore_mem>>) src(%dma_wait3A_100 : memref<320xf32, #tpu.memory_space<hbm>>) dst(%arg12 : memref<320xf32, #tpu.memory_space<vmem>>)
    %scan3A_101 = arith.constant 0 : i32
    %scan3A_102 = arith.constant 0 : i32
    %scan3A_103 = arith.constant 20 : i32
    %scan3A_104 = arith.addi %scan3A_102, %scan3A_103 : i32
    %scan3A_105 = arith.constant 1 : i32
    scf.for %scan3A_112 = %scan3A_102 to %scan3A_104 step %scan3A_105  : i32 {
      %mul3A_113 = arith.constant 16 : i32
      %mul3A_114 = arith.muli %scan3A_112, %mul3A_113 : i32
      %get3A = arith.index_cast %mul3A_114 : i32 to index
      %get3A_115 = tpu.vector_load %arg12[%get3A] {strides = array<i32>} : memref<320xf32, #tpu.memory_space<vmem>>, vector<16xf32>,
      %mul3A_116 = arith.constant 4 : i32
      %mul3A_117 = arith.muli %scan3A_112, %mul3A_116 : i32
      %add3A_118 = arith.constant 0 : i32
      %add3A_119 = arith.addi %mul3A_117, %add3A_118 : i32
      %broadcast_in_dim3A_120 = arith.constant 0 : i32
      %broadcast_in_dim3A_121 = vector.broadcast %broadcast_in_dim3A_120 : i32 to vector<16xi32>
      %lt3A = arith.constant 0 : i32
      %lt3A_122 = vector.broadcast %lt3A : i32 to vector<16xi32>
      %lt3A_123 = arith.cmpi slt, %broadcast_in_dim3A_121, %lt3A_122 : vector<16xi32>
      %add3A_124 = arith.constant 16 : i32
      %add3A_125 = vector.broadcast %add3A_124 : i32 to vector<16xi32>
      %add3A_126 = arith.addi %broadcast_in_dim3A_121, %add3A_125 : vector<16xi32>
      %select_n3A = arith.select %lt3A_123, %add3A_126, %broadcast_in_dim3A_121 : vector<16xi1>, vector<16xi32>
      %reshape3A = vector.shape_cast %select_n3A : vector<16xi32> to vector<16x1xi32>
      %gather3A = vector.shape_cast %reshape3A : vector<16x1xi32> to vector<16xi32>
      %gather3A_127 = tpu.dynamic_gather %get3A_115[%gather3A] in [0] : vector<16xf32>, vector<16xi32> -> vector<16xf32>
      %get3A_128 = arith.index_cast %add3A_119 : i32 to index
      %get3A_129 = arith.constant 0 : index
      %get3A_130 = tpu.vector_load %arg11[%get3A_128, %get3A_129] {strides = array<i32>} : memref<80x128xf32, #tpu.memory_space<vmem>>, vector<16xf32>,
      %mul3A_131 = arith.mulf %get3A_130, %gather3A_127 : vector<16xf32>
      %swap3A = arith.index_cast %add3A_119 : i32 to index
      %swap3A_132 = arith.constant 0 : index
      %swap3A_133 = tpu.vector_load %arg11[%swap3A, %swap3A_132] {strides = array<i32>} : memref<80x128xf32, #tpu.memory_space<vmem>>, vector<16xf32>,
      tpu.vector_store %arg11[%swap3A, %swap3A_132], %mul3A_131 {strides = array<i32>} : memref<80x128xf32, #tpu.memory_space<vmem>>, vector<16xf32>,
      %broadcast_in_dim3A_134 = arith.constant 0 : i32
      %broadcast_in_dim3A_135 = vector.broadcast %broadcast_in_dim3A_134 : i32 to vector<16xi32>
      %lt3A_136 = arith.constant 0 : i32
      %lt3A_137 = vector.broadcast %lt3A_136 : i32 to vector<16xi32>
      %lt3A_138 = arith.cmpi slt, %broadcast_in_dim3A_135, %lt3A_137 : vector<16xi32>
      %add3A_139 = arith.constant 16 : i32
      %add3A_140 = vector.broadcast %add3A_139 : i32 to vector<16xi32>
      %add3A_141 = arith.addi %broadcast_in_dim3A_135, %add3A_140 : vector<16xi32>
      %select_n3A_142 = arith.select %lt3A_138, %add3A_141, %broadcast_in_dim3A_135 : vector<16xi1>, vector<16xi32>
      %reshape3A_143 = vector.shape_cast %select_n3A_142 : vector<16xi32> to vector<16x1xi32>
      %gather3A_144 = vector.shape_cast %reshape3A_143 : vector<16x1xi32> to vector<16xi32>
      %gather3A_145 = tpu.dynamic_gather %get3A_115[%gather3A_144] in [0] : vector<16xf32>, vector<16xi32> -> vector<16xf32>
      %get3A_146 = arith.index_cast %add3A_119 : i32 to index
      %get3A_147 = arith.constant 16 : index
      %get3A_148 = tpu.vector_load %arg11[%get3A_146, %get3A_147] {strides = array<i32>} : memref<80x128xf32, #tpu.memory_space<vmem>>, vector<16xf32>,
      %mul3A_149 = arith.mulf %get3A_148, %gather3A_145 : vector<16xf32>
      %swap3A_150 = arith.index_cast %add3A_119 : i32 to index
      %swap3A_151 = arith.constant 16 : index
      %swap3A_152 = tpu.vector_load %arg11[%swap3A_150, %swap3A_151] {strides = array<i32>} : memref<80x128xf32, #tpu.memory_space<vmem>>, vector<16xf32>,
      tpu.vector_store %arg11[%swap3A_150, %swap3A_151], %mul3A_149 {strides = array<i32>} : memref<80x128xf32, #tpu.memory_space<vmem>>, vector<16xf32>,
      %broadcast_in_dim3A_153 = arith.constant 1 : i32
      %broadcast_in_dim3A_154 = vector.broadcast %broadcast_in_dim3A_153 : i32 to vector<16xi32>
      %lt3A_155 = arith.constant 0 : i32
      %lt3A_156 = vector.broadcast %lt3A_155 : i32 to vector<16xi32>
      %lt3A_157 = arith.cmpi slt, %broadcast_in_dim3A_154, %lt3A_156 : vector<16xi32>
      %add3A_158 = arith.constant 16 : i32
      %add3A_159 = vector.broadcast %add3A_158 : i32 to vector<16xi32>
      %add3A_160 = arith.addi %broadcast_in_dim3A_154, %add3A_159 : vector<16xi32>
      %select_n3A_161 = arith.select %lt3A_157, %add3A_160, %broadcast_in_dim3A_154 : vector<16xi1>, vector<16xi32>
      %reshape3A_162 = vector.shape_cast %select_n3A_161 : vector<16xi32> to vector<16x1xi32>
      %gather3A_163 = vector.shape_cast %reshape3A_162 : vector<16x1xi32> to vector<16xi32>
      %gather3A_164 = tpu.dynamic_gather %get3A_115[%gather3A_163] in [0] : vector<16xf32>, vector<16xi32> -> vector<16xf32>
      %get3A_165 = arith.index_cast %add3A_119 : i32 to index
      %get3A_166 = arith.constant 32 : index
      %get3A_167 = tpu.vector_load %arg11[%get3A_165, %get3A_166] {strides = array<i32>} : memref<80x128xf32, #tpu.memory_space<vmem>>, vector<16xf32>,
      %mul3A_168 = arith.mulf %get3A_167, %gather3A_164 : vector<16xf32>
      %swap3A_169 = arith.index_cast %add3A_119 : i32 to index
      %swap3A_170 = arith.constant 32 : index
      %swap3A_171 = tpu.vector_load %arg11[%swap3A_169, %swap3A_170] {strides = array<i32>} : memref<80x128xf32, #tpu.memory_space<vmem>>, vector<16xf32>,
      tpu.vector_store %arg11[%swap3A_169, %swap3A_170], %mul3A_168 {strides = array<i32>} : memref<80x128xf32, #tpu.memory_space<vmem>>, vector<16xf32>,
      %broadcast_in_dim3A_172 = arith.constant 1 : i32
      %broadcast_in_dim3A_173 = vector.broadcast %broadcast_in_dim3A_172 : i32 to vector<16xi32>
      %lt3A_174 = arith.constant 0 : i32
      %lt3A_175 = vector.broadcast %lt3A_174 : i32 to vector<16xi32>
      %lt3A_176 = arith.cmpi slt, %broadcast_in_dim3A_173, %lt3A_175 : vector<16xi32>
      %add3A_177 = arith.constant 16 : i32
      %add3A_178 = vector.broadcast %add3A_177 : i32 to vector<16xi32>
      %add3A_179 = arith.addi %broadcast_in_dim3A_173, %add3A_178 : vector<16xi32>
      %select_n3A_180 = arith.select %lt3A_176, %add3A_179, %broadcast_in_dim3A_173 : vector<16xi1>, vector<16xi32>
      %reshape3A_181 = vector.shape_cast %select_n3A_180 : vector<16xi32> to vector<16x1xi32>
      %gather3A_182 = vector.shape_cast %reshape3A_181 : vector<16x1xi32> to vector<16xi32>
      %gather3A_183 = tpu.dynamic_gather %get3A_115[%gather3A_182] in [0] : vector<16xf32>, vector<16xi32> -> vector<16xf32>
      %get3A_184 = arith.index_cast %add3A_119 : i32 to index
      %get3A_185 = arith.constant 48 : index
      %get3A_186 = tpu.vector_load %arg11[%get3A_184, %get3A_185] {strides = array<i32>} : memref<80x128xf32, #tpu.memory_space<vmem>>, vector<16xf32>,
      %mul3A_187 = arith.mulf %get3A_186, %gather3A_183 : vector<16xf32>
      %swap3A_188 = arith.index_cast %add3A_119 : i32 to index
      %swap3A_189 = arith.constant 48 : index
      %swap3A_190 = tpu.vector_load %arg11[%swap3A_188, %swap3A_189] {strides = array<i32>} : memref<80x128xf32, #tpu.memory_space<vmem>>, vector<16xf32>,
      tpu.vector_store %arg11[%swap3A_188, %swap3A_189], %mul3A_187 {strides = array<i32>} : memref<80x128xf32, #tpu.memory_space<vmem>>, vector<16xf32>,
      %broadcast_in_dim3A_191 = arith.constant 2 : i32
      %broadcast_in_dim3A_192 = vector.broadcast %broadcast_in_dim3A_191 : i32 to vector<16xi32>
      %lt3A_193 = arith.constant 0 : i32
      %lt3A_194 = vector.broadcast %lt3A_193 : i32 to vector<16xi32>
      %lt3A_195 = arith.cmpi slt, %broadcast_in_dim3A_192, %lt3A_194 : vector<16xi32>
      %add3A_196 = arith.constant 16 : i32
      %add3A_197 = vector.broadcast %add3A_196 : i32 to vector<16xi32>
      %add3A_198 = arith.addi %broadcast_in_dim3A_192, %add3A_197 : vector<16xi32>
      %select_n3A_199 = arith.select %lt3A_195, %add3A_198, %broadcast_in_dim3A_192 : vector<16xi1>, vector<16xi32>
      %reshape3A_200 = vector.shape_cast %select_n3A_199 : vector<16xi32> to vector<16x1xi32>
      %gather3A_201 = vector.shape_cast %reshape3A_200 : vector<16x1xi32> to vector<16xi32>
      %gather3A_202 = tpu.dynamic_gather %get3A_115[%gather3A_201] in [0] : vector<16xf32>, vector<16xi32> -> vector<16xf32>
      %get3A_203 = arith.index_cast %add3A_119 : i32 to index
      %get3A_204 = arith.constant 64 : index
      %get3A_205 = tpu.vector_load %arg11[%get3A_203, %get3A_204] {strides = array<i32>} : memref<80x128xf32, #tpu.memory_space<vmem>>, vector<16xf32>,
      %mul3A_206 = arith.mulf %get3A_205, %gather3A_202 : vector<16xf32>
      %swap3A_207 = arith.index_cast %add3A_119 : i32 to index
      %swap3A_208 = arith.constant 64 : index
      %swap3A_209 = tpu.vector_load %arg11[%swap3A_207, %swap3A_208] {strides = array<i32>} : memref<80x128xf32, #tpu.memory_space<vmem>>, vector<16xf32>,
      tpu.vector_store %arg11[%swap3A_207, %swap3A_208], %mul3A_206 {strides = array<i32>} : memref<80x128xf32, #tpu.memory_space<vmem>>, vector<16xf32>,
      %broadcast_in_dim3A_210 = arith.constant 2 : i32
      %broadcast_in_dim3A_211 = vector.broadcast %broadcast_in_dim3A_210 : i32 to vector<16xi32>
      %lt3A_212 = arith.constant 0 : i32
      %lt3A_213 = vector.broadcast %lt3A_212 : i32 to vector<16xi32>
      %lt3A_214 = arith.cmpi slt, %broadcast_in_dim3A_211, %lt3A_213 : vector<16xi32>
      %add3A_215 = arith.constant 16 : i32
      %add3A_216 = vector.broadcast %add3A_215 : i32 to vector<16xi32>
      %add3A_217 = arith.addi %broadcast_in_dim3A_211, %add3A_216 : vector<16xi32>
      %select_n3A_218 = arith.select %lt3A_214, %add3A_217, %broadcast_in_dim3A_211 : vector<16xi1>, vector<16xi32>
      %reshape3A_219 = vector.shape_cast %select_n3A_218 : vector<16xi32> to vector<16x1xi32>
      %gather3A_220 = vector.shape_cast %reshape3A_219 : vector<16x1xi32> to vector<16xi32>
      %gather3A_221 = tpu.dynamic_gather %get3A_115[%gather3A_220] in [0] : vector<16xf32>, vector<16xi32> -> vector<16xf32>
      %get3A_222 = arith.index_cast %add3A_119 : i32 to index
      %get3A_223 = arith.constant 80 : index
      %get3A_224 = tpu.vector_load %arg11[%get3A_222, %get3A_223] {strides = array<i32>} : memref<80x128xf32, #tpu.memory_space<vmem>>, vector<16xf32>,
      %mul3A_225 = arith.mulf %get3A_224, %gather3A_221 : vector<16xf32>
      %swap3A_226 = arith.index_cast %add3A_119 : i32 to index
      %swap3A_227 = arith.constant 80 : index
      %swap3A_228 = tpu.vector_load %arg11[%swap3A_226, %swap3A_227] {strides = array<i32>} : memref<80x128xf32, #tpu.memory_space<vmem>>, vector<16xf32>,
      tpu.vector_store %arg11[%swap3A_226, %swap3A_227], %mul3A_225 {strides = array<i32>} : memref<80x128xf32, #tpu.memory_space<vmem>>, vector<16xf32>,
      %broadcast_in_dim3A_229 = arith.constant 3 : i32
      %broadcast_in_dim3A_230 = vector.broadcast %broadcast_in_dim3A_229 : i32 to vector<16xi32>
      %lt3A_231 = arith.constant 0 : i32
      %lt3A_232 = vector.broadcast %lt3A_231 : i32 to vector<16xi32>
      %lt3A_233 = arith.cmpi slt, %broadcast_in_dim3A_230, %lt3A_232 : vector<16xi32>
      %add3A_234 = arith.constant 16 : i32
      %add3A_235 = vector.broadcast %add3A_234 : i32 to vector<16xi32>
      %add3A_236 = arith.addi %broadcast_in_dim3A_230, %add3A_235 : vector<16xi32>
      %select_n3A_237 = arith.select %lt3A_233, %add3A_236, %broadcast_in_dim3A_230 : vector<16xi1>, vector<16xi32>
      %reshape3A_238 = vector.shape_cast %select_n3A_237 : vector<16xi32> to vector<16x1xi32>
      %gather3A_239 = vector.shape_cast %reshape3A_238 : vector<16x1xi32> to vector<16xi32>
      %gather3A_240 = tpu.dynamic_gather %get3A_115[%gather3A_239] in [0] : vector<16xf32>, vector<16xi32> -> vector<16xf32>
      %get3A_241 = arith.index_cast %add3A_119 : i32 to index
      %get3A_242 = arith.constant 96 : index
      %get3A_243 = tpu.vector_load %arg11[%get3A_241, %get3A_242] {strides = array<i32>} : memref<80x128xf32, #tpu.memory_space<vmem>>, vector<16xf32>,
      %mul3A_244 = arith.mulf %get3A_243, %gather3A_240 : vector<16xf32>
      %swap3A_245 = arith.index_cast %add3A_119 : i32 to index
      %swap3A_246 = arith.constant 96 : index
      %swap3A_247 = tpu.vector_load %arg11[%swap3A_245, %swap3A_246] {strides = array<i32>} : memref<80x128xf32, #tpu.memory_space<vmem>>, vector<16xf32>,
      tpu.vector_store %arg11[%swap3A_245, %swap3A_246], %mul3A_244 {strides = array<i32>} : memref<80x128xf32, #tpu.memory_space<vmem>>, vector<16xf32>,
      %broadcast_in_dim3A_248 = arith.constant 3 : i32
      %broadcast_in_dim3A_249 = vector.broadcast %broadcast_in_dim3A_248 : i32 to vector<16xi32>
      %lt3A_250 = arith.constant 0 : i32
      %lt3A_251 = vector.broadcast %lt3A_250 : i32 to vector<16xi32>
      %lt3A_252 = arith.cmpi slt, %broadcast_in_dim3A_249, %lt3A_251 : vector<16xi32>
      %add3A_253 = arith.constant 16 : i32
      %add3A_254 = vector.broadcast %add3A_253 : i32 to vector<16xi32>
      %add3A_255 = arith.addi %broadcast_in_dim3A_249, %add3A_254 : vector<16xi32>
      %select_n3A_256 = arith.select %lt3A_252, %add3A_255, %broadcast_in_dim3A_249 : vector<16xi1>, vector<16xi32>
      %reshape3A_257 = vector.shape_cast %select_n3A_256 : vector<16xi32> to vector<16x1xi32>
      %gather3A_258 = vector.shape_cast %reshape3A_257 : vector<16x1xi32> to vector<16xi32>
      %gather3A_259 = tpu.dynamic_gather %get3A_115[%gather3A_258] in [0] : vector<16xf32>, vector<16xi32> -> vector<16xf32>
      %get3A_260 = arith.index_cast %add3A_119 : i32 to index
      %get3A_261 = arith.constant 112 : index
      %get3A_262 = tpu.vector_load %arg11[%get3A_260, %get3A_261] {strides = array<i32>} : memref<80x128xf32, #tpu.memory_space<vmem>>, vector<16xf32>,
      %mul3A_263 = arith.mulf %get3A_262, %gather3A_259 : vector<16xf32>
      %swap3A_264 = arith.index_cast %add3A_119 : i32 to index
      %swap3A_265 = arith.constant 112 : index
      %swap3A_266 = tpu.vector_load %arg11[%swap3A_264, %swap3A_265] {strides = array<i32>} : memref<80x128xf32, #tpu.memory_space<vmem>>, vector<16xf32>,
      tpu.vector_store %arg11[%swap3A_264, %swap3A_265], %mul3A_263 {strides = array<i32>} : memref<80x128xf32, #tpu.memory_space<vmem>>, vector<16xf32>,
      %mul3A_267 = arith.constant 4 : i32
      %mul3A_268 = arith.muli %scan3A_112, %mul3A_267 : i32
      %add3A_269 = arith.constant 1 : i32
      %add3A_270 = arith.addi %mul3A_268, %add3A_269 : i32
      %broadcast_in_dim3A_271 = arith.constant 4 : i32
      %broadcast_in_dim3A_272 = vector.broadcast %broadcast_in_dim3A_271 : i32 to vector<16xi32>
      %lt3A_273 = arith.constant 0 : i32
      %lt3A_274 = vector.broadcast %lt3A_273 : i32 to vector<16xi32>
      %lt3A_275 = arith.cmpi slt, %broadcast_in_dim3A_272, %lt3A_274 : vector<16xi32>
      %add3A_276 = arith.constant 16 : i32
      %add3A_277 = vector.broadcast %add3A_276 : i32 to vector<16xi32>
      %add3A_278 = arith.addi %broadcast_in_dim3A_272, %add3A_277 : vector<16xi32>
      %select_n3A_279 = arith.select %lt3A_275, %add3A_278, %broadcast_in_dim3A_272 : vector<16xi1>, vector<16xi32>
      %reshape3A_280 = vector.shape_cast %select_n3A_279 : vector<16xi32> to vector<16x1xi32>
      %gather3A_281 = vector.shape_cast %reshape3A_280 : vector<16x1xi32> to vector<16xi32>
      %gather3A_282 = tpu.dynamic_gather %get3A_115[%gather3A_281] in [0] : vector<16xf32>, vector<16xi32> -> vector<16xf32>
      %get3A_283 = arith.index_cast %add3A_270 : i32 to index
      %get3A_284 = arith.constant 0 : index
      %get3A_285 = tpu.vector_load %arg11[%get3A_283, %get3A_284] {strides = array<i32>} : memref<80x128xf32, #tpu.memory_space<vmem>>, vector<16xf32>,
      %mul3A_286 = arith.mulf %get3A_285, %gather3A_282 : vector<16xf32>
      %swap3A_287 = arith.index_cast %add3A_270 : i32 to index
      %swap3A_288 = arith.constant 0 : index
      %swap3A_289 = tpu.vector_load %arg11[%swap3A_287, %swap3A_288] {strides = array<i32>} : memref<80x128xf32, #tpu.memory_space<vmem>>, vector<16xf32>,
      tpu.vector_store %arg11[%swap3A_287, %swap3A_288], %mul3A_286 {strides = array<i32>} : memref<80x128xf32, #tpu.memory_space<vmem>>, vector<16xf32>,
      %broadcast_in_dim3A_290 = arith.constant 4 : i32
      %broadcast_in_dim3A_291 = vector.broadcast %broadcast_in_dim3A_290 : i32 to vector<16xi32>
      %lt3A_292 = arith.constant 0 : i32
      %lt3A_293 = vector.broadcast %lt3A_292 : i32 to vector<16xi32>
      %lt3A_294 = arith.cmpi slt, %broadcast_in_dim3A_291, %lt3A_293 : vector<16xi32>
      %add3A_295 = arith.constant 16 : i32
      %add3A_296 = vector.broadcast %add3A_295 : i32 to vector<16xi32>
      %add3A_297 = arith.addi %broadcast_in_dim3A_291, %add3A_296 : vector<16xi32>
      %select_n3A_298 = arith.select %lt3A_294, %add3A_297, %broadcast_in_dim3A_291 : vector<16xi1>, vector<16xi32>
      %reshape3A_299 = vector.shape_cast %select_n3A_298 : vector<16xi32> to vector<16x1xi32>
      %gather3A_300 = vector.shape_cast %reshape3A_299 : vector<16x1xi32> to vector<16xi32>
      %gather3A_301 = tpu.dynamic_gather %get3A_115[%gather3A_300] in [0] : vector<16xf32>, vector<16xi32> -> vector<16xf32>
      %get3A_302 = arith.index_cast %add3A_270 : i32 to index
      %get3A_303 = arith.constant 16 : index
      %get3A_304 = tpu.vector_load %arg11[%get3A_302, %get3A_303] {strides = array<i32>} : memref<80x128xf32, #tpu.memory_space<vmem>>, vector<16xf32>,
      %mul3A_305 = arith.mulf %get3A_304, %gather3A_301 : vector<16xf32>
      %swap3A_306 = arith.index_cast %add3A_270 : i32 to index
      %swap3A_307 = arith.constant 16 : index
      %swap3A_308 = tpu.vector_load %arg11[%swap3A_306, %swap3A_307] {strides = array<i32>} : memref<80x128xf32, #tpu.memory_space<vmem>>, vector<16xf32>,
      tpu.vector_store %arg11[%swap3A_306, %swap3A_307], %mul3A_305 {strides = array<i32>} : memref<80x128xf32, #tpu.memory_space<vmem>>, vector<16xf32>,
      %broadcast_in_dim3A_309 = arith.constant 5 : i32
      %broadcast_in_dim3A_310 = vector.broadcast %broadcast_in_dim3A_309 : i32 to vector<16xi32>
      %lt3A_311 = arith.constant 0 : i32
      %lt3A_312 = vector.broadcast %lt3A_311 : i32 to vector<16xi32>
      %lt3A_313 = arith.cmpi slt, %broadcast_in_dim3A_310, %lt3A_312 : vector<16xi32>
      %add3A_314 = arith.constant 16 : i32
      %add3A_315 = vector.broadcast %add3A_314 : i32 to vector<16xi32>
      %add3A_316 = arith.addi %broadcast_in_dim3A_310, %add3A_315 : vector<16xi32>
      %select_n3A_317 = arith.select %lt3A_313, %add3A_316, %broadcast_in_dim3A_310 : vector<16xi1>, vector<16xi32>
      %reshape3A_318 = vector.shape_cast %select_n3A_317 : vector<16xi32> to vector<16x1xi32>
      %gather3A_319 = vector.shape_cast %reshape3A_318 : vector<16x1xi32> to vector<16xi32>
      %gather3A_320 = tpu.dynamic_gather %get3A_115[%gather3A_319] in [0] : vector<16xf32>, vector<16xi32> -> vector<16xf32>
      %get3A_321 = arith.index_cast %add3A_270 : i32 to index
      %get3A_322 = arith.constant 32 : index
      %get3A_323 = tpu.vector_load %arg11[%get3A_321, %get3A_322] {strides = array<i32>} : memref<80x128xf32, #tpu.memory_space<vmem>>, vector<16xf32>,
      %mul3A_324 = arith.mulf %get3A_323, %gather3A_320 : vector<16xf32>
      %swap3A_325 = arith.index_cast %add3A_270 : i32 to index
      %swap3A_326 = arith.constant 32 : index
      %swap3A_327 = tpu.vector_load %arg11[%swap3A_325, %swap3A_326] {strides = array<i32>} : memref<80x128xf32, #tpu.memory_space<vmem>>, vector<16xf32>,
      tpu.vector_store %arg11[%swap3A_325, %swap3A_326], %mul3A_324 {strides = array<i32>} : memref<80x128xf32, #tpu.memory_space<vmem>>, vector<16xf32>,
      %broadcast_in_dim3A_328 = arith.constant 5 : i32
      %broadcast_in_dim3A_329 = vector.broadcast %broadcast_in_dim3A_328 : i32 to vector<16xi32>
      %lt3A_330 = arith.constant 0 : i32
      %lt3A_331 = vector.broadcast %lt3A_330 : i32 to vector<16xi32>
      %lt3A_332 = arith.cmpi slt, %broadcast_in_dim3A_329, %lt3A_331 : vector<16xi32>
      %add3A_333 = arith.constant 16 : i32
      %add3A_334 = vector.broadcast %add3A_333 : i32 to vector<16xi32>
      %add3A_335 = arith.addi %broadcast_in_dim3A_329, %add3A_334 : vector<16xi32>
      %select_n3A_336 = arith.select %lt3A_332, %add3A_335, %broadcast_in_dim3A_329 : vector<16xi1>, vector<16xi32>
      %reshape3A_337 = vector.shape_cast %select_n3A_336 : vector<16xi32> to vector<16x1xi32>
      %gather3A_338 = vector.shape_cast %reshape3A_337 : vector<16x1xi32> to vector<16xi32>
      %gather3A_339 = tpu.dynamic_gather %get3A_115[%gather3A_338] in [0] : vector<16xf32>, vector<16xi32> -> vector<16xf32>
      %get3A_340 = arith.index_cast %add3A_270 : i32 to index
      %get3A_341 = arith.constant 48 : index
      %get3A_342 = tpu.vector_load %arg11[%get3A_340, %get3A_341] {strides = array<i32>} : memref<80x128xf32, #tpu.memory_space<vmem>>, vector<16xf32>,
      %mul3A_343 = arith.mulf %get3A_342, %gather3A_339 : vector<16xf32>
      %swap3A_344 = arith.index_cast %add3A_270 : i32 to index
      %swap3A_345 = arith.constant 48 : index
      %swap3A_346 = tpu.vector_load %arg11[%swap3A_344, %swap3A_345] {strides = array<i32>} : memref<80x128xf32, #tpu.memory_space<vmem>>, vector<16xf32>,
      tpu.vector_store %arg11[%swap3A_344, %swap3A_345], %mul3A_343 {strides = array<i32>} : memref<80x128xf32, #tpu.memory_space<vmem>>, vector<16xf32>,
      %broadcast_in_dim3A_347 = arith.constant 6 : i32
      %broadcast_in_dim3A_348 = vector.broadcast %broadcast_in_dim3A_347 : i32 to vector<16xi32>
      %lt3A_349 = arith.constant 0 : i32
      %lt3A_350 = vector.broadcast %lt3A_349 : i32 to vector<16xi32>
      %lt3A_351 = arith.cmpi slt, %broadcast_in_dim3A_348, %lt3A_350 : vector<16xi32>
      %add3A_352 = arith.constant 16 : i32
      %add3A_353 = vector.broadcast %add3A_352 : i32 to vector<16xi32>
      %add3A_354 = arith.addi %broadcast_in_dim3A_348, %add3A_353 : vector<16xi32>
      %select_n3A_355 = arith.select %lt3A_351, %add3A_354, %broadcast_in_dim3A_348 : vector<16xi1>, vector<16xi32>
      %reshape3A_356 = vector.shape_cast %select_n3A_355 : vector<16xi32> to vector<16x1xi32>
      %gather3A_357 = vector.shape_cast %reshape3A_356 : vector<16x1xi32> to vector<16xi32>
      %gather3A_358 = tpu.dynamic_gather %get3A_115[%gather3A_357] in [0] : vector<16xf32>, vector<16xi32> -> vector<16xf32>
      %get3A_359 = arith.index_cast %add3A_270 : i32 to index
      %get3A_360 = arith.constant 64 : index
      %get3A_361 = tpu.vector_load %arg11[%get3A_359, %get3A_360] {strides = array<i32>} : memref<80x128xf32, #tpu.memory_space<vmem>>, vector<16xf32>,
      %mul3A_362 = arith.mulf %get3A_361, %gather3A_358 : vector<16xf32>
      %swap3A_363 = arith.index_cast %add3A_270 : i32 to index
      %swap3A_364 = arith.constant 64 : index
      %swap3A_365 = tpu.vector_load %arg11[%swap3A_363, %swap3A_364] {strides = array<i32>} : memref<80x128xf32, #tpu.memory_space<vmem>>, vector<16xf32>,
      tpu.vector_store %arg11[%swap3A_363, %swap3A_364], %mul3A_362 {strides = array<i32>} : memref<80x128xf32, #tpu.memory_space<vmem>>, vector<16xf32>,
      %broadcast_in_dim3A_366 = arith.constant 6 : i32
      %broadcast_in_dim3A_367 = vector.broadcast %broadcast_in_dim3A_366 : i32 to vector<16xi32>
      %lt3A_368 = arith.constant 0 : i32
      %lt3A_369 = vector.broadcast %lt3A_368 : i32 to vector<16xi32>
      %lt3A_370 = arith.cmpi slt, %broadcast_in_dim3A_367, %lt3A_369 : vector<16xi32>
      %add3A_371 = arith.constant 16 : i32
      %add3A_372 = vector.broadcast %add3A_371 : i32 to vector<16xi32>
      %add3A_373 = arith.addi %broadcast_in_dim3A_367, %add3A_372 : vector<16xi32>
      %select_n3A_374 = arith.select %lt3A_370, %add3A_373, %broadcast_in_dim3A_367 : vector<16xi1>, vector<16xi32>
      %reshape3A_375 = vector.shape_cast %select_n3A_374 : vector<16xi32> to vector<16x1xi32>
      %gather3A_376 = vector.shape_cast %reshape3A_375 : vector<16x1xi32> to vector<16xi32>
      %gather3A_377 = tpu.dynamic_gather %get3A_115[%gather3A_376] in [0] : vector<16xf32>, vector<16xi32> -> vector<16xf32>
      %get3A_378 = arith.index_cast %add3A_270 : i32 to index
      %get3A_379 = arith.constant 80 : index
      %get3A_380 = tpu.vector_load %arg11[%get3A_378, %get3A_379] {strides = array<i32>} : memref<80x128xf32, #tpu.memory_space<vmem>>, vector<16xf32>,
      %mul3A_381 = arith.mulf %get3A_380, %gather3A_377 : vector<16xf32>
      %swap3A_382 = arith.index_cast %add3A_270 : i32 to index
      %swap3A_383 = arith.constant 80 : index
      %swap3A_384 = tpu.vector_load %arg11[%swap3A_382, %swap3A_383] {strides = array<i32>} : memref<80x128xf32, #tpu.memory_space<vmem>>, vector<16xf32>,
      tpu.vector_store %arg11[%swap3A_382, %swap3A_383], %mul3A_381 {strides = array<i32>} : memref<80x128xf32, #tpu.memory_space<vmem>>, vector<16xf32>,
      %broadcast_in_dim3A_385 = arith.constant 7 : i32
      %broadcast_in_dim3A_386 = vector.broadcast %broadcast_in_dim3A_385 : i32 to vector<16xi32>
      %lt3A_387 = arith.constant 0 : i32
      %lt3A_388 = vector.broadcast %lt3A_387 : i32 to vector<16xi32>
      %lt3A_389 = arith.cmpi slt, %broadcast_in_dim3A_386, %lt3A_388 : vector<16xi32>
      %add3A_390 = arith.constant 16 : i32
      %add3A_391 = vector.broadcast %add3A_390 : i32 to vector<16xi32>
      %add3A_392 = arith.addi %broadcast_in_dim3A_386, %add3A_391 : vector<16xi32>
      %select_n3A_393 = arith.select %lt3A_389, %add3A_392, %broadcast_in_dim3A_386 : vector<16xi1>, vector<16xi32>
      %reshape3A_394 = vector.shape_cast %select_n3A_393 : vector<16xi32> to vector<16x1xi32>
      %gather3A_395 = vector.shape_cast %reshape3A_394 : vector<16x1xi32> to vector<16xi32>
      %gather3A_396 = tpu.dynamic_gather %get3A_115[%gather3A_395] in [0] : vector<16xf32>, vector<16xi32> -> vector<16xf32>
      %get3A_397 = arith.index_cast %add3A_270 : i32 to index
      %get3A_398 = arith.constant 96 : index
      %get3A_399 = tpu.vector_load %arg11[%get3A_397, %get3A_398] {strides = array<i32>} : memref<80x128xf32, #tpu.memory_space<vmem>>, vector<16xf32>,
      %mul3A_400 = arith.mulf %get3A_399, %gather3A_396 : vector<16xf32>
      %swap3A_401 = arith.index_cast %add3A_270 : i32 to index
      %swap3A_402 = arith.constant 96 : index
      %swap3A_403 = tpu.vector_load %arg11[%swap3A_401, %swap3A_402] {strides = array<i32>} : memref<80x128xf32, #tpu.memory_space<vmem>>, vector<16xf32>,
      tpu.vector_store %arg11[%swap3A_401, %swap3A_402], %mul3A_400 {strides = array<i32>} : memref<80x128xf32, #tpu.memory_space<vmem>>, vector<16xf32>,
      %broadcast_in_dim3A_404 = arith.constant 7 : i32
      %broadcast_in_dim3A_405 = vector.broadcast %broadcast_in_dim3A_404 : i32 to vector<16xi32>
      %lt3A_406 = arith.constant 0 : i32
      %lt3A_407 = vector.broadcast %lt3A_406 : i32 to vector<16xi32>
      %lt3A_408 = arith.cmpi slt, %broadcast_in_dim3A_405, %lt3A_407 : vector<16xi32>
      %add3A_409 = arith.constant 16 : i32
      %add3A_410 = vector.broadcast %add3A_409 : i32 to vector<16xi32>
      %add3A_411 = arith.addi %broadcast_in_dim3A_405, %add3A_410 : vector<16xi32>
      %select_n3A_412 = arith.select %lt3A_408, %add3A_411, %broadcast_in_dim3A_405 : vector<16xi1>, vector<16xi32>
      %reshape3A_413 = vector.shape_cast %select_n3A_412 : vector<16xi32> to vector<16x1xi32>
      %gather3A_414 = vector.shape_cast %reshape3A_413 : vector<16x1xi32> to vector<16xi32>
      %gather3A_415 = tpu.dynamic_gather %get3A_115[%gather3A_414] in [0] : vector<16xf32>, vector<16xi32> -> vector<16xf32>
      %get3A_416 = arith.index_cast %add3A_270 : i32 to index
      %get3A_417 = arith.constant 112 : index
      %get3A_418 = tpu.vector_load %arg11[%get3A_416, %get3A_417] {strides = array<i32>} : memref<80x128xf32, #tpu.memory_space<vmem>>, vector<16xf32>,
      %mul3A_419 = arith.mulf %get3A_418, %gather3A_415 : vector<16xf32>
      %swap3A_420 = arith.index_cast %add3A_270 : i32 to index
      %swap3A_421 = arith.constant 112 : index
      %swap3A_422 = tpu.vector_load %arg11[%swap3A_420, %swap3A_421] {strides = array<i32>} : memref<80x128xf32, #tpu.memory_space<vmem>>, vector<16xf32>,
      tpu.vector_store %arg11[%swap3A_420, %swap3A_421], %mul3A_419 {strides = array<i32>} : memref<80x128xf32, #tpu.memory_space<vmem>>, vector<16xf32>,
      %mul3A_423 = arith.constant 4 : i32
      %mul3A_424 = arith.muli %scan3A_112, %mul3A_423 : i32
      %add3A_425 = arith.constant 2 : i32
      %add3A_426 = arith.addi %mul3A_424, %add3A_425 : i32
      %broadcast_in_dim3A_427 = arith.constant 8 : i32
      %broadcast_in_dim3A_428 = vector.broadcast %broadcast_in_dim3A_427 : i32 to vector<16xi32>
      %lt3A_429 = arith.constant 0 : i32
      %lt3A_430 = vector.broadcast %lt3A_429 : i32 to vector<16xi32>
      %lt3A_431 = arith.cmpi slt, %broadcast_in_dim3A_428, %lt3A_430 : vector<16xi32>
      %add3A_432 = arith.constant 16 : i32
      %add3A_433 = vector.broadcast %add3A_432 : i32 to vector<16xi32>
      %add3A_434 = arith.addi %broadcast_in_dim3A_428, %add3A_433 : vector<16xi32>
      %select_n3A_435 = arith.select %lt3A_431, %add3A_434, %broadcast_in_dim3A_428 : vector<16xi1>, vector<16xi32>
      %reshape3A_436 = vector.shape_cast %select_n3A_435 : vector<16xi32> to vector<16x1xi32>
      %gather3A_437 = vector.shape_cast %reshape3A_436 : vector<16x1xi32> to vector<16xi32>
      %gather3A_438 = tpu.dynamic_gather %get3A_115[%gather3A_437] in [0] : vector<16xf32>, vector<16xi32> -> vector<16xf32>
      %get3A_439 = arith.index_cast %add3A_426 : i32 to index
      %get3A_440 = arith.constant 0 : index
      %get3A_441 = tpu.vector_load %arg11[%get3A_439, %get3A_440] {strides = array<i32>} : memref<80x128xf32, #tpu.memory_space<vmem>>, vector<16xf32>,
      %mul3A_442 = arith.mulf %get3A_441, %gather3A_438 : vector<16xf32>
      %swap3A_443 = arith.index_cast %add3A_426 : i32 to index
      %swap3A_444 = arith.constant 0 : index
      %swap3A_445 = tpu.vector_load %arg11[%swap3A_443, %swap3A_444] {strides = array<i32>} : memref<80x128xf32, #tpu.memory_space<vmem>>, vector<16xf32>,
      tpu.vector_store %arg11[%swap3A_443, %swap3A_444], %mul3A_442 {strides = array<i32>} : memref<80x128xf32, #tpu.memory_space<vmem>>, vector<16xf32>,
      %broadcast_in_dim3A_446 = arith.constant 8 : i32
      %broadcast_in_dim3A_447 = vector.broadcast %broadcast_in_dim3A_446 : i32 to vector<16xi32>
      %lt3A_448 = arith.constant 0 : i32
      %lt3A_449 = vector.broadcast %lt3A_448 : i32 to vector<16xi32>
      %lt3A_450 = arith.cmpi slt, %broadcast_in_dim3A_447, %lt3A_449 : vector<16xi32>
      %add3A_451 = arith.constant 16 : i32
      %add3A_452 = vector.broadcast %add3A_451 : i32 to vector<16xi32>
      %add3A_453 = arith.addi %broadcast_in_dim3A_447, %add3A_452 : vector<16xi32>
      %select_n3A_454 = arith.select %lt3A_450, %add3A_453, %broadcast_in_dim3A_447 : vector<16xi1>, vector<16xi32>
      %reshape3A_455 = vector.shape_cast %select_n3A_454 : vector<16xi32> to vector<16x1xi32>
      %gather3A_456 = vector.shape_cast %reshape3A_455 : vector<16x1xi32> to vector<16xi32>
      %gather3A_457 = tpu.dynamic_gather %get3A_115[%gather3A_456] in [0] : vector<16xf32>, vector<16xi32> -> vector<16xf32>
      %get3A_458 = arith.index_cast %add3A_426 : i32 to index
      %get3A_459 = arith.constant 16 : index
      %get3A_460 = tpu.vector_load %arg11[%get3A_458, %get3A_459] {strides = array<i32>} : memref<80x128xf32, #tpu.memory_space<vmem>>, vector<16xf32>,
      %mul3A_461 = arith.mulf %get3A_460, %gather3A_457 : vector<16xf32>
      %swap3A_462 = arith.index_cast %add3A_426 : i32 to index
      %swap3A_463 = arith.constant 16 : index
      %swap3A_464 = tpu.vector_load %arg11[%swap3A_462, %swap3A_463] {strides = array<i32>} : memref<80x128xf32, #tpu.memory_space<vmem>>, vector<16xf32>,
      tpu.vector_store %arg11[%swap3A_462, %swap3A_463], %mul3A_461 {strides = array<i32>} : memref<80x128xf32, #tpu.memory_space<vmem>>, vector<16xf32>,
      %broadcast_in_dim3A_465 = arith.constant 9 : i32
      %broadcast_in_dim3A_466 = vector.broadcast %broadcast_in_dim3A_465 : i32 to vector<16xi32>
      %lt3A_467 = arith.constant 0 : i32
      %lt3A_468 = vector.broadcast %lt3A_467 : i32 to vector<16xi32>
      %lt3A_469 = arith.cmpi slt, %broadcast_in_dim3A_466, %lt3A_468 : vector<16xi32>
      %add3A_470 = arith.constant 16 : i32
      %add3A_471 = vector.broadcast %add3A_470 : i32 to vector<16xi32>
      %add3A_472 = arith.addi %broadcast_in_dim3A_466, %add3A_471 : vector<16xi32>
      %select_n3A_473 = arith.select %lt3A_469, %add3A_472, %broadcast_in_dim3A_466 : vector<16xi1>, vector<16xi32>
      %reshape3A_474 = vector.shape_cast %select_n3A_473 : vector<16xi32> to vector<16x1xi32>
      %gather3A_475 = vector.shape_cast %reshape3A_474 : vector<16x1xi32> to vector<16xi32>
      %gather3A_476 = tpu.dynamic_gather %get3A_115[%gather3A_475] in [0] : vector<16xf32>, vector<16xi32> -> vector<16xf32>
      %get3A_477 = arith.index_cast %add3A_426 : i32 to index
      %get3A_478 = arith.constant 32 : index
      %get3A_479 = tpu.vector_load %arg11[%get3A_477, %get3A_478] {strides = array<i32>} : memref<80x128xf32, #tpu.memory_space<vmem>>, vector<16xf32>,
      %mul3A_480 = arith.mulf %get3A_479, %gather3A_476 : vector<16xf32>
      %swap3A_481 = arith.index_cast %add3A_426 : i32 to index
      %swap3A_482 = arith.constant 32 : index
      %swap3A_483 = tpu.vector_load %arg11[%swap3A_481, %swap3A_482] {strides = array<i32>} : memref<80x128xf32, #tpu.memory_space<vmem>>, vector<16xf32>,
      tpu.vector_store %arg11[%swap3A_481, %swap3A_482], %mul3A_480 {strides = array<i32>} : memref<80x128xf32, #tpu.memory_space<vmem>>, vector<16xf32>,
      %broadcast_in_dim3A_484 = arith.constant 9 : i32
      %broadcast_in_dim3A_485 = vector.broadcast %broadcast_in_dim3A_484 : i32 to vector<16xi32>
      %lt3A_486 = arith.constant 0 : i32
      %lt3A_487 = vector.broadcast %lt3A_486 : i32 to vector<16xi32>
      %lt3A_488 = arith.cmpi slt, %broadcast_in_dim3A_485, %lt3A_487 : vector<16xi32>
      %add3A_489 = arith.constant 16 : i32
      %add3A_490 = vector.broadcast %add3A_489 : i32 to vector<16xi32>
      %add3A_491 = arith.addi %broadcast_in_dim3A_485, %add3A_490 : vector<16xi32>
      %select_n3A_492 = arith.select %lt3A_488, %add3A_491, %broadcast_in_dim3A_485 : vector<16xi1>, vector<16xi32>
      %reshape3A_493 = vector.shape_cast %select_n3A_492 : vector<16xi32> to vector<16x1xi32>
      %gather3A_494 = vector.shape_cast %reshape3A_493 : vector<16x1xi32> to vector<16xi32>
      %gather3A_495 = tpu.dynamic_gather %get3A_115[%gather3A_494] in [0] : vector<16xf32>, vector<16xi32> -> vector<16xf32>
      %get3A_496 = arith.index_cast %add3A_426 : i32 to index
      %get3A_497 = arith.constant 48 : index
      %get3A_498 = tpu.vector_load %arg11[%get3A_496, %get3A_497] {strides = array<i32>} : memref<80x128xf32, #tpu.memory_space<vmem>>, vector<16xf32>,
      %mul3A_499 = arith.mulf %get3A_498, %gather3A_495 : vector<16xf32>
      %swap3A_500 = arith.index_cast %add3A_426 : i32 to index
      %swap3A_501 = arith.constant 48 : index
      %swap3A_502 = tpu.vector_load %arg11[%swap3A_500, %swap3A_501] {strides = array<i32>} : memref<80x128xf32, #tpu.memory_space<vmem>>, vector<16xf32>,
      tpu.vector_store %arg11[%swap3A_500, %swap3A_501], %mul3A_499 {strides = array<i32>} : memref<80x128xf32, #tpu.memory_space<vmem>>, vector<16xf32>,
      %broadcast_in_dim3A_503 = arith.constant 10 : i32
      %broadcast_in_dim3A_504 = vector.broadcast %broadcast_in_dim3A_503 : i32 to vector<16xi32>
      %lt3A_505 = arith.constant 0 : i32
      %lt3A_506 = vector.broadcast %lt3A_505 : i32 to vector<16xi32>
      %lt3A_507 = arith.cmpi slt, %broadcast_in_dim3A_504, %lt3A_506 : vector<16xi32>
      %add3A_508 = arith.constant 16 : i32
      %add3A_509 = vector.broadcast %add3A_508 : i32 to vector<16xi32>
      %add3A_510 = arith.addi %broadcast_in_dim3A_504, %add3A_509 : vector<16xi32>
      %select_n3A_511 = arith.select %lt3A_507, %add3A_510, %broadcast_in_dim3A_504 : vector<16xi1>, vector<16xi32>
      %reshape3A_512 = vector.shape_cast %select_n3A_511 : vector<16xi32> to vector<16x1xi32>
      %gather3A_513 = vector.shape_cast %reshape3A_512 : vector<16x1xi32> to vector<16xi32>
      %gather3A_514 = tpu.dynamic_gather %get3A_115[%gather3A_513] in [0] : vector<16xf32>, vector<16xi32> -> vector<16xf32>
      %get3A_515 = arith.index_cast %add3A_426 : i32 to index
      %get3A_516 = arith.constant 64 : index
      %get3A_517 = tpu.vector_load %arg11[%get3A_515, %get3A_516] {strides = array<i32>} : memref<80x128xf32, #tpu.memory_space<vmem>>, vector<16xf32>,
      %mul3A_518 = arith.mulf %get3A_517, %gather3A_514 : vector<16xf32>
      %swap3A_519 = arith.index_cast %add3A_426 : i32 to index
      %swap3A_520 = arith.constant 64 : index
      %swap3A_521 = tpu.vector_load %arg11[%swap3A_519, %swap3A_520] {strides = array<i32>} : memref<80x128xf32, #tpu.memory_space<vmem>>, vector<16xf32>,
      tpu.vector_store %arg11[%swap3A_519, %swap3A_520], %mul3A_518 {strides = array<i32>} : memref<80x128xf32, #tpu.memory_space<vmem>>, vector<16xf32>,
      %broadcast_in_dim3A_522 = arith.constant 10 : i32
      %broadcast_in_dim3A_523 = vector.broadcast %broadcast_in_dim3A_522 : i32 to vector<16xi32>
      %lt3A_524 = arith.constant 0 : i32
      %lt3A_525 = vector.broadcast %lt3A_524 : i32 to vector<16xi32>
      %lt3A_526 = arith.cmpi slt, %broadcast_in_dim3A_523, %lt3A_525 : vector<16xi32>
      %add3A_527 = arith.constant 16 : i32
      %add3A_528 = vector.broadcast %add3A_527 : i32 to vector<16xi32>
      %add3A_529 = arith.addi %broadcast_in_dim3A_523, %add3A_528 : vector<16xi32>
      %select_n3A_530 = arith.select %lt3A_526, %add3A_529, %broadcast_in_dim3A_523 : vector<16xi1>, vector<16xi32>
      %reshape3A_531 = vector.shape_cast %select_n3A_530 : vector<16xi32> to vector<16x1xi32>
      %gather3A_532 = vector.shape_cast %reshape3A_531 : vector<16x1xi32> to vector<16xi32>
      %gather3A_533 = tpu.dynamic_gather %get3A_115[%gather3A_532] in [0] : vector<16xf32>, vector<16xi32> -> vector<16xf32>
      %get3A_534 = arith.index_cast %add3A_426 : i32 to index
      %get3A_535 = arith.constant 80 : index
      %get3A_536 = tpu.vector_load %arg11[%get3A_534, %get3A_535] {strides = array<i32>} : memref<80x128xf32, #tpu.memory_space<vmem>>, vector<16xf32>,
      %mul3A_537 = arith.mulf %get3A_536, %gather3A_533 : vector<16xf32>
      %swap3A_538 = arith.index_cast %add3A_426 : i32 to index
      %swap3A_539 = arith.constant 80 : index
      %swap3A_540 = tpu.vector_load %arg11[%swap3A_538, %swap3A_539] {strides = array<i32>} : memref<80x128xf32, #tpu.memory_space<vmem>>, vector<16xf32>,
      tpu.vector_store %arg11[%swap3A_538, %swap3A_539], %mul3A_537 {strides = array<i32>} : memref<80x128xf32, #tpu.memory_space<vmem>>, vector<16xf32>,
      %broadcast_in_dim3A_541 = arith.constant 11 : i32
      %broadcast_in_dim3A_542 = vector.broadcast %broadcast_in_dim3A_541 : i32 to vector<16xi32>
      %lt3A_543 = arith.constant 0 : i32
      %lt3A_544 = vector.broadcast %lt3A_543 : i32 to vector<16xi32>
      %lt3A_545 = arith.cmpi slt, %broadcast_in_dim3A_542, %lt3A_544 : vector<16xi32>
      %add3A_546 = arith.constant 16 : i32
      %add3A_547 = vector.broadcast %add3A_546 : i32 to vector<16xi32>
      %add3A_548 = arith.addi %broadcast_in_dim3A_542, %add3A_547 : vector<16xi32>
      %select_n3A_549 = arith.select %lt3A_545, %add3A_548, %broadcast_in_dim3A_542 : vector<16xi1>, vector<16xi32>
      %reshape3A_550 = vector.shape_cast %select_n3A_549 : vector<16xi32> to vector<16x1xi32>
      %gather3A_551 = vector.shape_cast %reshape3A_550 : vector<16x1xi32> to vector<16xi32>
      %gather3A_552 = tpu.dynamic_gather %get3A_115[%gather3A_551] in [0] : vector<16xf32>, vector<16xi32> -> vector<16xf32>
      %get3A_553 = arith.index_cast %add3A_426 : i32 to index
      %get3A_554 = arith.constant 96 : index
      %get3A_555 = tpu.vector_load %arg11[%get3A_553, %get3A_554] {strides = array<i32>} : memref<80x128xf32, #tpu.memory_space<vmem>>, vector<16xf32>,
      %mul3A_556 = arith.mulf %get3A_555, %gather3A_552 : vector<16xf32>
      %swap3A_557 = arith.index_cast %add3A_426 : i32 to index
      %swap3A_558 = arith.constant 96 : index
      %swap3A_559 = tpu.vector_load %arg11[%swap3A_557, %swap3A_558] {strides = array<i32>} : memref<80x128xf32, #tpu.memory_space<vmem>>, vector<16xf32>,
      tpu.vector_store %arg11[%swap3A_557, %swap3A_558], %mul3A_556 {strides = array<i32>} : memref<80x128xf32, #tpu.memory_space<vmem>>, vector<16xf32>,
      %broadcast_in_dim3A_560 = arith.constant 11 : i32
      %broadcast_in_dim3A_561 = vector.broadcast %broadcast_in_dim3A_560 : i32 to vector<16xi32>
      %lt3A_562 = arith.constant 0 : i32
      %lt3A_563 = vector.broadcast %lt3A_562 : i32 to vector<16xi32>
      %lt3A_564 = arith.cmpi slt, %broadcast_in_dim3A_561, %lt3A_563 : vector<16xi32>
      %add3A_565 = arith.constant 16 : i32
      %add3A_566 = vector.broadcast %add3A_565 : i32 to vector<16xi32>
      %add3A_567 = arith.addi %broadcast_in_dim3A_561, %add3A_566 : vector<16xi32>
      %select_n3A_568 = arith.select %lt3A_564, %add3A_567, %broadcast_in_dim3A_561 : vector<16xi1>, vector<16xi32>
      %reshape3A_569 = vector.shape_cast %select_n3A_568 : vector<16xi32> to vector<16x1xi32>
      %gather3A_570 = vector.shape_cast %reshape3A_569 : vector<16x1xi32> to vector<16xi32>
      %gather3A_571 = tpu.dynamic_gather %get3A_115[%gather3A_570] in [0] : vector<16xf32>, vector<16xi32> -> vector<16xf32>
      %get3A_572 = arith.index_cast %add3A_426 : i32 to index
      %get3A_573 = arith.constant 112 : index
      %get3A_574 = tpu.vector_load %arg11[%get3A_572, %get3A_573] {strides = array<i32>} : memref<80x128xf32, #tpu.memory_space<vmem>>, vector<16xf32>,
      %mul3A_575 = arith.mulf %get3A_574, %gather3A_571 : vector<16xf32>
      %swap3A_576 = arith.index_cast %add3A_426 : i32 to index
      %swap3A_577 = arith.constant 112 : index
      %swap3A_578 = tpu.vector_load %arg11[%swap3A_576, %swap3A_577] {strides = array<i32>} : memref<80x128xf32, #tpu.memory_space<vmem>>, vector<16xf32>,
      tpu.vector_store %arg11[%swap3A_576, %swap3A_577], %mul3A_575 {strides = array<i32>} : memref<80x128xf32, #tpu.memory_space<vmem>>, vector<16xf32>,
      %mul3A_579 = arith.constant 4 : i32
      %mul3A_580 = arith.muli %scan3A_112, %mul3A_579 : i32
      %add3A_581 = arith.constant 3 : i32
      %add3A_582 = arith.addi %mul3A_580, %add3A_581 : i32
      %broadcast_in_dim3A_583 = arith.constant 12 : i32
      %broadcast_in_dim3A_584 = vector.broadcast %broadcast_in_dim3A_583 : i32 to vector<16xi32>
      %lt3A_585 = arith.constant 0 : i32
      %lt3A_586 = vector.broadcast %lt3A_585 : i32 to vector<16xi32>
      %lt3A_587 = arith.cmpi slt, %broadcast_in_dim3A_584, %lt3A_586 : vector<16xi32>
      %add3A_588 = arith.constant 16 : i32
      %add3A_589 = vector.broadcast %add3A_588 : i32 to vector<16xi32>
      %add3A_590 = arith.addi %broadcast_in_dim3A_584, %add3A_589 : vector<16xi32>
      %select_n3A_591 = arith.select %lt3A_587, %add3A_590, %broadcast_in_dim3A_584 : vector<16xi1>, vector<16xi32>
      %reshape3A_592 = vector.shape_cast %select_n3A_591 : vector<16xi32> to vector<16x1xi32>
      %gather3A_593 = vector.shape_cast %reshape3A_592 : vector<16x1xi32> to vector<16xi32>
      %gather3A_594 = tpu.dynamic_gather %get3A_115[%gather3A_593] in [0] : vector<16xf32>, vector<16xi32> -> vector<16xf32>
      %get3A_595 = arith.index_cast %add3A_582 : i32 to index
      %get3A_596 = arith.constant 0 : index
      %get3A_597 = tpu.vector_load %arg11[%get3A_595, %get3A_596] {strides = array<i32>} : memref<80x128xf32, #tpu.memory_space<vmem>>, vector<16xf32>,
      %mul3A_598 = arith.mulf %get3A_597, %gather3A_594 : vector<16xf32>
      %swap3A_599 = arith.index_cast %add3A_582 : i32 to index
      %swap3A_600 = arith.constant 0 : index
      %swap3A_601 = tpu.vector_load %arg11[%swap3A_599, %swap3A_600] {strides = array<i32>} : memref<80x128xf32, #tpu.memory_space<vmem>>, vector<16xf32>,
      tpu.vector_store %arg11[%swap3A_599, %swap3A_600], %mul3A_598 {strides = array<i32>} : memref<80x128xf32, #tpu.memory_space<vmem>>, vector<16xf32>,
      %broadcast_in_dim3A_602 = arith.constant 12 : i32
      %broadcast_in_dim3A_603 = vector.broadcast %broadcast_in_dim3A_602 : i32 to vector<16xi32>
      %lt3A_604 = arith.constant 0 : i32
      %lt3A_605 = vector.broadcast %lt3A_604 : i32 to vector<16xi32>
      %lt3A_606 = arith.cmpi slt, %broadcast_in_dim3A_603, %lt3A_605 : vector<16xi32>
      %add3A_607 = arith.constant 16 : i32
      %add3A_608 = vector.broadcast %add3A_607 : i32 to vector<16xi32>
      %add3A_609 = arith.addi %broadcast_in_dim3A_603, %add3A_608 : vector<16xi32>
      %select_n3A_610 = arith.select %lt3A_606, %add3A_609, %broadcast_in_dim3A_603 : vector<16xi1>, vector<16xi32>
      %reshape3A_611 = vector.shape_cast %select_n3A_610 : vector<16xi32> to vector<16x1xi32>
      %gather3A_612 = vector.shape_cast %reshape3A_611 : vector<16x1xi32> to vector<16xi32>
      %gather3A_613 = tpu.dynamic_gather %get3A_115[%gather3A_612] in [0] : vector<16xf32>, vector<16xi32> -> vector<16xf32>
      %get3A_614 = arith.index_cast %add3A_582 : i32 to index
      %get3A_615 = arith.constant 16 : index
      %get3A_616 = tpu.vector_load %arg11[%get3A_614, %get3A_615] {strides = array<i32>} : memref<80x128xf32, #tpu.memory_space<vmem>>, vector<16xf32>,
      %mul3A_617 = arith.mulf %get3A_616, %gather3A_613 : vector<16xf32>
      %swap3A_618 = arith.index_cast %add3A_582 : i32 to index
      %swap3A_619 = arith.constant 16 : index
      %swap3A_620 = tpu.vector_load %arg11[%swap3A_618, %swap3A_619] {strides = array<i32>} : memref<80x128xf32, #tpu.memory_space<vmem>>, vector<16xf32>,
      tpu.vector_store %arg11[%swap3A_618, %swap3A_619], %mul3A_617 {strides = array<i32>} : memref<80x128xf32, #tpu.memory_space<vmem>>, vector<16xf32>,
      %broadcast_in_dim3A_621 = arith.constant 13 : i32
      %broadcast_in_dim3A_622 = vector.broadcast %broadcast_in_dim3A_621 : i32 to vector<16xi32>
      %lt3A_623 = arith.constant 0 : i32
      %lt3A_624 = vector.broadcast %lt3A_623 : i32 to vector<16xi32>
      %lt3A_625 = arith.cmpi slt, %broadcast_in_dim3A_622, %lt3A_624 : vector<16xi32>
      %add3A_626 = arith.constant 16 : i32
      %add3A_627 = vector.broadcast %add3A_626 : i32 to vector<16xi32>
      %add3A_628 = arith.addi %broadcast_in_dim3A_622, %add3A_627 : vector<16xi32>
      %select_n3A_629 = arith.select %lt3A_625, %add3A_628, %broadcast_in_dim3A_622 : vector<16xi1>, vector<16xi32>
      %reshape3A_630 = vector.shape_cast %select_n3A_629 : vector<16xi32> to vector<16x1xi32>
      %gather3A_631 = vector.shape_cast %reshape3A_630 : vector<16x1xi32> to vector<16xi32>
      %gather3A_632 = tpu.dynamic_gather %get3A_115[%gather3A_631] in [0] : vector<16xf32>, vector<16xi32> -> vector<16xf32>
      %get3A_633 = arith.index_cast %add3A_582 : i32 to index
      %get3A_634 = arith.constant 32 : index
      %get3A_635 = tpu.vector_load %arg11[%get3A_633, %get3A_634] {strides = array<i32>} : memref<80x128xf32, #tpu.memory_space<vmem>>, vector<16xf32>,
      %mul3A_636 = arith.mulf %get3A_635, %gather3A_632 : vector<16xf32>
      %swap3A_637 = arith.index_cast %add3A_582 : i32 to index
      %swap3A_638 = arith.constant 32 : index
      %swap3A_639 = tpu.vector_load %arg11[%swap3A_637, %swap3A_638] {strides = array<i32>} : memref<80x128xf32, #tpu.memory_space<vmem>>, vector<16xf32>,
      tpu.vector_store %arg11[%swap3A_637, %swap3A_638], %mul3A_636 {strides = array<i32>} : memref<80x128xf32, #tpu.memory_space<vmem>>, vector<16xf32>,
      %broadcast_in_dim3A_640 = arith.constant 13 : i32
      %broadcast_in_dim3A_641 = vector.broadcast %broadcast_in_dim3A_640 : i32 to vector<16xi32>
      %lt3A_642 = arith.constant 0 : i32
      %lt3A_643 = vector.broadcast %lt3A_642 : i32 to vector<16xi32>
      %lt3A_644 = arith.cmpi slt, %broadcast_in_dim3A_641, %lt3A_643 : vector<16xi32>
      %add3A_645 = arith.constant 16 : i32
      %add3A_646 = vector.broadcast %add3A_645 : i32 to vector<16xi32>
      %add3A_647 = arith.addi %broadcast_in_dim3A_641, %add3A_646 : vector<16xi32>
      %select_n3A_648 = arith.select %lt3A_644, %add3A_647, %broadcast_in_dim3A_641 : vector<16xi1>, vector<16xi32>
      %reshape3A_649 = vector.shape_cast %select_n3A_648 : vector<16xi32> to vector<16x1xi32>
      %gather3A_650 = vector.shape_cast %reshape3A_649 : vector<16x1xi32> to vector<16xi32>
      %gather3A_651 = tpu.dynamic_gather %get3A_115[%gather3A_650] in [0] : vector<16xf32>, vector<16xi32> -> vector<16xf32>
      %get3A_652 = arith.index_cast %add3A_582 : i32 to index
      %get3A_653 = arith.constant 48 : index
      %get3A_654 = tpu.vector_load %arg11[%get3A_652, %get3A_653] {strides = array<i32>} : memref<80x128xf32, #tpu.memory_space<vmem>>, vector<16xf32>,
      %mul3A_655 = arith.mulf %get3A_654, %gather3A_651 : vector<16xf32>
      %swap3A_656 = arith.index_cast %add3A_582 : i32 to index
      %swap3A_657 = arith.constant 48 : index
      %swap3A_658 = tpu.vector_load %arg11[%swap3A_656, %swap3A_657] {strides = array<i32>} : memref<80x128xf32, #tpu.memory_space<vmem>>, vector<16xf32>,
      tpu.vector_store %arg11[%swap3A_656, %swap3A_657], %mul3A_655 {strides = array<i32>} : memref<80x128xf32, #tpu.memory_space<vmem>>, vector<16xf32>,
      %broadcast_in_dim3A_659 = arith.constant 14 : i32
      %broadcast_in_dim3A_660 = vector.broadcast %broadcast_in_dim3A_659 : i32 to vector<16xi32>
      %lt3A_661 = arith.constant 0 : i32
      %lt3A_662 = vector.broadcast %lt3A_661 : i32 to vector<16xi32>
      %lt3A_663 = arith.cmpi slt, %broadcast_in_dim3A_660, %lt3A_662 : vector<16xi32>
      %add3A_664 = arith.constant 16 : i32
      %add3A_665 = vector.broadcast %add3A_664 : i32 to vector<16xi32>
      %add3A_666 = arith.addi %broadcast_in_dim3A_660, %add3A_665 : vector<16xi32>
      %select_n3A_667 = arith.select %lt3A_663, %add3A_666, %broadcast_in_dim3A_660 : vector<16xi1>, vector<16xi32>
      %reshape3A_668 = vector.shape_cast %select_n3A_667 : vector<16xi32> to vector<16x1xi32>
      %gather3A_669 = vector.shape_cast %reshape3A_668 : vector<16x1xi32> to vector<16xi32>
      %gather3A_670 = tpu.dynamic_gather %get3A_115[%gather3A_669] in [0] : vector<16xf32>, vector<16xi32> -> vector<16xf32>
      %get3A_671 = arith.index_cast %add3A_582 : i32 to index
      %get3A_672 = arith.constant 64 : index
      %get3A_673 = tpu.vector_load %arg11[%get3A_671, %get3A_672] {strides = array<i32>} : memref<80x128xf32, #tpu.memory_space<vmem>>, vector<16xf32>,
      %mul3A_674 = arith.mulf %get3A_673, %gather3A_670 : vector<16xf32>
      %swap3A_675 = arith.index_cast %add3A_582 : i32 to index
      %swap3A_676 = arith.constant 64 : index
      %swap3A_677 = tpu.vector_load %arg11[%swap3A_675, %swap3A_676] {strides = array<i32>} : memref<80x128xf32, #tpu.memory_space<vmem>>, vector<16xf32>,
      tpu.vector_store %arg11[%swap3A_675, %swap3A_676], %mul3A_674 {strides = array<i32>} : memref<80x128xf32, #tpu.memory_space<vmem>>, vector<16xf32>,
      %broadcast_in_dim3A_678 = arith.constant 14 : i32
      %broadcast_in_dim3A_679 = vector.broadcast %broadcast_in_dim3A_678 : i32 to vector<16xi32>
      %lt3A_680 = arith.constant 0 : i32
      %lt3A_681 = vector.broadcast %lt3A_680 : i32 to vector<16xi32>
      %lt3A_682 = arith.cmpi slt, %broadcast_in_dim3A_679, %lt3A_681 : vector<16xi32>
      %add3A_683 = arith.constant 16 : i32
      %add3A_684 = vector.broadcast %add3A_683 : i32 to vector<16xi32>
      %add3A_685 = arith.addi %broadcast_in_dim3A_679, %add3A_684 : vector<16xi32>
      %select_n3A_686 = arith.select %lt3A_682, %add3A_685, %broadcast_in_dim3A_679 : vector<16xi1>, vector<16xi32>
      %reshape3A_687 = vector.shape_cast %select_n3A_686 : vector<16xi32> to vector<16x1xi32>
      %gather3A_688 = vector.shape_cast %reshape3A_687 : vector<16x1xi32> to vector<16xi32>
      %gather3A_689 = tpu.dynamic_gather %get3A_115[%gather3A_688] in [0] : vector<16xf32>, vector<16xi32> -> vector<16xf32>
      %get3A_690 = arith.index_cast %add3A_582 : i32 to index
      %get3A_691 = arith.constant 80 : index
      %get3A_692 = tpu.vector_load %arg11[%get3A_690, %get3A_691] {strides = array<i32>} : memref<80x128xf32, #tpu.memory_space<vmem>>, vector<16xf32>,
      %mul3A_693 = arith.mulf %get3A_692, %gather3A_689 : vector<16xf32>
      %swap3A_694 = arith.index_cast %add3A_582 : i32 to index
      %swap3A_695 = arith.constant 80 : index
      %swap3A_696 = tpu.vector_load %arg11[%swap3A_694, %swap3A_695] {strides = array<i32>} : memref<80x128xf32, #tpu.memory_space<vmem>>, vector<16xf32>,
      tpu.vector_store %arg11[%swap3A_694, %swap3A_695], %mul3A_693 {strides = array<i32>} : memref<80x128xf32, #tpu.memory_space<vmem>>, vector<16xf32>,
      %broadcast_in_dim3A_697 = arith.constant 15 : i32
      %broadcast_in_dim3A_698 = vector.broadcast %broadcast_in_dim3A_697 : i32 to vector<16xi32>
      %lt3A_699 = arith.constant 0 : i32
      %lt3A_700 = vector.broadcast %lt3A_699 : i32 to vector<16xi32>
      %lt3A_701 = arith.cmpi slt, %broadcast_in_dim3A_698, %lt3A_700 : vector<16xi32>
      %add3A_702 = arith.constant 16 : i32
      %add3A_703 = vector.broadcast %add3A_702 : i32 to vector<16xi32>
      %add3A_704 = arith.addi %broadcast_in_dim3A_698, %add3A_703 : vector<16xi32>
      %select_n3A_705 = arith.select %lt3A_701, %add3A_704, %broadcast_in_dim3A_698 : vector<16xi1>, vector<16xi32>
      %reshape3A_706 = vector.shape_cast %select_n3A_705 : vector<16xi32> to vector<16x1xi32>
      %gather3A_707 = vector.shape_cast %reshape3A_706 : vector<16x1xi32> to vector<16xi32>
      %gather3A_708 = tpu.dynamic_gather %get3A_115[%gather3A_707] in [0] : vector<16xf32>, vector<16xi32> -> vector<16xf32>
      %get3A_709 = arith.index_cast %add3A_582 : i32 to index
      %get3A_710 = arith.constant 96 : index
      %get3A_711 = tpu.vector_load %arg11[%get3A_709, %get3A_710] {strides = array<i32>} : memref<80x128xf32, #tpu.memory_space<vmem>>, vector<16xf32>,
      %mul3A_712 = arith.mulf %get3A_711, %gather3A_708 : vector<16xf32>
      %swap3A_713 = arith.index_cast %add3A_582 : i32 to index
      %swap3A_714 = arith.constant 96 : index
      %swap3A_715 = tpu.vector_load %arg11[%swap3A_713, %swap3A_714] {strides = array<i32>} : memref<80x128xf32, #tpu.memory_space<vmem>>, vector<16xf32>,
      tpu.vector_store %arg11[%swap3A_713, %swap3A_714], %mul3A_712 {strides = array<i32>} : memref<80x128xf32, #tpu.memory_space<vmem>>, vector<16xf32>,
      %broadcast_in_dim3A_716 = arith.constant 15 : i32
      %broadcast_in_dim3A_717 = vector.broadcast %broadcast_in_dim3A_716 : i32 to vector<16xi32>
      %lt3A_718 = arith.constant 0 : i32
      %lt3A_719 = vector.broadcast %lt3A_718 : i32 to vector<16xi32>
      %lt3A_720 = arith.cmpi slt, %broadcast_in_dim3A_717, %lt3A_719 : vector<16xi32>
      %add3A_721 = arith.constant 16 : i32
      %add3A_722 = vector.broadcast %add3A_721 : i32 to vector<16xi32>
      %add3A_723 = arith.addi %broadcast_in_dim3A_717, %add3A_722 : vector<16xi32>
      %select_n3A_724 = arith.select %lt3A_720, %add3A_723, %broadcast_in_dim3A_717 : vector<16xi1>, vector<16xi32>
      %reshape3A_725 = vector.shape_cast %select_n3A_724 : vector<16xi32> to vector<16x1xi32>
      %gather3A_726 = vector.shape_cast %reshape3A_725 : vector<16x1xi32> to vector<16xi32>
      %gather3A_727 = tpu.dynamic_gather %get3A_115[%gather3A_726] in [0] : vector<16xf32>, vector<16xi32> -> vector<16xf32>
      %get3A_728 = arith.index_cast %add3A_582 : i32 to index
      %get3A_729 = arith.constant 112 : index
      %get3A_730 = tpu.vector_load %arg11[%get3A_728, %get3A_729] {strides = array<i32>} : memref<80x128xf32, #tpu.memory_space<vmem>>, vector<16xf32>,
      %mul3A_731 = arith.mulf %get3A_730, %gather3A_727 : vector<16xf32>
      %swap3A_732 = arith.index_cast %add3A_582 : i32 to index
      %swap3A_733 = arith.constant 112 : index
      %swap3A_734 = tpu.vector_load %arg11[%swap3A_732, %swap3A_733] {strides = array<i32>} : memref<80x128xf32, #tpu.memory_space<vmem>>, vector<16xf32>,
      tpu.vector_store %arg11[%swap3A_732, %swap3A_733], %mul3A_731 {strides = array<i32>} : memref<80x128xf32, #tpu.memory_space<vmem>>, vector<16xf32>,
    }
    %scan3A_106 = arith.constant 20 : i32
    "tpu.region"() ({
      %run_scoped3A = tpu.sem_alloc : memref<!tpu.dma_semaphore, #tpu.memory_space<semaphore_mem>>
      %dma_start3A_112 = arith.constant 0 : i32
      %dma_start3A_113 = arith.constant 0 : i32
      %dma_start3A_114 = tpu.memref_slice %arg19[%dma_start3A_112, %dma_start3A_113] : memref<10240x128xf32, #tpu.memory_space<vmem_shared>> -> memref<10240x128xf32, #tpu.memory_space<vmem_shared>>
      tpu.enqueue_indirect_dma source(%arg11 : memref<80x128xf32, #tpu.memory_space<vmem>>) target(%dma_start3A_114 : memref<10240x128xf32, #tpu.memory_space<vmem_shared>>) offsets(%arg10 : memref<80xi32, #tpu.memory_space<vmem>>) semaphore(%run_scoped3A : memref<!tpu.dma_semaphore, #tpu.memory_space<semaphore_mem>>) {add = true}
      %dma_wait3A_115 = arith.constant 0 : i32
      %dma_wait3A_116 = arith.constant 0 : i32
      %dma_wait3A_117 = tpu.memref_slice %arg19[%dma_wait3A_115, %dma_wait3A_116] : memref<10240x128xf32, #tpu.memory_space<vmem_shared>> -> memref<10240x128xf32, #tpu.memory_space<vmem_shared>>
      tpu.wait_indirect_dma semaphore(%run_scoped3A : memref<!tpu.dma_semaphore, #tpu.memory_space<semaphore_mem>>) src(%arg11 : memref<80x128xf32, #tpu.memory_space<vmem>>) dst(%dma_wait3A_117 : memref<10240x128xf32, #tpu.memory_space<vmem_shared>>)
      tpu.yield
    }) : () -> ()
    %barrier3A_107 = arith.constant 0 : index
    tpu.barrier barrier_id(%barrier3A_107)
    %mul3A_108 = arith.constant 640 : i32
    %mul3A_109 = arith.muli %arg1, %mul3A_108 : i32
    %mul3A_110 = arith.constant 640 : i32
    %mul3A_111 = arith.muli %arg1, %mul3A_110 : i32
    "tpu.region"() ({
      %run_scoped3A = tpu.sem_alloc : memref<!tpu.dma_semaphore, #tpu.memory_space<semaphore_mem>>
      %dma_start3A_112 = arith.constant 0 : i32
      %dma_start3A_113 = tpu.memref_slice %arg7[%arg0, %mul3A_111, %dma_start3A_112] : memref<2x10240x128xf32, #tpu.memory_space<hbm>> -> memref<1x640x128xf32, #tpu.memory_space<hbm>>
      %dma_start3A_114 = tpu.memref_squeeze %dma_start3A_113 : memref<1x640x128xf32, #tpu.memory_space<hbm>> -> memref<640x128xf32, #tpu.memory_space<hbm>>
      %dma_start3A_115 = arith.constant 0 : i32
      %dma_start3A_116 = tpu.memref_slice %arg19[%mul3A_109, %dma_start3A_115] : memref<10240x128xf32, #tpu.memory_space<vmem_shared>> -> memref<640x128xf32, #tpu.memory_space<vmem_shared>>
      tpu.enqueue_dma source(%dma_start3A_116 : memref<640x128xf32, #tpu.memory_space<vmem_shared>>) target(%dma_start3A_114 : memref<640x128xf32, #tpu.memory_space<hbm>>) target_semaphore(%run_scoped3A : memref<!tpu.dma_semaphore, #tpu.memory_space<semaphore_mem>>)
      %dma_wait3A_117 = arith.constant 0 : i32
      %dma_wait3A_118 = tpu.memref_slice %arg7[%arg0, %mul3A_111, %dma_wait3A_117] : memref<2x10240x128xf32, #tpu.memory_space<hbm>> -> memref<1x640x128xf32, #tpu.memory_space<hbm>>
      %dma_wait3A_119 = tpu.memref_squeeze %dma_wait3A_118 : memref<1x640x128xf32, #tpu.memory_space<hbm>> -> memref<640x128xf32, #tpu.memory_space<hbm>>
      %dma_wait3A_120 = arith.constant 0 : i32
      %dma_wait3A_121 = tpu.memref_slice %arg19[%mul3A_109, %dma_wait3A_120] : memref<10240x128xf32, #tpu.memory_space<vmem_shared>> -> memref<640x128xf32, #tpu.memory_space<vmem_shared>>
      tpu.wait_dma2 semaphore(%run_scoped3A : memref<!tpu.dma_semaphore, #tpu.memory_space<semaphore_mem>>) src(%dma_wait3A_121 : memref<640x128xf32, #tpu.memory_space<vmem_shared>>) dst(%dma_wait3A_119 : memref<640x128xf32, #tpu.memory_space<hbm>>)
      tpu.yield
    }) : () -> ()
    return
  }
}

#map = affine_map<(d0, d1) -> (0)>
#map1 = affine_map<(d0, d1) -> (0, 0)>
module attributes {stable_mosaic.version = 14 : i64} {
  func.func @k(%arg0: i32, %arg1: i32, %arg2: memref<320000xi32, #tpu.memory_space<hbm>>, %arg3: memref<320000xi32, #tpu.memory_space<hbm>>, %arg4: memref<40000xf32, #tpu.memory_space<hbm>>, %arg5: memref<40000xf32, #tpu.memory_space<hbm>>, %arg6: memref<1280000xf32, #tpu.memory_space<hbm>>, %arg7: memref<32x40960xf32, #tpu.memory_space<hbm>>, %arg8: memref<80xi32, #tpu.memory_space<vmem>>, %arg9: memref<80xi32, #tpu.memory_space<vmem>>, %arg10: memref<40000xf32, #tpu.memory_space<vmem>>, %arg11: memref<40000xf32, #tpu.memory_space<vmem>>, %arg12: memref<320xf32, #tpu.memory_space<vmem>>, %arg13: memref<40960xf32, #tpu.memory_space<vmem>>) attributes {dimension_semantics = [#tpu.dimension_semantics<core_parallel>, #tpu.dimension_semantics<subcore_parallel>], iteration_bounds = array<i64: 2, 16>, scalar_prefetch = 0 : i64, scratch_operands = 6 : i64, tpu.core_type = #tpu.core_type<sc_vector_subcore>, window_params = [{transform_indices = #map}, {transform_indices = #map}, {transform_indices = #map}, {transform_indices = #map}, {transform_indices = #map}, {transform_indices = #map1}]} {
    %mul3A = arith.constant 16 : i32
    %mul3A_0 = arith.muli %arg0, %mul3A : i32
    %add3A = arith.addi %mul3A_0, %arg1 : i32
    "tpu.region"() ({
      %run_scoped3A = tpu.sem_alloc : memref<!tpu.dma_semaphore, #tpu.memory_space<semaphore_mem>>
      tpu.enqueue_dma source(%arg4 : memref<40000xf32, #tpu.memory_space<hbm>>) target(%arg10 : memref<40000xf32, #tpu.memory_space<vmem>>) target_semaphore(%run_scoped3A : memref<!tpu.dma_semaphore, #tpu.memory_space<semaphore_mem>>)
      tpu.wait_dma2 semaphore(%run_scoped3A : memref<!tpu.dma_semaphore, #tpu.memory_space<semaphore_mem>>) src(%arg4 : memref<40000xf32, #tpu.memory_space<hbm>>) dst(%arg10 : memref<40000xf32, #tpu.memory_space<vmem>>)
      tpu.yield
    }) : () -> ()
    "tpu.region"() ({
      %run_scoped3A = tpu.sem_alloc : memref<!tpu.dma_semaphore, #tpu.memory_space<semaphore_mem>>
      tpu.enqueue_dma source(%arg5 : memref<40000xf32, #tpu.memory_space<hbm>>) target(%arg11 : memref<40000xf32, #tpu.memory_space<vmem>>) target_semaphore(%run_scoped3A : memref<!tpu.dma_semaphore, #tpu.memory_space<semaphore_mem>>)
      tpu.wait_dma2 semaphore(%run_scoped3A : memref<!tpu.dma_semaphore, #tpu.memory_space<semaphore_mem>>) src(%arg5 : memref<40000xf32, #tpu.memory_space<hbm>>) dst(%arg11 : memref<40000xf32, #tpu.memory_space<vmem>>)
      tpu.yield
    }) : () -> ()
    %broadcast_in_dim3A = arith.constant 0.000000e+00 : f32
    %broadcast_in_dim3A_1 = vector.broadcast %broadcast_in_dim3A : f32 to vector<16xf32>
    %scan3A = arith.constant 0 : i32
    %scan3A_2 = arith.constant 0 : i32
    %scan3A_3 = arith.constant 2560 : i32
    %scan3A_4 = arith.addi %scan3A_2, %scan3A_3 : i32
    %scan3A_5 = arith.constant 1 : i32
    scf.for %scan3A_56 = %scan3A_2 to %scan3A_4 step %scan3A_5  : i32 {
      %mul3A_57 = arith.constant 16 : i32
      %mul3A_58 = arith.muli %scan3A_56, %mul3A_57 : i32
      %swap3A = arith.index_cast %mul3A_58 : i32 to index
      %swap3A_59 = tpu.vector_load %arg13[%swap3A] {strides = array<i32>} : memref<40960xf32, #tpu.memory_space<vmem>>, vector<16xf32>,
      tpu.vector_store %arg13[%swap3A], %broadcast_in_dim3A_1 {strides = array<i32>} : memref<40960xf32, #tpu.memory_space<vmem>>, vector<16xf32>,
    }
    %scan3A_6 = arith.constant 2560 : i32
    %iota3A = tpu.iota {dimensions = array<i32: 0>} : vector<16xi32>
    %jit3A = arith.constant 4 : i32
    %eq3A = arith.constant 0 : i32
    %eq3A_7 = arith.cmpi eq, %jit3A, %eq3A : i32
    %jit3A_8 = arith.constant 1 : i32
    %select_n3A = arith.select %eq3A_7, %jit3A_8, %jit3A : i32
    %rem3A = vector.broadcast %select_n3A : i32 to vector<16xi32>
    %rem3A_9 = arith.remsi %iota3A, %rem3A : vector<16xi32>
    %ne3A = arith.constant 0 : i32
    %ne3A_10 = vector.broadcast %ne3A : i32 to vector<16xi32>
    %ne3A_11 = arith.cmpi ne, %rem3A_9, %ne3A_10 : vector<16xi32>
    %lt3A = arith.constant 0 : i32
    %lt3A_12 = vector.broadcast %lt3A : i32 to vector<16xi32>
    %lt3A_13 = arith.cmpi slt, %rem3A_9, %lt3A_12 : vector<16xi32>
    %lt3A_14 = arith.constant 0 : i32
    %lt3A_15 = arith.cmpi slt, %select_n3A, %lt3A_14 : i32
    %ne3A_16 = vector.broadcast %lt3A_15 : i1 to vector<16xi1>
    %ne3A_17 = vector.broadcast %ne3A_16 : vector<16xi1> to vector<16xi1>
    %ne3A_18 = arith.xori %lt3A_13, %ne3A_17 : vector<16xi1>
    %and3A = arith.andi %ne3A_18, %ne3A_11 : vector<16xi1>
    %add3A_19 = vector.broadcast %select_n3A : i32 to vector<16xi32>
    %add3A_20 = arith.addi %rem3A_9, %add3A_19 : vector<16xi32>
    %select_n3A_21 = arith.select %and3A, %add3A_20, %rem3A_9 : vector<16xi1>, vector<16xi32>
    %jit3A_22 = arith.constant 4 : i32
    %div3A = vector.broadcast %jit3A_22 : i32 to vector<16xi32>
    %div3A_23 = arith.divsi %iota3A, %div3A : vector<16xi32>
    %sign3A = arith.constant 0 : i32
    %sign3A_24 = vector.broadcast %sign3A : i32 to vector<16xi32>
    %sign3A_25 = arith.cmpi sgt, %iota3A, %sign3A_24 : vector<16xi32>
    %sign3A_26 = arith.extui %sign3A_25 : vector<16xi1> to vector<16xi32>
    %sign3A_27 = arith.constant 0 : i32
    %sign3A_28 = vector.broadcast %sign3A_27 : i32 to vector<16xi32>
    %sign3A_29 = arith.cmpi slt, %iota3A, %sign3A_28 : vector<16xi32>
    %sign3A_30 = arith.extui %sign3A_29 : vector<16xi1> to vector<16xi32>
    %sign3A_31 = arith.subi %sign3A_26, %sign3A_30 : vector<16xi32>
    %sign3A_32 = arith.constant 0 : i32
    %sign3A_33 = arith.cmpi sgt, %jit3A_22, %sign3A_32 : i32
    %sign3A_34 = arith.extui %sign3A_33 : i1 to i32
    %sign3A_35 = arith.constant 0 : i32
    %sign3A_36 = arith.cmpi slt, %jit3A_22, %sign3A_35 : i32
    %sign3A_37 = arith.extui %sign3A_36 : i1 to i32
    %sign3A_38 = arith.subi %sign3A_34, %sign3A_37 : i32
    %ne3A_39 = vector.broadcast %sign3A_38 : i32 to vector<16xi32>
    %ne3A_40 = arith.cmpi ne, %sign3A_31, %ne3A_39 : vector<16xi32>
    %rem3A_41 = vector.broadcast %jit3A_22 : i32 to vector<16xi32>
    %rem3A_42 = arith.remsi %iota3A, %rem3A_41 : vector<16xi32>
    %ne3A_43 = arith.constant 0 : i32
    %ne3A_44 = vector.broadcast %ne3A_43 : i32 to vector<16xi32>
    %ne3A_45 = arith.cmpi ne, %rem3A_42, %ne3A_44 : vector<16xi32>
    %and3A_46 = arith.andi %ne3A_40, %ne3A_45 : vector<16xi1>
    %sub3A = arith.constant 1 : i32
    %sub3A_47 = vector.broadcast %sub3A : i32 to vector<16xi32>
    %sub3A_48 = arith.subi %div3A_23, %sub3A_47 : vector<16xi32>
    %select_n3A_49 = arith.select %and3A_46, %sub3A_48, %div3A_23 : vector<16xi1>, vector<16xi32>
    %scan3A_50 = arith.constant 0 : i32
    %scan3A_51 = arith.constant 0 : i32
    %scan3A_52 = arith.constant 125 : i32
    %scan3A_53 = arith.addi %scan3A_51, %scan3A_52 : i32
    %scan3A_54 = arith.constant 1 : i32
    scf.for %scan3A_56 = %scan3A_51 to %scan3A_53 step %scan3A_54  : i32 {
      %mul3A_57 = arith.constant 10000 : i32
      %mul3A_58 = arith.muli %add3A, %mul3A_57 : i32
      %mul3A_59 = arith.constant 80 : i32
      %mul3A_60 = arith.muli %scan3A_56, %mul3A_59 : i32
      %add3A_61 = arith.addi %mul3A_58, %mul3A_60 : i32
      "tpu.region"() ({
        %run_scoped3A = tpu.sem_alloc : memref<!tpu.dma_semaphore, #tpu.memory_space<semaphore_mem>>
        %dma_start3A = tpu.memref_slice %arg2[%add3A_61] : memref<320000xi32, #tpu.memory_space<hbm>> -> memref<80xi32, #tpu.memory_space<hbm>>
        %dma_start3A_660 = tpu.memref_slice %arg2[%add3A_61] : memref<320000xi32, #tpu.memory_space<hbm>> -> memref<80xi32, #tpu.memory_space<hbm>>
        tpu.enqueue_dma source(%dma_start3A_660 : memref<80xi32, #tpu.memory_space<hbm>>) target(%arg8 : memref<80xi32, #tpu.memory_space<vmem>>) target_semaphore(%run_scoped3A : memref<!tpu.dma_semaphore, #tpu.memory_space<semaphore_mem>>)
        %dma_wait3A = tpu.memref_slice %arg2[%add3A_61] : memref<320000xi32, #tpu.memory_space<hbm>> -> memref<80xi32, #tpu.memory_space<hbm>>
        %dma_wait3A_661 = tpu.memref_slice %arg2[%add3A_61] : memref<320000xi32, #tpu.memory_space<hbm>> -> memref<80xi32, #tpu.memory_space<hbm>>
        tpu.wait_dma2 semaphore(%run_scoped3A : memref<!tpu.dma_semaphore, #tpu.memory_space<semaphore_mem>>) src(%dma_wait3A_661 : memref<80xi32, #tpu.memory_space<hbm>>) dst(%arg8 : memref<80xi32, #tpu.memory_space<vmem>>)
        tpu.yield
      }) : () -> ()
      "tpu.region"() ({
        %run_scoped3A = tpu.sem_alloc : memref<!tpu.dma_semaphore, #tpu.memory_space<semaphore_mem>>
        %dma_start3A = tpu.memref_slice %arg3[%add3A_61] : memref<320000xi32, #tpu.memory_space<hbm>> -> memref<80xi32, #tpu.memory_space<hbm>>
        %dma_start3A_660 = tpu.memref_slice %arg3[%add3A_61] : memref<320000xi32, #tpu.memory_space<hbm>> -> memref<80xi32, #tpu.memory_space<hbm>>
        tpu.enqueue_dma source(%dma_start3A_660 : memref<80xi32, #tpu.memory_space<hbm>>) target(%arg9 : memref<80xi32, #tpu.memory_space<vmem>>) target_semaphore(%run_scoped3A : memref<!tpu.dma_semaphore, #tpu.memory_space<semaphore_mem>>)
        %dma_wait3A = tpu.memref_slice %arg3[%add3A_61] : memref<320000xi32, #tpu.memory_space<hbm>> -> memref<80xi32, #tpu.memory_space<hbm>>
        %dma_wait3A_661 = tpu.memref_slice %arg3[%add3A_61] : memref<320000xi32, #tpu.memory_space<hbm>> -> memref<80xi32, #tpu.memory_space<hbm>>
        tpu.wait_dma2 semaphore(%run_scoped3A : memref<!tpu.dma_semaphore, #tpu.memory_space<semaphore_mem>>) src(%dma_wait3A_661 : memref<80xi32, #tpu.memory_space<hbm>>) dst(%arg9 : memref<80xi32, #tpu.memory_space<vmem>>)
        tpu.yield
      }) : () -> ()
      %add3A_62 = arith.constant 0 : i32
      %add3A_63 = vector.broadcast %add3A_62 : i32 to vector<16xi32>
      %add3A_64 = arith.addi %select_n3A_49, %add3A_63 : vector<16xi32>
      %gather3A = tpu.vector_load_idx %arg8[%add3A_64] : memref<80xi32, #tpu.memory_space<vmem>>[vector<16xi32>], vector<16xi32>,
      %gather3A_65 = tpu.vector_load_idx %arg9[%add3A_64] : memref<80xi32, #tpu.memory_space<vmem>>[vector<16xi32>], vector<16xi32>,
      %mul3A_66 = arith.constant 4 : i32
      %mul3A_67 = vector.broadcast %mul3A_66 : i32 to vector<16xi32>
      %mul3A_68 = arith.muli %gather3A, %mul3A_67 : vector<16xi32>
      %add3A_69 = arith.addi %mul3A_68, %select_n3A_21 : vector<16xi32>
      %gather3A_70 = tpu.vector_load_idx %arg10[%add3A_69] : memref<40000xf32, #tpu.memory_space<vmem>>[vector<16xi32>], vector<16xf32>,
      %mul3A_71 = arith.constant 4 : i32
      %mul3A_72 = vector.broadcast %mul3A_71 : i32 to vector<16xi32>
      %mul3A_73 = arith.muli %gather3A_65, %mul3A_72 : vector<16xi32>
      %add3A_74 = arith.addi %mul3A_73, %select_n3A_21 : vector<16xi32>
      %gather3A_75 = tpu.vector_load_idx %arg11[%add3A_74] : memref<40000xf32, #tpu.memory_space<vmem>>[vector<16xi32>], vector<16xf32>,
      %add3A_76 = arith.addf %gather3A_70, %gather3A_75 : vector<16xf32>
      %ge3A = arith.constant 0.000000e+00 : f32
      %ge3A_77 = vector.broadcast %ge3A : f32 to vector<16xf32>
      %ge3A_78 = arith.cmpf oge, %add3A_76, %ge3A_77 : vector<16xf32>
      %mul3A_79 = arith.constant 2.000000e-01 : f32
      %mul3A_80 = vector.broadcast %mul3A_79 : f32 to vector<16xf32>
      %mul3A_81 = arith.mulf %mul3A_80, %add3A_76 : vector<16xf32>
      %select_n3A_82 = arith.select %ge3A_78, %add3A_76, %mul3A_81 : vector<16xi1>, vector<16xf32>
      %exp3A = math.exp %select_n3A_82 : vector<16xf32>
      %swap3A = arith.constant 0 : index
      %swap3A_83 = tpu.vector_load %arg12[%swap3A] {strides = array<i32>} : memref<320xf32, #tpu.memory_space<vmem>>, vector<16xf32>,
      tpu.vector_store %arg12[%swap3A], %exp3A {strides = array<i32>} : memref<320xf32, #tpu.memory_space<vmem>>, vector<16xf32>,
      %mul3A_84 = arith.constant 4 : i32
      %mul3A_85 = vector.broadcast %mul3A_84 : i32 to vector<16xi32>
      %mul3A_86 = arith.muli %gather3A_65, %mul3A_85 : vector<16xi32>
      %add3A_87 = arith.addi %mul3A_86, %select_n3A_21 : vector<16xi32>
      tpu.vector_store_idx %arg13[%add3A_87], %exp3A {add = true} : memref<40960xf32, #tpu.memory_space<vmem>>[vector<16xi32>], vector<16xf32>,
      %add3A_88 = arith.constant 4 : i32
      %add3A_89 = vector.broadcast %add3A_88 : i32 to vector<16xi32>
      %add3A_90 = arith.addi %select_n3A_49, %add3A_89 : vector<16xi32>
      %gather3A_91 = tpu.vector_load_idx %arg8[%add3A_90] : memref<80xi32, #tpu.memory_space<vmem>>[vector<16xi32>], vector<16xi32>,
      %gather3A_92 = tpu.vector_load_idx %arg9[%add3A_90] : memref<80xi32, #tpu.memory_space<vmem>>[vector<16xi32>], vector<16xi32>,
      %mul3A_93 = arith.constant 4 : i32
      %mul3A_94 = vector.broadcast %mul3A_93 : i32 to vector<16xi32>
      %mul3A_95 = arith.muli %gather3A_91, %mul3A_94 : vector<16xi32>
      %add3A_96 = arith.addi %mul3A_95, %select_n3A_21 : vector<16xi32>
      %gather3A_97 = tpu.vector_load_idx %arg10[%add3A_96] : memref<40000xf32, #tpu.memory_space<vmem>>[vector<16xi32>], vector<16xf32>,
      %mul3A_98 = arith.constant 4 : i32
      %mul3A_99 = vector.broadcast %mul3A_98 : i32 to vector<16xi32>
      %mul3A_100 = arith.muli %gather3A_92, %mul3A_99 : vector<16xi32>
      %add3A_101 = arith.addi %mul3A_100, %select_n3A_21 : vector<16xi32>
      %gather3A_102 = tpu.vector_load_idx %arg11[%add3A_101] : memref<40000xf32, #tpu.memory_space<vmem>>[vector<16xi32>], vector<16xf32>,
      %add3A_103 = arith.addf %gather3A_97, %gather3A_102 : vector<16xf32>
      %ge3A_104 = arith.constant 0.000000e+00 : f32
      %ge3A_105 = vector.broadcast %ge3A_104 : f32 to vector<16xf32>
      %ge3A_106 = arith.cmpf oge, %add3A_103, %ge3A_105 : vector<16xf32>
      %mul3A_107 = arith.constant 2.000000e-01 : f32
      %mul3A_108 = vector.broadcast %mul3A_107 : f32 to vector<16xf32>
      %mul3A_109 = arith.mulf %mul3A_108, %add3A_103 : vector<16xf32>
      %select_n3A_110 = arith.select %ge3A_106, %add3A_103, %mul3A_109 : vector<16xi1>, vector<16xf32>
      %exp3A_111 = math.exp %select_n3A_110 : vector<16xf32>
      %swap3A_112 = arith.constant 16 : index
      %swap3A_113 = tpu.vector_load %arg12[%swap3A_112] {strides = array<i32>} : memref<320xf32, #tpu.memory_space<vmem>>, vector<16xf32>,
      tpu.vector_store %arg12[%swap3A_112], %exp3A_111 {strides = array<i32>} : memref<320xf32, #tpu.memory_space<vmem>>, vector<16xf32>,
      %mul3A_114 = arith.constant 4 : i32
      %mul3A_115 = vector.broadcast %mul3A_114 : i32 to vector<16xi32>
      %mul3A_116 = arith.muli %gather3A_92, %mul3A_115 : vector<16xi32>
      %add3A_117 = arith.addi %mul3A_116, %select_n3A_21 : vector<16xi32>
      tpu.vector_store_idx %arg13[%add3A_117], %exp3A_111 {add = true} : memref<40960xf32, #tpu.memory_space<vmem>>[vector<16xi32>], vector<16xf32>,
      %add3A_118 = arith.constant 8 : i32
      %add3A_119 = vector.broadcast %add3A_118 : i32 to vector<16xi32>
      %add3A_120 = arith.addi %select_n3A_49, %add3A_119 : vector<16xi32>
      %gather3A_121 = tpu.vector_load_idx %arg8[%add3A_120] : memref<80xi32, #tpu.memory_space<vmem>>[vector<16xi32>], vector<16xi32>,
      %gather3A_122 = tpu.vector_load_idx %arg9[%add3A_120] : memref<80xi32, #tpu.memory_space<vmem>>[vector<16xi32>], vector<16xi32>,
      %mul3A_123 = arith.constant 4 : i32
      %mul3A_124 = vector.broadcast %mul3A_123 : i32 to vector<16xi32>
      %mul3A_125 = arith.muli %gather3A_121, %mul3A_124 : vector<16xi32>
      %add3A_126 = arith.addi %mul3A_125, %select_n3A_21 : vector<16xi32>
      %gather3A_127 = tpu.vector_load_idx %arg10[%add3A_126] : memref<40000xf32, #tpu.memory_space<vmem>>[vector<16xi32>], vector<16xf32>,
      %mul3A_128 = arith.constant 4 : i32
      %mul3A_129 = vector.broadcast %mul3A_128 : i32 to vector<16xi32>
      %mul3A_130 = arith.muli %gather3A_122, %mul3A_129 : vector<16xi32>
      %add3A_131 = arith.addi %mul3A_130, %select_n3A_21 : vector<16xi32>
      %gather3A_132 = tpu.vector_load_idx %arg11[%add3A_131] : memref<40000xf32, #tpu.memory_space<vmem>>[vector<16xi32>], vector<16xf32>,
      %add3A_133 = arith.addf %gather3A_127, %gather3A_132 : vector<16xf32>
      %ge3A_134 = arith.constant 0.000000e+00 : f32
      %ge3A_135 = vector.broadcast %ge3A_134 : f32 to vector<16xf32>
      %ge3A_136 = arith.cmpf oge, %add3A_133, %ge3A_135 : vector<16xf32>
      %mul3A_137 = arith.constant 2.000000e-01 : f32
      %mul3A_138 = vector.broadcast %mul3A_137 : f32 to vector<16xf32>
      %mul3A_139 = arith.mulf %mul3A_138, %add3A_133 : vector<16xf32>
      %select_n3A_140 = arith.select %ge3A_136, %add3A_133, %mul3A_139 : vector<16xi1>, vector<16xf32>
      %exp3A_141 = math.exp %select_n3A_140 : vector<16xf32>
      %swap3A_142 = arith.constant 32 : index
      %swap3A_143 = tpu.vector_load %arg12[%swap3A_142] {strides = array<i32>} : memref<320xf32, #tpu.memory_space<vmem>>, vector<16xf32>,
      tpu.vector_store %arg12[%swap3A_142], %exp3A_141 {strides = array<i32>} : memref<320xf32, #tpu.memory_space<vmem>>, vector<16xf32>,
      %mul3A_144 = arith.constant 4 : i32
      %mul3A_145 = vector.broadcast %mul3A_144 : i32 to vector<16xi32>
      %mul3A_146 = arith.muli %gather3A_122, %mul3A_145 : vector<16xi32>
      %add3A_147 = arith.addi %mul3A_146, %select_n3A_21 : vector<16xi32>
      tpu.vector_store_idx %arg13[%add3A_147], %exp3A_141 {add = true} : memref<40960xf32, #tpu.memory_space<vmem>>[vector<16xi32>], vector<16xf32>,
      %add3A_148 = arith.constant 12 : i32
      %add3A_149 = vector.broadcast %add3A_148 : i32 to vector<16xi32>
      %add3A_150 = arith.addi %select_n3A_49, %add3A_149 : vector<16xi32>
      %gather3A_151 = tpu.vector_load_idx %arg8[%add3A_150] : memref<80xi32, #tpu.memory_space<vmem>>[vector<16xi32>], vector<16xi32>,
      %gather3A_152 = tpu.vector_load_idx %arg9[%add3A_150] : memref<80xi32, #tpu.memory_space<vmem>>[vector<16xi32>], vector<16xi32>,
      %mul3A_153 = arith.constant 4 : i32
      %mul3A_154 = vector.broadcast %mul3A_153 : i32 to vector<16xi32>
      %mul3A_155 = arith.muli %gather3A_151, %mul3A_154 : vector<16xi32>
      %add3A_156 = arith.addi %mul3A_155, %select_n3A_21 : vector<16xi32>
      %gather3A_157 = tpu.vector_load_idx %arg10[%add3A_156] : memref<40000xf32, #tpu.memory_space<vmem>>[vector<16xi32>], vector<16xf32>,
      %mul3A_158 = arith.constant 4 : i32
      %mul3A_159 = vector.broadcast %mul3A_158 : i32 to vector<16xi32>
      %mul3A_160 = arith.muli %gather3A_152, %mul3A_159 : vector<16xi32>
      %add3A_161 = arith.addi %mul3A_160, %select_n3A_21 : vector<16xi32>
      %gather3A_162 = tpu.vector_load_idx %arg11[%add3A_161] : memref<40000xf32, #tpu.memory_space<vmem>>[vector<16xi32>], vector<16xf32>,
      %add3A_163 = arith.addf %gather3A_157, %gather3A_162 : vector<16xf32>
      %ge3A_164 = arith.constant 0.000000e+00 : f32
      %ge3A_165 = vector.broadcast %ge3A_164 : f32 to vector<16xf32>
      %ge3A_166 = arith.cmpf oge, %add3A_163, %ge3A_165 : vector<16xf32>
      %mul3A_167 = arith.constant 2.000000e-01 : f32
      %mul3A_168 = vector.broadcast %mul3A_167 : f32 to vector<16xf32>
      %mul3A_169 = arith.mulf %mul3A_168, %add3A_163 : vector<16xf32>
      %select_n3A_170 = arith.select %ge3A_166, %add3A_163, %mul3A_169 : vector<16xi1>, vector<16xf32>
      %exp3A_171 = math.exp %select_n3A_170 : vector<16xf32>
      %swap3A_172 = arith.constant 48 : index
      %swap3A_173 = tpu.vector_load %arg12[%swap3A_172] {strides = array<i32>} : memref<320xf32, #tpu.memory_space<vmem>>, vector<16xf32>,
      tpu.vector_store %arg12[%swap3A_172], %exp3A_171 {strides = array<i32>} : memref<320xf32, #tpu.memory_space<vmem>>, vector<16xf32>,
      %mul3A_174 = arith.constant 4 : i32
      %mul3A_175 = vector.broadcast %mul3A_174 : i32 to vector<16xi32>
      %mul3A_176 = arith.muli %gather3A_152, %mul3A_175 : vector<16xi32>
      %add3A_177 = arith.addi %mul3A_176, %select_n3A_21 : vector<16xi32>
      tpu.vector_store_idx %arg13[%add3A_177], %exp3A_171 {add = true} : memref<40960xf32, #tpu.memory_space<vmem>>[vector<16xi32>], vector<16xf32>,
      %add3A_178 = arith.constant 16 : i32
      %add3A_179 = vector.broadcast %add3A_178 : i32 to vector<16xi32>
      %add3A_180 = arith.addi %select_n3A_49, %add3A_179 : vector<16xi32>
      %gather3A_181 = tpu.vector_load_idx %arg8[%add3A_180] : memref<80xi32, #tpu.memory_space<vmem>>[vector<16xi32>], vector<16xi32>,
      %gather3A_182 = tpu.vector_load_idx %arg9[%add3A_180] : memref<80xi32, #tpu.memory_space<vmem>>[vector<16xi32>], vector<16xi32>,
      %mul3A_183 = arith.constant 4 : i32
      %mul3A_184 = vector.broadcast %mul3A_183 : i32 to vector<16xi32>
      %mul3A_185 = arith.muli %gather3A_181, %mul3A_184 : vector<16xi32>
      %add3A_186 = arith.addi %mul3A_185, %select_n3A_21 : vector<16xi32>
      %gather3A_187 = tpu.vector_load_idx %arg10[%add3A_186] : memref<40000xf32, #tpu.memory_space<vmem>>[vector<16xi32>], vector<16xf32>,
      %mul3A_188 = arith.constant 4 : i32
      %mul3A_189 = vector.broadcast %mul3A_188 : i32 to vector<16xi32>
      %mul3A_190 = arith.muli %gather3A_182, %mul3A_189 : vector<16xi32>
      %add3A_191 = arith.addi %mul3A_190, %select_n3A_21 : vector<16xi32>
      %gather3A_192 = tpu.vector_load_idx %arg11[%add3A_191] : memref<40000xf32, #tpu.memory_space<vmem>>[vector<16xi32>], vector<16xf32>,
      %add3A_193 = arith.addf %gather3A_187, %gather3A_192 : vector<16xf32>
      %ge3A_194 = arith.constant 0.000000e+00 : f32
      %ge3A_195 = vector.broadcast %ge3A_194 : f32 to vector<16xf32>
      %ge3A_196 = arith.cmpf oge, %add3A_193, %ge3A_195 : vector<16xf32>
      %mul3A_197 = arith.constant 2.000000e-01 : f32
      %mul3A_198 = vector.broadcast %mul3A_197 : f32 to vector<16xf32>
      %mul3A_199 = arith.mulf %mul3A_198, %add3A_193 : vector<16xf32>
      %select_n3A_200 = arith.select %ge3A_196, %add3A_193, %mul3A_199 : vector<16xi1>, vector<16xf32>
      %exp3A_201 = math.exp %select_n3A_200 : vector<16xf32>
      %swap3A_202 = arith.constant 64 : index
      %swap3A_203 = tpu.vector_load %arg12[%swap3A_202] {strides = array<i32>} : memref<320xf32, #tpu.memory_space<vmem>>, vector<16xf32>,
      tpu.vector_store %arg12[%swap3A_202], %exp3A_201 {strides = array<i32>} : memref<320xf32, #tpu.memory_space<vmem>>, vector<16xf32>,
      %mul3A_204 = arith.constant 4 : i32
      %mul3A_205 = vector.broadcast %mul3A_204 : i32 to vector<16xi32>
      %mul3A_206 = arith.muli %gather3A_182, %mul3A_205 : vector<16xi32>
      %add3A_207 = arith.addi %mul3A_206, %select_n3A_21 : vector<16xi32>
      tpu.vector_store_idx %arg13[%add3A_207], %exp3A_201 {add = true} : memref<40960xf32, #tpu.memory_space<vmem>>[vector<16xi32>], vector<16xf32>,
      %add3A_208 = arith.constant 20 : i32
      %add3A_209 = vector.broadcast %add3A_208 : i32 to vector<16xi32>
      %add3A_210 = arith.addi %select_n3A_49, %add3A_209 : vector<16xi32>
      %gather3A_211 = tpu.vector_load_idx %arg8[%add3A_210] : memref<80xi32, #tpu.memory_space<vmem>>[vector<16xi32>], vector<16xi32>,
      %gather3A_212 = tpu.vector_load_idx %arg9[%add3A_210] : memref<80xi32, #tpu.memory_space<vmem>>[vector<16xi32>], vector<16xi32>,
      %mul3A_213 = arith.constant 4 : i32
      %mul3A_214 = vector.broadcast %mul3A_213 : i32 to vector<16xi32>
      %mul3A_215 = arith.muli %gather3A_211, %mul3A_214 : vector<16xi32>
      %add3A_216 = arith.addi %mul3A_215, %select_n3A_21 : vector<16xi32>
      %gather3A_217 = tpu.vector_load_idx %arg10[%add3A_216] : memref<40000xf32, #tpu.memory_space<vmem>>[vector<16xi32>], vector<16xf32>,
      %mul3A_218 = arith.constant 4 : i32
      %mul3A_219 = vector.broadcast %mul3A_218 : i32 to vector<16xi32>
      %mul3A_220 = arith.muli %gather3A_212, %mul3A_219 : vector<16xi32>
      %add3A_221 = arith.addi %mul3A_220, %select_n3A_21 : vector<16xi32>
      %gather3A_222 = tpu.vector_load_idx %arg11[%add3A_221] : memref<40000xf32, #tpu.memory_space<vmem>>[vector<16xi32>], vector<16xf32>,
      %add3A_223 = arith.addf %gather3A_217, %gather3A_222 : vector<16xf32>
      %ge3A_224 = arith.constant 0.000000e+00 : f32
      %ge3A_225 = vector.broadcast %ge3A_224 : f32 to vector<16xf32>
      %ge3A_226 = arith.cmpf oge, %add3A_223, %ge3A_225 : vector<16xf32>
      %mul3A_227 = arith.constant 2.000000e-01 : f32
      %mul3A_228 = vector.broadcast %mul3A_227 : f32 to vector<16xf32>
      %mul3A_229 = arith.mulf %mul3A_228, %add3A_223 : vector<16xf32>
      %select_n3A_230 = arith.select %ge3A_226, %add3A_223, %mul3A_229 : vector<16xi1>, vector<16xf32>
      %exp3A_231 = math.exp %select_n3A_230 : vector<16xf32>
      %swap3A_232 = arith.constant 80 : index
      %swap3A_233 = tpu.vector_load %arg12[%swap3A_232] {strides = array<i32>} : memref<320xf32, #tpu.memory_space<vmem>>, vector<16xf32>,
      tpu.vector_store %arg12[%swap3A_232], %exp3A_231 {strides = array<i32>} : memref<320xf32, #tpu.memory_space<vmem>>, vector<16xf32>,
      %mul3A_234 = arith.constant 4 : i32
      %mul3A_235 = vector.broadcast %mul3A_234 : i32 to vector<16xi32>
      %mul3A_236 = arith.muli %gather3A_212, %mul3A_235 : vector<16xi32>
      %add3A_237 = arith.addi %mul3A_236, %select_n3A_21 : vector<16xi32>
      tpu.vector_store_idx %arg13[%add3A_237], %exp3A_231 {add = true} : memref<40960xf32, #tpu.memory_space<vmem>>[vector<16xi32>], vector<16xf32>,
      %add3A_238 = arith.constant 24 : i32
      %add3A_239 = vector.broadcast %add3A_238 : i32 to vector<16xi32>
      %add3A_240 = arith.addi %select_n3A_49, %add3A_239 : vector<16xi32>
      %gather3A_241 = tpu.vector_load_idx %arg8[%add3A_240] : memref<80xi32, #tpu.memory_space<vmem>>[vector<16xi32>], vector<16xi32>,
      %gather3A_242 = tpu.vector_load_idx %arg9[%add3A_240] : memref<80xi32, #tpu.memory_space<vmem>>[vector<16xi32>], vector<16xi32>,
      %mul3A_243 = arith.constant 4 : i32
      %mul3A_244 = vector.broadcast %mul3A_243 : i32 to vector<16xi32>
      %mul3A_245 = arith.muli %gather3A_241, %mul3A_244 : vector<16xi32>
      %add3A_246 = arith.addi %mul3A_245, %select_n3A_21 : vector<16xi32>
      %gather3A_247 = tpu.vector_load_idx %arg10[%add3A_246] : memref<40000xf32, #tpu.memory_space<vmem>>[vector<16xi32>], vector<16xf32>,
      %mul3A_248 = arith.constant 4 : i32
      %mul3A_249 = vector.broadcast %mul3A_248 : i32 to vector<16xi32>
      %mul3A_250 = arith.muli %gather3A_242, %mul3A_249 : vector<16xi32>
      %add3A_251 = arith.addi %mul3A_250, %select_n3A_21 : vector<16xi32>
      %gather3A_252 = tpu.vector_load_idx %arg11[%add3A_251] : memref<40000xf32, #tpu.memory_space<vmem>>[vector<16xi32>], vector<16xf32>,
      %add3A_253 = arith.addf %gather3A_247, %gather3A_252 : vector<16xf32>
      %ge3A_254 = arith.constant 0.000000e+00 : f32
      %ge3A_255 = vector.broadcast %ge3A_254 : f32 to vector<16xf32>
      %ge3A_256 = arith.cmpf oge, %add3A_253, %ge3A_255 : vector<16xf32>
      %mul3A_257 = arith.constant 2.000000e-01 : f32
      %mul3A_258 = vector.broadcast %mul3A_257 : f32 to vector<16xf32>
      %mul3A_259 = arith.mulf %mul3A_258, %add3A_253 : vector<16xf32>
      %select_n3A_260 = arith.select %ge3A_256, %add3A_253, %mul3A_259 : vector<16xi1>, vector<16xf32>
      %exp3A_261 = math.exp %select_n3A_260 : vector<16xf32>
      %swap3A_262 = arith.constant 96 : index
      %swap3A_263 = tpu.vector_load %arg12[%swap3A_262] {strides = array<i32>} : memref<320xf32, #tpu.memory_space<vmem>>, vector<16xf32>,
      tpu.vector_store %arg12[%swap3A_262], %exp3A_261 {strides = array<i32>} : memref<320xf32, #tpu.memory_space<vmem>>, vector<16xf32>,
      %mul3A_264 = arith.constant 4 : i32
      %mul3A_265 = vector.broadcast %mul3A_264 : i32 to vector<16xi32>
      %mul3A_266 = arith.muli %gather3A_242, %mul3A_265 : vector<16xi32>
      %add3A_267 = arith.addi %mul3A_266, %select_n3A_21 : vector<16xi32>
      tpu.vector_store_idx %arg13[%add3A_267], %exp3A_261 {add = true} : memref<40960xf32, #tpu.memory_space<vmem>>[vector<16xi32>], vector<16xf32>,
      %add3A_268 = arith.constant 28 : i32
      %add3A_269 = vector.broadcast %add3A_268 : i32 to vector<16xi32>
      %add3A_270 = arith.addi %select_n3A_49, %add3A_269 : vector<16xi32>
      %gather3A_271 = tpu.vector_load_idx %arg8[%add3A_270] : memref<80xi32, #tpu.memory_space<vmem>>[vector<16xi32>], vector<16xi32>,
      %gather3A_272 = tpu.vector_load_idx %arg9[%add3A_270] : memref<80xi32, #tpu.memory_space<vmem>>[vector<16xi32>], vector<16xi32>,
      %mul3A_273 = arith.constant 4 : i32
      %mul3A_274 = vector.broadcast %mul3A_273 : i32 to vector<16xi32>
      %mul3A_275 = arith.muli %gather3A_271, %mul3A_274 : vector<16xi32>
      %add3A_276 = arith.addi %mul3A_275, %select_n3A_21 : vector<16xi32>
      %gather3A_277 = tpu.vector_load_idx %arg10[%add3A_276] : memref<40000xf32, #tpu.memory_space<vmem>>[vector<16xi32>], vector<16xf32>,
      %mul3A_278 = arith.constant 4 : i32
      %mul3A_279 = vector.broadcast %mul3A_278 : i32 to vector<16xi32>
      %mul3A_280 = arith.muli %gather3A_272, %mul3A_279 : vector<16xi32>
      %add3A_281 = arith.addi %mul3A_280, %select_n3A_21 : vector<16xi32>
      %gather3A_282 = tpu.vector_load_idx %arg11[%add3A_281] : memref<40000xf32, #tpu.memory_space<vmem>>[vector<16xi32>], vector<16xf32>,
      %add3A_283 = arith.addf %gather3A_277, %gather3A_282 : vector<16xf32>
      %ge3A_284 = arith.constant 0.000000e+00 : f32
      %ge3A_285 = vector.broadcast %ge3A_284 : f32 to vector<16xf32>
      %ge3A_286 = arith.cmpf oge, %add3A_283, %ge3A_285 : vector<16xf32>
      %mul3A_287 = arith.constant 2.000000e-01 : f32
      %mul3A_288 = vector.broadcast %mul3A_287 : f32 to vector<16xf32>
      %mul3A_289 = arith.mulf %mul3A_288, %add3A_283 : vector<16xf32>
      %select_n3A_290 = arith.select %ge3A_286, %add3A_283, %mul3A_289 : vector<16xi1>, vector<16xf32>
      %exp3A_291 = math.exp %select_n3A_290 : vector<16xf32>
      %swap3A_292 = arith.constant 112 : index
      %swap3A_293 = tpu.vector_load %arg12[%swap3A_292] {strides = array<i32>} : memref<320xf32, #tpu.memory_space<vmem>>, vector<16xf32>,
      tpu.vector_store %arg12[%swap3A_292], %exp3A_291 {strides = array<i32>} : memref<320xf32, #tpu.memory_space<vmem>>, vector<16xf32>,
      %mul3A_294 = arith.constant 4 : i32
      %mul3A_295 = vector.broadcast %mul3A_294 : i32 to vector<16xi32>
      %mul3A_296 = arith.muli %gather3A_272, %mul3A_295 : vector<16xi32>
      %add3A_297 = arith.addi %mul3A_296, %select_n3A_21 : vector<16xi32>
      tpu.vector_store_idx %arg13[%add3A_297], %exp3A_291 {add = true} : memref<40960xf32, #tpu.memory_space<vmem>>[vector<16xi32>], vector<16xf32>,
      %add3A_298 = arith.constant 32 : i32
      %add3A_299 = vector.broadcast %add3A_298 : i32 to vector<16xi32>
      %add3A_300 = arith.addi %select_n3A_49, %add3A_299 : vector<16xi32>
      %gather3A_301 = tpu.vector_load_idx %arg8[%add3A_300] : memref<80xi32, #tpu.memory_space<vmem>>[vector<16xi32>], vector<16xi32>,
      %gather3A_302 = tpu.vector_load_idx %arg9[%add3A_300] : memref<80xi32, #tpu.memory_space<vmem>>[vector<16xi32>], vector<16xi32>,
      %mul3A_303 = arith.constant 4 : i32
      %mul3A_304 = vector.broadcast %mul3A_303 : i32 to vector<16xi32>
      %mul3A_305 = arith.muli %gather3A_301, %mul3A_304 : vector<16xi32>
      %add3A_306 = arith.addi %mul3A_305, %select_n3A_21 : vector<16xi32>
      %gather3A_307 = tpu.vector_load_idx %arg10[%add3A_306] : memref<40000xf32, #tpu.memory_space<vmem>>[vector<16xi32>], vector<16xf32>,
      %mul3A_308 = arith.constant 4 : i32
      %mul3A_309 = vector.broadcast %mul3A_308 : i32 to vector<16xi32>
      %mul3A_310 = arith.muli %gather3A_302, %mul3A_309 : vector<16xi32>
      %add3A_311 = arith.addi %mul3A_310, %select_n3A_21 : vector<16xi32>
      %gather3A_312 = tpu.vector_load_idx %arg11[%add3A_311] : memref<40000xf32, #tpu.memory_space<vmem>>[vector<16xi32>], vector<16xf32>,
      %add3A_313 = arith.addf %gather3A_307, %gather3A_312 : vector<16xf32>
      %ge3A_314 = arith.constant 0.000000e+00 : f32
      %ge3A_315 = vector.broadcast %ge3A_314 : f32 to vector<16xf32>
      %ge3A_316 = arith.cmpf oge, %add3A_313, %ge3A_315 : vector<16xf32>
      %mul3A_317 = arith.constant 2.000000e-01 : f32
      %mul3A_318 = vector.broadcast %mul3A_317 : f32 to vector<16xf32>
      %mul3A_319 = arith.mulf %mul3A_318, %add3A_313 : vector<16xf32>
      %select_n3A_320 = arith.select %ge3A_316, %add3A_313, %mul3A_319 : vector<16xi1>, vector<16xf32>
      %exp3A_321 = math.exp %select_n3A_320 : vector<16xf32>
      %swap3A_322 = arith.constant 128 : index
      %swap3A_323 = tpu.vector_load %arg12[%swap3A_322] {strides = array<i32>} : memref<320xf32, #tpu.memory_space<vmem>>, vector<16xf32>,
      tpu.vector_store %arg12[%swap3A_322], %exp3A_321 {strides = array<i32>} : memref<320xf32, #tpu.memory_space<vmem>>, vector<16xf32>,
      %mul3A_324 = arith.constant 4 : i32
      %mul3A_325 = vector.broadcast %mul3A_324 : i32 to vector<16xi32>
      %mul3A_326 = arith.muli %gather3A_302, %mul3A_325 : vector<16xi32>
      %add3A_327 = arith.addi %mul3A_326, %select_n3A_21 : vector<16xi32>
      tpu.vector_store_idx %arg13[%add3A_327], %exp3A_321 {add = true} : memref<40960xf32, #tpu.memory_space<vmem>>[vector<16xi32>], vector<16xf32>,
      %add3A_328 = arith.constant 36 : i32
      %add3A_329 = vector.broadcast %add3A_328 : i32 to vector<16xi32>
      %add3A_330 = arith.addi %select_n3A_49, %add3A_329 : vector<16xi32>
      %gather3A_331 = tpu.vector_load_idx %arg8[%add3A_330] : memref<80xi32, #tpu.memory_space<vmem>>[vector<16xi32>], vector<16xi32>,
      %gather3A_332 = tpu.vector_load_idx %arg9[%add3A_330] : memref<80xi32, #tpu.memory_space<vmem>>[vector<16xi32>], vector<16xi32>,
      %mul3A_333 = arith.constant 4 : i32
      %mul3A_334 = vector.broadcast %mul3A_333 : i32 to vector<16xi32>
      %mul3A_335 = arith.muli %gather3A_331, %mul3A_334 : vector<16xi32>
      %add3A_336 = arith.addi %mul3A_335, %select_n3A_21 : vector<16xi32>
      %gather3A_337 = tpu.vector_load_idx %arg10[%add3A_336] : memref<40000xf32, #tpu.memory_space<vmem>>[vector<16xi32>], vector<16xf32>,
      %mul3A_338 = arith.constant 4 : i32
      %mul3A_339 = vector.broadcast %mul3A_338 : i32 to vector<16xi32>
      %mul3A_340 = arith.muli %gather3A_332, %mul3A_339 : vector<16xi32>
      %add3A_341 = arith.addi %mul3A_340, %select_n3A_21 : vector<16xi32>
      %gather3A_342 = tpu.vector_load_idx %arg11[%add3A_341] : memref<40000xf32, #tpu.memory_space<vmem>>[vector<16xi32>], vector<16xf32>,
      %add3A_343 = arith.addf %gather3A_337, %gather3A_342 : vector<16xf32>
      %ge3A_344 = arith.constant 0.000000e+00 : f32
      %ge3A_345 = vector.broadcast %ge3A_344 : f32 to vector<16xf32>
      %ge3A_346 = arith.cmpf oge, %add3A_343, %ge3A_345 : vector<16xf32>
      %mul3A_347 = arith.constant 2.000000e-01 : f32
      %mul3A_348 = vector.broadcast %mul3A_347 : f32 to vector<16xf32>
      %mul3A_349 = arith.mulf %mul3A_348, %add3A_343 : vector<16xf32>
      %select_n3A_350 = arith.select %ge3A_346, %add3A_343, %mul3A_349 : vector<16xi1>, vector<16xf32>
      %exp3A_351 = math.exp %select_n3A_350 : vector<16xf32>
      %swap3A_352 = arith.constant 144 : index
      %swap3A_353 = tpu.vector_load %arg12[%swap3A_352] {strides = array<i32>} : memref<320xf32, #tpu.memory_space<vmem>>, vector<16xf32>,
      tpu.vector_store %arg12[%swap3A_352], %exp3A_351 {strides = array<i32>} : memref<320xf32, #tpu.memory_space<vmem>>, vector<16xf32>,
      %mul3A_354 = arith.constant 4 : i32
      %mul3A_355 = vector.broadcast %mul3A_354 : i32 to vector<16xi32>
      %mul3A_356 = arith.muli %gather3A_332, %mul3A_355 : vector<16xi32>
      %add3A_357 = arith.addi %mul3A_356, %select_n3A_21 : vector<16xi32>
      tpu.vector_store_idx %arg13[%add3A_357], %exp3A_351 {add = true} : memref<40960xf32, #tpu.memory_space<vmem>>[vector<16xi32>], vector<16xf32>,
      %add3A_358 = arith.constant 40 : i32
      %add3A_359 = vector.broadcast %add3A_358 : i32 to vector<16xi32>
      %add3A_360 = arith.addi %select_n3A_49, %add3A_359 : vector<16xi32>
      %gather3A_361 = tpu.vector_load_idx %arg8[%add3A_360] : memref<80xi32, #tpu.memory_space<vmem>>[vector<16xi32>], vector<16xi32>,
      %gather3A_362 = tpu.vector_load_idx %arg9[%add3A_360] : memref<80xi32, #tpu.memory_space<vmem>>[vector<16xi32>], vector<16xi32>,
      %mul3A_363 = arith.constant 4 : i32
      %mul3A_364 = vector.broadcast %mul3A_363 : i32 to vector<16xi32>
      %mul3A_365 = arith.muli %gather3A_361, %mul3A_364 : vector<16xi32>
      %add3A_366 = arith.addi %mul3A_365, %select_n3A_21 : vector<16xi32>
      %gather3A_367 = tpu.vector_load_idx %arg10[%add3A_366] : memref<40000xf32, #tpu.memory_space<vmem>>[vector<16xi32>], vector<16xf32>,
      %mul3A_368 = arith.constant 4 : i32
      %mul3A_369 = vector.broadcast %mul3A_368 : i32 to vector<16xi32>
      %mul3A_370 = arith.muli %gather3A_362, %mul3A_369 : vector<16xi32>
      %add3A_371 = arith.addi %mul3A_370, %select_n3A_21 : vector<16xi32>
      %gather3A_372 = tpu.vector_load_idx %arg11[%add3A_371] : memref<40000xf32, #tpu.memory_space<vmem>>[vector<16xi32>], vector<16xf32>,
      %add3A_373 = arith.addf %gather3A_367, %gather3A_372 : vector<16xf32>
      %ge3A_374 = arith.constant 0.000000e+00 : f32
      %ge3A_375 = vector.broadcast %ge3A_374 : f32 to vector<16xf32>
      %ge3A_376 = arith.cmpf oge, %add3A_373, %ge3A_375 : vector<16xf32>
      %mul3A_377 = arith.constant 2.000000e-01 : f32
      %mul3A_378 = vector.broadcast %mul3A_377 : f32 to vector<16xf32>
      %mul3A_379 = arith.mulf %mul3A_378, %add3A_373 : vector<16xf32>
      %select_n3A_380 = arith.select %ge3A_376, %add3A_373, %mul3A_379 : vector<16xi1>, vector<16xf32>
      %exp3A_381 = math.exp %select_n3A_380 : vector<16xf32>
      %swap3A_382 = arith.constant 160 : index
      %swap3A_383 = tpu.vector_load %arg12[%swap3A_382] {strides = array<i32>} : memref<320xf32, #tpu.memory_space<vmem>>, vector<16xf32>,
      tpu.vector_store %arg12[%swap3A_382], %exp3A_381 {strides = array<i32>} : memref<320xf32, #tpu.memory_space<vmem>>, vector<16xf32>,
      %mul3A_384 = arith.constant 4 : i32
      %mul3A_385 = vector.broadcast %mul3A_384 : i32 to vector<16xi32>
      %mul3A_386 = arith.muli %gather3A_362, %mul3A_385 : vector<16xi32>
      %add3A_387 = arith.addi %mul3A_386, %select_n3A_21 : vector<16xi32>
      tpu.vector_store_idx %arg13[%add3A_387], %exp3A_381 {add = true} : memref<40960xf32, #tpu.memory_space<vmem>>[vector<16xi32>], vector<16xf32>,
      %add3A_388 = arith.constant 44 : i32
      %add3A_389 = vector.broadcast %add3A_388 : i32 to vector<16xi32>
      %add3A_390 = arith.addi %select_n3A_49, %add3A_389 : vector<16xi32>
      %gather3A_391 = tpu.vector_load_idx %arg8[%add3A_390] : memref<80xi32, #tpu.memory_space<vmem>>[vector<16xi32>], vector<16xi32>,
      %gather3A_392 = tpu.vector_load_idx %arg9[%add3A_390] : memref<80xi32, #tpu.memory_space<vmem>>[vector<16xi32>], vector<16xi32>,
      %mul3A_393 = arith.constant 4 : i32
      %mul3A_394 = vector.broadcast %mul3A_393 : i32 to vector<16xi32>
      %mul3A_395 = arith.muli %gather3A_391, %mul3A_394 : vector<16xi32>
      %add3A_396 = arith.addi %mul3A_395, %select_n3A_21 : vector<16xi32>
      %gather3A_397 = tpu.vector_load_idx %arg10[%add3A_396] : memref<40000xf32, #tpu.memory_space<vmem>>[vector<16xi32>], vector<16xf32>,
      %mul3A_398 = arith.constant 4 : i32
      %mul3A_399 = vector.broadcast %mul3A_398 : i32 to vector<16xi32>
      %mul3A_400 = arith.muli %gather3A_392, %mul3A_399 : vector<16xi32>
      %add3A_401 = arith.addi %mul3A_400, %select_n3A_21 : vector<16xi32>
      %gather3A_402 = tpu.vector_load_idx %arg11[%add3A_401] : memref<40000xf32, #tpu.memory_space<vmem>>[vector<16xi32>], vector<16xf32>,
      %add3A_403 = arith.addf %gather3A_397, %gather3A_402 : vector<16xf32>
      %ge3A_404 = arith.constant 0.000000e+00 : f32
      %ge3A_405 = vector.broadcast %ge3A_404 : f32 to vector<16xf32>
      %ge3A_406 = arith.cmpf oge, %add3A_403, %ge3A_405 : vector<16xf32>
      %mul3A_407 = arith.constant 2.000000e-01 : f32
      %mul3A_408 = vector.broadcast %mul3A_407 : f32 to vector<16xf32>
      %mul3A_409 = arith.mulf %mul3A_408, %add3A_403 : vector<16xf32>
      %select_n3A_410 = arith.select %ge3A_406, %add3A_403, %mul3A_409 : vector<16xi1>, vector<16xf32>
      %exp3A_411 = math.exp %select_n3A_410 : vector<16xf32>
      %swap3A_412 = arith.constant 176 : index
      %swap3A_413 = tpu.vector_load %arg12[%swap3A_412] {strides = array<i32>} : memref<320xf32, #tpu.memory_space<vmem>>, vector<16xf32>,
      tpu.vector_store %arg12[%swap3A_412], %exp3A_411 {strides = array<i32>} : memref<320xf32, #tpu.memory_space<vmem>>, vector<16xf32>,
      %mul3A_414 = arith.constant 4 : i32
      %mul3A_415 = vector.broadcast %mul3A_414 : i32 to vector<16xi32>
      %mul3A_416 = arith.muli %gather3A_392, %mul3A_415 : vector<16xi32>
      %add3A_417 = arith.addi %mul3A_416, %select_n3A_21 : vector<16xi32>
      tpu.vector_store_idx %arg13[%add3A_417], %exp3A_411 {add = true} : memref<40960xf32, #tpu.memory_space<vmem>>[vector<16xi32>], vector<16xf32>,
      %add3A_418 = arith.constant 48 : i32
      %add3A_419 = vector.broadcast %add3A_418 : i32 to vector<16xi32>
      %add3A_420 = arith.addi %select_n3A_49, %add3A_419 : vector<16xi32>
      %gather3A_421 = tpu.vector_load_idx %arg8[%add3A_420] : memref<80xi32, #tpu.memory_space<vmem>>[vector<16xi32>], vector<16xi32>,
      %gather3A_422 = tpu.vector_load_idx %arg9[%add3A_420] : memref<80xi32, #tpu.memory_space<vmem>>[vector<16xi32>], vector<16xi32>,
      %mul3A_423 = arith.constant 4 : i32
      %mul3A_424 = vector.broadcast %mul3A_423 : i32 to vector<16xi32>
      %mul3A_425 = arith.muli %gather3A_421, %mul3A_424 : vector<16xi32>
      %add3A_426 = arith.addi %mul3A_425, %select_n3A_21 : vector<16xi32>
      %gather3A_427 = tpu.vector_load_idx %arg10[%add3A_426] : memref<40000xf32, #tpu.memory_space<vmem>>[vector<16xi32>], vector<16xf32>,
      %mul3A_428 = arith.constant 4 : i32
      %mul3A_429 = vector.broadcast %mul3A_428 : i32 to vector<16xi32>
      %mul3A_430 = arith.muli %gather3A_422, %mul3A_429 : vector<16xi32>
      %add3A_431 = arith.addi %mul3A_430, %select_n3A_21 : vector<16xi32>
      %gather3A_432 = tpu.vector_load_idx %arg11[%add3A_431] : memref<40000xf32, #tpu.memory_space<vmem>>[vector<16xi32>], vector<16xf32>,
      %add3A_433 = arith.addf %gather3A_427, %gather3A_432 : vector<16xf32>
      %ge3A_434 = arith.constant 0.000000e+00 : f32
      %ge3A_435 = vector.broadcast %ge3A_434 : f32 to vector<16xf32>
      %ge3A_436 = arith.cmpf oge, %add3A_433, %ge3A_435 : vector<16xf32>
      %mul3A_437 = arith.constant 2.000000e-01 : f32
      %mul3A_438 = vector.broadcast %mul3A_437 : f32 to vector<16xf32>
      %mul3A_439 = arith.mulf %mul3A_438, %add3A_433 : vector<16xf32>
      %select_n3A_440 = arith.select %ge3A_436, %add3A_433, %mul3A_439 : vector<16xi1>, vector<16xf32>
      %exp3A_441 = math.exp %select_n3A_440 : vector<16xf32>
      %swap3A_442 = arith.constant 192 : index
      %swap3A_443 = tpu.vector_load %arg12[%swap3A_442] {strides = array<i32>} : memref<320xf32, #tpu.memory_space<vmem>>, vector<16xf32>,
      tpu.vector_store %arg12[%swap3A_442], %exp3A_441 {strides = array<i32>} : memref<320xf32, #tpu.memory_space<vmem>>, vector<16xf32>,
      %mul3A_444 = arith.constant 4 : i32
      %mul3A_445 = vector.broadcast %mul3A_444 : i32 to vector<16xi32>
      %mul3A_446 = arith.muli %gather3A_422, %mul3A_445 : vector<16xi32>
      %add3A_447 = arith.addi %mul3A_446, %select_n3A_21 : vector<16xi32>
      tpu.vector_store_idx %arg13[%add3A_447], %exp3A_441 {add = true} : memref<40960xf32, #tpu.memory_space<vmem>>[vector<16xi32>], vector<16xf32>,
      %add3A_448 = arith.constant 52 : i32
      %add3A_449 = vector.broadcast %add3A_448 : i32 to vector<16xi32>
      %add3A_450 = arith.addi %select_n3A_49, %add3A_449 : vector<16xi32>
      %gather3A_451 = tpu.vector_load_idx %arg8[%add3A_450] : memref<80xi32, #tpu.memory_space<vmem>>[vector<16xi32>], vector<16xi32>,
      %gather3A_452 = tpu.vector_load_idx %arg9[%add3A_450] : memref<80xi32, #tpu.memory_space<vmem>>[vector<16xi32>], vector<16xi32>,
      %mul3A_453 = arith.constant 4 : i32
      %mul3A_454 = vector.broadcast %mul3A_453 : i32 to vector<16xi32>
      %mul3A_455 = arith.muli %gather3A_451, %mul3A_454 : vector<16xi32>
      %add3A_456 = arith.addi %mul3A_455, %select_n3A_21 : vector<16xi32>
      %gather3A_457 = tpu.vector_load_idx %arg10[%add3A_456] : memref<40000xf32, #tpu.memory_space<vmem>>[vector<16xi32>], vector<16xf32>,
      %mul3A_458 = arith.constant 4 : i32
      %mul3A_459 = vector.broadcast %mul3A_458 : i32 to vector<16xi32>
      %mul3A_460 = arith.muli %gather3A_452, %mul3A_459 : vector<16xi32>
      %add3A_461 = arith.addi %mul3A_460, %select_n3A_21 : vector<16xi32>
      %gather3A_462 = tpu.vector_load_idx %arg11[%add3A_461] : memref<40000xf32, #tpu.memory_space<vmem>>[vector<16xi32>], vector<16xf32>,
      %add3A_463 = arith.addf %gather3A_457, %gather3A_462 : vector<16xf32>
      %ge3A_464 = arith.constant 0.000000e+00 : f32
      %ge3A_465 = vector.broadcast %ge3A_464 : f32 to vector<16xf32>
      %ge3A_466 = arith.cmpf oge, %add3A_463, %ge3A_465 : vector<16xf32>
      %mul3A_467 = arith.constant 2.000000e-01 : f32
      %mul3A_468 = vector.broadcast %mul3A_467 : f32 to vector<16xf32>
      %mul3A_469 = arith.mulf %mul3A_468, %add3A_463 : vector<16xf32>
      %select_n3A_470 = arith.select %ge3A_466, %add3A_463, %mul3A_469 : vector<16xi1>, vector<16xf32>
      %exp3A_471 = math.exp %select_n3A_470 : vector<16xf32>
      %swap3A_472 = arith.constant 208 : index
      %swap3A_473 = tpu.vector_load %arg12[%swap3A_472] {strides = array<i32>} : memref<320xf32, #tpu.memory_space<vmem>>, vector<16xf32>,
      tpu.vector_store %arg12[%swap3A_472], %exp3A_471 {strides = array<i32>} : memref<320xf32, #tpu.memory_space<vmem>>, vector<16xf32>,
      %mul3A_474 = arith.constant 4 : i32
      %mul3A_475 = vector.broadcast %mul3A_474 : i32 to vector<16xi32>
      %mul3A_476 = arith.muli %gather3A_452, %mul3A_475 : vector<16xi32>
      %add3A_477 = arith.addi %mul3A_476, %select_n3A_21 : vector<16xi32>
      tpu.vector_store_idx %arg13[%add3A_477], %exp3A_471 {add = true} : memref<40960xf32, #tpu.memory_space<vmem>>[vector<16xi32>], vector<16xf32>,
      %add3A_478 = arith.constant 56 : i32
      %add3A_479 = vector.broadcast %add3A_478 : i32 to vector<16xi32>
      %add3A_480 = arith.addi %select_n3A_49, %add3A_479 : vector<16xi32>
      %gather3A_481 = tpu.vector_load_idx %arg8[%add3A_480] : memref<80xi32, #tpu.memory_space<vmem>>[vector<16xi32>], vector<16xi32>,
      %gather3A_482 = tpu.vector_load_idx %arg9[%add3A_480] : memref<80xi32, #tpu.memory_space<vmem>>[vector<16xi32>], vector<16xi32>,
      %mul3A_483 = arith.constant 4 : i32
      %mul3A_484 = vector.broadcast %mul3A_483 : i32 to vector<16xi32>
      %mul3A_485 = arith.muli %gather3A_481, %mul3A_484 : vector<16xi32>
      %add3A_486 = arith.addi %mul3A_485, %select_n3A_21 : vector<16xi32>
      %gather3A_487 = tpu.vector_load_idx %arg10[%add3A_486] : memref<40000xf32, #tpu.memory_space<vmem>>[vector<16xi32>], vector<16xf32>,
      %mul3A_488 = arith.constant 4 : i32
      %mul3A_489 = vector.broadcast %mul3A_488 : i32 to vector<16xi32>
      %mul3A_490 = arith.muli %gather3A_482, %mul3A_489 : vector<16xi32>
      %add3A_491 = arith.addi %mul3A_490, %select_n3A_21 : vector<16xi32>
      %gather3A_492 = tpu.vector_load_idx %arg11[%add3A_491] : memref<40000xf32, #tpu.memory_space<vmem>>[vector<16xi32>], vector<16xf32>,
      %add3A_493 = arith.addf %gather3A_487, %gather3A_492 : vector<16xf32>
      %ge3A_494 = arith.constant 0.000000e+00 : f32
      %ge3A_495 = vector.broadcast %ge3A_494 : f32 to vector<16xf32>
      %ge3A_496 = arith.cmpf oge, %add3A_493, %ge3A_495 : vector<16xf32>
      %mul3A_497 = arith.constant 2.000000e-01 : f32
      %mul3A_498 = vector.broadcast %mul3A_497 : f32 to vector<16xf32>
      %mul3A_499 = arith.mulf %mul3A_498, %add3A_493 : vector<16xf32>
      %select_n3A_500 = arith.select %ge3A_496, %add3A_493, %mul3A_499 : vector<16xi1>, vector<16xf32>
      %exp3A_501 = math.exp %select_n3A_500 : vector<16xf32>
      %swap3A_502 = arith.constant 224 : index
      %swap3A_503 = tpu.vector_load %arg12[%swap3A_502] {strides = array<i32>} : memref<320xf32, #tpu.memory_space<vmem>>, vector<16xf32>,
      tpu.vector_store %arg12[%swap3A_502], %exp3A_501 {strides = array<i32>} : memref<320xf32, #tpu.memory_space<vmem>>, vector<16xf32>,
      %mul3A_504 = arith.constant 4 : i32
      %mul3A_505 = vector.broadcast %mul3A_504 : i32 to vector<16xi32>
      %mul3A_506 = arith.muli %gather3A_482, %mul3A_505 : vector<16xi32>
      %add3A_507 = arith.addi %mul3A_506, %select_n3A_21 : vector<16xi32>
      tpu.vector_store_idx %arg13[%add3A_507], %exp3A_501 {add = true} : memref<40960xf32, #tpu.memory_space<vmem>>[vector<16xi32>], vector<16xf32>,
      %add3A_508 = arith.constant 60 : i32
      %add3A_509 = vector.broadcast %add3A_508 : i32 to vector<16xi32>
      %add3A_510 = arith.addi %select_n3A_49, %add3A_509 : vector<16xi32>
      %gather3A_511 = tpu.vector_load_idx %arg8[%add3A_510] : memref<80xi32, #tpu.memory_space<vmem>>[vector<16xi32>], vector<16xi32>,
      %gather3A_512 = tpu.vector_load_idx %arg9[%add3A_510] : memref<80xi32, #tpu.memory_space<vmem>>[vector<16xi32>], vector<16xi32>,
      %mul3A_513 = arith.constant 4 : i32
      %mul3A_514 = vector.broadcast %mul3A_513 : i32 to vector<16xi32>
      %mul3A_515 = arith.muli %gather3A_511, %mul3A_514 : vector<16xi32>
      %add3A_516 = arith.addi %mul3A_515, %select_n3A_21 : vector<16xi32>
      %gather3A_517 = tpu.vector_load_idx %arg10[%add3A_516] : memref<40000xf32, #tpu.memory_space<vmem>>[vector<16xi32>], vector<16xf32>,
      %mul3A_518 = arith.constant 4 : i32
      %mul3A_519 = vector.broadcast %mul3A_518 : i32 to vector<16xi32>
      %mul3A_520 = arith.muli %gather3A_512, %mul3A_519 : vector<16xi32>
      %add3A_521 = arith.addi %mul3A_520, %select_n3A_21 : vector<16xi32>
      %gather3A_522 = tpu.vector_load_idx %arg11[%add3A_521] : memref<40000xf32, #tpu.memory_space<vmem>>[vector<16xi32>], vector<16xf32>,
      %add3A_523 = arith.addf %gather3A_517, %gather3A_522 : vector<16xf32>
      %ge3A_524 = arith.constant 0.000000e+00 : f32
      %ge3A_525 = vector.broadcast %ge3A_524 : f32 to vector<16xf32>
      %ge3A_526 = arith.cmpf oge, %add3A_523, %ge3A_525 : vector<16xf32>
      %mul3A_527 = arith.constant 2.000000e-01 : f32
      %mul3A_528 = vector.broadcast %mul3A_527 : f32 to vector<16xf32>
      %mul3A_529 = arith.mulf %mul3A_528, %add3A_523 : vector<16xf32>
      %select_n3A_530 = arith.select %ge3A_526, %add3A_523, %mul3A_529 : vector<16xi1>, vector<16xf32>
      %exp3A_531 = math.exp %select_n3A_530 : vector<16xf32>
      %swap3A_532 = arith.constant 240 : index
      %swap3A_533 = tpu.vector_load %arg12[%swap3A_532] {strides = array<i32>} : memref<320xf32, #tpu.memory_space<vmem>>, vector<16xf32>,
      tpu.vector_store %arg12[%swap3A_532], %exp3A_531 {strides = array<i32>} : memref<320xf32, #tpu.memory_space<vmem>>, vector<16xf32>,
      %mul3A_534 = arith.constant 4 : i32
      %mul3A_535 = vector.broadcast %mul3A_534 : i32 to vector<16xi32>
      %mul3A_536 = arith.muli %gather3A_512, %mul3A_535 : vector<16xi32>
      %add3A_537 = arith.addi %mul3A_536, %select_n3A_21 : vector<16xi32>
      tpu.vector_store_idx %arg13[%add3A_537], %exp3A_531 {add = true} : memref<40960xf32, #tpu.memory_space<vmem>>[vector<16xi32>], vector<16xf32>,
      %add3A_538 = arith.constant 64 : i32
      %add3A_539 = vector.broadcast %add3A_538 : i32 to vector<16xi32>
      %add3A_540 = arith.addi %select_n3A_49, %add3A_539 : vector<16xi32>
      %gather3A_541 = tpu.vector_load_idx %arg8[%add3A_540] : memref<80xi32, #tpu.memory_space<vmem>>[vector<16xi32>], vector<16xi32>,
      %gather3A_542 = tpu.vector_load_idx %arg9[%add3A_540] : memref<80xi32, #tpu.memory_space<vmem>>[vector<16xi32>], vector<16xi32>,
      %mul3A_543 = arith.constant 4 : i32
      %mul3A_544 = vector.broadcast %mul3A_543 : i32 to vector<16xi32>
      %mul3A_545 = arith.muli %gather3A_541, %mul3A_544 : vector<16xi32>
      %add3A_546 = arith.addi %mul3A_545, %select_n3A_21 : vector<16xi32>
      %gather3A_547 = tpu.vector_load_idx %arg10[%add3A_546] : memref<40000xf32, #tpu.memory_space<vmem>>[vector<16xi32>], vector<16xf32>,
      %mul3A_548 = arith.constant 4 : i32
      %mul3A_549 = vector.broadcast %mul3A_548 : i32 to vector<16xi32>
      %mul3A_550 = arith.muli %gather3A_542, %mul3A_549 : vector<16xi32>
      %add3A_551 = arith.addi %mul3A_550, %select_n3A_21 : vector<16xi32>
      %gather3A_552 = tpu.vector_load_idx %arg11[%add3A_551] : memref<40000xf32, #tpu.memory_space<vmem>>[vector<16xi32>], vector<16xf32>,
      %add3A_553 = arith.addf %gather3A_547, %gather3A_552 : vector<16xf32>
      %ge3A_554 = arith.constant 0.000000e+00 : f32
      %ge3A_555 = vector.broadcast %ge3A_554 : f32 to vector<16xf32>
      %ge3A_556 = arith.cmpf oge, %add3A_553, %ge3A_555 : vector<16xf32>
      %mul3A_557 = arith.constant 2.000000e-01 : f32
      %mul3A_558 = vector.broadcast %mul3A_557 : f32 to vector<16xf32>
      %mul3A_559 = arith.mulf %mul3A_558, %add3A_553 : vector<16xf32>
      %select_n3A_560 = arith.select %ge3A_556, %add3A_553, %mul3A_559 : vector<16xi1>, vector<16xf32>
      %exp3A_561 = math.exp %select_n3A_560 : vector<16xf32>
      %swap3A_562 = arith.constant 256 : index
      %swap3A_563 = tpu.vector_load %arg12[%swap3A_562] {strides = array<i32>} : memref<320xf32, #tpu.memory_space<vmem>>, vector<16xf32>,
      tpu.vector_store %arg12[%swap3A_562], %exp3A_561 {strides = array<i32>} : memref<320xf32, #tpu.memory_space<vmem>>, vector<16xf32>,
      %mul3A_564 = arith.constant 4 : i32
      %mul3A_565 = vector.broadcast %mul3A_564 : i32 to vector<16xi32>
      %mul3A_566 = arith.muli %gather3A_542, %mul3A_565 : vector<16xi32>
      %add3A_567 = arith.addi %mul3A_566, %select_n3A_21 : vector<16xi32>
      tpu.vector_store_idx %arg13[%add3A_567], %exp3A_561 {add = true} : memref<40960xf32, #tpu.memory_space<vmem>>[vector<16xi32>], vector<16xf32>,
      %add3A_568 = arith.constant 68 : i32
      %add3A_569 = vector.broadcast %add3A_568 : i32 to vector<16xi32>
      %add3A_570 = arith.addi %select_n3A_49, %add3A_569 : vector<16xi32>
      %gather3A_571 = tpu.vector_load_idx %arg8[%add3A_570] : memref<80xi32, #tpu.memory_space<vmem>>[vector<16xi32>], vector<16xi32>,
      %gather3A_572 = tpu.vector_load_idx %arg9[%add3A_570] : memref<80xi32, #tpu.memory_space<vmem>>[vector<16xi32>], vector<16xi32>,
      %mul3A_573 = arith.constant 4 : i32
      %mul3A_574 = vector.broadcast %mul3A_573 : i32 to vector<16xi32>
      %mul3A_575 = arith.muli %gather3A_571, %mul3A_574 : vector<16xi32>
      %add3A_576 = arith.addi %mul3A_575, %select_n3A_21 : vector<16xi32>
      %gather3A_577 = tpu.vector_load_idx %arg10[%add3A_576] : memref<40000xf32, #tpu.memory_space<vmem>>[vector<16xi32>], vector<16xf32>,
      %mul3A_578 = arith.constant 4 : i32
      %mul3A_579 = vector.broadcast %mul3A_578 : i32 to vector<16xi32>
      %mul3A_580 = arith.muli %gather3A_572, %mul3A_579 : vector<16xi32>
      %add3A_581 = arith.addi %mul3A_580, %select_n3A_21 : vector<16xi32>
      %gather3A_582 = tpu.vector_load_idx %arg11[%add3A_581] : memref<40000xf32, #tpu.memory_space<vmem>>[vector<16xi32>], vector<16xf32>,
      %add3A_583 = arith.addf %gather3A_577, %gather3A_582 : vector<16xf32>
      %ge3A_584 = arith.constant 0.000000e+00 : f32
      %ge3A_585 = vector.broadcast %ge3A_584 : f32 to vector<16xf32>
      %ge3A_586 = arith.cmpf oge, %add3A_583, %ge3A_585 : vector<16xf32>
      %mul3A_587 = arith.constant 2.000000e-01 : f32
      %mul3A_588 = vector.broadcast %mul3A_587 : f32 to vector<16xf32>
      %mul3A_589 = arith.mulf %mul3A_588, %add3A_583 : vector<16xf32>
      %select_n3A_590 = arith.select %ge3A_586, %add3A_583, %mul3A_589 : vector<16xi1>, vector<16xf32>
      %exp3A_591 = math.exp %select_n3A_590 : vector<16xf32>
      %swap3A_592 = arith.constant 272 : index
      %swap3A_593 = tpu.vector_load %arg12[%swap3A_592] {strides = array<i32>} : memref<320xf32, #tpu.memory_space<vmem>>, vector<16xf32>,
      tpu.vector_store %arg12[%swap3A_592], %exp3A_591 {strides = array<i32>} : memref<320xf32, #tpu.memory_space<vmem>>, vector<16xf32>,
      %mul3A_594 = arith.constant 4 : i32
      %mul3A_595 = vector.broadcast %mul3A_594 : i32 to vector<16xi32>
      %mul3A_596 = arith.muli %gather3A_572, %mul3A_595 : vector<16xi32>
      %add3A_597 = arith.addi %mul3A_596, %select_n3A_21 : vector<16xi32>
      tpu.vector_store_idx %arg13[%add3A_597], %exp3A_591 {add = true} : memref<40960xf32, #tpu.memory_space<vmem>>[vector<16xi32>], vector<16xf32>,
      %add3A_598 = arith.constant 72 : i32
      %add3A_599 = vector.broadcast %add3A_598 : i32 to vector<16xi32>
      %add3A_600 = arith.addi %select_n3A_49, %add3A_599 : vector<16xi32>
      %gather3A_601 = tpu.vector_load_idx %arg8[%add3A_600] : memref<80xi32, #tpu.memory_space<vmem>>[vector<16xi32>], vector<16xi32>,
      %gather3A_602 = tpu.vector_load_idx %arg9[%add3A_600] : memref<80xi32, #tpu.memory_space<vmem>>[vector<16xi32>], vector<16xi32>,
      %mul3A_603 = arith.constant 4 : i32
      %mul3A_604 = vector.broadcast %mul3A_603 : i32 to vector<16xi32>
      %mul3A_605 = arith.muli %gather3A_601, %mul3A_604 : vector<16xi32>
      %add3A_606 = arith.addi %mul3A_605, %select_n3A_21 : vector<16xi32>
      %gather3A_607 = tpu.vector_load_idx %arg10[%add3A_606] : memref<40000xf32, #tpu.memory_space<vmem>>[vector<16xi32>], vector<16xf32>,
      %mul3A_608 = arith.constant 4 : i32
      %mul3A_609 = vector.broadcast %mul3A_608 : i32 to vector<16xi32>
      %mul3A_610 = arith.muli %gather3A_602, %mul3A_609 : vector<16xi32>
      %add3A_611 = arith.addi %mul3A_610, %select_n3A_21 : vector<16xi32>
      %gather3A_612 = tpu.vector_load_idx %arg11[%add3A_611] : memref<40000xf32, #tpu.memory_space<vmem>>[vector<16xi32>], vector<16xf32>,
      %add3A_613 = arith.addf %gather3A_607, %gather3A_612 : vector<16xf32>
      %ge3A_614 = arith.constant 0.000000e+00 : f32
      %ge3A_615 = vector.broadcast %ge3A_614 : f32 to vector<16xf32>
      %ge3A_616 = arith.cmpf oge, %add3A_613, %ge3A_615 : vector<16xf32>
      %mul3A_617 = arith.constant 2.000000e-01 : f32
      %mul3A_618 = vector.broadcast %mul3A_617 : f32 to vector<16xf32>
      %mul3A_619 = arith.mulf %mul3A_618, %add3A_613 : vector<16xf32>
      %select_n3A_620 = arith.select %ge3A_616, %add3A_613, %mul3A_619 : vector<16xi1>, vector<16xf32>
      %exp3A_621 = math.exp %select_n3A_620 : vector<16xf32>
      %swap3A_622 = arith.constant 288 : index
      %swap3A_623 = tpu.vector_load %arg12[%swap3A_622] {strides = array<i32>} : memref<320xf32, #tpu.memory_space<vmem>>, vector<16xf32>,
      tpu.vector_store %arg12[%swap3A_622], %exp3A_621 {strides = array<i32>} : memref<320xf32, #tpu.memory_space<vmem>>, vector<16xf32>,
      %mul3A_624 = arith.constant 4 : i32
      %mul3A_625 = vector.broadcast %mul3A_624 : i32 to vector<16xi32>
      %mul3A_626 = arith.muli %gather3A_602, %mul3A_625 : vector<16xi32>
      %add3A_627 = arith.addi %mul3A_626, %select_n3A_21 : vector<16xi32>
      tpu.vector_store_idx %arg13[%add3A_627], %exp3A_621 {add = true} : memref<40960xf32, #tpu.memory_space<vmem>>[vector<16xi32>], vector<16xf32>,
      %add3A_628 = arith.constant 76 : i32
      %add3A_629 = vector.broadcast %add3A_628 : i32 to vector<16xi32>
      %add3A_630 = arith.addi %select_n3A_49, %add3A_629 : vector<16xi32>
      %gather3A_631 = tpu.vector_load_idx %arg8[%add3A_630] : memref<80xi32, #tpu.memory_space<vmem>>[vector<16xi32>], vector<16xi32>,
      %gather3A_632 = tpu.vector_load_idx %arg9[%add3A_630] : memref<80xi32, #tpu.memory_space<vmem>>[vector<16xi32>], vector<16xi32>,
      %mul3A_633 = arith.constant 4 : i32
      %mul3A_634 = vector.broadcast %mul3A_633 : i32 to vector<16xi32>
      %mul3A_635 = arith.muli %gather3A_631, %mul3A_634 : vector<16xi32>
      %add3A_636 = arith.addi %mul3A_635, %select_n3A_21 : vector<16xi32>
      %gather3A_637 = tpu.vector_load_idx %arg10[%add3A_636] : memref<40000xf32, #tpu.memory_space<vmem>>[vector<16xi32>], vector<16xf32>,
      %mul3A_638 = arith.constant 4 : i32
      %mul3A_639 = vector.broadcast %mul3A_638 : i32 to vector<16xi32>
      %mul3A_640 = arith.muli %gather3A_632, %mul3A_639 : vector<16xi32>
      %add3A_641 = arith.addi %mul3A_640, %select_n3A_21 : vector<16xi32>
      %gather3A_642 = tpu.vector_load_idx %arg11[%add3A_641] : memref<40000xf32, #tpu.memory_space<vmem>>[vector<16xi32>], vector<16xf32>,
      %add3A_643 = arith.addf %gather3A_637, %gather3A_642 : vector<16xf32>
      %ge3A_644 = arith.constant 0.000000e+00 : f32
      %ge3A_645 = vector.broadcast %ge3A_644 : f32 to vector<16xf32>
      %ge3A_646 = arith.cmpf oge, %add3A_643, %ge3A_645 : vector<16xf32>
      %mul3A_647 = arith.constant 2.000000e-01 : f32
      %mul3A_648 = vector.broadcast %mul3A_647 : f32 to vector<16xf32>
      %mul3A_649 = arith.mulf %mul3A_648, %add3A_643 : vector<16xf32>
      %select_n3A_650 = arith.select %ge3A_646, %add3A_643, %mul3A_649 : vector<16xi1>, vector<16xf32>
      %exp3A_651 = math.exp %select_n3A_650 : vector<16xf32>
      %swap3A_652 = arith.constant 304 : index
      %swap3A_653 = tpu.vector_load %arg12[%swap3A_652] {strides = array<i32>} : memref<320xf32, #tpu.memory_space<vmem>>, vector<16xf32>,
      tpu.vector_store %arg12[%swap3A_652], %exp3A_651 {strides = array<i32>} : memref<320xf32, #tpu.memory_space<vmem>>, vector<16xf32>,
      %mul3A_654 = arith.constant 4 : i32
      %mul3A_655 = vector.broadcast %mul3A_654 : i32 to vector<16xi32>
      %mul3A_656 = arith.muli %gather3A_632, %mul3A_655 : vector<16xi32>
      %add3A_657 = arith.addi %mul3A_656, %select_n3A_21 : vector<16xi32>
      tpu.vector_store_idx %arg13[%add3A_657], %exp3A_651 {add = true} : memref<40960xf32, #tpu.memory_space<vmem>>[vector<16xi32>], vector<16xf32>,
      %mul3A_658 = arith.constant 4 : i32
      %mul3A_659 = arith.muli %add3A_61, %mul3A_658 : i32
      "tpu.region"() ({
        %run_scoped3A = tpu.sem_alloc : memref<!tpu.dma_semaphore, #tpu.memory_space<semaphore_mem>>
        %dma_start3A = tpu.memref_slice %arg6[%mul3A_659] : memref<1280000xf32, #tpu.memory_space<hbm>> -> memref<320xf32, #tpu.memory_space<hbm>>
        %dma_start3A_660 = tpu.memref_slice %arg6[%mul3A_659] : memref<1280000xf32, #tpu.memory_space<hbm>> -> memref<320xf32, #tpu.memory_space<hbm>>
        tpu.enqueue_dma source(%arg12 : memref<320xf32, #tpu.memory_space<vmem>>) target(%dma_start3A_660 : memref<320xf32, #tpu.memory_space<hbm>>) target_semaphore(%run_scoped3A : memref<!tpu.dma_semaphore, #tpu.memory_space<semaphore_mem>>)
        %dma_wait3A = tpu.memref_slice %arg6[%mul3A_659] : memref<1280000xf32, #tpu.memory_space<hbm>> -> memref<320xf32, #tpu.memory_space<hbm>>
        %dma_wait3A_661 = tpu.memref_slice %arg6[%mul3A_659] : memref<1280000xf32, #tpu.memory_space<hbm>> -> memref<320xf32, #tpu.memory_space<hbm>>
        tpu.wait_dma2 semaphore(%run_scoped3A : memref<!tpu.dma_semaphore, #tpu.memory_space<semaphore_mem>>) src(%arg12 : memref<320xf32, #tpu.memory_space<vmem>>) dst(%dma_wait3A_661 : memref<320xf32, #tpu.memory_space<hbm>>)
        tpu.yield
      }) : () -> ()
    }
    %scan3A_55 = arith.constant 125 : i32
    "tpu.region"() ({
      %run_scoped3A = tpu.sem_alloc : memref<!tpu.dma_semaphore, #tpu.memory_space<semaphore_mem>>
      %dma_start3A = arith.constant 0 : i32
      %dma_start3A_56 = tpu.memref_slice %arg7[%add3A, %dma_start3A] : memref<32x40960xf32, #tpu.memory_space<hbm>> -> memref<1x40960xf32, #tpu.memory_space<hbm>>
      %dma_start3A_57 = tpu.memref_squeeze %dma_start3A_56 : memref<1x40960xf32, #tpu.memory_space<hbm>> -> memref<40960xf32, #tpu.memory_space<hbm>>
      %dma_start3A_58 = arith.constant 0 : i32
      %dma_start3A_59 = tpu.memref_slice %arg7[%add3A, %dma_start3A_58] : memref<32x40960xf32, #tpu.memory_space<hbm>> -> memref<1x40960xf32, #tpu.memory_space<hbm>>
      %dma_start3A_60 = tpu.memref_squeeze %dma_start3A_59 : memref<1x40960xf32, #tpu.memory_space<hbm>> -> memref<40960xf32, #tpu.memory_space<hbm>>
      tpu.enqueue_dma source(%arg13 : memref<40960xf32, #tpu.memory_space<vmem>>) target(%dma_start3A_60 : memref<40960xf32, #tpu.memory_space<hbm>>) target_semaphore(%run_scoped3A : memref<!tpu.dma_semaphore, #tpu.memory_space<semaphore_mem>>)
      %dma_wait3A = arith.constant 0 : i32
      %dma_wait3A_61 = tpu.memref_slice %arg7[%add3A, %dma_wait3A] : memref<32x40960xf32, #tpu.memory_space<hbm>> -> memref<1x40960xf32, #tpu.memory_space<hbm>>
      %dma_wait3A_62 = tpu.memref_squeeze %dma_wait3A_61 : memref<1x40960xf32, #tpu.memory_space<hbm>> -> memref<40960xf32, #tpu.memory_space<hbm>>
      %dma_wait3A_63 = arith.constant 0 : i32
      %dma_wait3A_64 = tpu.memref_slice %arg7[%add3A, %dma_wait3A_63] : memref<32x40960xf32, #tpu.memory_space<hbm>> -> memref<1x40960xf32, #tpu.memory_space<hbm>>
      %dma_wait3A_65 = tpu.memref_squeeze %dma_wait3A_64 : memref<1x40960xf32, #tpu.memory_space<hbm>> -> memref<40960xf32, #tpu.memory_space<hbm>>
      tpu.wait_dma2 semaphore(%run_scoped3A : memref<!tpu.dma_semaphore, #tpu.memory_space<semaphore_mem>>) src(%arg13 : memref<40960xf32, #tpu.memory_space<vmem>>) dst(%dma_wait3A_65 : memref<40960xf32, #tpu.memory_space<hbm>>)
      tpu.yield
    }) : () -> ()
    return
  }
}

module attributes {stable_mosaic.version = 14 : i64} {
  func.func @_proj_body(%arg0: i32, %arg1: memref<1000x128xf32, #tpu.memory_space<vmem>>, %arg2: memref<128x128xf32, #tpu.memory_space<vmem>>, %arg3: memref<4x64xf32, #tpu.memory_space<vmem>>, %arg4: memref<1000x128xf32, #tpu.memory_space<vmem>>, %arg5: memref<1000x4xf32, #tpu.memory_space<vmem>>, %arg6: memref<1000x4xf32, #tpu.memory_space<vmem>>) attributes {dimension_semantics = [#tpu.dimension_semantics<arbitrary>], iteration_bounds = array<i64: 10>, scalar_prefetch = 0 : i64, scratch_operands = 0 : i64, tpu.core_type = #tpu.core_type<tc>, window_params = [{transform_indices = @transform_0, window_bounds = array<i64: 1000, 128>}, {pipeline_mode = #tpu.pipeline_mode<synchronous>, transform_indices = @transform_1, window_bounds = array<i64: 128, 128>}, {pipeline_mode = #tpu.pipeline_mode<synchronous>, transform_indices = @transform_2, window_bounds = array<i64: 4, 64>}, {transform_indices = @transform_3, window_bounds = array<i64: 1000, 128>}, {transform_indices = @transform_4, window_bounds = array<i64: 1000, 4>}, {transform_indices = @transform_5, window_bounds = array<i64: 1000, 4>}]} {
    %get3A = arith.constant 0 : index
    %get3A_0 = arith.constant 0 : index
    %get3A_1 = vector.load %arg1[%get3A, %get3A_0] : memref<1000x128xf32, #tpu.memory_space<vmem>>, vector<1000x128xf32>
    %get3A_2 = arith.constant 0 : index
    %get3A_3 = arith.constant 0 : index
    %get3A_4 = vector.load %arg2[%get3A_2, %get3A_3] : memref<128x128xf32, #tpu.memory_space<vmem>>, vector<128x128xf32>
    %dot_general3A = arith.constant dense<0.000000e+00> : vector<1000x128xf32>
    %dot_general3A_5 = tpu.matmul %get3A_1, %get3A_4, %dot_general3A {dimension_numbers = #tpu.dot_dimension_numbers<[1], [0], [0], [1], [0, 0, 1, 1], [], []>, transpose_lhs_hint = false} : vector<1000x128xf32>, vector<128x128xf32>, vector<1000x128xf32> -> vector<1000x128xf32>
    %swap3A = arith.constant 0 : index
    %swap3A_6 = arith.constant 0 : index
    %swap3A_7 = vector.load %arg4[%swap3A, %swap3A_6] : memref<1000x128xf32, #tpu.memory_space<vmem>>, vector<1000x128xf32>
    tpu.vector_store %arg4[%swap3A, %swap3A_6], %dot_general3A_5 {strides = array<i32>} : memref<1000x128xf32, #tpu.memory_space<vmem>>, vector<1000x128xf32>,
    %get3A_8 = arith.constant 0 : index
    %get3A_9 = arith.constant 0 : index
    %get3A_10 = vector.load %arg3[%get3A_8, %get3A_9] : memref<4x64xf32, #tpu.memory_space<vmem>>, vector<4x64xf32>
    %slice3A = vector.extract_strided_slice %dot_general3A_5 {offsets = [0, 0], sizes = [1000, 32], strides = [1, 1]} : vector<1000x128xf32> to vector<1000x32xf32>
    %slice3A_11 = vector.extract_strided_slice %get3A_10 {offsets = [0, 0], sizes = [1, 32], strides = [1, 1]} : vector<4x64xf32> to vector<1x32xf32>
    %broadcast_in_dim3A = vector.shape_cast %slice3A_11 : vector<1x32xf32> to vector<1x32xf32>
    %broadcast_in_dim3A_12 = vector.broadcast %broadcast_in_dim3A : vector<1x32xf32> to vector<1000x32xf32>
    %slice3A_13 = vector.extract_strided_slice %get3A_10 {offsets = [0, 32], sizes = [1, 32], strides = [1, 1]} : vector<4x64xf32> to vector<1x32xf32>
    %broadcast_in_dim3A_14 = vector.shape_cast %slice3A_13 : vector<1x32xf32> to vector<1x32xf32>
    %broadcast_in_dim3A_15 = vector.broadcast %broadcast_in_dim3A_14 : vector<1x32xf32> to vector<1000x32xf32>
    %mul3A = arith.mulf %slice3A, %broadcast_in_dim3A_12 : vector<1000x32xf32>
    %reduce_sum3A = arith.constant dense<0.000000e+00> : vector<1000xf32>
    %reduce_sum3A_16 = vector.multi_reduction <add>, %mul3A, %reduce_sum3A [1] : vector<1000x32xf32> to vector<1000xf32>
    %broadcast_in_dim3A_17 = vector.shape_cast %reduce_sum3A_16 : vector<1000xf32> to vector<1000x1xf32>
    %mul3A_18 = arith.mulf %slice3A, %broadcast_in_dim3A_15 : vector<1000x32xf32>
    %reduce_sum3A_19 = arith.constant dense<0.000000e+00> : vector<1000xf32>
    %reduce_sum3A_20 = vector.multi_reduction <add>, %mul3A_18, %reduce_sum3A_19 [1] : vector<1000x32xf32> to vector<1000xf32>
    %broadcast_in_dim3A_21 = vector.shape_cast %reduce_sum3A_20 : vector<1000xf32> to vector<1000x1xf32>
    %slice3A_22 = vector.extract_strided_slice %dot_general3A_5 {offsets = [0, 32], sizes = [1000, 32], strides = [1, 1]} : vector<1000x128xf32> to vector<1000x32xf32>
    %slice3A_23 = vector.extract_strided_slice %get3A_10 {offsets = [1, 0], sizes = [1, 32], strides = [1, 1]} : vector<4x64xf32> to vector<1x32xf32>
    %broadcast_in_dim3A_24 = vector.shape_cast %slice3A_23 : vector<1x32xf32> to vector<1x32xf32>
    %broadcast_in_dim3A_25 = vector.broadcast %broadcast_in_dim3A_24 : vector<1x32xf32> to vector<1000x32xf32>
    %slice3A_26 = vector.extract_strided_slice %get3A_10 {offsets = [1, 32], sizes = [1, 32], strides = [1, 1]} : vector<4x64xf32> to vector<1x32xf32>
    %broadcast_in_dim3A_27 = vector.shape_cast %slice3A_26 : vector<1x32xf32> to vector<1x32xf32>
    %broadcast_in_dim3A_28 = vector.broadcast %broadcast_in_dim3A_27 : vector<1x32xf32> to vector<1000x32xf32>
    %mul3A_29 = arith.mulf %slice3A_22, %broadcast_in_dim3A_25 : vector<1000x32xf32>
    %reduce_sum3A_30 = arith.constant dense<0.000000e+00> : vector<1000xf32>
    %reduce_sum3A_31 = vector.multi_reduction <add>, %mul3A_29, %reduce_sum3A_30 [1] : vector<1000x32xf32> to vector<1000xf32>
    %broadcast_in_dim3A_32 = vector.shape_cast %reduce_sum3A_31 : vector<1000xf32> to vector<1000x1xf32>
    %mul3A_33 = arith.mulf %slice3A_22, %broadcast_in_dim3A_28 : vector<1000x32xf32>
    %reduce_sum3A_34 = arith.constant dense<0.000000e+00> : vector<1000xf32>
    %reduce_sum3A_35 = vector.multi_reduction <add>, %mul3A_33, %reduce_sum3A_34 [1] : vector<1000x32xf32> to vector<1000xf32>
    %broadcast_in_dim3A_36 = vector.shape_cast %reduce_sum3A_35 : vector<1000xf32> to vector<1000x1xf32>
    %slice3A_37 = vector.extract_strided_slice %dot_general3A_5 {offsets = [0, 64], sizes = [1000, 32], strides = [1, 1]} : vector<1000x128xf32> to vector<1000x32xf32>
    %slice3A_38 = vector.extract_strided_slice %get3A_10 {offsets = [2, 0], sizes = [1, 32], strides = [1, 1]} : vector<4x64xf32> to vector<1x32xf32>
    %broadcast_in_dim3A_39 = vector.shape_cast %slice3A_38 : vector<1x32xf32> to vector<1x32xf32>
    %broadcast_in_dim3A_40 = vector.broadcast %broadcast_in_dim3A_39 : vector<1x32xf32> to vector<1000x32xf32>
    %slice3A_41 = vector.extract_strided_slice %get3A_10 {offsets = [2, 32], sizes = [1, 32], strides = [1, 1]} : vector<4x64xf32> to vector<1x32xf32>
    %broadcast_in_dim3A_42 = vector.shape_cast %slice3A_41 : vector<1x32xf32> to vector<1x32xf32>
    %broadcast_in_dim3A_43 = vector.broadcast %broadcast_in_dim3A_42 : vector<1x32xf32> to vector<1000x32xf32>
    %mul3A_44 = arith.mulf %slice3A_37, %broadcast_in_dim3A_40 : vector<1000x32xf32>
    %reduce_sum3A_45 = arith.constant dense<0.000000e+00> : vector<1000xf32>
    %reduce_sum3A_46 = vector.multi_reduction <add>, %mul3A_44, %reduce_sum3A_45 [1] : vector<1000x32xf32> to vector<1000xf32>
    %broadcast_in_dim3A_47 = vector.shape_cast %reduce_sum3A_46 : vector<1000xf32> to vector<1000x1xf32>
    %mul3A_48 = arith.mulf %slice3A_37, %broadcast_in_dim3A_43 : vector<1000x32xf32>
    %reduce_sum3A_49 = arith.constant dense<0.000000e+00> : vector<1000xf32>
    %reduce_sum3A_50 = vector.multi_reduction <add>, %mul3A_48, %reduce_sum3A_49 [1] : vector<1000x32xf32> to vector<1000xf32>
    %broadcast_in_dim3A_51 = vector.shape_cast %reduce_sum3A_50 : vector<1000xf32> to vector<1000x1xf32>
    %slice3A_52 = vector.extract_strided_slice %dot_general3A_5 {offsets = [0, 96], sizes = [1000, 32], strides = [1, 1]} : vector<1000x128xf32> to vector<1000x32xf32>
    %slice3A_53 = vector.extract_strided_slice %get3A_10 {offsets = [3, 0], sizes = [1, 32], strides = [1, 1]} : vector<4x64xf32> to vector<1x32xf32>
    %broadcast_in_dim3A_54 = vector.shape_cast %slice3A_53 : vector<1x32xf32> to vector<1x32xf32>
    %broadcast_in_dim3A_55 = vector.broadcast %broadcast_in_dim3A_54 : vector<1x32xf32> to vector<1000x32xf32>
    %slice3A_56 = vector.extract_strided_slice %get3A_10 {offsets = [3, 32], sizes = [1, 32], strides = [1, 1]} : vector<4x64xf32> to vector<1x32xf32>
    %broadcast_in_dim3A_57 = vector.shape_cast %slice3A_56 : vector<1x32xf32> to vector<1x32xf32>
    %broadcast_in_dim3A_58 = vector.broadcast %broadcast_in_dim3A_57 : vector<1x32xf32> to vector<1000x32xf32>
    %mul3A_59 = arith.mulf %slice3A_52, %broadcast_in_dim3A_55 : vector<1000x32xf32>
    %reduce_sum3A_60 = arith.constant dense<0.000000e+00> : vector<1000xf32>
    %reduce_sum3A_61 = vector.multi_reduction <add>, %mul3A_59, %reduce_sum3A_60 [1] : vector<1000x32xf32> to vector<1000xf32>
    %broadcast_in_dim3A_62 = vector.shape_cast %reduce_sum3A_61 : vector<1000xf32> to vector<1000x1xf32>
    %mul3A_63 = arith.mulf %slice3A_52, %broadcast_in_dim3A_58 : vector<1000x32xf32>
    %reduce_sum3A_64 = arith.constant dense<0.000000e+00> : vector<1000xf32>
    %reduce_sum3A_65 = vector.multi_reduction <add>, %mul3A_63, %reduce_sum3A_64 [1] : vector<1000x32xf32> to vector<1000xf32>
    %broadcast_in_dim3A_66 = vector.shape_cast %reduce_sum3A_65 : vector<1000xf32> to vector<1000x1xf32>
    %concatenate3A = tpu.concatenate %broadcast_in_dim3A_17, %broadcast_in_dim3A_32, %broadcast_in_dim3A_47, %broadcast_in_dim3A_62 in 1 : vector<1000x1xf32>, vector<1000x1xf32>, vector<1000x1xf32>, vector<1000x1xf32> -> vector<1000x4xf32>
    %swap3A_67 = arith.constant 0 : index
    %swap3A_68 = arith.constant 0 : index
    %swap3A_69 = vector.load %arg5[%swap3A_67, %swap3A_68] : memref<1000x4xf32, #tpu.memory_space<vmem>>, vector<1000x4xf32>
    tpu.vector_store %arg5[%swap3A_67, %swap3A_68], %concatenate3A {strides = array<i32>} : memref<1000x4xf32, #tpu.memory_space<vmem>>, vector<1000x4xf32>,
    %concatenate3A_70 = tpu.concatenate %broadcast_in_dim3A_21, %broadcast_in_dim3A_36, %broadcast_in_dim3A_51, %broadcast_in_dim3A_66 in 1 : vector<1000x1xf32>, vector<1000x1xf32>, vector<1000x1xf32>, vector<1000x1xf32> -> vector<1000x4xf32>
    %swap3A_71 = arith.constant 0 : index
    %swap3A_72 = arith.constant 0 : index
    %swap3A_73 = vector.load %arg6[%swap3A_71, %swap3A_72] : memref<1000x4xf32, #tpu.memory_space<vmem>>, vector<1000x4xf32>
    tpu.vector_store %arg6[%swap3A_71, %swap3A_72], %concatenate3A_70 {strides = array<i32>} : memref<1000x4xf32, #tpu.memory_space<vmem>>, vector<1000x4xf32>,
    return
  }
  func.func @transform_0(%arg0: i32) -> (i32, i32) {
    %c0_i32 = arith.constant 0 : i32
    %c0_i32_0 = arith.constant 0 : i32
    return %arg0, %c0_i32 : i32, i32
  }
  func.func @transform_1(%arg0: i32) -> (i32, i32) {
    %c0_i32 = arith.constant 0 : i32
    %c0_i32_0 = arith.constant 0 : i32
    %c0_i32_1 = arith.constant 0 : i32
    return %c0_i32, %c0_i32_0 : i32, i32
  }
  func.func @transform_2(%arg0: i32) -> (i32, i32) {
    %c0_i32 = arith.constant 0 : i32
    %c0_i32_0 = arith.constant 0 : i32
    %c0_i32_1 = arith.constant 0 : i32
    return %c0_i32, %c0_i32_0 : i32, i32
  }
  func.func @transform_3(%arg0: i32) -> (i32, i32) {
    %c0_i32 = arith.constant 0 : i32
    %c0_i32_0 = arith.constant 0 : i32
    return %arg0, %c0_i32 : i32, i32
  }
  func.func @transform_4(%arg0: i32) -> (i32, i32) {
    %c0_i32 = arith.constant 0 : i32
    %c0_i32_0 = arith.constant 0 : i32
    return %arg0, %c0_i32 : i32, i32
  }
  func.func @transform_5(%arg0: i32) -> (i32, i32) {
    %c0_i32 = arith.constant 0 : i32
    %c0_i32_0 = arith.constant 0 : i32
    return %arg0, %c0_i32 : i32, i32
  }
}

module attributes {stable_mosaic.version = 14 : i64} {
  func.func @_final_body(%arg0: i32, %arg1: memref<2x1000x128xf32, #tpu.memory_space<vmem>>, %arg2: memref<1000x4xf32, #tpu.memory_space<vmem>>, %arg3: memref<1000x128xf32, #tpu.memory_space<vmem>>) attributes {dimension_semantics = [#tpu.dimension_semantics<arbitrary>], iteration_bounds = array<i64: 10>, scalar_prefetch = 0 : i64, scratch_operands = 0 : i64, tpu.core_type = #tpu.core_type<tc>, window_params = [{transform_indices = @transform_0, window_bounds = array<i64: 2, 1000, 128>}, {transform_indices = @transform_1, window_bounds = array<i64: 1000, 4>}, {transform_indices = @transform_2, window_bounds = array<i64: 1000, 128>}]} {
    %get3A = arith.constant 0 : index
    %get3A_0 = arith.constant 0 : index
    %get3A_1 = arith.constant 0 : index
    %get3A_2 = vector.load %arg1[%get3A, %get3A_0, %get3A_1] : memref<2x1000x128xf32, #tpu.memory_space<vmem>>, vector<1x1000x128xf32>
    %get3A_3 = vector.shape_cast %get3A_2 : vector<1x1000x128xf32> to vector<1000x128xf32>
    %get3A_4 = arith.constant 1 : index
    %get3A_5 = arith.constant 0 : index
    %get3A_6 = arith.constant 0 : index
    %get3A_7 = vector.load %arg1[%get3A_4, %get3A_5, %get3A_6] : memref<2x1000x128xf32, #tpu.memory_space<vmem>>, vector<1x1000x128xf32>
    %get3A_8 = vector.shape_cast %get3A_7 : vector<1x1000x128xf32> to vector<1000x128xf32>
    %add3A = arith.addf %get3A_3, %get3A_8 : vector<1000x128xf32>
    %get3A_9 = arith.constant 0 : index
    %get3A_10 = arith.constant 0 : index
    %get3A_11 = vector.load %arg2[%get3A_9, %get3A_10] : memref<1000x4xf32, #tpu.memory_space<vmem>>, vector<1000x4xf32>
    %add3A_12 = arith.constant 9.99999971E-10 : f32
    %add3A_13 = vector.broadcast %add3A_12 : f32 to vector<1000x4xf32>
    %add3A_14 = arith.addf %get3A_11, %add3A_13 : vector<1000x4xf32>
    %slice3A = vector.extract_strided_slice %add3A {offsets = [0, 0], sizes = [1000, 32], strides = [1, 1]} : vector<1000x128xf32> to vector<1000x32xf32>
    %slice3A_15 = vector.extract_strided_slice %add3A_14 {offsets = [0, 0], sizes = [1000, 1], strides = [1, 1]} : vector<1000x4xf32> to vector<1000x1xf32>
    %div3A = vector.broadcast %slice3A_15 : vector<1000x1xf32> to vector<1000x32xf32>
    %div3A_16 = arith.divf %slice3A, %div3A : vector<1000x32xf32>
    %slice3A_17 = vector.extract_strided_slice %add3A {offsets = [0, 32], sizes = [1000, 32], strides = [1, 1]} : vector<1000x128xf32> to vector<1000x32xf32>
    %slice3A_18 = vector.extract_strided_slice %add3A_14 {offsets = [0, 1], sizes = [1000, 1], strides = [1, 1]} : vector<1000x4xf32> to vector<1000x1xf32>
    %div3A_19 = vector.broadcast %slice3A_18 : vector<1000x1xf32> to vector<1000x32xf32>
    %div3A_20 = arith.divf %slice3A_17, %div3A_19 : vector<1000x32xf32>
    %slice3A_21 = vector.extract_strided_slice %add3A {offsets = [0, 64], sizes = [1000, 32], strides = [1, 1]} : vector<1000x128xf32> to vector<1000x32xf32>
    %slice3A_22 = vector.extract_strided_slice %add3A_14 {offsets = [0, 2], sizes = [1000, 1], strides = [1, 1]} : vector<1000x4xf32> to vector<1000x1xf32>
    %div3A_23 = vector.broadcast %slice3A_22 : vector<1000x1xf32> to vector<1000x32xf32>
    %div3A_24 = arith.divf %slice3A_21, %div3A_23 : vector<1000x32xf32>
    %slice3A_25 = vector.extract_strided_slice %add3A {offsets = [0, 96], sizes = [1000, 32], strides = [1, 1]} : vector<1000x128xf32> to vector<1000x32xf32>
    %slice3A_26 = vector.extract_strided_slice %add3A_14 {offsets = [0, 3], sizes = [1000, 1], strides = [1, 1]} : vector<1000x4xf32> to vector<1000x1xf32>
    %div3A_27 = vector.broadcast %slice3A_26 : vector<1000x1xf32> to vector<1000x32xf32>
    %div3A_28 = arith.divf %slice3A_25, %div3A_27 : vector<1000x32xf32>
    %concatenate3A = tpu.concatenate %div3A_16, %div3A_20, %div3A_24, %div3A_28 in 1 : vector<1000x32xf32>, vector<1000x32xf32>, vector<1000x32xf32>, vector<1000x32xf32> -> vector<1000x128xf32>
    %swap3A = arith.constant 0 : index
    %swap3A_29 = arith.constant 0 : index
    %swap3A_30 = vector.load %arg3[%swap3A, %swap3A_29] : memref<1000x128xf32, #tpu.memory_space<vmem>>, vector<1000x128xf32>
    tpu.vector_store %arg3[%swap3A, %swap3A_29], %concatenate3A {strides = array<i32>} : memref<1000x128xf32, #tpu.memory_space<vmem>>, vector<1000x128xf32>,
    return
  }
  func.func @transform_0(%arg0: i32) -> (i32, i32, i32) {
    %c0_i32 = arith.constant 0 : i32
    %c0_i32_0 = arith.constant 0 : i32
    %c0_i32_1 = arith.constant 0 : i32
    return %c0_i32, %arg0, %c0_i32_0 : i32, i32, i32
  }
  func.func @transform_1(%arg0: i32) -> (i32, i32) {
    %c0_i32 = arith.constant 0 : i32
    %c0_i32_0 = arith.constant 0 : i32
    return %arg0, %c0_i32 : i32, i32
  }
  func.func @transform_2(%arg0: i32) -> (i32, i32) {
    %c0_i32 = arith.constant 0 : i32
    %c0_i32_0 = arith.constant 0 : i32
    return %arg0, %c0_i32 : i32, i32
  }
}

</mosaic_0001>

<sc_bundles>
// kernel: kernel.6.cloned.1.call-start
scs
__scs_entry_jumppad:
0x0: {  	(pc) =	sbr.rel $0x88, $3  }
0x1: {  	(tag) =	ssettag $0x0;
	lr =	simm.s32 $0x1  }
0x2: {  	[smem:$0x3F9D] =	sst lr;
	_ =	strace $0xD0000000  }
0x3: {  	_ = 	snop  }
0x4: {  	_ = 	snop  }
0x5: {  	_ = 	snop  }
0x6: {  	_ = 	snop  }
0x7: {  	_ = 	snop  }
__scs_overlays_trampoline_lowered:
0x8: {  	[smem:$0x3FAC] =	sst s0  }
0x9: {  	[smem:$0x3FAD] =	sst s1  }
0xa: {  	[smem:$0x3FAE] =	sst s2  }
0xb: {  	[smem:$0x3FAF] =	sst s3  }
0xc: {  	[smem:$0x3FB0] =	sst s4  }
0xd: {  	[smem:$0x3FB1] =	sst s5  }
0xe: {  	[smem:$0x3FB2] =	sst s6  }
0xf: {  	[smem:$0x3FB3] =	sst s7  }
0x10: {  	[smem:$0x3FB4] =	sst s8  }
0x11: {  	[smem:$0x3FB5] =	sst s9;
	s0 =	simm.s32 @!p0 $0x0  }
0x12: {  	s1 =	sld [smem:$0x3F9B];
	s0 =	simm.s32 @p0 $0x1  }
0x13: {  	[smem:$0x3FB6] =	sst s0;
	s0 =	simm.s32 @!p1 $0x0  }
0x14: {  	s2 =	sld [smem:$0x3F9A];
	s0 =	simm.s32 @p1 $0x1  }
0x15: {  	[smem:$0x3FB7] =	sst s0;
	s0 =	simm.s32 @!p2 $0x0  }
0x16: {  	s3 =	sld [smem:$0x3FDB];
	s0 =	simm.s32 @p2 $0x1  }
0x17: {  	s4 =	simm.s32 $0x1BF5;
	[smem:$0x3FB9] =	sst s0  }
0x18: {  	s0 =	sld [smem:$0x3F9C];
	_ =	swait.ge [sflag:s4], $0x0  }
0x19: {  	s7 =	sld [smem:$0x3F9D]  }
0x1a: {  	s8 =	sadd.s32 $0xFFFFE003, lr  }
0x1b: {  	s9 =	sadd.s32 $0xFFFFFEF7, lr;
	s5 =	simm.s32 $0xFFFFFFFF;
	p2 =	slt.u32 s8, $0xFFFFF086  }
0x1c: {  	p1 =	slt.u32 s9, $0xF7A;
	s5 =	simm.s32 @!p2 $0x0  }
0x1d: {  	s5 =	simm.s32 @p1 $0x1;
	p0 =	seq.s32 s7, s2  }
0x1e: {  	s7 =	smul.u32 @!p0 $0xF7A, s2;
	p2 =	seq.s32 @!p0 s5, $0x0  }
0x1f: {  	s9 =	smul.u32 $0xF7A, s1;
	s8 =	simm.s32 @!p0 $0x1BF5;
	p2 =	por !p2, p0  }
0x20: {  	[sflag:s8] =	ssyncset.s32 @!p0 $0xFFFFF086;
	s6 =	sadd.s32 @!p0 s3, s7;
	s7 =	simm.s32 @!p0 $0x108  }
0x21: {  	s3 =	sadd.s32 s3, s9;
	s6 =	sadd.s32 @!p0 $0x88, s6;
	s7 =	simm.s32 @p2 $0x1082  }
0x22: {  	[simem:s7], [sflag:s8] =	dma.local @!p0 [hbm:s6], $0xF7A  }
0x23: {  	s9 =	sor.u32 $0xD0000000, s2;
	s6 =	simm.s32 $0x108;
	_ =	swait.ge @!p0 [sflag:s8], $0x0  }
0x24: {  	s3 =	sadd.s32 $0x88, s3;
	s6 =	simm.s32 @!p1 $0x1082;
	[sflag:s4] =	ssyncset.s32 $0xFFFFF086  }
0x25: {  	[simem:s6], [sflag:s4] =	dma.local [hbm:s3], $0xF7A  }
0x26: {  	[smem:$0x3F9D] =	sst s1;
	(tag) =	ssettag s2;
	_ =	strace s9  }
0x27: {  	s1 =	sld [smem:$0x3FAD]  }
0x28: {  	s2 =	sld [smem:$0x3FAE]  }
0x29: {  	s4 =	sld [smem:$0x3FB0]  }
0x2a: {  	p0 =	seq.s32 s5, $0x0;
	s5 =	sld [smem:$0x3FB1]  }
0x2b: {  	s6 =	sld [smem:$0x3FB2]  }
0x2c: {  	s7 =	sld [smem:$0x3FB3]  }
0x2d: {  	s3 =	simm.s32 $0x108;
	s8 =	sld [smem:$0x3FB4]  }
0x2e: {  	s3 =	simm.s32 @!p0 $0x1082;
	s9 =	sld [smem:$0x3FB5]  }
0x2f: {  	lr =	sadd.s32 s0, s3;
	s0 =	sld [smem:$0x3FAC]  }
0x30: {  	s3 =	sld [smem:$0x3FAF]  }
0x31: {  	[smem:$0x3FB8] =	sst s10  }
0x32: {  	s10 =	sld [smem:$0x3FB6];
	_ =	sdelay $0x3  }
0x33: {  	p0 =	seq.s32 s10, $0x1;
	s10 =	sld [smem:$0x3FB8];
	_ =	sdelay $0x3  }
0x34: {  	[smem:$0x3FB8] =	sst s10  }
0x35: {  	s10 =	sld [smem:$0x3FB7];
	_ =	sdelay $0x3  }
0x36: {  	p1 =	seq.s32 s10, $0x1;
	s10 =	sld [smem:$0x3FB8];
	_ =	sdelay $0x3  }
0x37: {  	[smem:$0x3FB8] =	sst s10  }
0x38: {  	s10 =	sld [smem:$0x3FB9]  }
0x39: {  	_ = 	snop;
	(pc) =	sbr.ind lr, $3  }
0x3a: {  	_ = 	snop  }
0x3b: {  	_ = 	snop  }
0x3c: {  	p2 =	seq.s32 s10, $0x1;
	s10 =	sld [smem:$0x3FB8]  }
0x3d: {  	_ =	shalt  }
0x3e: {  	_ =	shalt  }
0x3f: {  	_ =	shalt  }
0x40: {  	_ =	shalt  }
0x41: {  	_ =	shalt  }
0x42: {  	_ =	shalt  }
0x43: {  	_ =	shalt  }
0x44: {  	_ =	shalt  }
0x45: {  	_ =	shalt  }
0x46: {  	_ =	shalt  }
0x47: {  	_ =	shalt  }
0x48: {  	_ =	shalt  }
0x49: {  	_ =	shalt  }
0x4a: {  	_ =	shalt  }
0x4b: {  	_ =	shalt  }
0x4c: {  	_ =	shalt  }
0x4d: {  	_ =	shalt  }
0x4e: {  	_ =	shalt  }
0x4f: {  	_ =	shalt  }
0x50: {  	_ =	shalt  }
0x51: {  	_ =	shalt  }
0x52: {  	_ =	shalt  }
0x53: {  	_ =	shalt  }
0x54: {  	_ =	shalt  }
0x55: {  	_ =	shalt  }
0x56: {  	_ =	shalt  }
0x57: {  	_ =	shalt  }
0x58: {  	_ =	shalt  }
0x59: {  	_ =	shalt  }
0x5a: {  	_ =	shalt  }
0x5b: {  	_ =	shalt  }
0x5c: {  	_ =	shalt  }
0x5d: {  	_ =	shalt  }
0x5e: {  	_ =	shalt  }
0x5f: {  	_ =	shalt  }
0x60: {  	_ =	shalt  }
0x61: {  	_ =	shalt  }
0x62: {  	_ =	shalt  }
0x63: {  	_ =	shalt  }
0x64: {  	_ =	shalt  }
0x65: {  	_ =	shalt  }
0x66: {  	_ =	shalt  }
0x67: {  	_ =	shalt  }
0x68: {  	_ =	shalt  }
0x69: {  	_ =	shalt  }
0x6a: {  	_ =	shalt  }
0x6b: {  	_ =	shalt  }
0x6c: {  	_ =	shalt  }
0x6d: {  	_ =	shalt  }
0x6e: {  	_ =	shalt  }
0x6f: {  	_ =	shalt  }
0x70: {  	_ =	shalt  }
0x71: {  	_ =	shalt  }
0x72: {  	_ =	shalt  }
0x73: {  	_ =	shalt  }
0x74: {  	_ =	shalt  }
0x75: {  	_ =	shalt  }
0x76: {  	_ =	shalt  }
0x77: {  	_ =	shalt  }
0x78: {  	_ =	shalt  }
0x79: {  	_ =	shalt  }
0x7a: {  	_ =	shalt  }
0x7b: {  	_ =	shalt  }
0x7c: {  	_ =	shalt  }
0x7d: {  	_ =	shalt  }
0x7e: {  	_ =	shalt  }
0x7f: {  	_ =	shalt  }
0x80: {  	_ =	shalt  }
0x81: {  	_ =	shalt  }
0x82: {  	_ =	shalt  }
0x83: {  	_ =	shalt  }
0x84: {  	_ =	shalt  }
0x85: {  	_ =	shalt  }
0x86: {  	_ =	shalt  }
0x87: {  	_ =	shalt  }
.Lfunc_end0:
.L_simem_size_0:
called_computation_lowered:
.L_overlay_start_0:
0x88: {  	s2 =	sld [smem:$0x3FD9]  }
0x89: {  	s3 =	sld [smem:$0x3FFE];
	_ =	sdelay $0x1  }
0x8a: {  	s1 =	srdreg.scid  }
0x8b: {  	s0 =	sand.u32 $0x1, s1  }
0x8c: {  	s16 =	sshll.u32 s0, $0xA;
	s2 =	sadd.s32 s3, s2  }
0x8d: {  	s2 =	sadd.s32 s2, s16  }
0x8e: {  	[smem:$0x3FC4] =	sst s2  }
0x8f: {  	_ = 	snop  }
0x90: {  	(tm) =	ssettm $0x1  }
0x91: {  	s17 =	sld [smem:$0x3FFB];
	_ =	sdelay $0x3  }
0x92: {  	_ =	strace s17  }
0x93: {  	s2 =	sld [smem:$0x3FFC];
	_ =	sdelay $0x3  }
0x94: {  	_ =	strace s2  }
0x95: {  	s2 =	sld [smem:$0x3FFD];
	_ =	sdelay $0x3  }
0x96: {  	_ =	strace s2  }
0x97: {  	_ =	strace $0x8FFFFFFF  }
0x98: {  	s18 =	sld [smem:$0x3FDB];
	_ =	sdelay $0x1  }
0x99: {  	s19 =	simm.s32 $_scs_section_size  }
0x9a: {  	s4 =	simm.s32 $_size__tile_overlayer_lowered;
	s5 =	simm.s32 $_tile_overlayer_lowered  }
0x9b: {  	s22 =	simm.s32 $0x1BFF;
	s21 =	sshll.u32 s5, $0x1;
	s2 =	sadd.s32 s19, s18  }
0x9c: {  	s6 =	simm.s32 $0x0;
	s20 =	sshll.u32 s4, $0x1;
	s4 =	sadd.s32 s21, s2  }
0x9d: {  	[timem:s6], [sflag:s22] =	dma.local [hbm:s4], s20  }
0x9e: {  	_ =	swait.ge [sflag:s22], s20  }
0x9f: {  	s3 =	ssub.s32 $0x0, s20;
	[sflag:s22] =	ssyncset.done $0x0  }
0xa0: {  	[sflag:s22] =	ssyncadd.s32 s3;
	_ =	sdelay $0x1  }
0xa1: {  	s23 =	simm.s32 $0x1B8B  }
0xa2: {  	_ =	swait.ge [sflag:s23], $0x1  }
0xa3: {  	[sflag:s23] =	ssyncset.done $0x0  }
0xa4: {  	s25 =	simm.s32 $0x1B8E;
	s24 =	sld [smem:$0x3FFE];
	[sflag:s23] =	ssyncadd.s32 $0xFFFFFFFF  }
0xa5: {  	s26 =	simm.s32 $execute0_lowered;
	[smem:$0x3FD2] =	sst s25  }
0xa6: {  	s4 =	sshll.u32 s26, $0x1;
	_ =	strace $0x80000046;
	[dreg:$0x1] =	wrdreg $0xFFFFFFFF  }
0xa7: {  	s28 =	simm.s32 $_size_execute0_lowered;
	s2 =	sadd.s32 s2, s4;
	[dreg:$0x0] =	wrdreg $0x0  }
0xa8: {  	s4 =	sshll.u32 s28, $0x1;
	[dreg:$0x2] =	wrdreg s2  }
0xa9: {  	[dreg:$0x3] =	wrdreg s4  }
0xaa: {  	[dreg:$0x4] =	wrdreg $0xC0  }
0xab: {  	_ =	task [dreg:s6], $0x5FFFF  }
0xac: {  	[dreg:$0x1] =	wrdreg $0xFFFFFFFF  }
0xad: {  	[dreg:$0x0] =	wrdreg $0x60  }
0xae: {  	[dreg:$0x2] =	wrdreg s24  }
0xaf: {  	[dreg:$0x3] =	wrdreg $0x9  }
0xb0: {  	_ =	task.clear_ibuf [dreg:s6], $0x4FFFF;
	_ =	strace $0x90000046  }
0xb1: {  	s29 =	simm.s32 $0x9;
	_ =	strace $0x80000048  }
0xb2: {  	_ =	swait.ge [sflag:s29], $0x1  }
0xb3: {  	[sflag:s29] =	ssyncadd.s32 $0xFFFFFFFF  }
0xb4: {  	_ =	strace $0x90000048  }
0xb5: {  	_ =	sfence  }
0xb6: {  	s30 =	sld [smem:$0x0];
	_ =	sdelay $0x2  }
0xb7: {  	s31 =	sshll.u32 s1, $0xD;
	s1 =	sshrl.u32 s1, $0x2  }
0xb8: {  	s3 =	sand.u32 $0x4000, s31;
	s1 =	sadd.s32 s1, s30  }
0xb9: {  	s0 =	sor.u32 s3, s0;
	s1 =	sshll.u32 s1, $0x11  }
0xba: {  	s0 =	sor.u32 s1, s0  }
0xbb: {  	s0 =	sadd.s32 $0x8F2B, s0  }
0xbc: {  	[sflag:s0] =	ssyncadd.remote.s32 $0x1  }
0xbd: {  	_ =	sfence.sel $0xFFFF  }
0xbe: {  	[dreg:$0x0] =	wrdreg $0xFFFFFFFF;
	(pc) =	sbr.abs _section_cstart, $3  }
0xbf: {  	[dreg:$0x1] =	wrdreg $0xFFFFFFFF  }
0xc0: {  	_ =	task.clear_ibuf [dreg:s6], $0x2FFFF;
	_ =	strace $0x9FFFFFFF  }
0xc1: {  	(tm) =	ssettm $0x7FFFFFFF  }
tec
execute0_lowered:
.L_overlay_start_1:
0x0: {  	(tag) =	ssettag $0x1  }
0x1: {  	s5 =	rddreg [dreg:$0x0]  }
0x2: {  	s1 =	srdreg.scid;
	s0 =	rddreg [dreg:$0x1]  }
0x3: {  	s2 =	simm.s32 $0x0;
	s11 =	simm.s32 $0x1;
	s12 =	simm.s32 $0x9D80  }
0x4: {  	s13 =	simm.s32 $0x80;
	s14 =	simm.s32 $0x13B80;
	s15 =	simm.s32 $0x13A00  }
0x5: {  	s16 =	simm.s32 $0x400;
	s6 =	sand.u32 $0x1, s1;
	s1 =	stileid.u32  }
0x6: {  	s17 =	simm.s32 $0x0;
	[smem:$0x7FF] =	sst s2;
	s3 =	smul.u32 $0x27100, s6  }
0x7: {  	v2 =	vlaneseq.u32;
	s4 =	sshll.u32 s6, $0x4;
	s7 =	smul.u32 $0x2710, s1;
	s29 =	sshll.u32 s1, $0x7  }
0x8: {  	v0 =	vshrl.u32 v2, $0x2;
	_ =	strace $0x80000047;
	s6 =	ssub.s32 $0x2, s6;
	s4 =	sor.u32 s1, s4  }
0x9: {  	v1 =	vimm.f32 $0.0e+00;
	v2 =	vand.u32 $0x3, v2;
	v3 =	vor.u32 $0x4, v0;
	s9 =	sand.u32 $0x380, s29;
	s31 =	sshrl.u32 s6, $0x1;
	s4 =	sshrl.u32 s4, $0x3  }
0xa: {  	v4 =	vor.u32 $0x8, v0;
	v5 =	vor.u32 $0xC, v0;
	v6 =	vor.u32 $0x10, v0;
	s7 =	sadd.s32 s7, s3;
	s3 =	sadd.s32 $0x14E00, s5;
	s4 =	smul.u32 $0x50000, s4  }
0xb: {  	v7 =	vor.u32 $0x14, v0;
	v8 =	vor.u32 $0x18, v0;
	v9 =	vor.u32 $0x1C, v0;
	s6 =	ssub.s32 s6, s31;
	s8 =	sshrl.u32 s7, $0x3;
	s7 =	sshrl.u32 s7, $0x1  }
0xc: {  	v10 =	vor.u32 $0x20, v0;
	v11 =	vor.u32 $0x24, v0;
	v12 =	vor.u32 $0x28, v0;
	s6 =	smax.u32 s6, $0x1;
	s10 =	sadd.s32 s8, s5;
	s30 =	sor.u32 s9, s4  }
0xd: {  	v13 =	vor.u32 $0x2C, v0;
	v14 =	vor.u32 $0x30, v0;
	v15 =	vor.u32 $0x34, v0;
	s7 =	sadd.s32 s7, s5;
	s4 =	sadd.s32 $0x16200, s5;
	s8 =	sshrl.u32 s30, $0x3  }
0xe: {  	v16 =	vor.u32 $0x38, v0;
	v17 =	vor.u32 $0x3C, v0;
	v18 =	vor.u32 $0x40, v0;
	s7 =	sadd.s32 $0x17600, s7;
	s9 =	sadd.s32 $0xB000, s10;
	s8 =	sadd.s32 s8, s5  }
0xf: {  	v19 =	vor.u32 $0x44, v0;
	v20 =	vor.u32 $0x48, v0;
	v21 =	vor.u32 $0x4C, v0;
	s5 =	sadd.s32 $0x3E800, s8;
	s8 =	sadd.s32 $0x1200, s10;
	s10 =	simm.s32 $0x100  }
.LBB2_1:
0x10: {  	[tilespmem:s10], [sflag:$0x1] =	stream.linear.gather [hbm4b:s3+s2], $0x9C80, $0x38;
	[tilespmem:$0x1DB80] =	vst v63  }
0x11: {  	_ =	swait.ge [sflag:s11], $0x9C80  }
0x12: {  	[sflag:s11] =	ssyncset.done $0x0  }
0x13: {  	[sflag:s11] =	ssyncadd.s32 $0xFFFF6380  }
0x14: {  	[tilespmem:s12], [sflag:$0x1] =	stream.linear.gather [hbm4b:s4+s2], $0x9C80, $0x38;
	[tilespmem:$0x1DB80] =	vst v63  }
0x15: {  	_ =	swait.ge [sflag:s11], $0x9C80  }
0x16: {  	[sflag:s11] =	ssyncset.done $0x0  }
0x17: {  	s18 =	simm.s32 $0x0;
	[sflag:s11] =	ssyncadd.s32 $0xFFFF6380  }
.LBB2_2:
0x18: {  	p0 =	sne.s32 s18, $0x27FC0  }
.Ltmp0:
0x19: {  	_ = 	snop;
	(pc) =	sbr.rel @p0 .LBB2_2-.Ltmp0, $3  }
0x1a: {  	_ =	sdelay $0x1  }
0x1b: {  	s19 =	sshra.s32 s18, $0x2  }
0x1c: {  	s18 =	sadd.s32 $0x40, s18;
	[tilespmem:s19+$0x13B80] =	vst v1  }
0x1d: {  	s18 =	simm.s32 $0x0;
	s19 =	smov.u32 s7  }
.LBB2_4:
0x1e: {  	s20 =	sadd.s32 s18, s9  }
0x1f: {  	[tilespmem:s2], [sflag:$0x1] =	stream.linear.gather [hbm4b:s20+s2], $0x50, $0x38;
	[tilespmem:$0x1DB80] =	vst v63  }
0x20: {  	_ =	swait.ge [sflag:s11], $0x50  }
0x21: {  	[sflag:s11] =	ssyncset.done $0x0  }
0x22: {  	s31 =	sadd.s32 s18, s8;
	[sflag:s11] =	ssyncadd.s32 $0xFFFFFFB0  }
0x23: {  	[tilespmem:s13], [sflag:$0x1] =	stream.linear.gather [hbm4b:s31+s2], $0x50, $0x38;
	[tilespmem:$0x1DB80] =	vst v63  }
0x24: {  	_ =	swait.ge [sflag:s11], $0x50  }
0x25: {  	[sflag:s11] =	ssyncset.done $0x0  }
0x26: {  	[sflag:s11] =	ssyncadd.s32 $0xFFFFFFB0  }
0x27: {  	v22 =	vld.idx.msk [tilespmem:v0+s2+$0x0], $0xffff  }
0x28: {  	v23 =	vld.idx.msk [tilespmem:v0+s13+$0x0], $0xffff;
	_ =	sdelay $0x3  }
0x29: {  	v22 =	vshll.u32 v22, $0x2  }
0x2a: {  	v23 =	vshll.u32 v23, $0x2;
	v22 =	vor.u32 v2, v22  }
0x2b: {  	v23 =	vor.u32 v2, v23;
	_ =	sdelay $0x3  }
0x2c: {  	v22 =	vld.idx.msk [tilespmem:v22+s10+$0x0], $0xffff  }
0x2d: {  	v24 =	vld.idx.msk [tilespmem:v23+s12+$0x0], $0xffff;
	_ =	sdelay $0x4  }
0x2e: {  	v22 =	vadd.f32 v24, v22;
	_ =	sdelay $0x1  }
0x2f: {  	v24 =	vmul.f32 $2.000000030e-01, v22  }
0x30: {  	vm0 =	vge.f32 v22, $0.0e+00  }
0x31: {  	v22 =	vsel vm0, v22, v24  }
0x32: {  	v22 =	vmul.f32 $1.442695020e+00, v22;
	_ =	sdelay $0x1  }
0x33: {  	(erf) = vpow2.f32 v22;
	_ =	sdelay $0x8  }
0x34: {  	v22 =	vpop (erf)  }
0x35: {  	[tilespmem:$0x13A00] =	vst v22  }
0x36: {  	[tilespmem:v23+s14+$0x0] =	vst.idx.add.f32.msk $0xffff, v22  }
0x37: {  	v22 =	vld.idx.msk [tilespmem:v3+s2+$0x0], $0xffff  }
0x38: {  	v23 =	vld.idx.msk [tilespmem:v3+s13+$0x0], $0xffff;
	_ =	sdelay $0x3  }
0x39: {  	v22 =	vshll.u32 v22, $0x2  }
0x3a: {  	v23 =	vshll.u32 v23, $0x2;
	v22 =	vor.u32 v2, v22  }
0x3b: {  	v23 =	vor.u32 v2, v23;
	_ =	sdelay $0x3  }
0x3c: {  	v22 =	vld.idx.msk [tilespmem:v22+s10+$0x0], $0xffff  }
0x3d: {  	v45 =	vld.idx.msk [tilespmem:v23+s12+$0x0], $0xffff;
	_ =	sdelay $0x4  }
0x3e: {  	v22 =	vadd.f32 v45, v22;
	_ =	sdelay $0x1  }
0x3f: {  	v24 =	vmul.f32 $2.000000030e-01, v22  }
0x40: {  	vm9 =	vge.f32 v22, $0.0e+00  }
0x41: {  	v22 =	vsel vm9, v22, v24  }
0x42: {  	v22 =	vmul.f32 $1.442695020e+00, v22;
	_ =	sdelay $0x1  }
0x43: {  	(erf) = vpow2.f32 v22;
	_ =	sdelay $0x8  }
0x44: {  	v22 =	vpop (erf)  }
0x45: {  	[tilespmem:$0x13A10] =	vst v22  }
0x46: {  	[tilespmem:v23+s14+$0x0] =	vst.idx.add.f32.msk $0xffff, v22  }
0x47: {  	v22 =	vld.idx.msk [tilespmem:v4+s2+$0x0], $0xffff  }
0x48: {  	v23 =	vld.idx.msk [tilespmem:v4+s13+$0x0], $0xffff;
	_ =	sdelay $0x3  }
0x49: {  	v22 =	vshll.u32 v22, $0x2  }
0x4a: {  	v23 =	vshll.u32 v23, $0x2;
	v22 =	vor.u32 v2, v22  }
0x4b: {  	v23 =	vor.u32 v2, v23;
	_ =	sdelay $0x3  }
0x4c: {  	v22 =	vld.idx.msk [tilespmem:v22+s10+$0x0], $0xffff  }
0x4d: {  	v46 =	vld.idx.msk [tilespmem:v23+s12+$0x0], $0xffff;
	_ =	sdelay $0x4  }
0x4e: {  	v22 =	vadd.f32 v46, v22;
	_ =	sdelay $0x1  }
0x4f: {  	v24 =	vmul.f32 $2.000000030e-01, v22  }
0x50: {  	vm10 =	vge.f32 v22, $0.0e+00  }
0x51: {  	v22 =	vsel vm10, v22, v24  }
0x52: {  	v22 =	vmul.f32 $1.442695020e+00, v22;
	_ =	sdelay $0x1  }
0x53: {  	(erf) = vpow2.f32 v22;
	_ =	sdelay $0x8  }
0x54: {  	v22 =	vpop (erf)  }
0x55: {  	[tilespmem:$0x13A20] =	vst v22  }
0x56: {  	[tilespmem:v23+s14+$0x0] =	vst.idx.add.f32.msk $0xffff, v22  }
0x57: {  	v22 =	vld.idx.msk [tilespmem:v5+s2+$0x0], $0xffff  }
0x58: {  	v23 =	vld.idx.msk [tilespmem:v5+s13+$0x0], $0xffff;
	_ =	sdelay $0x3  }
0x59: {  	v22 =	vshll.u32 v22, $0x2  }
0x5a: {  	v23 =	vshll.u32 v23, $0x2;
	v22 =	vor.u32 v2, v22  }
0x5b: {  	v23 =	vor.u32 v2, v23;
	_ =	sdelay $0x3  }
0x5c: {  	v22 =	vld.idx.msk [tilespmem:v22+s10+$0x0], $0xffff  }
0x5d: {  	v47 =	vld.idx.msk [tilespmem:v23+s12+$0x0], $0xffff;
	_ =	sdelay $0x4  }
0x5e: {  	v22 =	vadd.f32 v47, v22;
	_ =	sdelay $0x1  }
0x5f: {  	v24 =	vmul.f32 $2.000000030e-01, v22  }
0x60: {  	vm11 =	vge.f32 v22, $0.0e+00  }
0x61: {  	v22 =	vsel vm11, v22, v24  }
0x62: {  	v22 =	vmul.f32 $1.442695020e+00, v22;
	_ =	sdelay $0x1  }
0x63: {  	(erf) = vpow2.f32 v22;
	_ =	sdelay $0x8  }
0x64: {  	v22 =	vpop (erf)  }
0x65: {  	[tilespmem:$0x13A30] =	vst v22  }
0x66: {  	[tilespmem:v23+s14+$0x0] =	vst.idx.add.f32.msk $0xffff, v22  }
0x67: {  	v22 =	vld.idx.msk [tilespmem:v6+s2+$0x0], $0xffff  }
0x68: {  	v23 =	vld.idx.msk [tilespmem:v6+s13+$0x0], $0xffff;
	_ =	sdelay $0x3  }
0x69: {  	v22 =	vshll.u32 v22, $0x2  }
0x6a: {  	v23 =	vshll.u32 v23, $0x2;
	v22 =	vor.u32 v2, v22  }
0x6b: {  	v23 =	vor.u32 v2, v23;
	_ =	sdelay $0x3  }
0x6c: {  	v22 =	vld.idx.msk [tilespmem:v22+s10+$0x0], $0xffff  }
0x6d: {  	v48 =	vld.idx.msk [tilespmem:v23+s12+$0x0], $0xffff;
	_ =	sdelay $0x4  }
0x6e: {  	v22 =	vadd.f32 v48, v22;
	_ =	sdelay $0x1  }
0x6f: {  	v24 =	vmul.f32 $2.000000030e-01, v22  }
0x70: {  	vm12 =	vge.f32 v22, $0.0e+00  }
0x71: {  	v22 =	vsel vm12, v22, v24  }
0x72: {  	v22 =	vmul.f32 $1.442695020e+00, v22;
	_ =	sdelay $0x1  }
0x73: {  	(erf) = vpow2.f32 v22;
	_ =	sdelay $0x8  }
0x74: {  	v22 =	vpop (erf)  }
0x75: {  	[tilespmem:$0x13A40] =	vst v22  }
0x76: {  	[tilespmem:v23+s14+$0x0] =	vst.idx.add.f32.msk $0xffff, v22  }
0x77: {  	v22 =	vld.idx.msk [tilespmem:v7+s2+$0x0], $0xffff  }
0x78: {  	v23 =	vld.idx.msk [tilespmem:v7+s13+$0x0], $0xffff;
	_ =	sdelay $0x3  }
0x79: {  	v22 =	vshll.u32 v22, $0x2  }
0x7a: {  	v23 =	vshll.u32 v23, $0x2;
	v22 =	vor.u32 v2, v22  }
0x7b: {  	v23 =	vor.u32 v2, v23;
	_ =	sdelay $0x3  }
0x7c: {  	v22 =	vld.idx.msk [tilespmem:v22+s10+$0x0], $0xffff  }
0x7d: {  	v49 =	vld.idx.msk [tilespmem:v23+s12+$0x0], $0xffff;
	_ =	sdelay $0x4  }
0x7e: {  	v22 =	vadd.f32 v49, v22;
	_ =	sdelay $0x1  }
0x7f: {  	v24 =	vmul.f32 $2.000000030e-01, v22  }
0x80: {  	vm13 =	vge.f32 v22, $0.0e+00  }
0x81: {  	v22 =	vsel vm13, v22, v24  }
0x82: {  	v22 =	vmul.f32 $1.442695020e+00, v22;
	_ =	sdelay $0x1  }
0x83: {  	(erf) = vpow2.f32 v22;
	_ =	sdelay $0x8  }
0x84: {  	v22 =	vpop (erf)  }
0x85: {  	[tilespmem:$0x13A50] =	vst v22  }
0x86: {  	[tilespmem:v23+s14+$0x0] =	vst.idx.add.f32.msk $0xffff, v22  }
0x87: {  	v22 =	vld.idx.msk [tilespmem:v8+s2+$0x0], $0xffff  }
0x88: {  	v23 =	vld.idx.msk [tilespmem:v8+s13+$0x0], $0xffff;
	_ =	sdelay $0x3  }
0x89: {  	v22 =	vshll.u32 v22, $0x2  }
0x8a: {  	v23 =	vshll.u32 v23, $0x2;
	v22 =	vor.u32 v2, v22  }
0x8b: {  	v23 =	vor.u32 v2, v23;
	_ =	sdelay $0x3  }
0x8c: {  	v22 =	vld.idx.msk [tilespmem:v22+s10+$0x0], $0xffff  }
0x8d: {  	v50 =	vld.idx.msk [tilespmem:v23+s12+$0x0], $0xffff;
	_ =	sdelay $0x4  }
0x8e: {  	v22 =	vadd.f32 v50, v22;
	_ =	sdelay $0x1  }
0x8f: {  	v24 =	vmul.f32 $2.000000030e-01, v22  }
0x90: {  	vm14 =	vge.f32 v22, $0.0e+00  }
0x91: {  	v22 =	vsel vm14, v22, v24  }
0x92: {  	v22 =	vmul.f32 $1.442695020e+00, v22;
	_ =	sdelay $0x1  }
0x93: {  	(erf) = vpow2.f32 v22;
	_ =	sdelay $0x8  }
0x94: {  	v22 =	vpop (erf)  }
0x95: {  	[tilespmem:$0x13A60] =	vst v22  }
0x96: {  	[tilespmem:v23+s14+$0x0] =	vst.idx.add.f32.msk $0xffff, v22  }
0x97: {  	v22 =	vld.idx.msk [tilespmem:v9+s2+$0x0], $0xffff  }
0x98: {  	v23 =	vld.idx.msk [tilespmem:v9+s13+$0x0], $0xffff;
	_ =	sdelay $0x3  }
0x99: {  	v22 =	vshll.u32 v22, $0x2  }
0x9a: {  	v23 =	vshll.u32 v23, $0x2;
	v22 =	vor.u32 v2, v22  }
0x9b: {  	v23 =	vor.u32 v2, v23;
	_ =	sdelay $0x3  }
0x9c: {  	v22 =	vld.idx.msk [tilespmem:v22+s10+$0x0], $0xffff  }
0x9d: {  	v51 =	vld.idx.msk [tilespmem:v23+s12+$0x0], $0xffff;
	_ =	sdelay $0x4  }
0x9e: {  	v22 =	vadd.f32 v51, v22;
	_ =	sdelay $0x1  }
0x9f: {  	v24 =	vmul.f32 $2.000000030e-01, v22  }
0xa0: {  	vm15 =	vge.f32 v22, $0.0e+00  }
0xa1: {  	v22 =	vsel vm15, v22, v24  }
0xa2: {  	v22 =	vmul.f32 $1.442695020e+00, v22;
	_ =	sdelay $0x1  }
0xa3: {  	(erf) = vpow2.f32 v22;
	_ =	sdelay $0x8  }
0xa4: {  	v22 =	vpop (erf)  }
0xa5: {  	[tilespmem:$0x13A70] =	vst v22  }
0xa6: {  	[tilespmem:v23+s14+$0x0] =	vst.idx.add.f32.msk $0xffff, v22  }
0xa7: {  	v22 =	vld.idx.msk [tilespmem:v10+s2+$0x0], $0xffff  }
0xa8: {  	v23 =	vld.idx.msk [tilespmem:v10+s13+$0x0], $0xffff;
	_ =	sdelay $0x3  }
0xa9: {  	v22 =	vshll.u32 v22, $0x2  }
0xaa: {  	v23 =	vshll.u32 v23, $0x2;
	v22 =	vor.u32 v2, v22  }
0xab: {  	v23 =	vor.u32 v2, v23;
	_ =	sdelay $0x3  }
0xac: {  	v22 =	vld.idx.msk [tilespmem:v22+s10+$0x0], $0xffff  }
0xad: {  	v52 =	vld.idx.msk [tilespmem:v23+s12+$0x0], $0xffff;
	_ =	sdelay $0x4  }
0xae: {  	v22 =	vadd.f32 v52, v22;
	_ =	sdelay $0x1  }
0xaf: {  	v24 =	vmul.f32 $2.000000030e-01, v22  }
0xb0: {  	vm4 =	vge.f32 v22, $0.0e+00  }
0xb1: {  	v22 =	vsel vm4, v22, v24  }
0xb2: {  	v22 =	vmul.f32 $1.442695020e+00, v22;
	_ =	sdelay $0x1  }
0xb3: {  	(erf) = vpow2.f32 v22;
	_ =	sdelay $0x8  }
0xb4: {  	v22 =	vpop (erf)  }
0xb5: {  	[tilespmem:$0x13A80] =	vst v22  }
0xb6: {  	[tilespmem:v23+s14+$0x0] =	vst.idx.add.f32.msk $0xffff, v22  }
0xb7: {  	v22 =	vld.idx.msk [tilespmem:v11+s2+$0x0], $0xffff  }
0xb8: {  	v23 =	vld.idx.msk [tilespmem:v11+s13+$0x0], $0xffff;
	_ =	sdelay $0x3  }
0xb9: {  	v22 =	vshll.u32 v22, $0x2  }
0xba: {  	v23 =	vshll.u32 v23, $0x2;
	v22 =	vor.u32 v2, v22  }
0xbb: {  	v23 =	vor.u32 v2, v23;
	_ =	sdelay $0x3  }
0xbc: {  	v22 =	vld.idx.msk [tilespmem:v22+s10+$0x0], $0xffff  }
0xbd: {  	v53 =	vld.idx.msk [tilespmem:v23+s12+$0x0], $0xffff;
	_ =	sdelay $0x4  }
0xbe: {  	v22 =	vadd.f32 v53, v22;
	_ =	sdelay $0x1  }
0xbf: {  	v24 =	vmul.f32 $2.000000030e-01, v22  }
0xc0: {  	vm5 =	vge.f32 v22, $0.0e+00  }
0xc1: {  	v22 =	vsel vm5, v22, v24  }
0xc2: {  	v22 =	vmul.f32 $1.442695020e+00, v22;
	_ =	sdelay $0x1  }
0xc3: {  	(erf) = vpow2.f32 v22;
	_ =	sdelay $0x8  }
0xc4: {  	v22 =	vpop (erf)  }
0xc5: {  	[tilespmem:$0x13A90] =	vst v22  }
0xc6: {  	[tilespmem:v23+s14+$0x0] =	vst.idx.add.f32.msk $0xffff, v22  }
0xc7: {  	v22 =	vld.idx.msk [tilespmem:v12+s2+$0x0], $0xffff  }
0xc8: {  	v23 =	vld.idx.msk [tilespmem:v12+s13+$0x0], $0xffff;
	_ =	sdelay $0x3  }
0xc9: {  	v22 =	vshll.u32 v22, $0x2  }
0xca: {  	v23 =	vshll.u32 v23, $0x2;
	v22 =	vor.u32 v2, v22  }
0xcb: {  	v23 =	vor.u32 v2, v23;
	_ =	sdelay $0x3  }
0xcc: {  	v22 =	vld.idx.msk [tilespmem:v22+s10+$0x0], $0xffff  }
0xcd: {  	v54 =	vld.idx.msk [tilespmem:v23+s12+$0x0], $0xffff;
	_ =	sdelay $0x4  }
0xce: {  	v22 =	vadd.f32 v54, v22;
	_ =	sdelay $0x1  }
0xcf: {  	v24 =	vmul.f32 $2.000000030e-01, v22  }
0xd0: {  	vm6 =	vge.f32 v22, $0.0e+00  }
0xd1: {  	v22 =	vsel vm6, v22, v24  }
0xd2: {  	v22 =	vmul.f32 $1.442695020e+00, v22;
	_ =	sdelay $0x1  }
0xd3: {  	(erf) = vpow2.f32 v22;
	_ =	sdelay $0x8  }
0xd4: {  	v22 =	vpop (erf)  }
0xd5: {  	[tilespmem:$0x13AA0] =	vst v22  }
0xd6: {  	[tilespmem:v23+s14+$0x0] =	vst.idx.add.f32.msk $0xffff, v22  }
0xd7: {  	v22 =	vld.idx.msk [tilespmem:v13+s2+$0x0], $0xffff  }
0xd8: {  	v23 =	vld.idx.msk [tilespmem:v13+s13+$0x0], $0xffff;
	_ =	sdelay $0x3  }
0xd9: {  	v22 =	vshll.u32 v22, $0x2  }
0xda: {  	v23 =	vshll.u32 v23, $0x2;
	v22 =	vor.u32 v2, v22  }
0xdb: {  	v23 =	vor.u32 v2, v23;
	_ =	sdelay $0x3  }
0xdc: {  	v22 =	vld.idx.msk [tilespmem:v22+s10+$0x0], $0xffff  }
0xdd: {  	v55 =	vld.idx.msk [tilespmem:v23+s12+$0x0], $0xffff;
	_ =	sdelay $0x4  }
0xde: {  	v22 =	vadd.f32 v55, v22;
	_ =	sdelay $0x1  }
0xdf: {  	v24 =	vmul.f32 $2.000000030e-01, v22  }
0xe0: {  	vm7 =	vge.f32 v22, $0.0e+00  }
0xe1: {  	v22 =	vsel vm7, v22, v24  }
0xe2: {  	v22 =	vmul.f32 $1.442695020e+00, v22;
	_ =	sdelay $0x1  }
0xe3: {  	(erf) = vpow2.f32 v22;
	_ =	sdelay $0x8  }
0xe4: {  	v22 =	vpop (erf)  }
0xe5: {  	[tilespmem:$0x13AB0] =	vst v22  }
0xe6: {  	[tilespmem:v23+s14+$0x0] =	vst.idx.add.f32.msk $0xffff, v22  }
0xe7: {  	v22 =	vld.idx.msk [tilespmem:v14+s2+$0x0], $0xffff  }
0xe8: {  	v23 =	vld.idx.msk [tilespmem:v14+s13+$0x0], $0xffff;
	_ =	sdelay $0x3  }
0xe9: {  	v22 =	vshll.u32 v22, $0x2  }
0xea: {  	v23 =	vshll.u32 v23, $0x2;
	v22 =	vor.u32 v2, v22  }
0xeb: {  	v23 =	vor.u32 v2, v23;
	_ =	sdelay $0x3  }
0xec: {  	v22 =	vld.idx.msk [tilespmem:v22+s10+$0x0], $0xffff  }
0xed: {  	v56 =	vld.idx.msk [tilespmem:v23+s12+$0x0], $0xffff;
	_ =	sdelay $0x4  }
0xee: {  	v22 =	vadd.f32 v56, v22;
	_ =	sdelay $0x1  }
0xef: {  	v24 =	vmul.f32 $2.000000030e-01, v22  }
0xf0: {  	vm8 =	vge.f32 v22, $0.0e+00  }
0xf1: {  	v22 =	vsel vm8, v22, v24  }
0xf2: {  	v22 =	vmul.f32 $1.442695020e+00, v22;
	_ =	sdelay $0x1  }
0xf3: {  	(erf) = vpow2.f32 v22;
	_ =	sdelay $0x8  }
0xf4: {  	v22 =	vpop (erf)  }
0xf5: {  	[tilespmem:$0x13AC0] =	vst v22  }
0xf6: {  	[tilespmem:v23+s14+$0x0] =	vst.idx.add.f32.msk $0xffff, v22  }
0xf7: {  	v22 =	vld.idx.msk [tilespmem:v15+s2+$0x0], $0xffff  }
0xf8: {  	v23 =	vld.idx.msk [tilespmem:v15+s13+$0x0], $0xffff;
	_ =	sdelay $0x3  }
0xf9: {  	v22 =	vshll.u32 v22, $0x2  }
0xfa: {  	v23 =	vshll.u32 v23, $0x2;
	v22 =	vor.u32 v2, v22  }
0xfb: {  	v23 =	vor.u32 v2, v23;
	_ =	sdelay $0x3  }
0xfc: {  	v22 =	vld.idx.msk [tilespmem:v22+s10+$0x0], $0xffff  }
0xfd: {  	v57 =	vld.idx.msk [tilespmem:v23+s12+$0x0], $0xffff;
	_ =	sdelay $0x4  }
0xfe: {  	v22 =	vadd.f32 v57, v22;
	_ =	sdelay $0x1  }
0xff: {  	v24 =	vmul.f32 $2.000000030e-01, v22  }
0x100: {  	vm9 =	vge.f32 v22, $0.0e+00  }
0x101: {  	v22 =	vsel vm9, v22, v24  }
0x102: {  	v22 =	vmul.f32 $1.442695020e+00, v22;
	_ =	sdelay $0x1  }
0x103: {  	(erf) = vpow2.f32 v22;
	_ =	sdelay $0x8  }
0x104: {  	v22 =	vpop (erf)  }
0x105: {  	[tilespmem:$0x13AD0] =	vst v22  }
0x106: {  	[tilespmem:v23+s14+$0x0] =	vst.idx.add.f32.msk $0xffff, v22  }
0x107: {  	v22 =	vld.idx.msk [tilespmem:v16+s2+$0x0], $0xffff  }
0x108: {  	v23 =	vld.idx.msk [tilespmem:v16+s13+$0x0], $0xffff;
	_ =	sdelay $0x3  }
0x109: {  	v22 =	vshll.u32 v22, $0x2  }
0x10a: {  	v23 =	vshll.u32 v23, $0x2;
	v22 =	vor.u32 v2, v22  }
0x10b: {  	v23 =	vor.u32 v2, v23;
	_ =	sdelay $0x3  }
0x10c: {  	v22 =	vld.idx.msk [tilespmem:v22+s10+$0x0], $0xffff  }
0x10d: {  	v58 =	vld.idx.msk [tilespmem:v23+s12+$0x0], $0xffff;
	_ =	sdelay $0x4  }
0x10e: {  	v22 =	vadd.f32 v58, v22;
	_ =	sdelay $0x1  }
0x10f: {  	v24 =	vmul.f32 $2.000000030e-01, v22  }
0x110: {  	vm10 =	vge.f32 v22, $0.0e+00  }
0x111: {  	v22 =	vsel vm10, v22, v24  }
0x112: {  	v22 =	vmul.f32 $1.442695020e+00, v22;
	_ =	sdelay $0x1  }
0x113: {  	(erf) = vpow2.f32 v22;
	_ =	sdelay $0x8  }
0x114: {  	v22 =	vpop (erf)  }
0x115: {  	[tilespmem:$0x13AE0] =	vst v22  }
0x116: {  	[tilespmem:v23+s14+$0x0] =	vst.idx.add.f32.msk $0xffff, v22  }
0x117: {  	v22 =	vld.idx.msk [tilespmem:v17+s2+$0x0], $0xffff  }
0x118: {  	v23 =	vld.idx.msk [tilespmem:v17+s13+$0x0], $0xffff;
	_ =	sdelay $0x3  }
0x119: {  	v22 =	vshll.u32 v22, $0x2  }
0x11a: {  	v23 =	vshll.u32 v23, $0x2;
	v22 =	vor.u32 v2, v22  }
0x11b: {  	v23 =	vor.u32 v2, v23;
	_ =	sdelay $0x3  }
0x11c: {  	v22 =	vld.idx.msk [tilespmem:v22+s10+$0x0], $0xffff  }
0x11d: {  	v59 =	vld.idx.msk [tilespmem:v23+s12+$0x0], $0xffff;
	_ =	sdelay $0x4  }
0x11e: {  	v22 =	vadd.f32 v59, v22;
	_ =	sdelay $0x1  }
0x11f: {  	v24 =	vmul.f32 $2.000000030e-01, v22  }
0x120: {  	vm11 =	vge.f32 v22, $0.0e+00  }
0x121: {  	v22 =	vsel vm11, v22, v24  }
0x122: {  	v22 =	vmul.f32 $1.442695020e+00, v22;
	_ =	sdelay $0x1  }
0x123: {  	(erf) = vpow2.f32 v22;
	_ =	sdelay $0x8  }
0x124: {  	v22 =	vpop (erf)  }
0x125: {  	[tilespmem:$0x13AF0] =	vst v22  }
0x126: {  	[tilespmem:v23+s14+$0x0] =	vst.idx.add.f32.msk $0xffff, v22  }
0x127: {  	v22 =	vld.idx.msk [tilespmem:v18+s2+$0x0], $0xffff  }
0x128: {  	v23 =	vld.idx.msk [tilespmem:v18+s13+$0x0], $0xffff;
	_ =	sdelay $0x3  }
0x129: {  	v22 =	vshll.u32 v22, $0x2  }
0x12a: {  	v23 =	vshll.u32 v23, $0x2;
	v22 =	vor.u32 v2, v22  }
0x12b: {  	v23 =	vor.u32 v2, v23;
	_ =	sdelay $0x3  }
0x12c: {  	v22 =	vld.idx.msk [tilespmem:v22+s10+$0x0], $0xffff  }
0x12d: {  	v60 =	vld.idx.msk [tilespmem:v23+s12+$0x0], $0xffff;
	_ =	sdelay $0x4  }
0x12e: {  	v22 =	vadd.f32 v60, v22;
	_ =	sdelay $0x1  }
0x12f: {  	v24 =	vmul.f32 $2.000000030e-01, v22  }
0x130: {  	vm12 =	vge.f32 v22, $0.0e+00  }
0x131: {  	v22 =	vsel vm12, v22, v24  }
0x132: {  	v22 =	vmul.f32 $1.442695020e+00, v22;
	_ =	sdelay $0x1  }
0x133: {  	(erf) = vpow2.f32 v22;
	_ =	sdelay $0x8  }
0x134: {  	v22 =	vpop (erf)  }
0x135: {  	[tilespmem:$0x13B00] =	vst v22  }
0x136: {  	[tilespmem:v23+s14+$0x0] =	vst.idx.add.f32.msk $0xffff, v22  }
0x137: {  	v22 =	vld.idx.msk [tilespmem:v19+s2+$0x0], $0xffff  }
0x138: {  	v23 =	vld.idx.msk [tilespmem:v19+s13+$0x0], $0xffff;
	_ =	sdelay $0x3  }
0x139: {  	v22 =	vshll.u32 v22, $0x2  }
0x13a: {  	v23 =	vshll.u32 v23, $0x2;
	v22 =	vor.u32 v2, v22  }
0x13b: {  	v23 =	vor.u32 v2, v23;
	_ =	sdelay $0x3  }
0x13c: {  	v22 =	vld.idx.msk [tilespmem:v22+s10+$0x0], $0xffff  }
0x13d: {  	v61 =	vld.idx.msk [tilespmem:v23+s12+$0x0], $0xffff;
	_ =	sdelay $0x4  }
0x13e: {  	v22 =	vadd.f32 v61, v22;
	_ =	sdelay $0x1  }
0x13f: {  	v24 =	vmul.f32 $2.000000030e-01, v22  }
0x140: {  	vm13 =	vge.f32 v22, $0.0e+00  }
0x141: {  	v22 =	vsel vm13, v22, v24  }
0x142: {  	v22 =	vmul.f32 $1.442695020e+00, v22;
	_ =	sdelay $0x1  }
0x143: {  	(erf) = vpow2.f32 v22;
	_ =	sdelay $0x8  }
0x144: {  	v22 =	vpop (erf)  }
0x145: {  	[tilespmem:$0x13B10] =	vst v22  }
0x146: {  	[tilespmem:v23+s14+$0x0] =	vst.idx.add.f32.msk $0xffff, v22  }
0x147: {  	v22 =	vld.idx.msk [tilespmem:v20+s2+$0x0], $0xffff  }
0x148: {  	v23 =	vld.idx.msk [tilespmem:v20+s13+$0x0], $0xffff;
	_ =	sdelay $0x3  }
0x149: {  	v22 =	vshll.u32 v22, $0x2  }
0x14a: {  	v23 =	vshll.u32 v23, $0x2;
	v22 =	vor.u32 v2, v22  }
0x14b: {  	v23 =	vor.u32 v2, v23;
	_ =	sdelay $0x3  }
0x14c: {  	v22 =	vld.idx.msk [tilespmem:v22+s10+$0x0], $0xffff  }
0x14d: {  	v62 =	vld.idx.msk [tilespmem:v23+s12+$0x0], $0xffff;
	_ =	sdelay $0x4  }
0x14e: {  	v22 =	vadd.f32 v62, v22;
	_ =	sdelay $0x1  }
0x14f: {  	v24 =	vmul.f32 $2.000000030e-01, v22  }
0x150: {  	vm14 =	vge.f32 v22, $0.0e+00  }
0x151: {  	v22 =	vsel vm14, v22, v24  }
0x152: {  	v22 =	vmul.f32 $1.442695020e+00, v22;
	_ =	sdelay $0x1  }
0x153: {  	(erf) = vpow2.f32 v22;
	_ =	sdelay $0x8  }
0x154: {  	v22 =	vpop (erf)  }
0x155: {  	[tilespmem:$0x13B20] =	vst v22  }
0x156: {  	[tilespmem:v23+s14+$0x0] =	vst.idx.add.f32.msk $0xffff, v22  }
0x157: {  	v22 =	vld.idx.msk [tilespmem:v21+s2+$0x0], $0xffff  }
0x158: {  	v23 =	vld.idx.msk [tilespmem:v21+s13+$0x0], $0xffff;
	_ =	sdelay $0x3  }
0x159: {  	v22 =	vshll.u32 v22, $0x2  }
0x15a: {  	v23 =	vshll.u32 v23, $0x2;
	v22 =	vor.u32 v2, v22  }
0x15b: {  	v23 =	vor.u32 v2, v23;
	_ =	sdelay $0x3  }
0x15c: {  	v22 =	vld.idx.msk [tilespmem:v22+s10+$0x0], $0xffff  }
0x15d: {  	v63 =	vld.idx.msk [tilespmem:v23+s12+$0x0], $0xffff;
	_ =	sdelay $0x4  }
0x15e: {  	v22 =	vadd.f32 v63, v22;
	_ =	sdelay $0x1  }
0x15f: {  	v24 =	vmul.f32 $2.000000030e-01, v22  }
0x160: {  	vm15 =	vge.f32 v22, $0.0e+00  }
0x161: {  	v22 =	vsel vm15, v22, v24  }
0x162: {  	v22 =	vmul.f32 $1.442695020e+00, v22;
	_ =	sdelay $0x1  }
0x163: {  	(erf) = vpow2.f32 v22;
	_ =	sdelay $0x8  }
0x164: {  	v22 =	vpop (erf)  }
0x165: {  	p0 =	sne.s32 s18, $0x4D8;
	[tilespmem:$0x13B30] =	vst v22  }
.Ltmp1:
0x166: {  	[tilespmem:v23+s14+$0x0] =	vst.idx.add.f32.msk $0xffff, v22;
	(pc) =	sbr.rel @p0 .LBB2_4-.Ltmp1, $4  }
0x167: {  	[hbm4b:s19+s2] =	stream.linear.scatter [tilespmem:s15], [sflag:$0x1], $0x140, $0x38;
	[tilespmem:$0x1DB80] =	vst v63  }
0x168: {  	_ =	swait.ge [sflag:s11], $0x140  }
0x169: {  	[sflag:s11] =	ssyncset.done $0x0  }
0x16a: {  	s18 =	sadd.s32 $0xA, s18;
	s19 =	sadd.s32 $0x28, s19;
	[sflag:s11] =	ssyncadd.s32 $0xFFFFFEC0  }
0x16b: {  	s17 =	sadd.s32 $0x1, s17  }
0x16c: {  	p0 =	sne.s32 s17, s6  }
.Ltmp2:
0x16d: {  	_ = 	snop;
	(pc) =	sbr.rel @p0 .LBB2_1-.Ltmp2, $4  }
0x16e: {  	[hbm4b:s5+s13] =	stream.strided.scatter [tilespmem:s14], [sflag:$0x1], $0xA000, s16, s13, $0x38;
	[tilespmem:$0x1DB80] =	vst v63  }
0x16f: {  	_ =	swait.ge [sflag:s11], $0xA000  }
0x170: {  	[sflag:s11] =	ssyncset.done $0x0  }
0x171: {  	[sflag:s11] =	ssyncadd.s32 $0xFFFF6000  }
0x172: {  	_ =	sfence.sel $0x180000  }
0x173: {  	[bflag:$0x0] =	sbarrier.arrive $0xFFFF  }
0x174: {  	p0 =	sne.s32 s1, $0x0;
	_ =	strace $0x90000047  }
0x175: {  	s0 =	sadd.s32 @!p0 $0x100000, s0;
	[bflag:$0x2] =	sbarrier.arrive $0xFFFF  }
0x176: {  	[sflag:s0] =	ssyncadd.tile.s32 @!p0 $0x1;
	_ =	shalt  }
.Lfunc_end2:
_tile_overlayer_lowered:
.L_overlay_start_2:
0x177: {  	(tag) =	ssettag $0x2  }
0x178: {  	s0 =	rddreg [dreg:$0x0];
	s2 =	stileid.u32  }
0x179: {  	s1 =	rddreg [dreg:$0x1];
	p0 =	sne.s32 s2, $0x0  }
0x17a: {  	s3 =	rddreg [dreg:$0x2];
	[bflag:$0x3] =	sbarrier.arrive $0xFFFF;
	s2 =	simm.s32 @!p0 $0x1C01  }
0x17b: {  	[timem:s3], [sflag:s2] =	dma.local @!p0 [hbm:s0], s1  }
0x17c: {  	s0 =	simm.s32 @!p0 $0x1  }
0x17d: {  	_ =	swait.ge @!p0 [sflag:s0], s1  }
0x17e: {  	s1 =	ssub.s32 @!p0 $0x0, s1;
	[sflag:s0] =	ssyncset.done @!p0 $0x0  }
0x17f: {  	[sflag:s0] =	ssyncadd.s32 @!p0 s1  }
0x180: {  	[bflag:$0x3] =	sbarrier.arrive $0xFFFF  }
0x181: {  	_ =	shalt  }

// kernel: kernel.9.cloned.1.call-start
scs
__scs_entry_jumppad:
0x0: {  	(pc) =	sbr.rel $0x88, $3  }
0x1: {  	(tag) =	ssettag $0x0;
	lr =	simm.s32 $0x1  }
0x2: {  	[smem:$0x3F9D] =	sst lr;
	_ =	strace $0xD0000000  }
0x3: {  	_ = 	snop  }
0x4: {  	_ = 	snop  }
0x5: {  	_ = 	snop  }
0x6: {  	_ = 	snop  }
0x7: {  	_ = 	snop  }
__scs_overlays_trampoline_lowered:
0x8: {  	[smem:$0x3FAC] =	sst s0  }
0x9: {  	[smem:$0x3FAD] =	sst s1  }
0xa: {  	[smem:$0x3FAE] =	sst s2  }
0xb: {  	[smem:$0x3FAF] =	sst s3  }
0xc: {  	[smem:$0x3FB0] =	sst s4  }
0xd: {  	[smem:$0x3FB1] =	sst s5  }
0xe: {  	[smem:$0x3FB2] =	sst s6  }
0xf: {  	[smem:$0x3FB3] =	sst s7  }
0x10: {  	[smem:$0x3FB4] =	sst s8  }
0x11: {  	[smem:$0x3FB5] =	sst s9;
	s0 =	simm.s32 @!p0 $0x0  }
0x12: {  	s1 =	sld [smem:$0x3F9B];
	s0 =	simm.s32 @p0 $0x1  }
0x13: {  	[smem:$0x3FB6] =	sst s0;
	s0 =	simm.s32 @!p1 $0x0  }
0x14: {  	s2 =	sld [smem:$0x3F9A];
	s0 =	simm.s32 @p1 $0x1  }
0x15: {  	[smem:$0x3FB7] =	sst s0;
	s0 =	simm.s32 @!p2 $0x0  }
0x16: {  	s3 =	sld [smem:$0x3FDB];
	s0 =	simm.s32 @p2 $0x1  }
0x17: {  	s4 =	simm.s32 $0x1BF5;
	[smem:$0x3FB9] =	sst s0  }
0x18: {  	s0 =	sld [smem:$0x3F9C];
	_ =	swait.ge [sflag:s4], $0x0  }
0x19: {  	s7 =	sld [smem:$0x3F9D]  }
0x1a: {  	s8 =	sadd.s32 $0xFFFFE003, lr  }
0x1b: {  	s9 =	sadd.s32 $0xFFFFFEF7, lr;
	s5 =	simm.s32 $0xFFFFFFFF;
	p2 =	slt.u32 s8, $0xFFFFF086  }
0x1c: {  	p1 =	slt.u32 s9, $0xF7A;
	s5 =	simm.s32 @!p2 $0x0  }
0x1d: {  	s5 =	simm.s32 @p1 $0x1;
	p0 =	seq.s32 s7, s2  }
0x1e: {  	s7 =	smul.u32 @!p0 $0xF7A, s2;
	p2 =	seq.s32 @!p0 s5, $0x0  }
0x1f: {  	s9 =	smul.u32 $0xF7A, s1;
	s8 =	simm.s32 @!p0 $0x1BF5;
	p2 =	por !p2, p0  }
0x20: {  	[sflag:s8] =	ssyncset.s32 @!p0 $0xFFFFF086;
	s6 =	sadd.s32 @!p0 s3, s7;
	s7 =	simm.s32 @!p0 $0x108  }
0x21: {  	s3 =	sadd.s32 s3, s9;
	s6 =	sadd.s32 @!p0 $0x88, s6;
	s7 =	simm.s32 @p2 $0x1082  }
0x22: {  	[simem:s7], [sflag:s8] =	dma.local @!p0 [hbm:s6], $0xF7A  }
0x23: {  	s9 =	sor.u32 $0xD0000000, s2;
	s6 =	simm.s32 $0x108;
	_ =	swait.ge @!p0 [sflag:s8], $0x0  }
0x24: {  	s3 =	sadd.s32 $0x88, s3;
	s6 =	simm.s32 @!p1 $0x1082;
	[sflag:s4] =	ssyncset.s32 $0xFFFFF086  }
0x25: {  	[simem:s6], [sflag:s4] =	dma.local [hbm:s3], $0xF7A  }
0x26: {  	[smem:$0x3F9D] =	sst s1;
	(tag) =	ssettag s2;
	_ =	strace s9  }
0x27: {  	s1 =	sld [smem:$0x3FAD]  }
0x28: {  	s2 =	sld [smem:$0x3FAE]  }
0x29: {  	s4 =	sld [smem:$0x3FB0]  }
0x2a: {  	p0 =	seq.s32 s5, $0x0;
	s5 =	sld [smem:$0x3FB1]  }
0x2b: {  	s6 =	sld [smem:$0x3FB2]  }
0x2c: {  	s7 =	sld [smem:$0x3FB3]  }
0x2d: {  	s3 =	simm.s32 $0x108;
	s8 =	sld [smem:$0x3FB4]  }
0x2e: {  	s3 =	simm.s32 @!p0 $0x1082;
	s9 =	sld [smem:$0x3FB5]  }
0x2f: {  	lr =	sadd.s32 s0, s3;
	s0 =	sld [smem:$0x3FAC]  }
0x30: {  	s3 =	sld [smem:$0x3FAF]  }
0x31: {  	[smem:$0x3FB8] =	sst s10  }
0x32: {  	s10 =	sld [smem:$0x3FB6];
	_ =	sdelay $0x3  }
0x33: {  	p0 =	seq.s32 s10, $0x1;
	s10 =	sld [smem:$0x3FB8];
	_ =	sdelay $0x3  }
0x34: {  	[smem:$0x3FB8] =	sst s10  }
0x35: {  	s10 =	sld [smem:$0x3FB7];
	_ =	sdelay $0x3  }
0x36: {  	p1 =	seq.s32 s10, $0x1;
	s10 =	sld [smem:$0x3FB8];
	_ =	sdelay $0x3  }
0x37: {  	[smem:$0x3FB8] =	sst s10  }
0x38: {  	s10 =	sld [smem:$0x3FB9]  }
0x39: {  	_ = 	snop;
	(pc) =	sbr.ind lr, $3  }
0x3a: {  	_ = 	snop  }
0x3b: {  	_ = 	snop  }
0x3c: {  	p2 =	seq.s32 s10, $0x1;
	s10 =	sld [smem:$0x3FB8]  }
0x3d: {  	_ =	shalt  }
0x3e: {  	_ =	shalt  }
0x3f: {  	_ =	shalt  }
0x40: {  	_ =	shalt  }
0x41: {  	_ =	shalt  }
0x42: {  	_ =	shalt  }
0x43: {  	_ =	shalt  }
0x44: {  	_ =	shalt  }
0x45: {  	_ =	shalt  }
0x46: {  	_ =	shalt  }
0x47: {  	_ =	shalt  }
0x48: {  	_ =	shalt  }
0x49: {  	_ =	shalt  }
0x4a: {  	_ =	shalt  }
0x4b: {  	_ =	shalt  }
0x4c: {  	_ =	shalt  }
0x4d: {  	_ =	shalt  }
0x4e: {  	_ =	shalt  }
0x4f: {  	_ =	shalt  }
0x50: {  	_ =	shalt  }
0x51: {  	_ =	shalt  }
0x52: {  	_ =	shalt  }
0x53: {  	_ =	shalt  }
0x54: {  	_ =	shalt  }
0x55: {  	_ =	shalt  }
0x56: {  	_ =	shalt  }
0x57: {  	_ =	shalt  }
0x58: {  	_ =	shalt  }
0x59: {  	_ =	shalt  }
0x5a: {  	_ =	shalt  }
0x5b: {  	_ =	shalt  }
0x5c: {  	_ =	shalt  }
0x5d: {  	_ =	shalt  }
0x5e: {  	_ =	shalt  }
0x5f: {  	_ =	shalt  }
0x60: {  	_ =	shalt  }
0x61: {  	_ =	shalt  }
0x62: {  	_ =	shalt  }
0x63: {  	_ =	shalt  }
0x64: {  	_ =	shalt  }
0x65: {  	_ =	shalt  }
0x66: {  	_ =	shalt  }
0x67: {  	_ =	shalt  }
0x68: {  	_ =	shalt  }
0x69: {  	_ =	shalt  }
0x6a: {  	_ =	shalt  }
0x6b: {  	_ =	shalt  }
0x6c: {  	_ =	shalt  }
0x6d: {  	_ =	shalt  }
0x6e: {  	_ =	shalt  }
0x6f: {  	_ =	shalt  }
0x70: {  	_ =	shalt  }
0x71: {  	_ =	shalt  }
0x72: {  	_ =	shalt  }
0x73: {  	_ =	shalt  }
0x74: {  	_ =	shalt  }
0x75: {  	_ =	shalt  }
0x76: {  	_ =	shalt  }
0x77: {  	_ =	shalt  }
0x78: {  	_ =	shalt  }
0x79: {  	_ =	shalt  }
0x7a: {  	_ =	shalt  }
0x7b: {  	_ =	shalt  }
0x7c: {  	_ =	shalt  }
0x7d: {  	_ =	shalt  }
0x7e: {  	_ =	shalt  }
0x7f: {  	_ =	shalt  }
0x80: {  	_ =	shalt  }
0x81: {  	_ =	shalt  }
0x82: {  	_ =	shalt  }
0x83: {  	_ =	shalt  }
0x84: {  	_ =	shalt  }
0x85: {  	_ =	shalt  }
0x86: {  	_ =	shalt  }
0x87: {  	_ =	shalt  }
.Lfunc_end0:
.L_simem_size_0:
called_computation.1_lowered:
.L_overlay_start_0:
0x88: {  	s2 =	sld [smem:$0x3FD9]  }
0x89: {  	s3 =	sld [smem:$0x3FFE];
	_ =	sdelay $0x1  }
0x8a: {  	s1 =	srdreg.scid  }
0x8b: {  	s0 =	sand.u32 $0x1, s1  }
0x8c: {  	s17 =	sshll.u32 s0, $0xA;
	s2 =	sadd.s32 s3, s2  }
0x8d: {  	s2 =	sadd.s32 s2, s17  }
0x8e: {  	[smem:$0x3FC4] =	sst s2  }
0x8f: {  	_ = 	snop  }
0x90: {  	s2 =	sld [smem:$0x3FD0];
	(tm) =	ssettm $0x1  }
0x91: {  	s18 =	sld [smem:$0x3FFB];
	_ =	sdelay $0x3  }
0x92: {  	_ =	strace s18  }
0x93: {  	s3 =	sld [smem:$0x3FFC];
	_ =	sdelay $0x3  }
0x94: {  	_ =	strace s3  }
0x95: {  	s3 =	sld [smem:$0x3FFD];
	_ =	sdelay $0x3  }
0x96: {  	_ =	strace s3  }
0x97: {  	_ =	strace $0x8FFFFFFF  }
0x98: {  	s19 =	sld [smem:$0x3FDB];
	_ =	sdelay $0x1  }
0x99: {  	s4 =	simm.s32 $_scs_section_size  }
0x9a: {  	s5 =	simm.s32 $_size__tile_overlayer_lowered;
	s6 =	simm.s32 $_tile_overlayer_lowered  }
0x9b: {  	s22 =	simm.s32 $0x1BFF;
	s21 =	sshll.u32 s6, $0x1;
	s3 =	sadd.s32 s4, s19  }
0x9c: {  	s7 =	simm.s32 $0x0;
	s20 =	sshll.u32 s5, $0x1;
	s5 =	sadd.s32 s21, s3  }
0x9d: {  	[timem:s7], [sflag:s22] =	dma.local [hbm:s5], s20  }
0x9e: {  	_ =	swait.ge [sflag:s22], s20  }
0x9f: {  	s4 =	ssub.s32 $0x0, s20;
	[sflag:s22] =	ssyncset.done $0x0  }
0xa0: {  	[sflag:s22] =	ssyncadd.s32 s4;
	_ =	sdelay $0x1  }
0xa1: {  	s23 =	simm.s32 $0x1B8B  }
0xa2: {  	_ =	swait.ge [sflag:s23], $0x1  }
0xa3: {  	[sflag:s23] =	ssyncset.done $0x0  }
0xa4: {  	s25 =	simm.s32 $0x1B8E;
	s24 =	sld [smem:$0x3FFE];
	[sflag:s23] =	ssyncadd.s32 $0xFFFFFFFF  }
0xa5: {  	s26 =	simm.s32 $execute0_lowered;
	[smem:$0x3FD2] =	sst s25  }
0xa6: {  	s5 =	sshll.u32 s26, $0x1;
	_ =	strace $0x80000049;
	[dreg:$0x1] =	wrdreg $0xFFFFFFFF  }
0xa7: {  	s28 =	simm.s32 $_size_execute0_lowered;
	s3 =	sadd.s32 s3, s5;
	[dreg:$0x0] =	wrdreg $0x0  }
0xa8: {  	s5 =	sshll.u32 s28, $0x1;
	[dreg:$0x2] =	wrdreg s3  }
0xa9: {  	[dreg:$0x3] =	wrdreg s5  }
0xaa: {  	[dreg:$0x4] =	wrdreg $0xC0  }
0xab: {  	_ =	task [dreg:s7], $0x5FFFF  }
0xac: {  	[dreg:$0x1] =	wrdreg $0xFFFFFFFF  }
0xad: {  	[dreg:$0x0] =	wrdreg $0x60  }
0xae: {  	[dreg:$0x2] =	wrdreg s24  }
0xaf: {  	[dreg:$0x3] =	wrdreg s2  }
0xb0: {  	[dreg:$0x4] =	wrdreg $0x7A000  }
0xb1: {  	[dreg:$0x5] =	wrdreg $0x9  }
0xb2: {  	_ =	task.clear_ibuf [dreg:s7], $0x6FFFF;
	_ =	strace $0x90000049  }
0xb3: {  	s29 =	simm.s32 $0x9;
	_ =	strace $0x8000004B  }
0xb4: {  	_ =	swait.ge [sflag:s29], $0x1  }
0xb5: {  	[sflag:s29] =	ssyncadd.s32 $0xFFFFFFFF  }
0xb6: {  	_ =	strace $0x9000004B  }
0xb7: {  	_ =	sfence  }
0xb8: {  	s30 =	sld [smem:$0x0];
	_ =	sdelay $0x2  }
0xb9: {  	s31 =	sshll.u32 s1, $0xD;
	s1 =	sshrl.u32 s1, $0x2  }
0xba: {  	s3 =	sand.u32 $0x4000, s31;
	s1 =	sadd.s32 s1, s30  }
0xbb: {  	s0 =	sor.u32 s3, s0;
	s1 =	sshll.u32 s1, $0x11  }
0xbc: {  	s0 =	sor.u32 s1, s0  }
0xbd: {  	s0 =	sadd.s32 $0x8F2B, s0  }
0xbe: {  	[sflag:s0] =	ssyncadd.remote.s32 $0x1  }
0xbf: {  	_ =	sfence.sel $0xFFFF  }
0xc0: {  	[dreg:$0x0] =	wrdreg $0xFFFFFFFF;
	(pc) =	sbr.abs _section_cstart, $3  }
0xc1: {  	[dreg:$0x1] =	wrdreg $0xFFFFFFFF  }
0xc2: {  	_ =	task.clear_ibuf [dreg:s7], $0x2FFFF;
	_ =	strace $0x9FFFFFFF  }
0xc3: {  	(tm) =	ssettm $0x7FFFFFFF  }
tec
execute0_lowered:
.L_overlay_start_1:
0x0: {  	(tag) =	ssettag $0x1  }
0x1: {  	s0 =	rddreg [dreg:$0x0]  }
0x2: {  	s1 =	rddreg [dreg:$0x1]  }
0x3: {  	s2 =	rddreg [dreg:$0x2];
	s3 =	srdreg.scid  }
0x4: {  	s4 =	simm.s32 $0x0;
	s11 =	stileid.u32;
	s29 =	simm.s32 $0x100  }
0x5: {  	s30 =	simm.s32 $0x7;
	s3 =	sand.u32 $0x1, s3;
	s7 =	smul.u32 $0x14000, s11  }
0x6: {  	s31 =	simm.s32 $0x800;
	s6 =	smul.u32 $0x140000, s3;
	s5 =	sshll.u32 s3, $0x4  }
0x7: {  	[smem:$0x7FF] =	sst s4;
	s8 =	sor.u32 s11, s5;
	s11 =	smul.u32 $0x50000, s11  }
0x8: {  	s12 =	sadd.s32 $0x3E800, s0;
	_ =	strace $0x8000004A;
	s28 =	smul.u32 $0x500, s8  }
0x9: {  	s3 =	ssub.s32 $0x2, s3;
	s5 =	sadd.s32 $0xB000, s0;
	s7 =	sadd.s32 s7, s6  }
0xa: {  	s9 =	smul.u32 $0xA0, s8;
	s20 =	sshrl.u32 s11, $0x2;
	s15 =	sadd.s32 s12, s28  }
0xb: {  	s6 =	sadd.s32 $0x1200, s0;
	s24 =	sadd.s32 s20, s2;
	[dreg:$0xa] =	wrdreg s15  }
0xc: {  	s22 =	smul.u32 $0x2800, s8;
	s23 =	sadd.s32 $0x2800, s24;
	[dreg:$0x4] =	wrdreg s24  }
0xd: {  	s10 =	sshrl.u32 s7, $0x3;
	s25 =	sadd.s32 $0x5000, s24;
	[dreg:$0x5] =	wrdreg s23  }
0xe: {  	s7 =	sadd.s32 $0x17600, s0;
	s26 =	sadd.s32 $0x7800, s24;
	[dreg:$0x6] =	wrdreg s25  }
0xf: {  	s10 =	sadd.s32 s10, s0;
	s13 =	sadd.s32 $0xA000, s24;
	[dreg:$0x7] =	wrdreg s26  }
0x10: {  	s0 =	sadd.s32 s9, s0;
	s14 =	sadd.s32 $0xC800, s24;
	[dreg:$0x8] =	wrdreg s13  }
0x11: {  	s9 =	sshrl.u32 s22, $0x3;
	s0 =	sadd.s32 $0x14E00, s0;
	[dreg:$0x9] =	wrdreg s14  }
0x12: {  	s9 =	sadd.s32 s12, s9;
	s28 =	sadd.s32 $0x11800, s24;
	[dreg:$0xf] =	wrdreg s0  }
0x13: {  	s21 =	sshrl.u32 s3, $0x1;
	s16 =	sadd.s32 $0x100, s9;
	[dreg:$0x16] =	wrdreg s28  }
0x14: {  	s3 =	ssub.s32 s3, s21;
	s17 =	sadd.s32 $0x200, s9;
	[dreg:$0xb] =	wrdreg s16  }
0x15: {  	s11 =	simm.s32 $0x2900;
	s18 =	sadd.s32 $0x300, s9;
	[dreg:$0xc] =	wrdreg s17  }
0x16: {  	s12 =	simm.s32 $0x2A80;
	s9 =	sadd.s32 $0x400, s9;
	[dreg:$0xd] =	wrdreg s18  }
0x17: {  	s15 =	simm.s32 $0x2B80;
	s23 =	sadd.s32 $0x66800, s10;
	[dreg:$0xe] =	wrdreg s9  }
0x18: {  	s13 =	smul.u32 $0x2710, s8;
	s25 =	smax.u32 s3, $0x1;
	[dreg:$0x13] =	wrdreg s23  }
0x19: {  	s26 =	sadd.s32 $0xF000, s24;
	s3 =	simm.s32 $0x5500;
	[dreg:$0x14] =	wrdreg s25  }
0x1a: {  	s10 =	simm.s32 $0x50;
	s14 =	simm.s32 $0x2B00;
	[dreg:$0x15] =	wrdreg s26  }
0x1b: {  	v0 =	vimm.f32 $0.0e+00;
	v1 =	vimm.s32 $0x0;
	s9 =	simm.s32 $0x80;
	s16 =	simm.s32 $0x5380;
	s19 =	sadd.s32 $0x26C0, s13  }
0x1c: {  	v2 =	vimm.s32 $0x1;
	v3 =	vimm.s32 $0x2;
	v4 =	vimm.s32 $0x3;
	s17 =	simm.s32 $0x1;
	s18 =	simm.s32 $0x2;
	s20 =	sshrl.u32 s19, $0x3  }
0x1d: {  	v5 =	vimm.s32 $0x4;
	v6 =	vimm.s32 $0x5;
	v7 =	vimm.s32 $0x6;
	s22 =	sshrl.u32 s19, $0x1;
	s19 =	simm.s32 $0x3;
	s21 =	sadd.s32 s5, s20  }
0x1e: {  	v8 =	vimm.s32 $0x7;
	v9 =	vimm.s32 $0x8;
	v10 =	vimm.s32 $0x9;
	s0 =	sadd.s32 s6, s20;
	s20 =	simm.s32 $0x4;
	[dreg:$0x10] =	wrdreg s21  }
0x1f: {  	v11 =	vimm.s32 $0xA;
	v12 =	vimm.s32 $0xB;
	v13 =	vimm.s32 $0xC;
	[dreg:$0x11] =	wrdreg s0;
	s0 =	sadd.s32 s7, s22;
	s21 =	simm.s32 $0x5  }
0x20: {  	v14 =	vimm.s32 $0xD;
	v15 =	vimm.s32 $0xE;
	v16 =	vimm.s32 $0xF;
	s22 =	simm.s32 $0x6;
	[dreg:$0x12] =	wrdreg s0;
	s0 =	simm.s32 $0x50000  }
.LBB2_1:
0x21: {  	s8 =	simm.s32 $0x0;
	s23 =	simm.s32 $0x200  }
.LBB2_2:
0x22: {  	p0 =	sne.s32 s23, $0x9E00;
	[tilespmem:s8+$0x170] =	vst v0  }
0x23: {  	[tilespmem:s8+$0x100] =	vst v0  }
0x24: {  	[tilespmem:s8+$0x110] =	vst v0  }
.Ltmp0:
0x25: {  	[tilespmem:s8+$0x120] =	vst v0;
	(pc) =	sbr.rel @p0 .LBB2_2-.Ltmp0, $4  }
0x26: {  	[tilespmem:s8+$0x130] =	vst v0  }
0x27: {  	[tilespmem:s8+$0x140] =	vst v0  }
0x28: {  	[tilespmem:s8+$0x150] =	vst v0  }
0x29: {  	[tilespmem:s8+$0x160] =	vst v0;
	s8 =	sshra.s32 s23, $0x2;
	s23 =	sadd.s32 $0x200, s23  }
0x2a: {  	[tilespmem:s8+$0x170] =	vst v0  }
0x2b: {  	[tilespmem:s8+$0x100] =	vst v0  }
0x2c: {  	[tilespmem:s8+$0x110] =	vst v0  }
0x2d: {  	[tilespmem:s8+$0x120] =	vst v0  }
0x2e: {  	[tilespmem:s8+$0x130] =	vst v0  }
0x2f: {  	[tilespmem:s8+$0x140] =	vst v0  }
0x30: {  	[tilespmem:s8+$0x150] =	vst v0  }
0x31: {  	[tilespmem:s8+$0x160] =	vst v0  }
0x32: {  	[spmem:s24] =	stream.linear.scatter [tilespmem:s29], [sflag:$0x7], $0x2800, $0x38;
	[tilespmem:$0x1BA00] =	vst v63  }
0x33: {  	_ =	swait.ge [sflag:s30], $0x2800  }
0x34: {  	[sflag:s30] =	ssyncset.done $0x0  }
0x35: {  	s28 =	rddreg [dreg:$0x5];
	[sflag:s30] =	ssyncadd.s32 $0xFFFFD800  }
0x36: {  	[spmem:s28] =	stream.linear.scatter [tilespmem:s29], [sflag:$0x7], $0x2800, $0x38;
	[tilespmem:$0x1BA00] =	vst v63  }
0x37: {  	_ =	swait.ge [sflag:s30], $0x2800  }
0x38: {  	[sflag:s30] =	ssyncset.done $0x0  }
0x39: {  	s23 =	rddreg [dreg:$0x6];
	[sflag:s30] =	ssyncadd.s32 $0xFFFFD800  }
0x3a: {  	[spmem:s23] =	stream.linear.scatter [tilespmem:s29], [sflag:$0x7], $0x2800, $0x38;
	[tilespmem:$0x1BA00] =	vst v63  }
0x3b: {  	_ =	swait.ge [sflag:s30], $0x2800  }
0x3c: {  	[sflag:s30] =	ssyncset.done $0x0  }
0x3d: {  	s24 =	rddreg [dreg:$0x7];
	[sflag:s30] =	ssyncadd.s32 $0xFFFFD800  }
0x3e: {  	[spmem:s24] =	stream.linear.scatter [tilespmem:s29], [sflag:$0x7], $0x2800, $0x38;
	[tilespmem:$0x1BA00] =	vst v63  }
0x3f: {  	_ =	swait.ge [sflag:s30], $0x2800  }
0x40: {  	[sflag:s30] =	ssyncset.done $0x0  }
0x41: {  	s25 =	rddreg [dreg:$0x8];
	[sflag:s30] =	ssyncadd.s32 $0xFFFFD800  }
0x42: {  	[spmem:s25] =	stream.linear.scatter [tilespmem:s29], [sflag:$0x7], $0x2800, $0x38;
	[tilespmem:$0x1BA00] =	vst v63  }
0x43: {  	_ =	swait.ge [sflag:s30], $0x2800  }
0x44: {  	[sflag:s30] =	ssyncset.done $0x0  }
0x45: {  	s26 =	rddreg [dreg:$0x9];
	[sflag:s30] =	ssyncadd.s32 $0xFFFFD800  }
0x46: {  	[spmem:s26] =	stream.linear.scatter [tilespmem:s29], [sflag:$0x7], $0x2800, $0x38;
	[tilespmem:$0x1BA00] =	vst v63  }
0x47: {  	_ =	swait.ge [sflag:s30], $0x2800  }
0x48: {  	[sflag:s30] =	ssyncset.done $0x0  }
0x49: {  	s28 =	rddreg [dreg:$0x15];
	[sflag:s30] =	ssyncadd.s32 $0xFFFFD800  }
0x4a: {  	[spmem:s28] =	stream.linear.scatter [tilespmem:s29], [sflag:$0x7], $0x2800, $0x38;
	[tilespmem:$0x1BA00] =	vst v63  }
0x4b: {  	_ =	swait.ge [sflag:s30], $0x2800  }
0x4c: {  	[sflag:s30] =	ssyncset.done $0x0  }
0x4d: {  	s23 =	rddreg [dreg:$0x16];
	[sflag:s30] =	ssyncadd.s32 $0xFFFFD800  }
0x4e: {  	[spmem:s23] =	stream.linear.scatter [tilespmem:s29], [sflag:$0x7], $0x2800, $0x38;
	[tilespmem:$0x1BA00] =	vst v63  }
0x4f: {  	_ =	swait.ge [sflag:s30], $0x2800  }
0x50: {  	[sflag:s30] =	ssyncset.done $0x0  }
0x51: {  	s24 =	rddreg [dreg:$0xa];
	[sflag:s30] =	ssyncadd.s32 $0xFFFFD800  }
0x52: {  	[tilespmem:s3], [sflag:$0x7] =	stream.strided.gather [hbm4b:s24+s31], $0x2000, s0, s31, $0x38;
	[tilespmem:$0x1BA00] =	vst v63  }
0x53: {  	s25 =	simm.s32 $0x0;
	_ =	swait.ge [sflag:s30], $0x2000  }
0x54: {  	s8 =	sand.u32 $0x400, s25;
	s23 =	sand.u32 $0x70, s25;
	[sflag:s30] =	ssyncset.done $0x0  }
0x55: {  	s8 =	sor.u32 s23, s8;
	[sflag:s30] =	ssyncadd.s32 $0xFFFFE000  }
0x56: {  	v17 =	vld [tilespmem:s8+$0x5580]  }
0x57: {  	v18 =	vld [tilespmem:s8+$0x5500];
	_ =	sdelay $0x1  }
0x58: {  	v19 =	vld [tilespmem:s8+$0x5600];
	_ =	sdelay $0x1  }
0x59: {  	v20 =	vld [tilespmem:s8+$0x5680]  }
0x5a: {  	v17 =	vadd.f32 v17, v18  }
0x5b: {  	v18 =	vld [tilespmem:s8+$0x5700]  }
0x5c: {  	v17 =	vadd.f32 v19, v17  }
0x5d: {  	v19 =	vld [tilespmem:s8+$0x5780]  }
0x5e: {  	v17 =	vadd.f32 v20, v17  }
0x5f: {  	v55 =	vld [tilespmem:s8+$0x5800]  }
0x60: {  	v17 =	vadd.f32 v18, v17  }
0x61: {  	v18 =	vld [tilespmem:s8+$0x5880]  }
0x62: {  	v17 =	vadd.f32 v19, v17  }
0x63: {  	v19 =	vld [tilespmem:s8+$0x5D00]  }
0x64: {  	v17 =	vadd.f32 v55, v17  }
0x65: {  	v56 =	vld [tilespmem:s8+$0x5D80]  }
0x66: {  	v17 =	vadd.f32 v18, v17  }
0x67: {  	v18 =	vld [tilespmem:s8+$0x5E00]  }
0x68: {  	v17 =	vadd.f32 v19, v17  }
0x69: {  	v19 =	vld [tilespmem:s8+$0x5E80]  }
0x6a: {  	v17 =	vadd.f32 v56, v17  }
0x6b: {  	v57 =	vld [tilespmem:s8+$0x5F00]  }
0x6c: {  	v17 =	vadd.f32 v18, v17  }
0x6d: {  	v18 =	vld [tilespmem:s8+$0x5F80]  }
0x6e: {  	v17 =	vadd.f32 v19, v17  }
0x6f: {  	v19 =	vld [tilespmem:s8+$0x6000]  }
0x70: {  	v17 =	vadd.f32 v57, v17  }
0x71: {  	v58 =	vld [tilespmem:s8+$0x6080]  }
0x72: {  	v17 =	vadd.f32 v18, v17  }
0x73: {  	v18 =	vld [tilespmem:s8+$0x6500]  }
0x74: {  	v17 =	vadd.f32 v19, v17  }
0x75: {  	v19 =	vld [tilespmem:s8+$0x6580]  }
0x76: {  	v17 =	vadd.f32 v58, v17  }
0x77: {  	v59 =	vld [tilespmem:s8+$0x6600]  }
0x78: {  	v17 =	vadd.f32 v18, v17  }
0x79: {  	v18 =	vld [tilespmem:s8+$0x6680]  }
0x7a: {  	v17 =	vadd.f32 v19, v17  }
0x7b: {  	v19 =	vld [tilespmem:s8+$0x6700]  }
0x7c: {  	v17 =	vadd.f32 v59, v17  }
0x7d: {  	v60 =	vld [tilespmem:s8+$0x6780]  }
0x7e: {  	v17 =	vadd.f32 v18, v17  }
0x7f: {  	v18 =	vld [tilespmem:s8+$0x6800]  }
0x80: {  	v17 =	vadd.f32 v19, v17  }
0x81: {  	v19 =	vld [tilespmem:s8+$0x6880]  }
0x82: {  	v17 =	vadd.f32 v60, v17  }
0x83: {  	v61 =	vld [tilespmem:s8+$0x6D00]  }
0x84: {  	v17 =	vadd.f32 v18, v17  }
0x85: {  	v18 =	vld [tilespmem:s8+$0x6D80]  }
0x86: {  	v17 =	vadd.f32 v19, v17  }
0x87: {  	v19 =	vld [tilespmem:s8+$0x6E00]  }
0x88: {  	v17 =	vadd.f32 v61, v17  }
0x89: {  	v62 =	vld [tilespmem:s8+$0x6E80]  }
0x8a: {  	v17 =	vadd.f32 v18, v17  }
0x8b: {  	v18 =	vld [tilespmem:s8+$0x6F00]  }
0x8c: {  	v17 =	vadd.f32 v19, v17  }
0x8d: {  	v19 =	vld [tilespmem:s8+$0x6F80]  }
0x8e: {  	v17 =	vadd.f32 v62, v17  }
0x8f: {  	v63 =	vld [tilespmem:s8+$0x7000]  }
0x90: {  	v17 =	vadd.f32 v18, v17  }
0x91: {  	v18 =	vld [tilespmem:s8+$0x7080]  }
0x92: {  	v17 =	vadd.f32 v19, v17;
	_ =	sdelay $0x1  }
0x93: {  	v17 =	vadd.f32 v63, v17;
	_ =	sdelay $0x1  }
0x94: {  	s26 =	simm.s32 $0x10;
	s25 =	simm.s32 $0x80;
	v17 =	vadd.f32 v18, v17  }
0x95: {  	s23 =	simm.s32 $0x7500;
	s28 =	sand.u32 $0x400, s25;
	s8 =	sand.u32 $0x70, s26  }
0x96: {  	s26 =	simm.s32 $0x20;
	s24 =	sor.u32 s8, s28;
	[tilespmem:s23+$0x0] =	vst v17  }
.LBB2_4:
0x97: {  	p0 =	sne.s32 s26, $0xF0;
	v17 =	vld [tilespmem:s24+$0x5580]  }
0x98: {  	v18 =	vld [tilespmem:s24+$0x5500];
	_ =	sdelay $0x1  }
0x99: {  	v19 =	vld [tilespmem:s24+$0x5600];
	_ =	sdelay $0x1  }
0x9a: {  	v20 =	vld [tilespmem:s24+$0x5680]  }
0x9b: {  	v17 =	vadd.f32 v17, v18  }
0x9c: {  	v18 =	vld [tilespmem:s24+$0x5700]  }
0x9d: {  	v17 =	vadd.f32 v19, v17  }
0x9e: {  	v19 =	vld [tilespmem:s24+$0x5780]  }
0x9f: {  	v17 =	vadd.f32 v20, v17  }
0xa0: {  	v20 =	vld [tilespmem:s24+$0x5800]  }
0xa1: {  	v17 =	vadd.f32 v18, v17  }
0xa2: {  	v18 =	vld [tilespmem:s24+$0x5880]  }
0xa3: {  	v17 =	vadd.f32 v19, v17  }
0xa4: {  	v19 =	vld [tilespmem:s24+$0x5D00]  }
0xa5: {  	v17 =	vadd.f32 v20, v17  }
0xa6: {  	v20 =	vld [tilespmem:s24+$0x5D80]  }
0xa7: {  	v17 =	vadd.f32 v18, v17  }
0xa8: {  	v18 =	vld [tilespmem:s24+$0x5E00]  }
0xa9: {  	v17 =	vadd.f32 v19, v17  }
0xaa: {  	v19 =	vld [tilespmem:s24+$0x5E80]  }
0xab: {  	v17 =	vadd.f32 v20, v17  }
0xac: {  	v20 =	vld [tilespmem:s24+$0x5F00]  }
0xad: {  	v17 =	vadd.f32 v18, v17  }
0xae: {  	v18 =	vld [tilespmem:s24+$0x5F80]  }
0xaf: {  	v17 =	vadd.f32 v19, v17  }
0xb0: {  	v19 =	vld [tilespmem:s24+$0x6000]  }
0xb1: {  	v17 =	vadd.f32 v20, v17  }
0xb2: {  	v20 =	vld [tilespmem:s24+$0x6080]  }
0xb3: {  	v17 =	vadd.f32 v18, v17  }
0xb4: {  	v18 =	vld [tilespmem:s24+$0x6500]  }
0xb5: {  	v17 =	vadd.f32 v19, v17  }
0xb6: {  	v19 =	vld [tilespmem:s24+$0x6580]  }
0xb7: {  	v17 =	vadd.f32 v20, v17  }
0xb8: {  	v20 =	vld [tilespmem:s24+$0x6600]  }
0xb9: {  	v17 =	vadd.f32 v18, v17  }
0xba: {  	v18 =	vld [tilespmem:s24+$0x6680]  }
0xbb: {  	v17 =	vadd.f32 v19, v17  }
0xbc: {  	v19 =	vld [tilespmem:s24+$0x6700]  }
0xbd: {  	v17 =	vadd.f32 v20, v17  }
0xbe: {  	v20 =	vld [tilespmem:s24+$0x6780]  }
0xbf: {  	v17 =	vadd.f32 v18, v17  }
0xc0: {  	v18 =	vld [tilespmem:s24+$0x6800]  }
0xc1: {  	v17 =	vadd.f32 v19, v17  }
0xc2: {  	v19 =	vld [tilespmem:s24+$0x6880]  }
0xc3: {  	v17 =	vadd.f32 v20, v17  }
0xc4: {  	v20 =	vld [tilespmem:s24+$0x6D00]  }
0xc5: {  	v17 =	vadd.f32 v18, v17  }
0xc6: {  	v18 =	vld [tilespmem:s24+$0x6D80]  }
0xc7: {  	v17 =	vadd.f32 v19, v17  }
0xc8: {  	v19 =	vld [tilespmem:s24+$0x6E00]  }
0xc9: {  	v17 =	vadd.f32 v20, v17  }
0xca: {  	v20 =	vld [tilespmem:s24+$0x6E80]  }
0xcb: {  	v17 =	vadd.f32 v18, v17  }
0xcc: {  	v18 =	vld [tilespmem:s24+$0x6F00]  }
0xcd: {  	v17 =	vadd.f32 v19, v17  }
0xce: {  	v19 =	vld [tilespmem:s24+$0x6F80]  }
0xcf: {  	v17 =	vadd.f32 v20, v17  }
0xd0: {  	v20 =	vld [tilespmem:s24+$0x7000]  }
0xd1: {  	v17 =	vadd.f32 v18, v17  }
0xd2: {  	v18 =	vld [tilespmem:s24+$0x7080]  }
0xd3: {  	v17 =	vadd.f32 v19, v17;
	_ =	sdelay $0x1  }
.Ltmp1:
0xd4: {  	v17 =	vadd.f32 v20, v17;
	(pc) =	sbr.rel @p0 .LBB2_4-.Ltmp1, $4  }
0xd5: {  	_ = 	snop  }
0xd6: {  	s25 =	sadd.s32 $0x80, s25;
	v17 =	vadd.f32 v18, v17  }
0xd7: {  	s8 =	sand.u32 $0x70, s26;
	s23 =	sadd.s32 $0x10, s23;
	s24 =	sand.u32 $0x400, s25  }
0xd8: {  	s26 =	sadd.s32 $0x10, s26;
	s24 =	sor.u32 s8, s24;
	[tilespmem:s23+$0x0] =	vst v17  }
0xd9: {  	v17 =	vld [tilespmem:s24+$0x5580]  }
0xda: {  	v18 =	vld [tilespmem:s24+$0x5500];
	_ =	sdelay $0x1  }
0xdb: {  	v19 =	vld [tilespmem:s24+$0x5600];
	_ =	sdelay $0x1  }
0xdc: {  	v20 =	vld [tilespmem:s24+$0x5680]  }
0xdd: {  	v17 =	vadd.f32 v17, v18  }
0xde: {  	v18 =	vld [tilespmem:s24+$0x5700]  }
0xdf: {  	v17 =	vadd.f32 v19, v17  }
0xe0: {  	v19 =	vld [tilespmem:s24+$0x5780]  }
0xe1: {  	v17 =	vadd.f32 v20, v17  }
0xe2: {  	v55 =	vld [tilespmem:s24+$0x5800]  }
0xe3: {  	v17 =	vadd.f32 v18, v17  }
0xe4: {  	v18 =	vld [tilespmem:s24+$0x5880]  }
0xe5: {  	v17 =	vadd.f32 v19, v17  }
0xe6: {  	v19 =	vld [tilespmem:s24+$0x5D00]  }
0xe7: {  	v17 =	vadd.f32 v55, v17  }
0xe8: {  	v56 =	vld [tilespmem:s24+$0x5D80]  }
0xe9: {  	v17 =	vadd.f32 v18, v17  }
0xea: {  	v18 =	vld [tilespmem:s24+$0x5E00]  }
0xeb: {  	v17 =	vadd.f32 v19, v17  }
0xec: {  	v19 =	vld [tilespmem:s24+$0x5E80]  }
0xed: {  	v17 =	vadd.f32 v56, v17  }
0xee: {  	v57 =	vld [tilespmem:s24+$0x5F00]  }
0xef: {  	v17 =	vadd.f32 v18, v17  }
0xf0: {  	v18 =	vld [tilespmem:s24+$0x5F80]  }
0xf1: {  	v17 =	vadd.f32 v19, v17  }
0xf2: {  	v19 =	vld [tilespmem:s24+$0x6000]  }
0xf3: {  	v17 =	vadd.f32 v57, v17  }
0xf4: {  	v58 =	vld [tilespmem:s24+$0x6080]  }
0xf5: {  	v17 =	vadd.f32 v18, v17  }
0xf6: {  	v18 =	vld [tilespmem:s24+$0x6500]  }
0xf7: {  	v17 =	vadd.f32 v19, v17  }
0xf8: {  	v19 =	vld [tilespmem:s24+$0x6580]  }
0xf9: {  	v17 =	vadd.f32 v58, v17  }
0xfa: {  	v59 =	vld [tilespmem:s24+$0x6600]  }
0xfb: {  	v17 =	vadd.f32 v18, v17  }
0xfc: {  	v18 =	vld [tilespmem:s24+$0x6680]  }
0xfd: {  	v17 =	vadd.f32 v19, v17  }
0xfe: {  	v19 =	vld [tilespmem:s24+$0x6700]  }
0xff: {  	v17 =	vadd.f32 v59, v17  }
0x100: {  	v60 =	vld [tilespmem:s24+$0x6780]  }
0x101: {  	v17 =	vadd.f32 v18, v17  }
0x102: {  	v18 =	vld [tilespmem:s24+$0x6800]  }
0x103: {  	v17 =	vadd.f32 v19, v17  }
0x104: {  	v19 =	vld [tilespmem:s24+$0x6880]  }
0x105: {  	v17 =	vadd.f32 v60, v17  }
0x106: {  	v61 =	vld [tilespmem:s24+$0x6D00]  }
0x107: {  	v17 =	vadd.f32 v18, v17  }
0x108: {  	v18 =	vld [tilespmem:s24+$0x6D80]  }
0x109: {  	v17 =	vadd.f32 v19, v17  }
0x10a: {  	v19 =	vld [tilespmem:s24+$0x6E00]  }
0x10b: {  	v17 =	vadd.f32 v61, v17  }
0x10c: {  	v62 =	vld [tilespmem:s24+$0x6E80]  }
0x10d: {  	v17 =	vadd.f32 v18, v17  }
0x10e: {  	v18 =	vld [tilespmem:s24+$0x6F00]  }
0x10f: {  	v17 =	vadd.f32 v19, v17  }
0x110: {  	v19 =	vld [tilespmem:s24+$0x6F80]  }
0x111: {  	v17 =	vadd.f32 v62, v17  }
0x112: {  	v63 =	vld [tilespmem:s24+$0x7000]  }
0x113: {  	v17 =	vadd.f32 v18, v17  }
0x114: {  	v18 =	vld [tilespmem:s24+$0x7080]  }
0x115: {  	v17 =	vadd.f32 v19, v17;
	_ =	sdelay $0x1  }
0x116: {  	v17 =	vadd.f32 v63, v17;
	_ =	sdelay $0x1  }
0x117: {  	v17 =	vadd.f32 v18, v17  }
0x118: {  	s8 =	sadd.s32 $0x10, s23  }
0x119: {  	s25 =	rddreg [dreg:$0xb];
	s23 =	simm.s32 $0x0;
	[tilespmem:s8+$0x0] =	vst v17  }
0x11a: {  	[tilespmem:s3], [sflag:$0x7] =	stream.strided.gather [hbm4b:s25+s31], $0x2000, s0, s31, $0x38;
	[tilespmem:$0x1BA00] =	vst v63  }
0x11b: {  	s26 =	sand.u32 $0x70, s23;
	s28 =	sand.u32 $0x400, s23;
	_ =	swait.ge [sflag:s30], $0x2000  }
0x11c: {  	s24 =	sor.u32 s26, s28;
	[sflag:s30] =	ssyncset.done $0x0  }
0x11d: {  	s26 =	simm.s32 $0x10;
	s25 =	simm.s32 $0x0;
	[sflag:s30] =	ssyncadd.s32 $0xFFFFE000  }
.LBB2_6:
0x11e: {  	p0 =	sne.s32 s26, $0xF0;
	v17 =	vld [tilespmem:s24+$0x5580]  }
0x11f: {  	v18 =	vld [tilespmem:s24+$0x5500];
	_ =	sdelay $0x1  }
0x120: {  	v19 =	vld [tilespmem:s24+$0x5600];
	_ =	sdelay $0x1  }
0x121: {  	v20 =	vld [tilespmem:s24+$0x5680]  }
0x122: {  	v17 =	vadd.f32 v17, v18  }
0x123: {  	v18 =	vld [tilespmem:s24+$0x5700]  }
0x124: {  	v17 =	vadd.f32 v19, v17  }
0x125: {  	v19 =	vld [tilespmem:s24+$0x5780]  }
0x126: {  	v17 =	vadd.f32 v20, v17  }
0x127: {  	s8 =	sor.u32 s25, s23;
	v20 =	vld [tilespmem:s24+$0x5800]  }
0x128: {  	s8 =	sor.u32 $0x380, s8;
	v17 =	vadd.f32 v18, v17  }
0x129: {  	v18 =	vld [tilespmem:s8+$0x5500]  }
0x12a: {  	v17 =	vadd.f32 v19, v17  }
0x12b: {  	v19 =	vld [tilespmem:s24+$0x5D00]  }
0x12c: {  	v17 =	vadd.f32 v20, v17  }
0x12d: {  	v20 =	vld [tilespmem:s24+$0x5D80]  }
0x12e: {  	v17 =	vadd.f32 v18, v17  }
0x12f: {  	v18 =	vld [tilespmem:s24+$0x5E00]  }
0x130: {  	v17 =	vadd.f32 v19, v17  }
0x131: {  	v19 =	vld [tilespmem:s24+$0x5E80]  }
0x132: {  	v17 =	vadd.f32 v20, v17  }
0x133: {  	v20 =	vld [tilespmem:s24+$0x5F00]  }
0x134: {  	v17 =	vadd.f32 v18, v17  }
0x135: {  	v18 =	vld [tilespmem:s24+$0x5F80]  }
0x136: {  	v17 =	vadd.f32 v19, v17  }
0x137: {  	v19 =	vld [tilespmem:s24+$0x6000]  }
0x138: {  	v17 =	vadd.f32 v20, v17  }
0x139: {  	v20 =	vld [tilespmem:s24+$0x6080]  }
0x13a: {  	v17 =	vadd.f32 v18, v17  }
0x13b: {  	v18 =	vld [tilespmem:s24+$0x6500]  }
0x13c: {  	v17 =	vadd.f32 v19, v17  }
0x13d: {  	v19 =	vld [tilespmem:s24+$0x6580]  }
0x13e: {  	v17 =	vadd.f32 v20, v17  }
0x13f: {  	v20 =	vld [tilespmem:s24+$0x6600]  }
0x140: {  	v17 =	vadd.f32 v18, v17  }
0x141: {  	v18 =	vld [tilespmem:s24+$0x6680]  }
0x142: {  	v17 =	vadd.f32 v19, v17  }
0x143: {  	v19 =	vld [tilespmem:s24+$0x6700]  }
0x144: {  	v17 =	vadd.f32 v20, v17  }
0x145: {  	v20 =	vld [tilespmem:s24+$0x6780]  }
0x146: {  	v17 =	vadd.f32 v18, v17  }
0x147: {  	v18 =	vld [tilespmem:s24+$0x6800]  }
0x148: {  	v17 =	vadd.f32 v19, v17  }
0x149: {  	v19 =	vld [tilespmem:s24+$0x6880]  }
0x14a: {  	v17 =	vadd.f32 v20, v17  }
0x14b: {  	v20 =	vld [tilespmem:s24+$0x6D00]  }
0x14c: {  	v17 =	vadd.f32 v18, v17  }
0x14d: {  	v18 =	vld [tilespmem:s24+$0x6D80]  }
0x14e: {  	v17 =	vadd.f32 v19, v17  }
0x14f: {  	v19 =	vld [tilespmem:s24+$0x6E00]  }
0x150: {  	v17 =	vadd.f32 v20, v17  }
0x151: {  	v20 =	vld [tilespmem:s24+$0x6E80]  }
0x152: {  	v17 =	vadd.f32 v18, v17  }
0x153: {  	v18 =	vld [tilespmem:s24+$0x6F00]  }
0x154: {  	v17 =	vadd.f32 v19, v17  }
0x155: {  	v19 =	vld [tilespmem:s24+$0x6F80]  }
0x156: {  	v17 =	vadd.f32 v20, v17  }
0x157: {  	v20 =	vld [tilespmem:s24+$0x7000]  }
0x158: {  	v17 =	vadd.f32 v18, v17  }
0x159: {  	v18 =	vld [tilespmem:s24+$0x7080]  }
0x15a: {  	v17 =	vadd.f32 v19, v17;
	_ =	sdelay $0x1  }
.Ltmp2:
0x15b: {  	v17 =	vadd.f32 v20, v17;
	(pc) =	sbr.rel @p0 .LBB2_6-.Ltmp2, $4  }
0x15c: {  	_ = 	snop  }
0x15d: {  	s25 =	sadd.s32 $0x80, s25;
	v17 =	vadd.f32 v18, v17  }
0x15e: {  	s23 =	sand.u32 $0xF0, s23;
	s8 =	sand.u32 $0x70, s26;
	s24 =	sand.u32 $0x400, s25  }
0x15f: {  	s24 =	sor.u32 s8, s24;
	[tilespmem:s23+$0x7600] =	vst v17;
	s23 =	smov.u32 s26;
	s26 =	sadd.s32 $0x10, s26  }
0x160: {  	v17 =	vld [tilespmem:s24+$0x5580]  }
0x161: {  	v18 =	vld [tilespmem:s24+$0x5500];
	_ =	sdelay $0x1  }
0x162: {  	v19 =	vld [tilespmem:s24+$0x5600];
	_ =	sdelay $0x1  }
0x163: {  	v20 =	vld [tilespmem:s24+$0x5680]  }
0x164: {  	v17 =	vadd.f32 v17, v18  }
0x165: {  	v18 =	vld [tilespmem:s24+$0x5700]  }
0x166: {  	v17 =	vadd.f32 v19, v17  }
0x167: {  	v19 =	vld [tilespmem:s24+$0x5780]  }
0x168: {  	v17 =	vadd.f32 v20, v17  }
0x169: {  	v55 =	vld [tilespmem:s24+$0x5800];
	s8 =	sor.u32 s25, s23  }
0x16a: {  	s8 =	sor.u32 $0x380, s8;
	v17 =	vadd.f32 v18, v17  }
0x16b: {  	v18 =	vld [tilespmem:s8+$0x5500]  }
0x16c: {  	v17 =	vadd.f32 v19, v17  }
0x16d: {  	v19 =	vld [tilespmem:s24+$0x5D00]  }
0x16e: {  	v17 =	vadd.f32 v55, v17  }
0x16f: {  	v56 =	vld [tilespmem:s24+$0x5D80]  }
0x170: {  	v17 =	vadd.f32 v18, v17  }
0x171: {  	v18 =	vld [tilespmem:s24+$0x5E00]  }
0x172: {  	v17 =	vadd.f32 v19, v17  }
0x173: {  	v19 =	vld [tilespmem:s24+$0x5E80]  }
0x174: {  	v17 =	vadd.f32 v56, v17  }
0x175: {  	v57 =	vld [tilespmem:s24+$0x5F00]  }
0x176: {  	v17 =	vadd.f32 v18, v17  }
0x177: {  	v18 =	vld [tilespmem:s24+$0x5F80]  }
0x178: {  	v17 =	vadd.f32 v19, v17  }
0x179: {  	v19 =	vld [tilespmem:s24+$0x6000]  }
0x17a: {  	v17 =	vadd.f32 v57, v17  }
0x17b: {  	v58 =	vld [tilespmem:s24+$0x6080]  }
0x17c: {  	v17 =	vadd.f32 v18, v17  }
0x17d: {  	v18 =	vld [tilespmem:s24+$0x6500]  }
0x17e: {  	v17 =	vadd.f32 v19, v17  }
0x17f: {  	v19 =	vld [tilespmem:s24+$0x6580]  }
0x180: {  	v17 =	vadd.f32 v58, v17  }
0x181: {  	v59 =	vld [tilespmem:s24+$0x6600]  }
0x182: {  	v17 =	vadd.f32 v18, v17  }
0x183: {  	v18 =	vld [tilespmem:s24+$0x6680]  }
0x184: {  	v17 =	vadd.f32 v19, v17  }
0x185: {  	v19 =	vld [tilespmem:s24+$0x6700]  }
0x186: {  	v17 =	vadd.f32 v59, v17  }
0x187: {  	v60 =	vld [tilespmem:s24+$0x6780]  }
0x188: {  	v17 =	vadd.f32 v18, v17  }
0x189: {  	v18 =	vld [tilespmem:s24+$0x6800]  }
0x18a: {  	v17 =	vadd.f32 v19, v17  }
0x18b: {  	v19 =	vld [tilespmem:s24+$0x6880]  }
0x18c: {  	v17 =	vadd.f32 v60, v17  }
0x18d: {  	v61 =	vld [tilespmem:s24+$0x6D00]  }
0x18e: {  	v17 =	vadd.f32 v18, v17  }
0x18f: {  	v18 =	vld [tilespmem:s24+$0x6D80]  }
0x190: {  	v17 =	vadd.f32 v19, v17  }
0x191: {  	v19 =	vld [tilespmem:s24+$0x6E00]  }
0x192: {  	v17 =	vadd.f32 v61, v17  }
0x193: {  	v62 =	vld [tilespmem:s24+$0x6E80]  }
0x194: {  	v17 =	vadd.f32 v18, v17  }
0x195: {  	v18 =	vld [tilespmem:s24+$0x6F00]  }
0x196: {  	v17 =	vadd.f32 v19, v17  }
0x197: {  	v19 =	vld [tilespmem:s24+$0x6F80]  }
0x198: {  	v17 =	vadd.f32 v62, v17  }
0x199: {  	v63 =	vld [tilespmem:s24+$0x7000]  }
0x19a: {  	v17 =	vadd.f32 v18, v17  }
0x19b: {  	v18 =	vld [tilespmem:s24+$0x7080]  }
0x19c: {  	v17 =	vadd.f32 v19, v17;
	_ =	sdelay $0x1  }
0x19d: {  	v17 =	vadd.f32 v63, v17;
	_ =	sdelay $0x1  }
0x19e: {  	v17 =	vadd.f32 v18, v17  }
0x19f: {  	s24 =	sand.u32 $0xF0, s23  }
0x1a0: {  	s25 =	rddreg [dreg:$0xc];
	s23 =	simm.s32 $0x0;
	[tilespmem:s24+$0x7600] =	vst v17  }
0x1a1: {  	[tilespmem:s3], [sflag:$0x7] =	stream.strided.gather [hbm4b:s25+s31], $0x2000, s0, s31, $0x38;
	[tilespmem:$0x1BA00] =	vst v63  }
0x1a2: {  	s26 =	sand.u32 $0x70, s23;
	s28 =	sand.u32 $0x400, s23;
	_ =	swait.ge [sflag:s30], $0x2000  }
0x1a3: {  	s24 =	sor.u32 s26, s28;
	[sflag:s30] =	ssyncset.done $0x0  }
0x1a4: {  	s26 =	simm.s32 $0x10;
	s25 =	simm.s32 $0x0;
	[sflag:s30] =	ssyncadd.s32 $0xFFFFE000  }
.LBB2_8:
0x1a5: {  	p0 =	sne.s32 s26, $0xF0;
	v17 =	vld [tilespmem:s24+$0x5580]  }
0x1a6: {  	v18 =	vld [tilespmem:s24+$0x5500];
	_ =	sdelay $0x1  }
0x1a7: {  	v19 =	vld [tilespmem:s24+$0x5600];
	_ =	sdelay $0x1  }
0x1a8: {  	v20 =	vld [tilespmem:s24+$0x5680]  }
0x1a9: {  	v17 =	vadd.f32 v17, v18  }
0x1aa: {  	v18 =	vld [tilespmem:s24+$0x5700]  }
0x1ab: {  	v17 =	vadd.f32 v19, v17  }
0x1ac: {  	v19 =	vld [tilespmem:s24+$0x5780]  }
0x1ad: {  	v17 =	vadd.f32 v20, v17  }
0x1ae: {  	s8 =	sor.u32 s25, s23;
	v20 =	vld [tilespmem:s24+$0x5800]  }
0x1af: {  	s8 =	sor.u32 $0x380, s8;
	v17 =	vadd.f32 v18, v17  }
0x1b0: {  	v18 =	vld [tilespmem:s8+$0x5500]  }
0x1b1: {  	v17 =	vadd.f32 v19, v17  }
0x1b2: {  	v19 =	vld [tilespmem:s24+$0x5D00]  }
0x1b3: {  	v17 =	vadd.f32 v20, v17  }
0x1b4: {  	v20 =	vld [tilespmem:s24+$0x5D80]  }
0x1b5: {  	v17 =	vadd.f32 v18, v17  }
0x1b6: {  	v18 =	vld [tilespmem:s24+$0x5E00]  }
0x1b7: {  	v17 =	vadd.f32 v19, v17  }
0x1b8: {  	v19 =	vld [tilespmem:s24+$0x5E80]  }
0x1b9: {  	v17 =	vadd.f32 v20, v17  }
0x1ba: {  	v20 =	vld [tilespmem:s24+$0x5F00]  }
0x1bb: {  	v17 =	vadd.f32 v18, v17  }
0x1bc: {  	v18 =	vld [tilespmem:s24+$0x5F80]  }
0x1bd: {  	v17 =	vadd.f32 v19, v17  }
0x1be: {  	v19 =	vld [tilespmem:s24+$0x6000]  }
0x1bf: {  	v17 =	vadd.f32 v20, v17  }
0x1c0: {  	v20 =	vld [tilespmem:s24+$0x6080]  }
0x1c1: {  	v17 =	vadd.f32 v18, v17  }
0x1c2: {  	v18 =	vld [tilespmem:s24+$0x6500]  }
0x1c3: {  	v17 =	vadd.f32 v19, v17  }
0x1c4: {  	v19 =	vld [tilespmem:s24+$0x6580]  }
0x1c5: {  	v17 =	vadd.f32 v20, v17  }
0x1c6: {  	v20 =	vld [tilespmem:s24+$0x6600]  }
0x1c7: {  	v17 =	vadd.f32 v18, v17  }
0x1c8: {  	v18 =	vld [tilespmem:s24+$0x6680]  }
0x1c9: {  	v17 =	vadd.f32 v19, v17  }
0x1ca: {  	v19 =	vld [tilespmem:s24+$0x6700]  }
0x1cb: {  	v17 =	vadd.f32 v20, v17  }
0x1cc: {  	v20 =	vld [tilespmem:s24+$0x6780]  }
0x1cd: {  	v17 =	vadd.f32 v18, v17  }
0x1ce: {  	v18 =	vld [tilespmem:s24+$0x6800]  }
0x1cf: {  	v17 =	vadd.f32 v19, v17  }
0x1d0: {  	v19 =	vld [tilespmem:s24+$0x6880]  }
0x1d1: {  	v17 =	vadd.f32 v20, v17  }
0x1d2: {  	v20 =	vld [tilespmem:s24+$0x6D00]  }
0x1d3: {  	v17 =	vadd.f32 v18, v17  }
0x1d4: {  	v18 =	vld [tilespmem:s24+$0x6D80]  }
0x1d5: {  	v17 =	vadd.f32 v19, v17  }
0x1d6: {  	v19 =	vld [tilespmem:s24+$0x6E00]  }
0x1d7: {  	v17 =	vadd.f32 v20, v17  }
0x1d8: {  	v20 =	vld [tilespmem:s24+$0x6E80]  }
0x1d9: {  	v17 =	vadd.f32 v18, v17  }
0x1da: {  	v18 =	vld [tilespmem:s24+$0x6F00]  }
0x1db: {  	v17 =	vadd.f32 v19, v17  }
0x1dc: {  	v19 =	vld [tilespmem:s24+$0x6F80]  }
0x1dd: {  	v17 =	vadd.f32 v20, v17  }
0x1de: {  	v20 =	vld [tilespmem:s24+$0x7000]  }
0x1df: {  	v17 =	vadd.f32 v18, v17  }
0x1e0: {  	v18 =	vld [tilespmem:s24+$0x7080]  }
0x1e1: {  	v17 =	vadd.f32 v19, v17;
	_ =	sdelay $0x1  }
.Ltmp3:
0x1e2: {  	v17 =	vadd.f32 v20, v17;
	(pc) =	sbr.rel @p0 .LBB2_8-.Ltmp3, $4  }
0x1e3: {  	_ = 	snop  }
0x1e4: {  	s25 =	sadd.s32 $0x80, s25;
	v17 =	vadd.f32 v18, v17  }
0x1e5: {  	s23 =	sand.u32 $0xF0, s23;
	s8 =	sand.u32 $0x70, s26;
	s24 =	sand.u32 $0x400, s25  }
0x1e6: {  	s24 =	sor.u32 s8, s24;
	[tilespmem:s23+$0x7700] =	vst v17;
	s23 =	smov.u32 s26;
	s26 =	sadd.s32 $0x10, s26  }
0x1e7: {  	v17 =	vld [tilespmem:s24+$0x5580]  }
0x1e8: {  	v18 =	vld [tilespmem:s24+$0x5500];
	_ =	sdelay $0x1  }
0x1e9: {  	v19 =	vld [tilespmem:s24+$0x5600];
	_ =	sdelay $0x1  }
0x1ea: {  	v20 =	vld [tilespmem:s24+$0x5680]  }
0x1eb: {  	v17 =	vadd.f32 v17, v18  }
0x1ec: {  	v18 =	vld [tilespmem:s24+$0x5700]  }
0x1ed: {  	v17 =	vadd.f32 v19, v17  }
0x1ee: {  	v19 =	vld [tilespmem:s24+$0x5780]  }
0x1ef: {  	v17 =	vadd.f32 v20, v17  }
0x1f0: {  	v55 =	vld [tilespmem:s24+$0x5800];
	s8 =	sor.u32 s25, s23  }
0x1f1: {  	s8 =	sor.u32 $0x380, s8;
	v17 =	vadd.f32 v18, v17  }
0x1f2: {  	v18 =	vld [tilespmem:s8+$0x5500]  }
0x1f3: {  	v17 =	vadd.f32 v19, v17  }
0x1f4: {  	v19 =	vld [tilespmem:s24+$0x5D00]  }
0x1f5: {  	v17 =	vadd.f32 v55, v17  }
0x1f6: {  	v56 =	vld [tilespmem:s24+$0x5D80]  }
0x1f7: {  	v17 =	vadd.f32 v18, v17  }
0x1f8: {  	v18 =	vld [tilespmem:s24+$0x5E00]  }
0x1f9: {  	v17 =	vadd.f32 v19, v17  }
0x1fa: {  	v19 =	vld [tilespmem:s24+$0x5E80]  }
0x1fb: {  	v17 =	vadd.f32 v56, v17  }
0x1fc: {  	v57 =	vld [tilespmem:s24+$0x5F00]  }
0x1fd: {  	v17 =	vadd.f32 v18, v17  }
0x1fe: {  	v18 =	vld [tilespmem:s24+$0x5F80]  }
0x1ff: {  	v17 =	vadd.f32 v19, v17  }
0x200: {  	v19 =	vld [tilespmem:s24+$0x6000]  }
0x201: {  	v17 =	vadd.f32 v57, v17  }
0x202: {  	v58 =	vld [tilespmem:s24+$0x6080]  }
0x203: {  	v17 =	vadd.f32 v18, v17  }
0x204: {  	v18 =	vld [tilespmem:s24+$0x6500]  }
0x205: {  	v17 =	vadd.f32 v19, v17  }
0x206: {  	v19 =	vld [tilespmem:s24+$0x6580]  }
0x207: {  	v17 =	vadd.f32 v58, v17  }
0x208: {  	v59 =	vld [tilespmem:s24+$0x6600]  }
0x209: {  	v17 =	vadd.f32 v18, v17  }
0x20a: {  	v18 =	vld [tilespmem:s24+$0x6680]  }
0x20b: {  	v17 =	vadd.f32 v19, v17  }
0x20c: {  	v19 =	vld [tilespmem:s24+$0x6700]  }
0x20d: {  	v17 =	vadd.f32 v59, v17  }
0x20e: {  	v60 =	vld [tilespmem:s24+$0x6780]  }
0x20f: {  	v17 =	vadd.f32 v18, v17  }
0x210: {  	v18 =	vld [tilespmem:s24+$0x6800]  }
0x211: {  	v17 =	vadd.f32 v19, v17  }
0x212: {  	v19 =	vld [tilespmem:s24+$0x6880]  }
0x213: {  	v17 =	vadd.f32 v60, v17  }
0x214: {  	v61 =	vld [tilespmem:s24+$0x6D00]  }
0x215: {  	v17 =	vadd.f32 v18, v17  }
0x216: {  	v18 =	vld [tilespmem:s24+$0x6D80]  }
0x217: {  	v17 =	vadd.f32 v19, v17  }
0x218: {  	v19 =	vld [tilespmem:s24+$0x6E00]  }
0x219: {  	v17 =	vadd.f32 v61, v17  }
0x21a: {  	v62 =	vld [tilespmem:s24+$0x6E80]  }
0x21b: {  	v17 =	vadd.f32 v18, v17  }
0x21c: {  	v18 =	vld [tilespmem:s24+$0x6F00]  }
0x21d: {  	v17 =	vadd.f32 v19, v17  }
0x21e: {  	v19 =	vld [tilespmem:s24+$0x6F80]  }
0x21f: {  	v17 =	vadd.f32 v62, v17  }
0x220: {  	v63 =	vld [tilespmem:s24+$0x7000]  }
0x221: {  	v17 =	vadd.f32 v18, v17  }
0x222: {  	v18 =	vld [tilespmem:s24+$0x7080]  }
0x223: {  	v17 =	vadd.f32 v19, v17;
	_ =	sdelay $0x1  }
0x224: {  	v17 =	vadd.f32 v63, v17;
	_ =	sdelay $0x1  }
0x225: {  	v17 =	vadd.f32 v18, v17  }
0x226: {  	s24 =	sand.u32 $0xF0, s23  }
0x227: {  	s25 =	rddreg [dreg:$0xd];
	s23 =	simm.s32 $0x0;
	[tilespmem:s24+$0x7700] =	vst v17  }
0x228: {  	[tilespmem:s3], [sflag:$0x7] =	stream.strided.gather [hbm4b:s25+s31], $0x2000, s0, s31, $0x38;
	[tilespmem:$0x1BA00] =	vst v63  }
0x229: {  	s26 =	sand.u32 $0x70, s23;
	s28 =	sand.u32 $0x400, s23;
	_ =	swait.ge [sflag:s30], $0x2000  }
0x22a: {  	s24 =	sor.u32 s26, s28;
	[sflag:s30] =	ssyncset.done $0x0  }
0x22b: {  	s26 =	simm.s32 $0x10;
	s25 =	simm.s32 $0x0;
	[sflag:s30] =	ssyncadd.s32 $0xFFFFE000  }
.LBB2_10:
0x22c: {  	p0 =	sne.s32 s26, $0xF0;
	v17 =	vld [tilespmem:s24+$0x5580]  }
0x22d: {  	v18 =	vld [tilespmem:s24+$0x5500];
	_ =	sdelay $0x1  }
0x22e: {  	v19 =	vld [tilespmem:s24+$0x5600];
	_ =	sdelay $0x1  }
0x22f: {  	v20 =	vld [tilespmem:s24+$0x5680]  }
0x230: {  	v17 =	vadd.f32 v17, v18  }
0x231: {  	v18 =	vld [tilespmem:s24+$0x5700]  }
0x232: {  	v17 =	vadd.f32 v19, v17  }
0x233: {  	v19 =	vld [tilespmem:s24+$0x5780]  }
0x234: {  	v17 =	vadd.f32 v20, v17  }
0x235: {  	s8 =	sor.u32 s25, s23;
	v20 =	vld [tilespmem:s24+$0x5800]  }
0x236: {  	s8 =	sor.u32 $0x380, s8;
	v17 =	vadd.f32 v18, v17  }
0x237: {  	v18 =	vld [tilespmem:s8+$0x5500]  }
0x238: {  	v17 =	vadd.f32 v19, v17  }
0x239: {  	v19 =	vld [tilespmem:s24+$0x5D00]  }
0x23a: {  	v17 =	vadd.f32 v20, v17  }
0x23b: {  	v20 =	vld [tilespmem:s24+$0x5D80]  }
0x23c: {  	v17 =	vadd.f32 v18, v17  }
0x23d: {  	v18 =	vld [tilespmem:s24+$0x5E00]  }
0x23e: {  	v17 =	vadd.f32 v19, v17  }
0x23f: {  	v19 =	vld [tilespmem:s24+$0x5E80]  }
0x240: {  	v17 =	vadd.f32 v20, v17  }
0x241: {  	v20 =	vld [tilespmem:s24+$0x5F00]  }
0x242: {  	v17 =	vadd.f32 v18, v17  }
0x243: {  	v18 =	vld [tilespmem:s24+$0x5F80]  }
0x244: {  	v17 =	vadd.f32 v19, v17  }
0x245: {  	v19 =	vld [tilespmem:s24+$0x6000]  }
0x246: {  	v17 =	vadd.f32 v20, v17  }
0x247: {  	v20 =	vld [tilespmem:s24+$0x6080]  }
0x248: {  	v17 =	vadd.f32 v18, v17  }
0x249: {  	v18 =	vld [tilespmem:s24+$0x6500]  }
0x24a: {  	v17 =	vadd.f32 v19, v17  }
0x24b: {  	v19 =	vld [tilespmem:s24+$0x6580]  }
0x24c: {  	v17 =	vadd.f32 v20, v17  }
0x24d: {  	v20 =	vld [tilespmem:s24+$0x6600]  }
0x24e: {  	v17 =	vadd.f32 v18, v17  }
0x24f: {  	v18 =	vld [tilespmem:s24+$0x6680]  }
0x250: {  	v17 =	vadd.f32 v19, v17  }
0x251: {  	v19 =	vld [tilespmem:s24+$0x6700]  }
0x252: {  	v17 =	vadd.f32 v20, v17  }
0x253: {  	v20 =	vld [tilespmem:s24+$0x6780]  }
0x254: {  	v17 =	vadd.f32 v18, v17  }
0x255: {  	v18 =	vld [tilespmem:s24+$0x6800]  }
0x256: {  	v17 =	vadd.f32 v19, v17  }
0x257: {  	v19 =	vld [tilespmem:s24+$0x6880]  }
0x258: {  	v17 =	vadd.f32 v20, v17  }
0x259: {  	v20 =	vld [tilespmem:s24+$0x6D00]  }
0x25a: {  	v17 =	vadd.f32 v18, v17  }
0x25b: {  	v18 =	vld [tilespmem:s24+$0x6D80]  }
0x25c: {  	v17 =	vadd.f32 v19, v17  }
0x25d: {  	v19 =	vld [tilespmem:s24+$0x6E00]  }
0x25e: {  	v17 =	vadd.f32 v20, v17  }
0x25f: {  	v20 =	vld [tilespmem:s24+$0x6E80]  }
0x260: {  	v17 =	vadd.f32 v18, v17  }
0x261: {  	v18 =	vld [tilespmem:s24+$0x6F00]  }
0x262: {  	v17 =	vadd.f32 v19, v17  }
0x263: {  	v19 =	vld [tilespmem:s24+$0x6F80]  }
0x264: {  	v17 =	vadd.f32 v20, v17  }
0x265: {  	v20 =	vld [tilespmem:s24+$0x7000]  }
0x266: {  	v17 =	vadd.f32 v18, v17  }
0x267: {  	v18 =	vld [tilespmem:s24+$0x7080]  }
0x268: {  	v17 =	vadd.f32 v19, v17;
	_ =	sdelay $0x1  }
.Ltmp4:
0x269: {  	v17 =	vadd.f32 v20, v17;
	(pc) =	sbr.rel @p0 .LBB2_10-.Ltmp4, $4  }
0x26a: {  	_ = 	snop  }
0x26b: {  	s25 =	sadd.s32 $0x80, s25;
	v17 =	vadd.f32 v18, v17  }
0x26c: {  	s23 =	sand.u32 $0xF0, s23;
	s8 =	sand.u32 $0x70, s26;
	s24 =	sand.u32 $0x400, s25  }
0x26d: {  	s24 =	sor.u32 s8, s24;
	[tilespmem:s23+$0x7800] =	vst v17;
	s23 =	smov.u32 s26;
	s26 =	sadd.s32 $0x10, s26  }
0x26e: {  	v17 =	vld [tilespmem:s24+$0x5580]  }
0x26f: {  	v18 =	vld [tilespmem:s24+$0x5500];
	_ =	sdelay $0x1  }
0x270: {  	v19 =	vld [tilespmem:s24+$0x5600];
	_ =	sdelay $0x1  }
0x271: {  	v20 =	vld [tilespmem:s24+$0x5680]  }
0x272: {  	v17 =	vadd.f32 v17, v18  }
0x273: {  	v18 =	vld [tilespmem:s24+$0x5700]  }
0x274: {  	v17 =	vadd.f32 v19, v17  }
0x275: {  	v19 =	vld [tilespmem:s24+$0x5780]  }
0x276: {  	v17 =	vadd.f32 v20, v17  }
0x277: {  	v55 =	vld [tilespmem:s24+$0x5800];
	s8 =	sor.u32 s25, s23  }
0x278: {  	s8 =	sor.u32 $0x380, s8;
	v17 =	vadd.f32 v18, v17  }
0x279: {  	v18 =	vld [tilespmem:s8+$0x5500]  }
0x27a: {  	v17 =	vadd.f32 v19, v17  }
0x27b: {  	v19 =	vld [tilespmem:s24+$0x5D00]  }
0x27c: {  	v17 =	vadd.f32 v55, v17  }
0x27d: {  	v56 =	vld [tilespmem:s24+$0x5D80]  }
0x27e: {  	v17 =	vadd.f32 v18, v17  }
0x27f: {  	v18 =	vld [tilespmem:s24+$0x5E00]  }
0x280: {  	v17 =	vadd.f32 v19, v17  }
0x281: {  	v19 =	vld [tilespmem:s24+$0x5E80]  }
0x282: {  	v17 =	vadd.f32 v56, v17  }
0x283: {  	v57 =	vld [tilespmem:s24+$0x5F00]  }
0x284: {  	v17 =	vadd.f32 v18, v17  }
0x285: {  	v18 =	vld [tilespmem:s24+$0x5F80]  }
0x286: {  	v17 =	vadd.f32 v19, v17  }
0x287: {  	v19 =	vld [tilespmem:s24+$0x6000]  }
0x288: {  	v17 =	vadd.f32 v57, v17  }
0x289: {  	v58 =	vld [tilespmem:s24+$0x6080]  }
0x28a: {  	v17 =	vadd.f32 v18, v17  }
0x28b: {  	v18 =	vld [tilespmem:s24+$0x6500]  }
0x28c: {  	v17 =	vadd.f32 v19, v17  }
0x28d: {  	v19 =	vld [tilespmem:s24+$0x6580]  }
0x28e: {  	v17 =	vadd.f32 v58, v17  }
0x28f: {  	v59 =	vld [tilespmem:s24+$0x6600]  }
0x290: {  	v17 =	vadd.f32 v18, v17  }
0x291: {  	v18 =	vld [tilespmem:s24+$0x6680]  }
0x292: {  	v17 =	vadd.f32 v19, v17  }
0x293: {  	v19 =	vld [tilespmem:s24+$0x6700]  }
0x294: {  	v17 =	vadd.f32 v59, v17  }
0x295: {  	v60 =	vld [tilespmem:s24+$0x6780]  }
0x296: {  	v17 =	vadd.f32 v18, v17  }
0x297: {  	v18 =	vld [tilespmem:s24+$0x6800]  }
0x298: {  	v17 =	vadd.f32 v19, v17  }
0x299: {  	v19 =	vld [tilespmem:s24+$0x6880]  }
0x29a: {  	v17 =	vadd.f32 v60, v17  }
0x29b: {  	v61 =	vld [tilespmem:s24+$0x6D00]  }
0x29c: {  	v17 =	vadd.f32 v18, v17  }
0x29d: {  	v18 =	vld [tilespmem:s24+$0x6D80]  }
0x29e: {  	v17 =	vadd.f32 v19, v17  }
0x29f: {  	v19 =	vld [tilespmem:s24+$0x6E00]  }
0x2a0: {  	v17 =	vadd.f32 v61, v17  }
0x2a1: {  	v62 =	vld [tilespmem:s24+$0x6E80]  }
0x2a2: {  	v17 =	vadd.f32 v18, v17  }
0x2a3: {  	v18 =	vld [tilespmem:s24+$0x6F00]  }
0x2a4: {  	v17 =	vadd.f32 v19, v17  }
0x2a5: {  	v19 =	vld [tilespmem:s24+$0x6F80]  }
0x2a6: {  	v17 =	vadd.f32 v62, v17  }
0x2a7: {  	v63 =	vld [tilespmem:s24+$0x7000]  }
0x2a8: {  	v17 =	vadd.f32 v18, v17  }
0x2a9: {  	v18 =	vld [tilespmem:s24+$0x7080]  }
0x2aa: {  	v17 =	vadd.f32 v19, v17;
	_ =	sdelay $0x1  }
0x2ab: {  	v17 =	vadd.f32 v63, v17;
	_ =	sdelay $0x1  }
0x2ac: {  	v17 =	vadd.f32 v18, v17  }
0x2ad: {  	s24 =	sand.u32 $0xF0, s23  }
0x2ae: {  	s25 =	rddreg [dreg:$0xe];
	s23 =	simm.s32 $0x0;
	[tilespmem:s24+$0x7800] =	vst v17  }
0x2af: {  	[tilespmem:s3], [sflag:$0x7] =	stream.strided.gather [hbm4b:s25+s31], $0x2000, s0, s31, $0x38;
	[tilespmem:$0x1BA00] =	vst v63  }
0x2b0: {  	s26 =	sand.u32 $0x70, s23;
	s28 =	sand.u32 $0x400, s23;
	_ =	swait.ge [sflag:s30], $0x2000  }
0x2b1: {  	s24 =	sor.u32 s26, s28;
	[sflag:s30] =	ssyncset.done $0x0  }
0x2b2: {  	s26 =	simm.s32 $0x10;
	s25 =	simm.s32 $0x0;
	[sflag:s30] =	ssyncadd.s32 $0xFFFFE000  }
.LBB2_12:
0x2b3: {  	p0 =	sne.s32 s26, $0xF0;
	v17 =	vld [tilespmem:s24+$0x5580]  }
0x2b4: {  	v18 =	vld [tilespmem:s24+$0x5500];
	_ =	sdelay $0x1  }
0x2b5: {  	v19 =	vld [tilespmem:s24+$0x5600];
	_ =	sdelay $0x1  }
0x2b6: {  	v20 =	vld [tilespmem:s24+$0x5680]  }
0x2b7: {  	v17 =	vadd.f32 v17, v18  }
0x2b8: {  	v18 =	vld [tilespmem:s24+$0x5700]  }
0x2b9: {  	v17 =	vadd.f32 v19, v17  }
0x2ba: {  	v19 =	vld [tilespmem:s24+$0x5780]  }
0x2bb: {  	v17 =	vadd.f32 v20, v17  }
0x2bc: {  	s8 =	sor.u32 s25, s23;
	v20 =	vld [tilespmem:s24+$0x5800]  }
0x2bd: {  	s8 =	sor.u32 $0x380, s8;
	v17 =	vadd.f32 v18, v17  }
0x2be: {  	v18 =	vld [tilespmem:s8+$0x5500]  }
0x2bf: {  	v17 =	vadd.f32 v19, v17  }
0x2c0: {  	v19 =	vld [tilespmem:s24+$0x5D00]  }
0x2c1: {  	v17 =	vadd.f32 v20, v17  }
0x2c2: {  	v20 =	vld [tilespmem:s24+$0x5D80]  }
0x2c3: {  	v17 =	vadd.f32 v18, v17  }
0x2c4: {  	v18 =	vld [tilespmem:s24+$0x5E00]  }
0x2c5: {  	v17 =	vadd.f32 v19, v17  }
0x2c6: {  	v19 =	vld [tilespmem:s24+$0x5E80]  }
0x2c7: {  	v17 =	vadd.f32 v20, v17  }
0x2c8: {  	v20 =	vld [tilespmem:s24+$0x5F00]  }
0x2c9: {  	v17 =	vadd.f32 v18, v17  }
0x2ca: {  	v18 =	vld [tilespmem:s24+$0x5F80]  }
0x2cb: {  	v17 =	vadd.f32 v19, v17  }
0x2cc: {  	v19 =	vld [tilespmem:s24+$0x6000]  }
0x2cd: {  	v17 =	vadd.f32 v20, v17  }
0x2ce: {  	v20 =	vld [tilespmem:s24+$0x6080]  }
0x2cf: {  	v17 =	vadd.f32 v18, v17  }
0x2d0: {  	v18 =	vld [tilespmem:s24+$0x6500]  }
0x2d1: {  	v17 =	vadd.f32 v19, v17  }
0x2d2: {  	v19 =	vld [tilespmem:s24+$0x6580]  }
0x2d3: {  	v17 =	vadd.f32 v20, v17  }
0x2d4: {  	v20 =	vld [tilespmem:s24+$0x6600]  }
0x2d5: {  	v17 =	vadd.f32 v18, v17  }
0x2d6: {  	v18 =	vld [tilespmem:s24+$0x6680]  }
0x2d7: {  	v17 =	vadd.f32 v19, v17  }
0x2d8: {  	v19 =	vld [tilespmem:s24+$0x6700]  }
0x2d9: {  	v17 =	vadd.f32 v20, v17  }
0x2da: {  	v20 =	vld [tilespmem:s24+$0x6780]  }
0x2db: {  	v17 =	vadd.f32 v18, v17  }
0x2dc: {  	v18 =	vld [tilespmem:s24+$0x6800]  }
0x2dd: {  	v17 =	vadd.f32 v19, v17  }
0x2de: {  	v19 =	vld [tilespmem:s24+$0x6880]  }
0x2df: {  	v17 =	vadd.f32 v20, v17  }
0x2e0: {  	v20 =	vld [tilespmem:s24+$0x6D00]  }
0x2e1: {  	v17 =	vadd.f32 v18, v17  }
0x2e2: {  	v18 =	vld [tilespmem:s24+$0x6D80]  }
0x2e3: {  	v17 =	vadd.f32 v19, v17  }
0x2e4: {  	v19 =	vld [tilespmem:s24+$0x6E00]  }
0x2e5: {  	v17 =	vadd.f32 v20, v17  }
0x2e6: {  	v20 =	vld [tilespmem:s24+$0x6E80]  }
0x2e7: {  	v17 =	vadd.f32 v18, v17  }
0x2e8: {  	v18 =	vld [tilespmem:s24+$0x6F00]  }
0x2e9: {  	v17 =	vadd.f32 v19, v17  }
0x2ea: {  	v19 =	vld [tilespmem:s24+$0x6F80]  }
0x2eb: {  	v17 =	vadd.f32 v20, v17  }
0x2ec: {  	v20 =	vld [tilespmem:s24+$0x7000]  }
0x2ed: {  	v17 =	vadd.f32 v18, v17  }
0x2ee: {  	v18 =	vld [tilespmem:s24+$0x7080]  }
0x2ef: {  	v17 =	vadd.f32 v19, v17;
	_ =	sdelay $0x1  }
.Ltmp5:
0x2f0: {  	v17 =	vadd.f32 v20, v17;
	(pc) =	sbr.rel @p0 .LBB2_12-.Ltmp5, $4  }
0x2f1: {  	_ = 	snop  }
0x2f2: {  	s25 =	sadd.s32 $0x80, s25;
	v17 =	vadd.f32 v18, v17  }
0x2f3: {  	s23 =	sand.u32 $0xF0, s23;
	s8 =	sand.u32 $0x70, s26;
	s24 =	sand.u32 $0x400, s25  }
0x2f4: {  	s24 =	sor.u32 s8, s24;
	[tilespmem:s23+$0x7900] =	vst v17;
	s23 =	smov.u32 s26;
	s26 =	sadd.s32 $0x10, s26  }
0x2f5: {  	v17 =	vld [tilespmem:s24+$0x5580]  }
0x2f6: {  	v18 =	vld [tilespmem:s24+$0x5500];
	_ =	sdelay $0x1  }
0x2f7: {  	v19 =	vld [tilespmem:s24+$0x5600];
	_ =	sdelay $0x1  }
0x2f8: {  	v20 =	vld [tilespmem:s24+$0x5680]  }
0x2f9: {  	v17 =	vadd.f32 v17, v18  }
0x2fa: {  	v18 =	vld [tilespmem:s24+$0x5700]  }
0x2fb: {  	v17 =	vadd.f32 v19, v17  }
0x2fc: {  	v19 =	vld [tilespmem:s24+$0x5780]  }
0x2fd: {  	v17 =	vadd.f32 v20, v17  }
0x2fe: {  	v55 =	vld [tilespmem:s24+$0x5800];
	s8 =	sor.u32 s25, s23  }
0x2ff: {  	s8 =	sor.u32 $0x380, s8;
	v17 =	vadd.f32 v18, v17  }
0x300: {  	v18 =	vld [tilespmem:s8+$0x5500]  }
0x301: {  	v17 =	vadd.f32 v19, v17  }
0x302: {  	v19 =	vld [tilespmem:s24+$0x5D00]  }
0x303: {  	v17 =	vadd.f32 v55, v17  }
0x304: {  	v56 =	vld [tilespmem:s24+$0x5D80]  }
0x305: {  	v17 =	vadd.f32 v18, v17  }
0x306: {  	v18 =	vld [tilespmem:s24+$0x5E00]  }
0x307: {  	v17 =	vadd.f32 v19, v17  }
0x308: {  	v19 =	vld [tilespmem:s24+$0x5E80]  }
0x309: {  	v17 =	vadd.f32 v56, v17  }
0x30a: {  	v57 =	vld [tilespmem:s24+$0x5F00]  }
0x30b: {  	v17 =	vadd.f32 v18, v17  }
0x30c: {  	v18 =	vld [tilespmem:s24+$0x5F80]  }
0x30d: {  	v17 =	vadd.f32 v19, v17  }
0x30e: {  	v19 =	vld [tilespmem:s24+$0x6000]  }
0x30f: {  	v17 =	vadd.f32 v57, v17  }
0x310: {  	v58 =	vld [tilespmem:s24+$0x6080]  }
0x311: {  	v17 =	vadd.f32 v18, v17  }
0x312: {  	v18 =	vld [tilespmem:s24+$0x6500]  }
0x313: {  	v17 =	vadd.f32 v19, v17  }
0x314: {  	v19 =	vld [tilespmem:s24+$0x6580]  }
0x315: {  	v17 =	vadd.f32 v58, v17  }
0x316: {  	v59 =	vld [tilespmem:s24+$0x6600]  }
0x317: {  	v17 =	vadd.f32 v18, v17  }
0x318: {  	v18 =	vld [tilespmem:s24+$0x6680]  }
0x319: {  	v17 =	vadd.f32 v19, v17  }
0x31a: {  	v19 =	vld [tilespmem:s24+$0x6700]  }
0x31b: {  	v17 =	vadd.f32 v59, v17  }
0x31c: {  	v60 =	vld [tilespmem:s24+$0x6780]  }
0x31d: {  	v17 =	vadd.f32 v18, v17  }
0x31e: {  	v18 =	vld [tilespmem:s24+$0x6800]  }
0x31f: {  	v17 =	vadd.f32 v19, v17  }
0x320: {  	v19 =	vld [tilespmem:s24+$0x6880]  }
0x321: {  	v17 =	vadd.f32 v60, v17  }
0x322: {  	v61 =	vld [tilespmem:s24+$0x6D00]  }
0x323: {  	v17 =	vadd.f32 v18, v17  }
0x324: {  	v18 =	vld [tilespmem:s24+$0x6D80]  }
0x325: {  	v17 =	vadd.f32 v19, v17  }
0x326: {  	v19 =	vld [tilespmem:s24+$0x6E00]  }
0x327: {  	v17 =	vadd.f32 v61, v17  }
0x328: {  	v62 =	vld [tilespmem:s24+$0x6E80]  }
0x329: {  	v17 =	vadd.f32 v18, v17  }
0x32a: {  	v18 =	vld [tilespmem:s24+$0x6F00]  }
0x32b: {  	v17 =	vadd.f32 v19, v17  }
0x32c: {  	v19 =	vld [tilespmem:s24+$0x6F80]  }
0x32d: {  	v17 =	vadd.f32 v62, v17  }
0x32e: {  	v63 =	vld [tilespmem:s24+$0x7000]  }
0x32f: {  	v17 =	vadd.f32 v18, v17  }
0x330: {  	v18 =	vld [tilespmem:s24+$0x7080]  }
0x331: {  	v17 =	vadd.f32 v19, v17;
	_ =	sdelay $0x1  }
0x332: {  	v17 =	vadd.f32 v63, v17;
	_ =	sdelay $0x1  }
0x333: {  	v17 =	vadd.f32 v18, v17  }
0x334: {  	s25 =	sand.u32 $0xF0, s23  }
0x335: {  	s23 =	simm.s32 $0x0;
	s26 =	rddreg [dreg:$0xf];
	s28 =	simm.s32 $0x7500;
	[tilespmem:s25+$0x7900] =	vst v17  }
0x336: {  	[hbm4b:s26+s23] =	stream.linear.scatter [tilespmem:s28], [sflag:$0x7], $0x500, $0x38;
	[tilespmem:$0x1BA00] =	vst v63  }
0x337: {  	_ =	swait.ge [sflag:s30], $0x500  }
0x338: {  	[sflag:s30] =	ssyncset.done $0x0  }
0x339: {  	[sflag:s30] =	ssyncadd.s32 $0xFFFFFB00  }
0x33a: {  	s24 =	simm.s32 $0x0;
	[bflag:$0x0] =	sbarrier.arrive $0xFFFF  }
.LBB2_14:
0x33b: {  	s8 =	smul.u32 $0xA0, s24;
	_ =	sdelay $0x1  }
0x33c: {  	s8 =	sadd.s32 s13, s8  }
0x33d: {  	s25 =	sshrl.u32 s8, $0x3  }
0x33e: {  	s26 =	sadd.s32 s5, s25  }
0x33f: {  	[tilespmem:s23], [sflag:$0x7] =	stream.linear.gather [hbm4b:s26+s23], $0x50, $0x38;
	[tilespmem:$0x1BA00] =	vst v63  }
0x340: {  	_ =	swait.ge [sflag:s30], $0x50  }
0x341: {  	[sflag:s30] =	ssyncset.done $0x0  }
0x342: {  	s25 =	sadd.s32 s6, s25;
	[sflag:s30] =	ssyncadd.s32 $0xFFFFFFB0  }
0x343: {  	[tilespmem:s9], [sflag:$0x7] =	stream.linear.gather [hbm4b:s25+s23], $0x50, $0x38;
	[tilespmem:$0x1BA00] =	vst v63  }
0x344: {  	_ =	swait.ge [sflag:s30], $0x50  }
0x345: {  	[sflag:s30] =	ssyncset.done $0x0  }
0x346: {  	s26 =	sshrl.u32 s8, $0x1;
	[sflag:s30] =	ssyncadd.s32 $0xFFFFFFB0  }
0x347: {  	[tilespmem:s29], [sflag:$0x1] =	stream.indirect.gather [hbm4b:s1+s10], $0x80, s23, s10, $0xb8;
	[tilespmem:$0x1BA00] =	vst v63  }
0x348: {  	s8 =	sadd.s32 $0x50, s8;
	s25 =	sadd.s32 s7, s26  }
0x349: {  	[tilespmem:s11], [sflag:$0x2] =	stream.linear.gather [hbm4b:s25+s23], $0x140, $0x38;
	[tilespmem:$0x1BA00] =	vst v63  }
0x34a: {  	s25 =	sshrl.u32 s8, $0x3  }
0x34b: {  	s26 =	sadd.s32 s5, s25  }
0x34c: {  	[tilespmem:s12], [sflag:$0x7] =	stream.linear.gather [hbm4b:s26+s23], $0x50, $0x38;
	[tilespmem:$0x1BA00] =	vst v63  }
0x34d: {  	_ =	swait.ge [sflag:s30], $0x50  }
0x34e: {  	[sflag:s30] =	ssyncset.done $0x0  }
0x34f: {  	s25 =	sadd.s32 s6, s25;
	[sflag:s30] =	ssyncadd.s32 $0xFFFFFFB0  }
0x350: {  	[tilespmem:s14], [sflag:$0x7] =	stream.linear.gather [hbm4b:s25+s23], $0x50, $0x38;
	[tilespmem:$0x1BA00] =	vst v63  }
0x351: {  	_ =	swait.ge [sflag:s30], $0x50  }
0x352: {  	[sflag:s30] =	ssyncset.done $0x0  }
0x353: {  	s8 =	sshrl.u32 s8, $0x1;
	[sflag:s30] =	ssyncadd.s32 $0xFFFFFFB0  }
0x354: {  	[tilespmem:s15], [sflag:$0x3] =	stream.indirect.gather [hbm4b:s1+s10], $0x80, s12, s10, $0xb8;
	[tilespmem:$0x1BA00] =	vst v63  }
0x355: {  	s8 =	sadd.s32 s7, s8  }
0x356: {  	[tilespmem:s16], [sflag:$0x4] =	stream.linear.gather [hbm4b:s8+s23], $0x140, $0x38;
	[tilespmem:$0x1BA00] =	vst v63  }
0x357: {  	_ =	swait.ge [sflag:s17], $0x2800  }
0x358: {  	[sflag:s17] =	ssyncset.done $0x0  }
0x359: {  	[sflag:s17] =	ssyncadd.s32 $0xFFFFD800  }
0x35a: {  	_ =	swait.ge [sflag:s18], $0x140  }
0x35b: {  	[sflag:s18] =	ssyncset.done $0x0  }
0x35c: {  	s25 =	simm.s32 $0x200;
	[sflag:s18] =	ssyncadd.s32 $0xFFFFFEC0  }
0x35d: {  	v22 =	vld [tilespmem:s25+$0xFFFFFFA0]  }
0x35e: {  	v20 =	vld [tilespmem:s25+$0xFFFFFFF0]  }
0x35f: {  	v17 =	vld [tilespmem:s25+$0xFFFFFF60]  }
0x360: {  	v23 =	vld [tilespmem:s25+$0xFFFFFFD0]  }
0x361: {  	v24 =	vld [tilespmem:s25+$0x80]  }
0x362: {  	v27 =	vld [tilespmem:s25+$0xFFFFFF10]  }
0x363: {  	v31 =	vld [tilespmem:s25+$0xE0]  }
0x364: {  	v26 =	vld [tilespmem:s25+$0xFFFFFF40]  }
0x365: {  	s26 =	simm.s32 $0x0;
	v18 =	vld [tilespmem:s25+$0xFFFFFF90]  }
0x366: {  	v19 =	vld [tilespmem:s26+$0x2900]  }
0x367: {  	v25 =	vld [tilespmem:s25+$0xFFFFFFC0]  }
0x368: {  	v28 =	vld [tilespmem:s25+$0xFFFFFF00]  }
0x369: {  	v29 =	vld [tilespmem:s25+$0xD0]  }
0x36a: {  	v38 =	vld [tilespmem:s25+$0xC0]  }
0x36b: {  	v36 =	vld [tilespmem:s25+$0x90];
	v34 =	vperm.xlane v19, v1;
	v21 =	vperm.xlane v19, v16  }
0x36c: {  	v37 =	vld [tilespmem:s25+$0xFFFFFF50];
	v35 =	vperm.xlane v19, v3;
	v33 =	vperm.xlane v19, v15  }
0x36d: {  	v32 =	vld [tilespmem:s25+$0xB0];
	v30 =	vperm.xlane v19, v13;
	v40 =	vmul.f32 v28, v34  }
0x36e: {  	s28 =	simm.s32 $0x200;
	s26 =	simm.s32 $0x40;
	v28 =	vperm.xlane v19, v14;
	v39 =	vmul.f32 v26, v35;
	v26 =	vld [tilespmem:s25+$0x60]  }
.LBB2_15:
0x36f: {  	p0 =	sne.s32 s26, $0x4C0  }
0x370: {  	[tilespmem:s25+$0xFFFFFF00] =	vst v40;
	v40 =	vld [tilespmem:s25+$0xFFFFFFB0];
	v38 =	vmul.f32 v38, v33;
	v31 =	vmul.f32 v31, v21;
	s28 =	sadd.s32 $0x200, s28;
	s8 =	smov.u32 s26;
	s26 =	sadd.s32 $0x40, s26  }
0x371: {  	[tilespmem:s25+$0xFFFFFF40] =	vst v39;
	v39 =	vperm.xlane v19, v11;
	v36 =	vmul.f32 v36, v30;
	v41 =	vld [tilespmem:s25+$0xA0]  }
0x372: {  	v27 =	vmul.f32 v27, v34;
	v34 =	vmul.f32 v37, v35;
	v35 =	vld [tilespmem:s25+$0x70];
	[tilespmem:s25+$0xE0] =	vst v31  }
0x373: {  	v31 =	vperm.xlane v19, v6;
	v37 =	vld [tilespmem:s25+$0xFFFFFFE0];
	v32 =	vmul.f32 v32, v28;
	[tilespmem:s25+$0xC0] =	vst v38  }
0x374: {  	v29 =	vmul.f32 v29, v33;
	[tilespmem:s25+$0xFFFFFF10] =	vst v27;
	v27 =	vperm.xlane v19, v7;
	v38 =	vld [tilespmem:s25+$0x40]  }
0x375: {  	v42 =	vperm.xlane v19, v12;
	v22 =	vmul.f32 v22, v31;
	v33 =	vld [tilespmem:s25+$0xFFFFFF20];
	[tilespmem:s25+$0x90] =	vst v36  }
0x376: {  	[tilespmem:s25+$0xFFFFFF50] =	vst v34;
	v34 =	vperm.xlane v19, v10;
	v36 =	vld [tilespmem:s25+$0x20];
	v28 =	vmul.f32 v41, v28  }
0x377: {  	v31 =	vmul.f32 v40, v31;
	v40 =	vld [tilespmem:s25+$0x50];
	v35 =	vmul.f32 v35, v42;
	[tilespmem:s25+$0xD0] =	vst v29  }
0x378: {  	v24 =	vmul.f32 v24, v30;
	v29 =	vperm.xlane v19, v8;
	v41 =	vld [tilespmem:s25+$0x30];
	[tilespmem:s25+$0xA0] =	vst v28  }
0x379: {  	v25 =	vmul.f32 v25, v27;
	v28 =	vperm.xlane v19, v4;
	v30 =	vld [tilespmem:s25+$0x0];
	[tilespmem:s25+$0x70] =	vst v35  }
0x37a: {  	v26 =	vmul.f32 v26, v42;
	v23 =	vmul.f32 v23, v27;
	v27 =	vld [tilespmem:s25+$0x10];
	[tilespmem:s25+$0x80] =	vst v24  }
0x37b: {  	v35 =	vperm.xlane v19, v9;
	v38 =	vmul.f32 v38, v39;
	v24 =	vld [tilespmem:s25+$0xFFFFFF30];
	[tilespmem:s25+$0xB0] =	vst v32  }
0x37c: {  	v32 =	vperm.xlane v19, v2;
	v42 =	vld [tilespmem:s25+$0xFFFFFF70];
	[tilespmem:s25+$0xFFFFFFD0] =	vst v23;
	v39 =	vmul.f32 v40, v39  }
0x37d: {  	v20 =	vmul.f32 v20, v29;
	v23 =	vmul.f32 v37, v29;
	[tilespmem:s25+$0xFFFFFFC0] =	vst v25;
	v25 =	vld [tilespmem:s25+$0xF0]  }
0x37e: {  	v37 =	vmul.f32 v41, v34;
	v29 =	vld [tilespmem:s25+$0xFFFFFF80];
	[tilespmem:s25+$0xFFFFFFA0] =	vst v22;
	v30 =	vmul.f32 v30, v35  }
0x37f: {  	v22 =	vld [tilespmem:s28+$0xFFFFFFA0];
	[tilespmem:s25+$0xFFFFFFF0] =	vst v20;
	v35 =	vmul.f32 v27, v35;
	v27 =	vmul.f32 v36, v34  }
0x380: {  	v20 =	vmul.f32 v33, v32;
	v32 =	vmul.f32 v24, v32;
	[tilespmem:s25+$0x60] =	vst v26  }
0x381: {  	v17 =	vmul.f32 v17, v28;
	v24 =	vmul.f32 v42, v28;
	[tilespmem:s25+$0xFFFFFFB0] =	vst v31  }
0x382: {  	v19 =	vperm.xlane v19, v5;
	[tilespmem:s25+$0xFFFFFF20] =	vst v20;
	v20 =	vmul.f32 v25, v21  }
0x383: {  	[tilespmem:s25+$0xFFFFFF60] =	vst v17  }
0x384: {  	v21 =	vmul.f32 v29, v19;
	v17 =	vmul.f32 v18, v19;
	[tilespmem:s25+$0x40] =	vst v38  }
0x385: {  	[tilespmem:s25+$0xFFFFFFE0] =	vst v23  }
0x386: {  	[tilespmem:s25+$0xF0] =	vst v20  }
0x387: {  	[tilespmem:s25+$0xFFFFFF90] =	vst v17  }
0x388: {  	v20 =	vld [tilespmem:s28+$0xFFFFFFF0];
	[tilespmem:s25+$0xFFFFFF70] =	vst v24  }
0x389: {  	v17 =	vld [tilespmem:s28+$0xFFFFFF60];
	[tilespmem:s25+$0x20] =	vst v27  }
0x38a: {  	v23 =	vld [tilespmem:s28+$0xFFFFFFD0];
	[tilespmem:s25+$0x30] =	vst v37  }
0x38b: {  	v24 =	vld [tilespmem:s28+$0x80];
	[tilespmem:s25+$0xFFFFFF80] =	vst v21  }
0x38c: {  	v27 =	vld [tilespmem:s28+$0xFFFFFF10];
	[tilespmem:s25+$0x50] =	vst v39  }
0x38d: {  	v31 =	vld [tilespmem:s28+$0xE0];
	[tilespmem:s25+$0x0] =	vst v30  }
0x38e: {  	v26 =	vld [tilespmem:s28+$0xFFFFFF40];
	[tilespmem:s25+$0xFFFFFF30] =	vst v32  }
0x38f: {  	s8 =	sshra.s32 s8, $0x2;
	v18 =	vld [tilespmem:s28+$0xFFFFFF90];
	[tilespmem:s25+$0x10] =	vst v35;
	s25 =	smov.u32 s28  }
0x390: {  	v19 =	vld [tilespmem:s8+$0x2900]  }
0x391: {  	v25 =	vld [tilespmem:s28+$0xFFFFFFC0]  }
0x392: {  	v28 =	vld [tilespmem:s28+$0xFFFFFF00]  }
0x393: {  	v29 =	vld [tilespmem:s28+$0xD0]  }
.Ltmp6:
0x394: {  	v38 =	vld [tilespmem:s28+$0xC0];
	(pc) =	sbr.rel @p0 .LBB2_15-.Ltmp6, $4  }
0x395: {  	v34 =	vperm.xlane v19, v1;
	v36 =	vld [tilespmem:s28+$0x90];
	v21 =	vperm.xlane v19, v16  }
0x396: {  	v35 =	vperm.xlane v19, v3;
	v33 =	vperm.xlane v19, v15;
	v37 =	vld [tilespmem:s28+$0xFFFFFF50]  }
0x397: {  	v40 =	vmul.f32 v28, v34;
	v28 =	vperm.xlane v19, v14;
	v32 =	vld [tilespmem:s28+$0xB0]  }
0x398: {  	v30 =	vperm.xlane v19, v13;
	v39 =	vmul.f32 v26, v35;
	v26 =	vld [tilespmem:s28+$0x60]  }
0x399: {  	[tilespmem:s25+$0xFFFFFF00] =	vst v40;
	v31 =	vmul.f32 v31, v21  }
0x39a: {  	v38 =	vmul.f32 v38, v33;
	[tilespmem:s25+$0xFFFFFF40] =	vst v39  }
0x39b: {  	v27 =	vmul.f32 v27, v34;
	[tilespmem:s25+$0xE0] =	vst v31  }
0x39c: {  	v24 =	vmul.f32 v24, v30;
	[tilespmem:s25+$0xC0] =	vst v38  }
0x39d: {  	v31 =	vmul.f32 v36, v30;
	[tilespmem:s25+$0xFFFFFF10] =	vst v27  }
0x39e: {  	v52 =	vld [tilespmem:s25+$0xA0];
	v59 =	vperm.xlane v19, v6;
	v35 =	vmul.f32 v37, v35;
	[tilespmem:s25+$0x80] =	vst v24  }
0x39f: {  	v53 =	vld [tilespmem:s25+$0x70];
	v62 =	vperm.xlane v19, v4;
	v27 =	vmul.f32 v29, v33;
	[tilespmem:s25+$0x90] =	vst v31  }
0x3a0: {  	v55 =	vperm.xlane v19, v12;
	v22 =	vmul.f32 v22, v59;
	[tilespmem:s25+$0xFFFFFF50] =	vst v35  }
0x3a1: {  	v17 =	vmul.f32 v17, v62;
	[tilespmem:s25+$0xD0] =	vst v27  }
0x3a2: {  	v54 =	vld [tilespmem:s25+$0xFFFFFFB0];
	v26 =	vmul.f32 v26, v55;
	[tilespmem:s25+$0xFFFFFFA0] =	vst v22  }
0x3a3: {  	v63 =	vld [tilespmem:s25+$0xF0];
	[tilespmem:s25+$0xFFFFFF60] =	vst v17;
	v56 =	vmul.f32 v52, v28  }
0x3a4: {  	v24 =	vperm.xlane v19, v8;
	v34 =	vmul.f32 v53, v55;
	[tilespmem:s25+$0x60] =	vst v26  }
0x3a5: {  	v28 =	vmul.f32 v32, v28;
	[tilespmem:s25+$0xA0] =	vst v56  }
0x3a6: {  	v29 =	vld [tilespmem:s25+$0xFFFFFF20];
	v20 =	vmul.f32 v20, v24;
	[tilespmem:s25+$0x70] =	vst v34  }
0x3a7: {  	v30 =	vld [tilespmem:s25+$0x20];
	v27 =	vperm.xlane v19, v7;
	v22 =	vmul.f32 v54, v59;
	[tilespmem:s25+$0xB0] =	vst v28  }
0x3a8: {  	v57 =	vld [tilespmem:s25+$0x40];
	v17 =	vmul.f32 v63, v21;
	[tilespmem:s25+$0xFFFFFFF0] =	vst v20  }
0x3a9: {  	v61 =	vperm.xlane v19, v2;
	v31 =	vld [tilespmem:s25+$0xFFFFFFE0];
	v23 =	vmul.f32 v23, v27;
	[tilespmem:s25+$0xFFFFFFB0] =	vst v22  }
0x3aa: {  	v58 =	vld [tilespmem:s25+$0x50];
	v21 =	vperm.xlane v19, v10;
	v25 =	vmul.f32 v25, v27;
	[tilespmem:s25+$0xF0] =	vst v17  }
0x3ab: {  	v20 =	vperm.xlane v19, v11;
	v29 =	vmul.f32 v29, v61;
	[tilespmem:s25+$0xFFFFFFD0] =	vst v23  }
0x3ac: {  	v26 =	vld [tilespmem:s25+$0xFFFFFF30];
	v17 =	vmul.f32 v30, v21;
	[tilespmem:s25+$0xFFFFFFC0] =	vst v25  }
0x3ad: {  	v28 =	vld [tilespmem:s25+$0xFFFFFF70];
	v22 =	vmul.f32 v57, v20;
	[tilespmem:s25+$0xFFFFFF20] =	vst v29  }
0x3ae: {  	v60 =	vld [tilespmem:s25+$0x30];
	v24 =	vmul.f32 v31, v24;
	v29 =	vperm.xlane v19, v5;
	[tilespmem:s25+$0x20] =	vst v17  }
0x3af: {  	v23 =	vld [tilespmem:s25+$0xFFFFFF80];
	v17 =	vmul.f32 v58, v20;
	[tilespmem:s25+$0x40] =	vst v22  }
0x3b0: {  	v25 =	vld [tilespmem:s25+$0x10];
	v18 =	vmul.f32 v18, v29;
	[tilespmem:s25+$0xFFFFFFE0] =	vst v24  }
0x3b1: {  	v27 =	vld [tilespmem:s25+$0x0];
	v20 =	vmul.f32 v26, v61;
	[tilespmem:s25+$0x50] =	vst v17  }
0x3b2: {  	v22 =	vmul.f32 v28, v62;
	[tilespmem:s25+$0xFFFFFF90] =	vst v18  }
0x3b3: {  	v19 =	vperm.xlane v19, v9;
	v18 =	vmul.f32 v60, v21;
	[tilespmem:s25+$0xFFFFFF30] =	vst v20  }
0x3b4: {  	v21 =	vmul.f32 v23, v29;
	[tilespmem:s25+$0xFFFFFF70] =	vst v22  }
0x3b5: {  	v17 =	vmul.f32 v25, v19;
	[tilespmem:s25+$0x30] =	vst v18  }
0x3b6: {  	v18 =	vmul.f32 v27, v19;
	[tilespmem:s25+$0xFFFFFF80] =	vst v21  }
0x3b7: {  	[tilespmem:s25+$0x10] =	vst v17  }
0x3b8: {  	[tilespmem:s25+$0x0] =	vst v18  }
0x3b9: {  	[spmem:s2] =	stream.indirect.scatter.add.f32 [tilespmem:s29], [sflag:$0x5], $0x80, s9, s10, $0xb8;
	[tilespmem:$0x1BA00] =	vst v63  }
0x3ba: {  	_ =	swait.ge [sflag:s19], $0x2800  }
0x3bb: {  	[sflag:s19] =	ssyncset.done $0x0  }
0x3bc: {  	[sflag:s19] =	ssyncadd.s32 $0xFFFFD800  }
0x3bd: {  	_ =	swait.ge [sflag:s20], $0x140  }
0x3be: {  	[sflag:s20] =	ssyncset.done $0x0  }
0x3bf: {  	s25 =	simm.s32 $0x2C80;
	[sflag:s20] =	ssyncadd.s32 $0xFFFFFEC0  }
0x3c0: {  	v22 =	vld [tilespmem:s25+$0xFFFFFFA0]  }
0x3c1: {  	v20 =	vld [tilespmem:s25+$0xFFFFFFF0]  }
0x3c2: {  	v17 =	vld [tilespmem:s25+$0xFFFFFF60]  }
0x3c3: {  	v23 =	vld [tilespmem:s25+$0xFFFFFFD0]  }
0x3c4: {  	v24 =	vld [tilespmem:s25+$0x80]  }
0x3c5: {  	v27 =	vld [tilespmem:s25+$0xFFFFFF10]  }
0x3c6: {  	v31 =	vld [tilespmem:s25+$0xE0]  }
0x3c7: {  	v26 =	vld [tilespmem:s25+$0xFFFFFF40]  }
0x3c8: {  	s8 =	simm.s32 $0x0;
	v18 =	vld [tilespmem:s25+$0xFFFFFF90]  }
0x3c9: {  	v19 =	vld [tilespmem:s8+$0x5380]  }
0x3ca: {  	v25 =	vld [tilespmem:s25+$0xFFFFFFC0]  }
0x3cb: {  	v28 =	vld [tilespmem:s25+$0xFFFFFF00]  }
0x3cc: {  	v29 =	vld [tilespmem:s25+$0xD0]  }
0x3cd: {  	v38 =	vld [tilespmem:s25+$0xC0]  }
0x3ce: {  	v36 =	vld [tilespmem:s25+$0x90];
	v34 =	vperm.xlane v19, v1;
	v21 =	vperm.xlane v19, v16  }
0x3cf: {  	v37 =	vld [tilespmem:s25+$0xFFFFFF50];
	v35 =	vperm.xlane v19, v3;
	v33 =	vperm.xlane v19, v15  }
0x3d0: {  	v32 =	vld [tilespmem:s25+$0xB0];
	v30 =	vperm.xlane v19, v13;
	v40 =	vmul.f32 v28, v34  }
0x3d1: {  	s26 =	simm.s32 $0x40;
	s28 =	simm.s32 $0x2C80;
	v28 =	vperm.xlane v19, v14;
	v39 =	vmul.f32 v26, v35;
	v26 =	vld [tilespmem:s25+$0x60]  }
.LBB2_17:
0x3d2: {  	p0 =	sne.s32 s26, $0x4C0  }
0x3d3: {  	[tilespmem:s25+$0xFFFFFF00] =	vst v40;
	v40 =	vld [tilespmem:s25+$0xFFFFFFB0];
	v38 =	vmul.f32 v38, v33;
	v31 =	vmul.f32 v31, v21;
	s28 =	sadd.s32 $0x200, s28;
	s8 =	smov.u32 s26;
	s26 =	sadd.s32 $0x40, s26  }
0x3d4: {  	[tilespmem:s25+$0xFFFFFF40] =	vst v39;
	v39 =	vperm.xlane v19, v11;
	v36 =	vmul.f32 v36, v30;
	v41 =	vld [tilespmem:s25+$0xA0]  }
0x3d5: {  	v27 =	vmul.f32 v27, v34;
	v34 =	vmul.f32 v37, v35;
	v35 =	vld [tilespmem:s25+$0x70];
	[tilespmem:s25+$0xE0] =	vst v31  }
0x3d6: {  	v31 =	vperm.xlane v19, v6;
	v37 =	vld [tilespmem:s25+$0xFFFFFFE0];
	v32 =	vmul.f32 v32, v28;
	[tilespmem:s25+$0xC0] =	vst v38  }
0x3d7: {  	v29 =	vmul.f32 v29, v33;
	[tilespmem:s25+$0xFFFFFF10] =	vst v27;
	v27 =	vperm.xlane v19, v7;
	v38 =	vld [tilespmem:s25+$0x40]  }
0x3d8: {  	v42 =	vperm.xlane v19, v12;
	v22 =	vmul.f32 v22, v31;
	v33 =	vld [tilespmem:s25+$0xFFFFFF20];
	[tilespmem:s25+$0x90] =	vst v36  }
0x3d9: {  	[tilespmem:s25+$0xFFFFFF50] =	vst v34;
	v34 =	vperm.xlane v19, v10;
	v36 =	vld [tilespmem:s25+$0x20];
	v28 =	vmul.f32 v41, v28  }
0x3da: {  	v31 =	vmul.f32 v40, v31;
	v40 =	vld [tilespmem:s25+$0x50];
	v35 =	vmul.f32 v35, v42;
	[tilespmem:s25+$0xD0] =	vst v29  }
0x3db: {  	v24 =	vmul.f32 v24, v30;
	v29 =	vperm.xlane v19, v8;
	v41 =	vld [tilespmem:s25+$0x30];
	[tilespmem:s25+$0xA0] =	vst v28  }
0x3dc: {  	v25 =	vmul.f32 v25, v27;
	v28 =	vperm.xlane v19, v4;
	v30 =	vld [tilespmem:s25+$0x0];
	[tilespmem:s25+$0x70] =	vst v35  }
0x3dd: {  	v26 =	vmul.f32 v26, v42;
	v23 =	vmul.f32 v23, v27;
	v27 =	vld [tilespmem:s25+$0x10];
	[tilespmem:s25+$0x80] =	vst v24  }
0x3de: {  	v35 =	vperm.xlane v19, v9;
	v38 =	vmul.f32 v38, v39;
	v24 =	vld [tilespmem:s25+$0xFFFFFF30];
	[tilespmem:s25+$0xB0] =	vst v32  }
0x3df: {  	v32 =	vperm.xlane v19, v2;
	v42 =	vld [tilespmem:s25+$0xFFFFFF70];
	[tilespmem:s25+$0xFFFFFFD0] =	vst v23;
	v39 =	vmul.f32 v40, v39  }
0x3e0: {  	v20 =	vmul.f32 v20, v29;
	v23 =	vmul.f32 v37, v29;
	[tilespmem:s25+$0xFFFFFFC0] =	vst v25;
	v25 =	vld [tilespmem:s25+$0xF0]  }
0x3e1: {  	v37 =	vmul.f32 v41, v34;
	v29 =	vld [tilespmem:s25+$0xFFFFFF80];
	[tilespmem:s25+$0xFFFFFFA0] =	vst v22;
	v30 =	vmul.f32 v30, v35  }
0x3e2: {  	v22 =	vld [tilespmem:s28+$0xFFFFFFA0];
	[tilespmem:s25+$0xFFFFFFF0] =	vst v20;
	v35 =	vmul.f32 v27, v35;
	v27 =	vmul.f32 v36, v34  }
0x3e3: {  	v20 =	vmul.f32 v33, v32;
	v32 =	vmul.f32 v24, v32;
	[tilespmem:s25+$0x60] =	vst v26  }
0x3e4: {  	v17 =	vmul.f32 v17, v28;
	v24 =	vmul.f32 v42, v28;
	[tilespmem:s25+$0xFFFFFFB0] =	vst v31  }
0x3e5: {  	v19 =	vperm.xlane v19, v5;
	[tilespmem:s25+$0xFFFFFF20] =	vst v20;
	v20 =	vmul.f32 v25, v21  }
0x3e6: {  	[tilespmem:s25+$0xFFFFFF60] =	vst v17  }
0x3e7: {  	v21 =	vmul.f32 v29, v19;
	v17 =	vmul.f32 v18, v19;
	[tilespmem:s25+$0x40] =	vst v38  }
0x3e8: {  	[tilespmem:s25+$0xFFFFFFE0] =	vst v23  }
0x3e9: {  	[tilespmem:s25+$0xF0] =	vst v20  }
0x3ea: {  	[tilespmem:s25+$0xFFFFFF90] =	vst v17  }
0x3eb: {  	v20 =	vld [tilespmem:s28+$0xFFFFFFF0];
	[tilespmem:s25+$0xFFFFFF70] =	vst v24  }
0x3ec: {  	v17 =	vld [tilespmem:s28+$0xFFFFFF60];
	[tilespmem:s25+$0x20] =	vst v27  }
0x3ed: {  	v23 =	vld [tilespmem:s28+$0xFFFFFFD0];
	[tilespmem:s25+$0x30] =	vst v37  }
0x3ee: {  	v24 =	vld [tilespmem:s28+$0x80];
	[tilespmem:s25+$0xFFFFFF80] =	vst v21  }
0x3ef: {  	v27 =	vld [tilespmem:s28+$0xFFFFFF10];
	[tilespmem:s25+$0x50] =	vst v39  }
0x3f0: {  	v31 =	vld [tilespmem:s28+$0xE0];
	[tilespmem:s25+$0x0] =	vst v30  }
0x3f1: {  	v26 =	vld [tilespmem:s28+$0xFFFFFF40];
	[tilespmem:s25+$0xFFFFFF30] =	vst v32  }
0x3f2: {  	s8 =	sshra.s32 s8, $0x2;
	v18 =	vld [tilespmem:s28+$0xFFFFFF90];
	[tilespmem:s25+$0x10] =	vst v35;
	s25 =	smov.u32 s28  }
0x3f3: {  	v19 =	vld [tilespmem:s8+$0x5380]  }
0x3f4: {  	v25 =	vld [tilespmem:s28+$0xFFFFFFC0]  }
0x3f5: {  	v28 =	vld [tilespmem:s28+$0xFFFFFF00]  }
0x3f6: {  	v29 =	vld [tilespmem:s28+$0xD0]  }
.Ltmp7:
0x3f7: {  	v38 =	vld [tilespmem:s28+$0xC0];
	(pc) =	sbr.rel @p0 .LBB2_17-.Ltmp7, $4  }
0x3f8: {  	v34 =	vperm.xlane v19, v1;
	v36 =	vld [tilespmem:s28+$0x90];
	v21 =	vperm.xlane v19, v16  }
0x3f9: {  	v35 =	vperm.xlane v19, v3;
	v33 =	vperm.xlane v19, v15;
	v37 =	vld [tilespmem:s28+$0xFFFFFF50]  }
0x3fa: {  	v40 =	vmul.f32 v28, v34;
	v28 =	vperm.xlane v19, v14;
	v32 =	vld [tilespmem:s28+$0xB0]  }
0x3fb: {  	v30 =	vperm.xlane v19, v13;
	v39 =	vmul.f32 v26, v35;
	v26 =	vld [tilespmem:s28+$0x60]  }
0x3fc: {  	[tilespmem:s25+$0xFFFFFF00] =	vst v40;
	v31 =	vmul.f32 v31, v21  }
0x3fd: {  	v38 =	vmul.f32 v38, v33;
	[tilespmem:s25+$0xFFFFFF40] =	vst v39  }
0x3fe: {  	v27 =	vmul.f32 v27, v34;
	[tilespmem:s25+$0xE0] =	vst v31  }
0x3ff: {  	v59 =	vmul.f32 v29, v33;
	[tilespmem:s25+$0xC0] =	vst v38  }
0x400: {  	v57 =	vmul.f32 v36, v30;
	[tilespmem:s25+$0xFFFFFF10] =	vst v27  }
0x401: {  	v41 =	vperm.xlane v19, v7;
	v24 =	vmul.f32 v24, v30;
	[tilespmem:s25+$0xD0] =	vst v59  }
0x402: {  	v35 =	vmul.f32 v37, v35;
	[tilespmem:s25+$0x90] =	vst v57  }
0x403: {  	v45 =	vperm.xlane v19, v6;
	v23 =	vmul.f32 v23, v41;
	[tilespmem:s25+$0x80] =	vst v24  }
0x404: {  	v47 =	vperm.xlane v19, v8;
	v25 =	vmul.f32 v25, v41;
	[tilespmem:s25+$0xFFFFFF50] =	vst v35  }
0x405: {  	v54 =	vperm.xlane v19, v4;
	v22 =	vmul.f32 v22, v45;
	[tilespmem:s25+$0xFFFFFFD0] =	vst v23  }
0x406: {  	v55 =	vld [tilespmem:s25+$0xA0];
	v20 =	vmul.f32 v20, v47;
	[tilespmem:s25+$0xFFFFFFC0] =	vst v25  }
0x407: {  	v56 =	vld [tilespmem:s25+$0x70];
	v61 =	vperm.xlane v19, v12;
	v17 =	vmul.f32 v17, v54;
	[tilespmem:s25+$0xFFFFFFA0] =	vst v22  }
0x408: {  	v58 =	vld [tilespmem:s25+$0xFFFFFFB0];
	v59 =	vperm.xlane v19, v5;
	v43 =	vmul.f32 v32, v28;
	[tilespmem:s25+$0xFFFFFFF0] =	vst v20  }
0x409: {  	v60 =	vld [tilespmem:s25+$0xFFFFFF20];
	v26 =	vmul.f32 v26, v61;
	[tilespmem:s25+$0xFFFFFF60] =	vst v17  }
0x40a: {  	v62 =	vld [tilespmem:s25+$0xFFFFFFE0];
	v18 =	vmul.f32 v18, v59;
	[tilespmem:s25+$0xB0] =	vst v43  }
0x40b: {  	v49 =	vld [tilespmem:s25+$0xFFFFFF70];
	v63 =	vmul.f32 v55, v28;
	[tilespmem:s25+$0x60] =	vst v26  }
0x40c: {  	v50 =	vld [tilespmem:s25+$0xFFFFFF80];
	v52 =	vperm.xlane v19, v2;
	v34 =	vmul.f32 v56, v61;
	[tilespmem:s25+$0xFFFFFF90] =	vst v18  }
0x40d: {  	v40 =	vld [tilespmem:s25+$0x40];
	v53 =	vmul.f32 v58, v45;
	[tilespmem:s25+$0xA0] =	vst v63  }
0x40e: {  	v55 =	vld [tilespmem:s25+$0xF0];
	v29 =	vmul.f32 v60, v52;
	[tilespmem:s25+$0x70] =	vst v34  }
0x40f: {  	v46 =	vld [tilespmem:s25+$0x30];
	v24 =	vmul.f32 v62, v47;
	[tilespmem:s25+$0xFFFFFFB0] =	vst v53  }
0x410: {  	v44 =	vld [tilespmem:s25+$0x20];
	v56 =	vperm.xlane v19, v11;
	v61 =	vmul.f32 v49, v54;
	[tilespmem:s25+$0xFFFFFF20] =	vst v29  }
0x411: {  	v57 =	vld [tilespmem:s25+$0xFFFFFF30];
	v62 =	vmul.f32 v50, v59;
	[tilespmem:s25+$0xFFFFFFE0] =	vst v24  }
0x412: {  	v42 =	vld [tilespmem:s25+$0x50];
	v60 =	vperm.xlane v19, v10;
	v58 =	vmul.f32 v40, v56;
	[tilespmem:s25+$0xFFFFFF70] =	vst v61  }
0x413: {  	v48 =	vld [tilespmem:s25+$0x0];
	[tilespmem:s25+$0xFFFFFF80] =	vst v62;
	v17 =	vmul.f32 v55, v21  }
0x414: {  	v51 =	vld [tilespmem:s25+$0x10];
	v18 =	vmul.f32 v46, v60;
	[tilespmem:s25+$0x40] =	vst v58  }
0x415: {  	[tilespmem:s25+$0xF0] =	vst v17;
	v17 =	vmul.f32 v44, v60  }
0x416: {  	v19 =	vperm.xlane v19, v9;
	v63 =	vmul.f32 v57, v52;
	[tilespmem:s25+$0x30] =	vst v18  }
0x417: {  	[tilespmem:s25+$0x20] =	vst v17;
	v17 =	vmul.f32 v42, v56  }
0x418: {  	v18 =	vmul.f32 v48, v19;
	[tilespmem:s25+$0xFFFFFF30] =	vst v63  }
0x419: {  	[tilespmem:s25+$0x50] =	vst v17;
	v17 =	vmul.f32 v51, v19  }
0x41a: {  	[tilespmem:s25+$0x0] =	vst v18  }
0x41b: {  	s24 =	sadd.s32 $0x1, s24;
	[tilespmem:s25+$0x10] =	vst v17  }
0x41c: {  	[spmem:s2] =	stream.indirect.scatter.add.f32 [tilespmem:s15], [sflag:$0x6], $0x80, s14, s10, $0xb8;
	[tilespmem:$0x1BA00] =	vst v63  }
0x41d: {  	p0 =	sne.s32 s24, $0x3E;
	_ =	swait.ge [sflag:s21], $0x2800  }
.Ltmp8:
0x41e: {  	[sflag:s21] =	ssyncset.done $0x0;
	(pc) =	sbr.rel @p0 .LBB2_14-.Ltmp8, $4  }
0x41f: {  	[sflag:s21] =	ssyncadd.s32 $0xFFFFD800  }
0x420: {  	_ =	swait.ge [sflag:s22], $0x2800  }
0x421: {  	[sflag:s22] =	ssyncset.done $0x0  }
0x422: {  	[sflag:s22] =	ssyncadd.s32 $0xFFFFD800  }
0x423: {  	s8 =	simm.s32 $0x0;
	s23 =	rddreg [dreg:$0x10]  }
0x424: {  	[tilespmem:s8], [sflag:$0x7] =	stream.linear.gather [hbm4b:s23+s8], $0x50, $0x38;
	[tilespmem:$0x1BA00] =	vst v63  }
0x425: {  	_ =	swait.ge [sflag:s30], $0x50  }
0x426: {  	[sflag:s30] =	ssyncset.done $0x0  }
0x427: {  	s25 =	rddreg [dreg:$0x11];
	[sflag:s30] =	ssyncadd.s32 $0xFFFFFFB0  }
0x428: {  	[tilespmem:s9], [sflag:$0x7] =	stream.linear.gather [hbm4b:s25+s8], $0x50, $0x38;
	[tilespmem:$0x1BA00] =	vst v63  }
0x429: {  	_ =	swait.ge [sflag:s30], $0x50  }
0x42a: {  	[sflag:s30] =	ssyncset.done $0x0  }
0x42b: {  	[sflag:s30] =	ssyncadd.s32 $0xFFFFFFB0  }
0x42c: {  	[tilespmem:s29], [sflag:$0x1] =	stream.indirect.gather [hbm4b:s1+s10], $0x80, s8, s10, $0xb8;
	[tilespmem:$0x1BA00] =	vst v63  }
0x42d: {  	s26 =	rddreg [dreg:$0x12]  }
0x42e: {  	[tilespmem:s11], [sflag:$0x2] =	stream.linear.gather [hbm4b:s26+s8], $0x140, $0x38;
	[tilespmem:$0x1BA00] =	vst v63  }
0x42f: {  	_ =	swait.ge [sflag:s17], $0x2800  }
0x430: {  	[sflag:s17] =	ssyncset.done $0x0  }
0x431: {  	[sflag:s17] =	ssyncadd.s32 $0xFFFFD800  }
0x432: {  	_ =	swait.ge [sflag:s18], $0x140  }
0x433: {  	[sflag:s18] =	ssyncset.done $0x0  }
0x434: {  	s23 =	simm.s32 $0x200;
	[sflag:s18] =	ssyncadd.s32 $0xFFFFFEC0  }
0x435: {  	v22 =	vld [tilespmem:s23+$0xFFFFFFA0]  }
0x436: {  	v20 =	vld [tilespmem:s23+$0xFFFFFFF0]  }
0x437: {  	v17 =	vld [tilespmem:s23+$0xFFFFFF60]  }
0x438: {  	v23 =	vld [tilespmem:s23+$0xFFFFFFD0]  }
0x439: {  	v24 =	vld [tilespmem:s23+$0x80]  }
0x43a: {  	v27 =	vld [tilespmem:s23+$0xFFFFFF10]  }
0x43b: {  	v31 =	vld [tilespmem:s23+$0xE0]  }
0x43c: {  	v26 =	vld [tilespmem:s23+$0xFFFFFF40]  }
0x43d: {  	s28 =	simm.s32 $0x0;
	v18 =	vld [tilespmem:s23+$0xFFFFFF90]  }
0x43e: {  	v19 =	vld [tilespmem:s28+$0x2900]  }
0x43f: {  	v25 =	vld [tilespmem:s23+$0xFFFFFFC0]  }
0x440: {  	v28 =	vld [tilespmem:s23+$0xFFFFFF00]  }
0x441: {  	v29 =	vld [tilespmem:s23+$0xD0]  }
0x442: {  	v38 =	vld [tilespmem:s23+$0xC0]  }
0x443: {  	v36 =	vld [tilespmem:s23+$0x90];
	v34 =	vperm.xlane v19, v1;
	v21 =	vperm.xlane v19, v16  }
0x444: {  	v37 =	vld [tilespmem:s23+$0xFFFFFF50];
	v35 =	vperm.xlane v19, v3;
	v33 =	vperm.xlane v19, v15  }
0x445: {  	v32 =	vld [tilespmem:s23+$0xB0];
	v30 =	vperm.xlane v19, v13;
	v40 =	vmul.f32 v28, v34  }
0x446: {  	s24 =	simm.s32 $0x40;
	s25 =	simm.s32 $0x200;
	v28 =	vperm.xlane v19, v14;
	v39 =	vmul.f32 v26, v35;
	v26 =	vld [tilespmem:s23+$0x60]  }
.LBB2_20:
0x447: {  	p0 =	sne.s32 s24, $0x4C0  }
0x448: {  	[tilespmem:s23+$0xFFFFFF00] =	vst v40;
	v40 =	vld [tilespmem:s23+$0xFFFFFFB0];
	v38 =	vmul.f32 v38, v33;
	v31 =	vmul.f32 v31, v21;
	s25 =	sadd.s32 $0x200, s25;
	s8 =	smov.u32 s24;
	s24 =	sadd.s32 $0x40, s24  }
0x449: {  	[tilespmem:s23+$0xFFFFFF40] =	vst v39;
	v39 =	vperm.xlane v19, v11;
	v36 =	vmul.f32 v36, v30;
	v41 =	vld [tilespmem:s23+$0xA0]  }
0x44a: {  	v27 =	vmul.f32 v27, v34;
	v34 =	vmul.f32 v37, v35;
	v35 =	vld [tilespmem:s23+$0x70];
	[tilespmem:s23+$0xE0] =	vst v31  }
0x44b: {  	v31 =	vperm.xlane v19, v6;
	v37 =	vld [tilespmem:s23+$0xFFFFFFE0];
	v32 =	vmul.f32 v32, v28;
	[tilespmem:s23+$0xC0] =	vst v38  }
0x44c: {  	v29 =	vmul.f32 v29, v33;
	[tilespmem:s23+$0xFFFFFF10] =	vst v27;
	v27 =	vperm.xlane v19, v7;
	v38 =	vld [tilespmem:s23+$0x40]  }
0x44d: {  	v42 =	vperm.xlane v19, v12;
	v22 =	vmul.f32 v22, v31;
	v33 =	vld [tilespmem:s23+$0xFFFFFF20];
	[tilespmem:s23+$0x90] =	vst v36  }
0x44e: {  	[tilespmem:s23+$0xFFFFFF50] =	vst v34;
	v34 =	vperm.xlane v19, v10;
	v36 =	vld [tilespmem:s23+$0x20];
	v28 =	vmul.f32 v41, v28  }
0x44f: {  	v31 =	vmul.f32 v40, v31;
	v40 =	vld [tilespmem:s23+$0x50];
	v35 =	vmul.f32 v35, v42;
	[tilespmem:s23+$0xD0] =	vst v29  }
0x450: {  	v24 =	vmul.f32 v24, v30;
	v29 =	vperm.xlane v19, v8;
	v41 =	vld [tilespmem:s23+$0x30];
	[tilespmem:s23+$0xA0] =	vst v28  }
0x451: {  	v25 =	vmul.f32 v25, v27;
	v28 =	vperm.xlane v19, v4;
	v30 =	vld [tilespmem:s23+$0x0];
	[tilespmem:s23+$0x70] =	vst v35  }
0x452: {  	v26 =	vmul.f32 v26, v42;
	v23 =	vmul.f32 v23, v27;
	v27 =	vld [tilespmem:s23+$0x10];
	[tilespmem:s23+$0x80] =	vst v24  }
0x453: {  	v35 =	vperm.xlane v19, v9;
	v38 =	vmul.f32 v38, v39;
	v24 =	vld [tilespmem:s23+$0xFFFFFF30];
	[tilespmem:s23+$0xB0] =	vst v32  }
0x454: {  	v32 =	vperm.xlane v19, v2;
	v42 =	vld [tilespmem:s23+$0xFFFFFF70];
	[tilespmem:s23+$0xFFFFFFD0] =	vst v23;
	v39 =	vmul.f32 v40, v39  }
0x455: {  	v20 =	vmul.f32 v20, v29;
	v23 =	vmul.f32 v37, v29;
	[tilespmem:s23+$0xFFFFFFC0] =	vst v25;
	v25 =	vld [tilespmem:s23+$0xF0]  }
0x456: {  	v37 =	vmul.f32 v41, v34;
	v29 =	vld [tilespmem:s23+$0xFFFFFF80];
	[tilespmem:s23+$0xFFFFFFA0] =	vst v22;
	v30 =	vmul.f32 v30, v35  }
0x457: {  	v22 =	vld [tilespmem:s25+$0xFFFFFFA0];
	[tilespmem:s23+$0xFFFFFFF0] =	vst v20;
	v35 =	vmul.f32 v27, v35;
	v27 =	vmul.f32 v36, v34  }
0x458: {  	v20 =	vmul.f32 v33, v32;
	v32 =	vmul.f32 v24, v32;
	[tilespmem:s23+$0x60] =	vst v26  }
0x459: {  	v17 =	vmul.f32 v17, v28;
	v24 =	vmul.f32 v42, v28;
	[tilespmem:s23+$0xFFFFFFB0] =	vst v31  }
0x45a: {  	v19 =	vperm.xlane v19, v5;
	[tilespmem:s23+$0xFFFFFF20] =	vst v20;
	v20 =	vmul.f32 v25, v21  }
0x45b: {  	[tilespmem:s23+$0xFFFFFF60] =	vst v17  }
0x45c: {  	v21 =	vmul.f32 v29, v19;
	v17 =	vmul.f32 v18, v19;
	[tilespmem:s23+$0x40] =	vst v38  }
0x45d: {  	[tilespmem:s23+$0xFFFFFFE0] =	vst v23  }
0x45e: {  	[tilespmem:s23+$0xF0] =	vst v20  }
0x45f: {  	[tilespmem:s23+$0xFFFFFF90] =	vst v17  }
0x460: {  	v20 =	vld [tilespmem:s25+$0xFFFFFFF0];
	[tilespmem:s23+$0xFFFFFF70] =	vst v24  }
0x461: {  	v17 =	vld [tilespmem:s25+$0xFFFFFF60];
	[tilespmem:s23+$0x20] =	vst v27  }
0x462: {  	v23 =	vld [tilespmem:s25+$0xFFFFFFD0];
	[tilespmem:s23+$0x30] =	vst v37  }
0x463: {  	v24 =	vld [tilespmem:s25+$0x80];
	[tilespmem:s23+$0xFFFFFF80] =	vst v21  }
0x464: {  	v27 =	vld [tilespmem:s25+$0xFFFFFF10];
	[tilespmem:s23+$0x50] =	vst v39  }
0x465: {  	v31 =	vld [tilespmem:s25+$0xE0];
	[tilespmem:s23+$0x0] =	vst v30  }
0x466: {  	v26 =	vld [tilespmem:s25+$0xFFFFFF40];
	[tilespmem:s23+$0xFFFFFF30] =	vst v32  }
0x467: {  	s8 =	sshra.s32 s8, $0x2;
	v18 =	vld [tilespmem:s25+$0xFFFFFF90];
	[tilespmem:s23+$0x10] =	vst v35;
	s23 =	smov.u32 s25  }
0x468: {  	v19 =	vld [tilespmem:s8+$0x2900]  }
0x469: {  	v25 =	vld [tilespmem:s25+$0xFFFFFFC0]  }
0x46a: {  	v28 =	vld [tilespmem:s25+$0xFFFFFF00]  }
0x46b: {  	v29 =	vld [tilespmem:s25+$0xD0]  }
.Ltmp9:
0x46c: {  	v38 =	vld [tilespmem:s25+$0xC0];
	(pc) =	sbr.rel @p0 .LBB2_20-.Ltmp9, $4  }
0x46d: {  	v34 =	vperm.xlane v19, v1;
	v36 =	vld [tilespmem:s25+$0x90];
	v21 =	vperm.xlane v19, v16  }
0x46e: {  	v35 =	vperm.xlane v19, v3;
	v33 =	vperm.xlane v19, v15;
	v37 =	vld [tilespmem:s25+$0xFFFFFF50]  }
0x46f: {  	v40 =	vmul.f32 v28, v34;
	v28 =	vperm.xlane v19, v14;
	v32 =	vld [tilespmem:s25+$0xB0]  }
0x470: {  	v30 =	vperm.xlane v19, v13;
	v39 =	vmul.f32 v26, v35;
	v26 =	vld [tilespmem:s25+$0x60]  }
0x471: {  	[tilespmem:s23+$0xFFFFFF00] =	vst v40;
	v31 =	vmul.f32 v31, v21  }
0x472: {  	v38 =	vmul.f32 v38, v33;
	[tilespmem:s23+$0xFFFFFF40] =	vst v39  }
0x473: {  	v27 =	vmul.f32 v27, v34;
	[tilespmem:s23+$0xE0] =	vst v31  }
0x474: {  	v59 =	vmul.f32 v29, v33;
	[tilespmem:s23+$0xC0] =	vst v38  }
0x475: {  	v57 =	vmul.f32 v36, v30;
	[tilespmem:s23+$0xFFFFFF10] =	vst v27  }
0x476: {  	v41 =	vperm.xlane v19, v7;
	v24 =	vmul.f32 v24, v30;
	[tilespmem:s23+$0xD0] =	vst v59  }
0x477: {  	v35 =	vmul.f32 v37, v35;
	[tilespmem:s23+$0x90] =	vst v57  }
0x478: {  	v45 =	vperm.xlane v19, v6;
	v23 =	vmul.f32 v23, v41;
	[tilespmem:s23+$0x80] =	vst v24  }
0x479: {  	v47 =	vperm.xlane v19, v8;
	v25 =	vmul.f32 v25, v41;
	[tilespmem:s23+$0xFFFFFF50] =	vst v35  }
0x47a: {  	v54 =	vperm.xlane v19, v4;
	v22 =	vmul.f32 v22, v45;
	[tilespmem:s23+$0xFFFFFFD0] =	vst v23  }
0x47b: {  	v55 =	vld [tilespmem:s23+$0xA0];
	v20 =	vmul.f32 v20, v47;
	[tilespmem:s23+$0xFFFFFFC0] =	vst v25  }
0x47c: {  	v56 =	vld [tilespmem:s23+$0x70];
	v61 =	vperm.xlane v19, v12;
	v17 =	vmul.f32 v17, v54;
	[tilespmem:s23+$0xFFFFFFA0] =	vst v22  }
0x47d: {  	v58 =	vld [tilespmem:s23+$0xFFFFFFB0];
	v59 =	vperm.xlane v19, v5;
	v43 =	vmul.f32 v32, v28;
	[tilespmem:s23+$0xFFFFFFF0] =	vst v20  }
0x47e: {  	v60 =	vld [tilespmem:s23+$0xFFFFFF20];
	v26 =	vmul.f32 v26, v61;
	[tilespmem:s23+$0xFFFFFF60] =	vst v17  }
0x47f: {  	v62 =	vld [tilespmem:s23+$0xFFFFFFE0];
	v18 =	vmul.f32 v18, v59;
	[tilespmem:s23+$0xB0] =	vst v43  }
0x480: {  	v49 =	vld [tilespmem:s23+$0xFFFFFF70];
	v63 =	vmul.f32 v55, v28;
	[tilespmem:s23+$0x60] =	vst v26  }
0x481: {  	v50 =	vld [tilespmem:s23+$0xFFFFFF80];
	v52 =	vperm.xlane v19, v2;
	v34 =	vmul.f32 v56, v61;
	[tilespmem:s23+$0xFFFFFF90] =	vst v18  }
0x482: {  	v40 =	vld [tilespmem:s23+$0x40];
	v53 =	vmul.f32 v58, v45;
	[tilespmem:s23+$0xA0] =	vst v63  }
0x483: {  	v55 =	vld [tilespmem:s23+$0xF0];
	v29 =	vmul.f32 v60, v52;
	[tilespmem:s23+$0x70] =	vst v34  }
0x484: {  	v46 =	vld [tilespmem:s23+$0x30];
	v24 =	vmul.f32 v62, v47;
	[tilespmem:s23+$0xFFFFFFB0] =	vst v53  }
0x485: {  	v44 =	vld [tilespmem:s23+$0x20];
	v56 =	vperm.xlane v19, v11;
	v61 =	vmul.f32 v49, v54;
	[tilespmem:s23+$0xFFFFFF20] =	vst v29  }
0x486: {  	v57 =	vld [tilespmem:s23+$0xFFFFFF30];
	v62 =	vmul.f32 v50, v59;
	[tilespmem:s23+$0xFFFFFFE0] =	vst v24  }
0x487: {  	v42 =	vld [tilespmem:s23+$0x50];
	v60 =	vperm.xlane v19, v10;
	v58 =	vmul.f32 v40, v56;
	[tilespmem:s23+$0xFFFFFF70] =	vst v61  }
0x488: {  	v48 =	vld [tilespmem:s23+$0x0];
	[tilespmem:s23+$0xFFFFFF80] =	vst v62;
	v17 =	vmul.f32 v55, v21  }
0x489: {  	v51 =	vld [tilespmem:s23+$0x10];
	v18 =	vmul.f32 v46, v60;
	[tilespmem:s23+$0x40] =	vst v58  }
0x48a: {  	[tilespmem:s23+$0xF0] =	vst v17;
	v17 =	vmul.f32 v44, v60  }
0x48b: {  	v19 =	vperm.xlane v19, v9;
	v63 =	vmul.f32 v57, v52;
	[tilespmem:s23+$0x30] =	vst v18  }
0x48c: {  	[tilespmem:s23+$0x20] =	vst v17;
	v17 =	vmul.f32 v42, v56  }
0x48d: {  	v18 =	vmul.f32 v48, v19;
	[tilespmem:s23+$0xFFFFFF30] =	vst v63  }
0x48e: {  	[tilespmem:s23+$0x50] =	vst v17;
	v17 =	vmul.f32 v51, v19  }
0x48f: {  	[tilespmem:s23+$0x0] =	vst v18  }
0x490: {  	[tilespmem:s23+$0x10] =	vst v17  }
0x491: {  	[spmem:s2] =	stream.indirect.scatter.add.f32 [tilespmem:s29], [sflag:$0x7], $0x80, s9, s10, $0xb8;
	[tilespmem:$0x1BA00] =	vst v63  }
0x492: {  	_ =	swait.ge [sflag:s30], $0x2800  }
0x493: {  	[sflag:s30] =	ssyncset.done $0x0  }
0x494: {  	[sflag:s30] =	ssyncadd.s32 $0xFFFFD800  }
0x495: {  	s8 =	stileid.u32;
	[bflag:$0x0] =	sbarrier.arrive $0xFFFF  }
0x496: {  	s8 =	sshll.u32 s8, $0x6;
	s24 =	rddreg [dreg:$0x4]  }
0x497: {  	s8 =	sor.u32 $0x1C07, s8;
	s25 =	rddreg [dreg:$0x13];
	s26 =	sshrl.u32 s24, $0x3  }
0x498: {  	[hbm:s25], [sflag:s8] =	dma.local [spmem:s26], $0x2800  }
0x499: {  	_ =	swait.ge [sflag:s30], $0x2800  }
0x49a: {  	s4 =	sadd.s32 $0x1, s4;
	s28 =	rddreg [dreg:$0x14]  }
0x49b: {  	p0 =	sne.s32 s4, s28  }
.Ltmp10:
0x49c: {  	_ = 	snop;
	(pc) =	sbr.rel @p0 .LBB2_1-.Ltmp10, $3  }
0x49d: {  	_ =	sdelay $0x1  }
0x49e: {  	[sflag:s30] =	ssyncset.done $0x0  }
0x49f: {  	[sflag:s30] =	ssyncadd.s32 $0xFFFFD800  }
0x4a0: {  	_ =	sfence.sel $0x180000  }
0x4a1: {  	[bflag:$0x0] =	sbarrier.arrive $0xFFFF  }
0x4a2: {  	_ =	strace $0x9000004A  }
0x4a3: {  	s0 =	stileid.u32;
	[bflag:$0x2] =	sbarrier.arrive $0xFFFF  }
0x4a4: {  	p0 =	sne.s32 s0, $0x0;
	s0 =	rddreg [dreg:$0x3]  }
0x4a5: {  	s0 =	sadd.s32 @!p0 $0x100000, s0  }
0x4a6: {  	[sflag:s0] =	ssyncadd.tile.s32 @!p0 $0x1;
	_ =	shalt  }
.Lfunc_end2:
_tile_overlayer_lowered:
.L_overlay_start_2:
0x4a7: {  	(tag) =	ssettag $0x2  }
0x4a8: {  	s0 =	rddreg [dreg:$0x0];
	s2 =	stileid.u32  }
0x4a9: {  	s1 =	rddreg [dreg:$0x1];
	p0 =	sne.s32 s2, $0x0  }
0x4aa: {  	s3 =	rddreg [dreg:$0x2];
	[bflag:$0x3] =	sbarrier.arrive $0xFFFF;
	s2 =	simm.s32 @!p0 $0x1C07  }
0x4ab: {  	[timem:s3], [sflag:s2] =	dma.local @!p0 [hbm:s0], s1  }
0x4ac: {  	s0 =	simm.s32 @!p0 $0x7  }
0x4ad: {  	_ =	swait.ge @!p0 [sflag:s0], s1  }
0x4ae: {  	s1 =	ssub.s32 @!p0 $0x0, s1;
	[sflag:s0] =	ssyncset.done @!p0 $0x0  }
0x4af: {  	[sflag:s0] =	ssyncadd.s32 @!p0 s1  }
0x4b0: {  	[bflag:$0x3] =	sbarrier.arrive $0xFFFF  }
0x4b1: {  	_ =	shalt  }

</sc_bundles>
